<compile_context>
chip_gen: v7x
topology: tpu7x:2x2x1
jax: 0.10.2.dev20260603
libtpu: 0.0.44.dev20260713+nightly
codegen_flags: <defaults>
</compile_context>

<pallas_src>
import functools

import jax
import jax.numpy as jnp
from jax import lax
from jax.experimental import pallas as pl
from jax.experimental.pallas import tpu as pltpu
from jax.experimental.pallas import tpu_sc as plsc

_VOCAB = 1000000
_B = 16384
_L = 50
_D = 32
_NC = 2
_NS = 16
_NW = _NC * _NS
_BPW = _B // _NW
_C = 16
_CHUNKS = _BPW // _C
_CI = _C * _L
_G = 80
_NG = _CI // _G
_INV = 1.0 / _L


_TQ = 4
_VQ = 253952
_TW = 4096
_TSTEPS = _VQ // _TW
_VPAD = _TQ * _VQ
_LASTBLK = (_VOCAB + _TW - 1) // _TW - 1


def _transpose_tc(t_cm):

    def body(x0, x1, x2, x3, o_ref):
        for q, x in enumerate((x0, x1, x2, x3)):
            o_ref[:, q * _D:(q + 1) * _D] = x[...].T

    def in_map(q):
        def f(i):
            return (jnp.int32(0),
                    jnp.minimum(q * _TSTEPS + i, _LASTBLK).astype(jnp.int32))
        return f

    return pl.pallas_call(
        body,
        grid=(_TSTEPS,),
        in_specs=[pl.BlockSpec((_D, _TW), in_map(q)) for q in range(_TQ)],
        out_specs=pl.BlockSpec((_TW, _TQ * _D),
                               lambda i: (i, jnp.int32(0))),
        out_shape=jax.ShapeDtypeStruct((_VQ, _TQ * _D), jnp.float32),
        compiler_params=pltpu.CompilerParams(
            dimension_semantics=("arbitrary",),
        ),
    )(t_cm, t_cm, t_cm, t_cm)


def _cbow_sc(idx_flat, table):
    mesh = plsc.VectorSubcoreMesh(core_axis_name="c", subcore_axis_name="s")

    @functools.partial(
        pl.kernel,
        out_type=jax.ShapeDtypeStruct((_B, _D), jnp.float32),
        mesh=mesh,
        scratch_types=[
            pltpu.VMEM((_CI,), jnp.int32),
            pltpu.VMEM((_CI,), jnp.int32),
            pltpu.VMEM((_CI, _D), jnp.float32),
            pltpu.VMEM((_CI, _D), jnp.float32),
            pltpu.VMEM((_C, _D), jnp.float32),
            pltpu.VMEM((_C, _D), jnp.float32),
            pltpu.SemaphoreType.DMA,
            pltpu.SemaphoreType.DMA,
        ],
        compiler_params=pltpu.CompilerParams(use_tc_tiling_on_sc=False),
    )
    def k(table_hbm, idx_hbm, out_hbm,
          idx0, idx1, rows0, rows1, outv0, outv1, sem0, sem1):
        wid = lax.axis_index("s") * _NC + lax.axis_index("c")
        base = wid * _BPW
        idx_b = (idx0, idx1)
        rows_b = (rows0, rows1)
        out_b = (outv0, outv1)
        sem_b = (sem0, sem1)

        def remap(idx_v):
            @pl.loop(jnp.int32(0), jnp.int32(_CI // 16))
            def _(i):
                sl = pl.ds(i * 16, 16)
                v = idx_v[sl]
                one = jnp.ones((16,), jnp.int32)
                zero = jnp.zeros((16,), jnp.int32)
                q = jnp.where(v >= _VQ, one, zero)
                q = q + jnp.where(v >= 2 * _VQ, one, zero)
                q = q + jnp.where(v >= 3 * _VQ, one, zero)
                idx_v[sl] = v * 4 - q * (4 * _VQ - 1)

        def fire(buf, c):
            row0 = base + c * _C
            pltpu.sync_copy(idx_hbm.at[pl.ds(row0 * _L, _CI)], idx_b[buf])
            remap(idx_b[buf])
            for j in range(_NG):
                pltpu.async_copy(
                    table_hbm.at[idx_b[buf].at[pl.ds(j * _G, _G)]],
                    rows_b[buf].at[pl.ds(j * _G, _G)],
                    sem_b[buf],
                )

        def drain(buf):
            pltpu.make_async_copy(
                table_hbm.at[pl.ds(0, _CI)], rows_b[buf], sem_b[buf]).wait()

        def reduce_store(buf, c):
            rows_v = rows_b[buf]
            out_v = out_b[buf]
            row0 = base + c * _C

            @pl.loop(jnp.int32(0), jnp.int32(_C))
            def _row(b):
                s = b * _L

                def body(i, carry):
                    r, a0, a1, b0, b1 = carry
                    a0 = a0 + rows_v[r, pl.ds(0, 16)]
                    a1 = a1 + rows_v[r, pl.ds(16, 16)]
                    b0 = b0 + rows_v[r + 1, pl.ds(0, 16)]
                    b1 = b1 + rows_v[r + 1, pl.ds(16, 16)]
                    return (r + 2, a0, a1, b0, b1)

                z = jnp.zeros((16,), jnp.float32)
                _, a0, a1, b0, b1 = lax.fori_loop(
                    0, _L // 2, body, (s, z, z, z, z), unroll=5)
                out_v[b, pl.ds(0, 16)] = (a0 + b0) * _INV
                out_v[b, pl.ds(16, 16)] = (a1 + b1) * _INV

            pltpu.sync_copy(out_v, out_hbm.at[pl.ds(row0, _C)])

        fire(0, jnp.int32(0))

        @pl.loop(jnp.int32(0), jnp.int32(_CHUNKS - 2), step=2)
        def _chunk(c):
            fire(1, c + 1)
            drain(0)
            reduce_store(0, c)
            fire(0, c + 2)
            drain(1)
            reduce_store(1, c + 1)

        fire(1, jnp.int32(_CHUNKS - 1))
        drain(0)
        reduce_store(0, jnp.int32(_CHUNKS - 2))
        drain(1)
        reduce_store(1, jnp.int32(_CHUNKS - 1))

    return k(table, idx_flat)


def kernel(input_ids, table):
    idx_flat = input_ids.reshape(-1).astype(jnp.int32)
    t_rm = _transpose_tc(table.T).reshape(_VPAD, _D)
    return _cbow_sc(idx_flat, t_rm)

# --- scband reference (transcript-rebuilt; emitter-appended) ---
"""Pipeline reference for scband-cbow-70497593197179 (READ-ONLY COPY).

The authoritative reference and input builder live on the scoring server;
editing this copy changes nothing except your own understanding.
"""

import jax
jax.config.update("jax_enable_x64", True)
import jax.numpy as jnp
import numpy as np

VOCAB = 1000000
DIM = 32
B = 16384
L = 50
PAD_TOKEN_ID = 0


def setup_inputs(seed: int = 0) -> dict:
    key = jax.random.key(seed)
    k_idx, k_tab = jax.random.split(key)
    input_ids = jax.random.randint(k_idx, (B, L), 0, VOCAB, dtype=jnp.int64)
    # Embedding table: nn.Embedding(len(tokenizer), embeddings_dim, padding_idx=pad_token_id)
    table = jax.random.normal(k_tab, (VOCAB, DIM), dtype=jnp.float32)
    # padding_idx row is typically zero-initialized in torch
    table = table.at[PAD_TOKEN_ID].set(0.0)
    return {"input_ids": input_ids, "table": table}


def reference(input_ids, table):
    # cbow = self.embeddings(batch['input_ids']).mean(axis=1)
    emb = jnp.take(table, input_ids, axis=0)  # [B, L, D] gather
    cbow = emb.mean(axis=1)  # [B, D]
    return cbow

if __name__ == "__main__":
    import jax
    _d = setup_inputs()
    print(jax.jit(kernel)(*tuple(_d.values())))

</pallas_src>

<mosaic_0001>
#map = affine_map<(d0, d1) -> (0, 0)>
#map1 = affine_map<(d0, d1) -> (0)>
module attributes {stable_mosaic.version = 14 : i64} {
  func.func @k(%arg0: i32, %arg1: i32, %arg2: memref<1015808x32xf32, #tpu.memory_space<hbm>>, %arg3: memref<819200xi32, #tpu.memory_space<hbm>>, %arg4: memref<16384x32xf32, #tpu.memory_space<hbm>>, %arg5: memref<800xi32, #tpu.memory_space<vmem>>, %arg6: memref<800xi32, #tpu.memory_space<vmem>>, %arg7: memref<800x32xf32, #tpu.memory_space<vmem>>, %arg8: memref<800x32xf32, #tpu.memory_space<vmem>>, %arg9: memref<16x32xf32, #tpu.memory_space<vmem>>, %arg10: memref<16x32xf32, #tpu.memory_space<vmem>>, %arg11: memref<!tpu.dma_semaphore, #tpu.memory_space<semaphore_mem>>, %arg12: memref<!tpu.dma_semaphore, #tpu.memory_space<semaphore_mem>>) attributes {dimension_semantics = [#tpu.dimension_semantics<core_parallel>, #tpu.dimension_semantics<subcore_parallel>], iteration_bounds = array<i64: 2, 16>, scalar_prefetch = 0 : i64, scratch_operands = 8 : i64, tpu.core_type = #tpu.core_type<sc_vector_subcore>, window_params = [{transform_indices = #map}, {transform_indices = #map1}, {transform_indices = #map}]} {
    %mul3A = arith.constant 2 : i32
    %mul3A_0 = arith.muli %arg1, %mul3A : i32
    %add3A = arith.addi %mul3A_0, %arg0 : i32
    %mul3A_1 = arith.constant 512 : i32
    %mul3A_2 = arith.muli %add3A, %mul3A_1 : i32
    %mul3A_3 = arith.constant 0 : i32
    %mul3A_4 = arith.constant 16 : i32
    %mul3A_5 = arith.muli %mul3A_3, %mul3A_4 : i32
    %add3A_6 = arith.addi %mul3A_2, %mul3A_5 : i32
    %mul3A_7 = arith.constant 50 : i32
    %mul3A_8 = arith.muli %add3A_6, %mul3A_7 : i32
    "tpu.region"() ({
      %run_scoped3A = tpu.sem_alloc : memref<!tpu.dma_semaphore, #tpu.memory_space<semaphore_mem>>
      %dma_start3A_290 = tpu.memref_slice %arg3[%mul3A_8] : memref<819200xi32, #tpu.memory_space<hbm>> -> memref<800xi32, #tpu.memory_space<hbm>>
      %dma_start3A_291 = tpu.memref_slice %arg3[%mul3A_8] : memref<819200xi32, #tpu.memory_space<hbm>> -> memref<800xi32, #tpu.memory_space<hbm>>
      tpu.enqueue_dma source(%dma_start3A_291 : memref<800xi32, #tpu.memory_space<hbm>>) target(%arg5 : memref<800xi32, #tpu.memory_space<vmem>>) target_semaphore(%run_scoped3A : memref<!tpu.dma_semaphore, #tpu.memory_space<semaphore_mem>>)
      %dma_wait3A_292 = tpu.memref_slice %arg3[%mul3A_8] : memref<819200xi32, #tpu.memory_space<hbm>> -> memref<800xi32, #tpu.memory_space<hbm>>
      %dma_wait3A_293 = tpu.memref_slice %arg3[%mul3A_8] : memref<819200xi32, #tpu.memory_space<hbm>> -> memref<800xi32, #tpu.memory_space<hbm>>
      tpu.wait_dma2 semaphore(%run_scoped3A : memref<!tpu.dma_semaphore, #tpu.memory_space<semaphore_mem>>) src(%dma_wait3A_293 : memref<800xi32, #tpu.memory_space<hbm>>) dst(%arg5 : memref<800xi32, #tpu.memory_space<vmem>>)
      tpu.yield
    }) : () -> ()
    %sub3A = arith.constant 50 : i32
    %sub3A_9 = arith.constant 0 : i32
    %sub3A_10 = arith.subi %sub3A, %sub3A_9 : i32
    %sub3A_11 = arith.constant 1 : i32
    %sub3A_12 = arith.constant 1 : i32
    %sub3A_13 = arith.subi %sub3A_11, %sub3A_12 : i32
    %add3A_14 = arith.addi %sub3A_10, %sub3A_13 : i32
    %div3A = arith.constant 1 : i32
    %div3A_15 = arith.divsi %add3A_14, %div3A : i32
    %while3A = arith.constant 1 : i32
    %while3A_16 = arith.constant 0 : i32
    %while3A_17 = arith.constant 0 : i32
    %while3A_18 = arith.subi %div3A_15, %while3A_17 : i32
    %while3A_19 = arith.addi %while3A_17, %while3A_18 : i32
    %while3A_20 = arith.constant 1 : i32
    %while3A_21 = arith.divsi %while3A_18, %while3A_20 : i32
    %while3A_22 = arith.muli %while3A_21, %while3A_20 : i32
    %while3A_23 = arith.addi %while3A_17, %while3A_22 : i32
    %while3A_24 = arith.constant 1 : i32
    scf.for %while3A_290 = %while3A_17 to %while3A_23 step %while3A_24  : i32 {
      %mul3A_291 = arith.muli %while3A_290, %while3A : i32
      %add3A_292 = arith.addi %while3A_16, %mul3A_291 : i32
      %mul3A_293 = arith.constant 16 : i32
      %mul3A_294 = arith.muli %add3A_292, %mul3A_293 : i32
      %get3A = arith.index_cast %mul3A_294 : i32 to index
      %get3A_295 = tpu.vector_load %arg5[%get3A] {strides = array<i32>} : memref<800xi32, #tpu.memory_space<vmem>>, vector<16xi32>,
      %get3A_296 = vector.shape_cast %get3A_295 : vector<16xi32> to vector<16xi32>
      %broadcast_in_dim3A = arith.constant 1 : i32
      %broadcast_in_dim3A_297 = vector.broadcast %broadcast_in_dim3A : i32 to vector<16xi32>
      %broadcast_in_dim3A_298 = arith.constant 0 : i32
      %broadcast_in_dim3A_299 = vector.broadcast %broadcast_in_dim3A_298 : i32 to vector<16xi32>
      %ge3A = arith.constant 253952 : i32
      %ge3A_300 = vector.broadcast %ge3A : i32 to vector<16xi32>
      %ge3A_301 = arith.cmpi sge, %get3A_296, %ge3A_300 : vector<16xi32>
      %select_n3A = arith.select %ge3A_301, %broadcast_in_dim3A_297, %broadcast_in_dim3A_299 : vector<16xi1>, vector<16xi32>
      %ge3A_302 = arith.constant 507904 : i32
      %ge3A_303 = vector.broadcast %ge3A_302 : i32 to vector<16xi32>
      %ge3A_304 = arith.cmpi sge, %get3A_296, %ge3A_303 : vector<16xi32>
      %select_n3A_305 = arith.select %ge3A_304, %broadcast_in_dim3A_297, %broadcast_in_dim3A_299 : vector<16xi1>, vector<16xi32>
      %add3A_306 = arith.addi %select_n3A, %select_n3A_305 : vector<16xi32>
      %ge3A_307 = arith.constant 761856 : i32
      %ge3A_308 = vector.broadcast %ge3A_307 : i32 to vector<16xi32>
      %ge3A_309 = arith.cmpi sge, %get3A_296, %ge3A_308 : vector<16xi32>
      %select_n3A_310 = arith.select %ge3A_309, %broadcast_in_dim3A_297, %broadcast_in_dim3A_299 : vector<16xi1>, vector<16xi32>
      %add3A_311 = arith.addi %add3A_306, %select_n3A_310 : vector<16xi32>
      %mul3A_312 = arith.constant 4 : i32
      %mul3A_313 = vector.broadcast %mul3A_312 : i32 to vector<16xi32>
      %mul3A_314 = arith.muli %get3A_296, %mul3A_313 : vector<16xi32>
      %mul3A_315 = arith.constant 1015807 : i32
      %mul3A_316 = vector.broadcast %mul3A_315 : i32 to vector<16xi32>
      %mul3A_317 = arith.muli %add3A_311, %mul3A_316 : vector<16xi32>
      %sub3A_318 = arith.subi %mul3A_314, %mul3A_317 : vector<16xi32>
      %swap3A = arith.index_cast %mul3A_294 : i32 to index
      %swap3A_319 = tpu.vector_load %arg5[%swap3A] {strides = array<i32>} : memref<800xi32, #tpu.memory_space<vmem>>, vector<16xi32>,
      %swap3A_320 = vector.shape_cast %swap3A_319 : vector<16xi32> to vector<16xi32>
      %swap3A_321 = vector.shape_cast %sub3A_318 : vector<16xi32> to vector<16xi32>
      tpu.vector_store %arg5[%swap3A], %swap3A_321 {strides = array<i32>} : memref<800xi32, #tpu.memory_space<vmem>>, vector<16xi32>,
    }
    %while3A_25 = arith.constant 1 : i32
    scf.for %while3A_290 = %while3A_23 to %while3A_19 step %while3A_25  : i32 {
      %mul3A_291 = arith.muli %while3A_290, %while3A : i32
      %add3A_292 = arith.addi %while3A_16, %mul3A_291 : i32
      %mul3A_293 = arith.constant 16 : i32
      %mul3A_294 = arith.muli %add3A_292, %mul3A_293 : i32
      %get3A = arith.index_cast %mul3A_294 : i32 to index
      %get3A_295 = tpu.vector_load %arg5[%get3A] {strides = array<i32>} : memref<800xi32, #tpu.memory_space<vmem>>, vector<16xi32>,
      %get3A_296 = vector.shape_cast %get3A_295 : vector<16xi32> to vector<16xi32>
      %broadcast_in_dim3A = arith.constant 1 : i32
      %broadcast_in_dim3A_297 = vector.broadcast %broadcast_in_dim3A : i32 to vector<16xi32>
      %broadcast_in_dim3A_298 = arith.constant 0 : i32
      %broadcast_in_dim3A_299 = vector.broadcast %broadcast_in_dim3A_298 : i32 to vector<16xi32>
      %ge3A = arith.constant 253952 : i32
      %ge3A_300 = vector.broadcast %ge3A : i32 to vector<16xi32>
      %ge3A_301 = arith.cmpi sge, %get3A_296, %ge3A_300 : vector<16xi32>
      %select_n3A = arith.select %ge3A_301, %broadcast_in_dim3A_297, %broadcast_in_dim3A_299 : vector<16xi1>, vector<16xi32>
      %ge3A_302 = arith.constant 507904 : i32
      %ge3A_303 = vector.broadcast %ge3A_302 : i32 to vector<16xi32>
      %ge3A_304 = arith.cmpi sge, %get3A_296, %ge3A_303 : vector<16xi32>
      %select_n3A_305 = arith.select %ge3A_304, %broadcast_in_dim3A_297, %broadcast_in_dim3A_299 : vector<16xi1>, vector<16xi32>
      %add3A_306 = arith.addi %select_n3A, %select_n3A_305 : vector<16xi32>
      %ge3A_307 = arith.constant 761856 : i32
      %ge3A_308 = vector.broadcast %ge3A_307 : i32 to vector<16xi32>
      %ge3A_309 = arith.cmpi sge, %get3A_296, %ge3A_308 : vector<16xi32>
      %select_n3A_310 = arith.select %ge3A_309, %broadcast_in_dim3A_297, %broadcast_in_dim3A_299 : vector<16xi1>, vector<16xi32>
      %add3A_311 = arith.addi %add3A_306, %select_n3A_310 : vector<16xi32>
      %mul3A_312 = arith.constant 4 : i32
      %mul3A_313 = vector.broadcast %mul3A_312 : i32 to vector<16xi32>
      %mul3A_314 = arith.muli %get3A_296, %mul3A_313 : vector<16xi32>
      %mul3A_315 = arith.constant 1015807 : i32
      %mul3A_316 = vector.broadcast %mul3A_315 : i32 to vector<16xi32>
      %mul3A_317 = arith.muli %add3A_311, %mul3A_316 : vector<16xi32>
      %sub3A_318 = arith.subi %mul3A_314, %mul3A_317 : vector<16xi32>
      %swap3A = arith.index_cast %mul3A_294 : i32 to index
      %swap3A_319 = tpu.vector_load %arg5[%swap3A] {strides = array<i32>} : memref<800xi32, #tpu.memory_space<vmem>>, vector<16xi32>,
      %swap3A_320 = vector.shape_cast %swap3A_319 : vector<16xi32> to vector<16xi32>
      %swap3A_321 = vector.shape_cast %sub3A_318 : vector<16xi32> to vector<16xi32>
      tpu.vector_store %arg5[%swap3A], %swap3A_321 {strides = array<i32>} : memref<800xi32, #tpu.memory_space<vmem>>, vector<16xi32>,
    }
    %dma_start3A = arith.constant 0 : i32
    %dma_start3A_26 = arith.constant 0 : i32
    %dma_start3A_27 = tpu.memref_slice %arg7[%dma_start3A, %dma_start3A_26] : memref<800x32xf32, #tpu.memory_space<vmem>> -> memref<80x32xf32, #tpu.memory_space<vmem>>
    %dma_start3A_28 = arith.constant 0 : i32
    %dma_start3A_29 = tpu.memref_slice %arg5[%dma_start3A_28] : memref<800xi32, #tpu.memory_space<vmem>> -> memref<80xi32, #tpu.memory_space<vmem>>
    %dma_start3A_30 = arith.constant 0 : i32
    %dma_start3A_31 = arith.constant 0 : i32
    %dma_start3A_32 = tpu.memref_slice %arg2[%dma_start3A_30, %dma_start3A_31] : memref<1015808x32xf32, #tpu.memory_space<hbm>> -> memref<1015808x32xf32, #tpu.memory_space<hbm>>
    tpu.enqueue_indirect_dma source(%dma_start3A_32 : memref<1015808x32xf32, #tpu.memory_space<hbm>>) target(%dma_start3A_27 : memref<80x32xf32, #tpu.memory_space<vmem>>) offsets(%dma_start3A_29 : memref<80xi32, #tpu.memory_space<vmem>>) semaphore(%arg11 : memref<!tpu.dma_semaphore, #tpu.memory_space<semaphore_mem>>)
    %dma_start3A_33 = arith.constant 80 : i32
    %dma_start3A_34 = arith.constant 0 : i32
    %dma_start3A_35 = tpu.memref_slice %arg7[%dma_start3A_33, %dma_start3A_34] : memref<800x32xf32, #tpu.memory_space<vmem>> -> memref<80x32xf32, #tpu.memory_space<vmem>>
    %dma_start3A_36 = arith.constant 80 : i32
    %dma_start3A_37 = tpu.memref_slice %arg5[%dma_start3A_36] : memref<800xi32, #tpu.memory_space<vmem>> -> memref<80xi32, #tpu.memory_space<vmem>>
    %dma_start3A_38 = arith.constant 0 : i32
    %dma_start3A_39 = arith.constant 0 : i32
    %dma_start3A_40 = tpu.memref_slice %arg2[%dma_start3A_38, %dma_start3A_39] : memref<1015808x32xf32, #tpu.memory_space<hbm>> -> memref<1015808x32xf32, #tpu.memory_space<hbm>>
    tpu.enqueue_indirect_dma source(%dma_start3A_40 : memref<1015808x32xf32, #tpu.memory_space<hbm>>) target(%dma_start3A_35 : memref<80x32xf32, #tpu.memory_space<vmem>>) offsets(%dma_start3A_37 : memref<80xi32, #tpu.memory_space<vmem>>) semaphore(%arg11 : memref<!tpu.dma_semaphore, #tpu.memory_space<semaphore_mem>>)
    %dma_start3A_41 = arith.constant 160 : i32
    %dma_start3A_42 = arith.constant 0 : i32
    %dma_start3A_43 = tpu.memref_slice %arg7[%dma_start3A_41, %dma_start3A_42] : memref<800x32xf32, #tpu.memory_space<vmem>> -> memref<80x32xf32, #tpu.memory_space<vmem>>
    %dma_start3A_44 = arith.constant 160 : i32
    %dma_start3A_45 = tpu.memref_slice %arg5[%dma_start3A_44] : memref<800xi32, #tpu.memory_space<vmem>> -> memref<80xi32, #tpu.memory_space<vmem>>
    %dma_start3A_46 = arith.constant 0 : i32
    %dma_start3A_47 = arith.constant 0 : i32
    %dma_start3A_48 = tpu.memref_slice %arg2[%dma_start3A_46, %dma_start3A_47] : memref<1015808x32xf32, #tpu.memory_space<hbm>> -> memref<1015808x32xf32, #tpu.memory_space<hbm>>
    tpu.enqueue_indirect_dma source(%dma_start3A_48 : memref<1015808x32xf32, #tpu.memory_space<hbm>>) target(%dma_start3A_43 : memref<80x32xf32, #tpu.memory_space<vmem>>) offsets(%dma_start3A_45 : memref<80xi32, #tpu.memory_space<vmem>>) semaphore(%arg11 : memref<!tpu.dma_semaphore, #tpu.memory_space<semaphore_mem>>)
    %dma_start3A_49 = arith.constant 240 : i32
    %dma_start3A_50 = arith.constant 0 : i32
    %dma_start3A_51 = tpu.memref_slice %arg7[%dma_start3A_49, %dma_start3A_50] : memref<800x32xf32, #tpu.memory_space<vmem>> -> memref<80x32xf32, #tpu.memory_space<vmem>>
    %dma_start3A_52 = arith.constant 240 : i32
    %dma_start3A_53 = tpu.memref_slice %arg5[%dma_start3A_52] : memref<800xi32, #tpu.memory_space<vmem>> -> memref<80xi32, #tpu.memory_space<vmem>>
    %dma_start3A_54 = arith.constant 0 : i32
    %dma_start3A_55 = arith.constant 0 : i32
    %dma_start3A_56 = tpu.memref_slice %arg2[%dma_start3A_54, %dma_start3A_55] : memref<1015808x32xf32, #tpu.memory_space<hbm>> -> memref<1015808x32xf32, #tpu.memory_space<hbm>>
    tpu.enqueue_indirect_dma source(%dma_start3A_56 : memref<1015808x32xf32, #tpu.memory_space<hbm>>) target(%dma_start3A_51 : memref<80x32xf32, #tpu.memory_space<vmem>>) offsets(%dma_start3A_53 : memref<80xi32, #tpu.memory_space<vmem>>) semaphore(%arg11 : memref<!tpu.dma_semaphore, #tpu.memory_space<semaphore_mem>>)
    %dma_start3A_57 = arith.constant 320 : i32
    %dma_start3A_58 = arith.constant 0 : i32
    %dma_start3A_59 = tpu.memref_slice %arg7[%dma_start3A_57, %dma_start3A_58] : memref<800x32xf32, #tpu.memory_space<vmem>> -> memref<80x32xf32, #tpu.memory_space<vmem>>
    %dma_start3A_60 = arith.constant 320 : i32
    %dma_start3A_61 = tpu.memref_slice %arg5[%dma_start3A_60] : memref<800xi32, #tpu.memory_space<vmem>> -> memref<80xi32, #tpu.memory_space<vmem>>
    %dma_start3A_62 = arith.constant 0 : i32
    %dma_start3A_63 = arith.constant 0 : i32
    %dma_start3A_64 = tpu.memref_slice %arg2[%dma_start3A_62, %dma_start3A_63] : memref<1015808x32xf32, #tpu.memory_space<hbm>> -> memref<1015808x32xf32, #tpu.memory_space<hbm>>
    tpu.enqueue_indirect_dma source(%dma_start3A_64 : memref<1015808x32xf32, #tpu.memory_space<hbm>>) target(%dma_start3A_59 : memref<80x32xf32, #tpu.memory_space<vmem>>) offsets(%dma_start3A_61 : memref<80xi32, #tpu.memory_space<vmem>>) semaphore(%arg11 : memref<!tpu.dma_semaphore, #tpu.memory_space<semaphore_mem>>)
    %dma_start3A_65 = arith.constant 400 : i32
    %dma_start3A_66 = arith.constant 0 : i32
    %dma_start3A_67 = tpu.memref_slice %arg7[%dma_start3A_65, %dma_start3A_66] : memref<800x32xf32, #tpu.memory_space<vmem>> -> memref<80x32xf32, #tpu.memory_space<vmem>>
    %dma_start3A_68 = arith.constant 400 : i32
    %dma_start3A_69 = tpu.memref_slice %arg5[%dma_start3A_68] : memref<800xi32, #tpu.memory_space<vmem>> -> memref<80xi32, #tpu.memory_space<vmem>>
    %dma_start3A_70 = arith.constant 0 : i32
    %dma_start3A_71 = arith.constant 0 : i32
    %dma_start3A_72 = tpu.memref_slice %arg2[%dma_start3A_70, %dma_start3A_71] : memref<1015808x32xf32, #tpu.memory_space<hbm>> -> memref<1015808x32xf32, #tpu.memory_space<hbm>>
    tpu.enqueue_indirect_dma source(%dma_start3A_72 : memref<1015808x32xf32, #tpu.memory_space<hbm>>) target(%dma_start3A_67 : memref<80x32xf32, #tpu.memory_space<vmem>>) offsets(%dma_start3A_69 : memref<80xi32, #tpu.memory_space<vmem>>) semaphore(%arg11 : memref<!tpu.dma_semaphore, #tpu.memory_space<semaphore_mem>>)
    %dma_start3A_73 = arith.constant 480 : i32
    %dma_start3A_74 = arith.constant 0 : i32
    %dma_start3A_75 = tpu.memref_slice %arg7[%dma_start3A_73, %dma_start3A_74] : memref<800x32xf32, #tpu.memory_space<vmem>> -> memref<80x32xf32, #tpu.memory_space<vmem>>
    %dma_start3A_76 = arith.constant 480 : i32
    %dma_start3A_77 = tpu.memref_slice %arg5[%dma_start3A_76] : memref<800xi32, #tpu.memory_space<vmem>> -> memref<80xi32, #tpu.memory_space<vmem>>
    %dma_start3A_78 = arith.constant 0 : i32
    %dma_start3A_79 = arith.constant 0 : i32
    %dma_start3A_80 = tpu.memref_slice %arg2[%dma_start3A_78, %dma_start3A_79] : memref<1015808x32xf32, #tpu.memory_space<hbm>> -> memref<1015808x32xf32, #tpu.memory_space<hbm>>
    tpu.enqueue_indirect_dma source(%dma_start3A_80 : memref<1015808x32xf32, #tpu.memory_space<hbm>>) target(%dma_start3A_75 : memref<80x32xf32, #tpu.memory_space<vmem>>) offsets(%dma_start3A_77 : memref<80xi32, #tpu.memory_space<vmem>>) semaphore(%arg11 : memref<!tpu.dma_semaphore, #tpu.memory_space<semaphore_mem>>)
    %dma_start3A_81 = arith.constant 560 : i32
    %dma_start3A_82 = arith.constant 0 : i32
    %dma_start3A_83 = tpu.memref_slice %arg7[%dma_start3A_81, %dma_start3A_82] : memref<800x32xf32, #tpu.memory_space<vmem>> -> memref<80x32xf32, #tpu.memory_space<vmem>>
    %dma_start3A_84 = arith.constant 560 : i32
    %dma_start3A_85 = tpu.memref_slice %arg5[%dma_start3A_84] : memref<800xi32, #tpu.memory_space<vmem>> -> memref<80xi32, #tpu.memory_space<vmem>>
    %dma_start3A_86 = arith.constant 0 : i32
    %dma_start3A_87 = arith.constant 0 : i32
    %dma_start3A_88 = tpu.memref_slice %arg2[%dma_start3A_86, %dma_start3A_87] : memref<1015808x32xf32, #tpu.memory_space<hbm>> -> memref<1015808x32xf32, #tpu.memory_space<hbm>>
    tpu.enqueue_indirect_dma source(%dma_start3A_88 : memref<1015808x32xf32, #tpu.memory_space<hbm>>) target(%dma_start3A_83 : memref<80x32xf32, #tpu.memory_space<vmem>>) offsets(%dma_start3A_85 : memref<80xi32, #tpu.memory_space<vmem>>) semaphore(%arg11 : memref<!tpu.dma_semaphore, #tpu.memory_space<semaphore_mem>>)
    %dma_start3A_89 = arith.constant 640 : i32
    %dma_start3A_90 = arith.constant 0 : i32
    %dma_start3A_91 = tpu.memref_slice %arg7[%dma_start3A_89, %dma_start3A_90] : memref<800x32xf32, #tpu.memory_space<vmem>> -> memref<80x32xf32, #tpu.memory_space<vmem>>
    %dma_start3A_92 = arith.constant 640 : i32
    %dma_start3A_93 = tpu.memref_slice %arg5[%dma_start3A_92] : memref<800xi32, #tpu.memory_space<vmem>> -> memref<80xi32, #tpu.memory_space<vmem>>
    %dma_start3A_94 = arith.constant 0 : i32
    %dma_start3A_95 = arith.constant 0 : i32
    %dma_start3A_96 = tpu.memref_slice %arg2[%dma_start3A_94, %dma_start3A_95] : memref<1015808x32xf32, #tpu.memory_space<hbm>> -> memref<1015808x32xf32, #tpu.memory_space<hbm>>
    tpu.enqueue_indirect_dma source(%dma_start3A_96 : memref<1015808x32xf32, #tpu.memory_space<hbm>>) target(%dma_start3A_91 : memref<80x32xf32, #tpu.memory_space<vmem>>) offsets(%dma_start3A_93 : memref<80xi32, #tpu.memory_space<vmem>>) semaphore(%arg11 : memref<!tpu.dma_semaphore, #tpu.memory_space<semaphore_mem>>)
    %dma_start3A_97 = arith.constant 720 : i32
    %dma_start3A_98 = arith.constant 0 : i32
    %dma_start3A_99 = tpu.memref_slice %arg7[%dma_start3A_97, %dma_start3A_98] : memref<800x32xf32, #tpu.memory_space<vmem>> -> memref<80x32xf32, #tpu.memory_space<vmem>>
    %dma_start3A_100 = arith.constant 720 : i32
    %dma_start3A_101 = tpu.memref_slice %arg5[%dma_start3A_100] : memref<800xi32, #tpu.memory_space<vmem>> -> memref<80xi32, #tpu.memory_space<vmem>>
    %dma_start3A_102 = arith.constant 0 : i32
    %dma_start3A_103 = arith.constant 0 : i32
    %dma_start3A_104 = tpu.memref_slice %arg2[%dma_start3A_102, %dma_start3A_103] : memref<1015808x32xf32, #tpu.memory_space<hbm>> -> memref<1015808x32xf32, #tpu.memory_space<hbm>>
    tpu.enqueue_indirect_dma source(%dma_start3A_104 : memref<1015808x32xf32, #tpu.memory_space<hbm>>) target(%dma_start3A_99 : memref<80x32xf32, #tpu.memory_space<vmem>>) offsets(%dma_start3A_101 : memref<80xi32, #tpu.memory_space<vmem>>) semaphore(%arg11 : memref<!tpu.dma_semaphore, #tpu.memory_space<semaphore_mem>>)
    %sub3A_105 = arith.constant 30 : i32
    %sub3A_106 = arith.constant 0 : i32
    %sub3A_107 = arith.subi %sub3A_105, %sub3A_106 : i32
    %sub3A_108 = arith.constant 2 : i32
    %sub3A_109 = arith.constant 1 : i32
    %sub3A_110 = arith.subi %sub3A_108, %sub3A_109 : i32
    %add3A_111 = arith.addi %sub3A_107, %sub3A_110 : i32
    %div3A_112 = arith.constant 2 : i32
    %div3A_113 = arith.divsi %add3A_111, %div3A_112 : i32
    %while3A_114 = arith.constant 2 : i32
    %while3A_115 = arith.constant 0 : i32
    %while3A_116 = arith.constant 0 : i32
    %while3A_117 = arith.subi %div3A_113, %while3A_116 : i32
    %while3A_118 = arith.addi %while3A_116, %while3A_117 : i32
    %while3A_119 = arith.constant 1 : i32
    %while3A_120 = arith.divsi %while3A_117, %while3A_119 : i32
    %while3A_121 = arith.muli %while3A_120, %while3A_119 : i32
    %while3A_122 = arith.addi %while3A_116, %while3A_121 : i32
    %while3A_123 = arith.constant 1 : i32
    scf.for %while3A_290 = %while3A_116 to %while3A_122 step %while3A_123  : i32 {
      %mul3A_291 = arith.muli %while3A_290, %while3A_114 : i32
      %add3A_292 = arith.addi %while3A_115, %mul3A_291 : i32
      %add3A_293 = arith.constant 1 : i32
      %add3A_294 = arith.addi %add3A_292, %add3A_293 : i32
      %mul3A_295 = arith.constant 16 : i32
      %mul3A_296 = arith.muli %add3A_294, %mul3A_295 : i32
      %add3A_297 = arith.addi %mul3A_2, %mul3A_296 : i32
      %mul3A_298 = arith.constant 50 : i32
      %mul3A_299 = arith.muli %add3A_297, %mul3A_298 : i32
      "tpu.region"() ({
        %run_scoped3A = tpu.sem_alloc : memref<!tpu.dma_semaphore, #tpu.memory_space<semaphore_mem>>
        %dma_start3A_567 = tpu.memref_slice %arg3[%mul3A_299] : memref<819200xi32, #tpu.memory_space<hbm>> -> memref<800xi32, #tpu.memory_space<hbm>>
        %dma_start3A_568 = tpu.memref_slice %arg3[%mul3A_299] : memref<819200xi32, #tpu.memory_space<hbm>> -> memref<800xi32, #tpu.memory_space<hbm>>
        tpu.enqueue_dma source(%dma_start3A_568 : memref<800xi32, #tpu.memory_space<hbm>>) target(%arg6 : memref<800xi32, #tpu.memory_space<vmem>>) target_semaphore(%run_scoped3A : memref<!tpu.dma_semaphore, #tpu.memory_space<semaphore_mem>>)
        %dma_wait3A_569 = tpu.memref_slice %arg3[%mul3A_299] : memref<819200xi32, #tpu.memory_space<hbm>> -> memref<800xi32, #tpu.memory_space<hbm>>
        %dma_wait3A_570 = tpu.memref_slice %arg3[%mul3A_299] : memref<819200xi32, #tpu.memory_space<hbm>> -> memref<800xi32, #tpu.memory_space<hbm>>
        tpu.wait_dma2 semaphore(%run_scoped3A : memref<!tpu.dma_semaphore, #tpu.memory_space<semaphore_mem>>) src(%dma_wait3A_570 : memref<800xi32, #tpu.memory_space<hbm>>) dst(%arg6 : memref<800xi32, #tpu.memory_space<vmem>>)
        tpu.yield
      }) : () -> ()
      %sub3A_300 = arith.constant 50 : i32
      %sub3A_301 = arith.constant 0 : i32
      %sub3A_302 = arith.subi %sub3A_300, %sub3A_301 : i32
      %sub3A_303 = arith.constant 1 : i32
      %sub3A_304 = arith.constant 1 : i32
      %sub3A_305 = arith.subi %sub3A_303, %sub3A_304 : i32
      %add3A_306 = arith.addi %sub3A_302, %sub3A_305 : i32
      %div3A_307 = arith.constant 1 : i32
      %div3A_308 = arith.divsi %add3A_306, %div3A_307 : i32
      %while3A_309 = arith.constant 1 : i32
      %while3A_310 = arith.constant 0 : i32
      %while3A_311 = arith.constant 0 : i32
      %while3A_312 = arith.subi %div3A_308, %while3A_311 : i32
      %while3A_313 = arith.addi %while3A_311, %while3A_312 : i32
      %while3A_314 = arith.constant 1 : i32
      %while3A_315 = arith.divsi %while3A_312, %while3A_314 : i32
      %while3A_316 = arith.muli %while3A_315, %while3A_314 : i32
      %while3A_317 = arith.addi %while3A_311, %while3A_316 : i32
      %while3A_318 = arith.constant 1 : i32
      scf.for %while3A_567 = %while3A_311 to %while3A_317 step %while3A_318  : i32 {
        %mul3A_568 = arith.muli %while3A_567, %while3A_309 : i32
        %add3A_569 = arith.addi %while3A_310, %mul3A_568 : i32
        %mul3A_570 = arith.constant 16 : i32
        %mul3A_571 = arith.muli %add3A_569, %mul3A_570 : i32
        %get3A = arith.index_cast %mul3A_571 : i32 to index
        %get3A_572 = tpu.vector_load %arg6[%get3A] {strides = array<i32>} : memref<800xi32, #tpu.memory_space<vmem>>, vector<16xi32>,
        %get3A_573 = vector.shape_cast %get3A_572 : vector<16xi32> to vector<16xi32>
        %broadcast_in_dim3A = arith.constant 1 : i32
        %broadcast_in_dim3A_574 = vector.broadcast %broadcast_in_dim3A : i32 to vector<16xi32>
        %broadcast_in_dim3A_575 = arith.constant 0 : i32
        %broadcast_in_dim3A_576 = vector.broadcast %broadcast_in_dim3A_575 : i32 to vector<16xi32>
        %ge3A = arith.constant 253952 : i32
        %ge3A_577 = vector.broadcast %ge3A : i32 to vector<16xi32>
        %ge3A_578 = arith.cmpi sge, %get3A_573, %ge3A_577 : vector<16xi32>
        %select_n3A = arith.select %ge3A_578, %broadcast_in_dim3A_574, %broadcast_in_dim3A_576 : vector<16xi1>, vector<16xi32>
        %ge3A_579 = arith.constant 507904 : i32
        %ge3A_580 = vector.broadcast %ge3A_579 : i32 to vector<16xi32>
        %ge3A_581 = arith.cmpi sge, %get3A_573, %ge3A_580 : vector<16xi32>
        %select_n3A_582 = arith.select %ge3A_581, %broadcast_in_dim3A_574, %broadcast_in_dim3A_576 : vector<16xi1>, vector<16xi32>
        %add3A_583 = arith.addi %select_n3A, %select_n3A_582 : vector<16xi32>
        %ge3A_584 = arith.constant 761856 : i32
        %ge3A_585 = vector.broadcast %ge3A_584 : i32 to vector<16xi32>
        %ge3A_586 = arith.cmpi sge, %get3A_573, %ge3A_585 : vector<16xi32>
        %select_n3A_587 = arith.select %ge3A_586, %broadcast_in_dim3A_574, %broadcast_in_dim3A_576 : vector<16xi1>, vector<16xi32>
        %add3A_588 = arith.addi %add3A_583, %select_n3A_587 : vector<16xi32>
        %mul3A_589 = arith.constant 4 : i32
        %mul3A_590 = vector.broadcast %mul3A_589 : i32 to vector<16xi32>
        %mul3A_591 = arith.muli %get3A_573, %mul3A_590 : vector<16xi32>
        %mul3A_592 = arith.constant 1015807 : i32
        %mul3A_593 = vector.broadcast %mul3A_592 : i32 to vector<16xi32>
        %mul3A_594 = arith.muli %add3A_588, %mul3A_593 : vector<16xi32>
        %sub3A_595 = arith.subi %mul3A_591, %mul3A_594 : vector<16xi32>
        %swap3A = arith.index_cast %mul3A_571 : i32 to index
        %swap3A_596 = tpu.vector_load %arg6[%swap3A] {strides = array<i32>} : memref<800xi32, #tpu.memory_space<vmem>>, vector<16xi32>,
        %swap3A_597 = vector.shape_cast %swap3A_596 : vector<16xi32> to vector<16xi32>
        %swap3A_598 = vector.shape_cast %sub3A_595 : vector<16xi32> to vector<16xi32>
        tpu.vector_store %arg6[%swap3A], %swap3A_598 {strides = array<i32>} : memref<800xi32, #tpu.memory_space<vmem>>, vector<16xi32>,
      }
      %while3A_319 = arith.constant 1 : i32
      scf.for %while3A_567 = %while3A_317 to %while3A_313 step %while3A_319  : i32 {
        %mul3A_568 = arith.muli %while3A_567, %while3A_309 : i32
        %add3A_569 = arith.addi %while3A_310, %mul3A_568 : i32
        %mul3A_570 = arith.constant 16 : i32
        %mul3A_571 = arith.muli %add3A_569, %mul3A_570 : i32
        %get3A = arith.index_cast %mul3A_571 : i32 to index
        %get3A_572 = tpu.vector_load %arg6[%get3A] {strides = array<i32>} : memref<800xi32, #tpu.memory_space<vmem>>, vector<16xi32>,
        %get3A_573 = vector.shape_cast %get3A_572 : vector<16xi32> to vector<16xi32>
        %broadcast_in_dim3A = arith.constant 1 : i32
        %broadcast_in_dim3A_574 = vector.broadcast %broadcast_in_dim3A : i32 to vector<16xi32>
        %broadcast_in_dim3A_575 = arith.constant 0 : i32
        %broadcast_in_dim3A_576 = vector.broadcast %broadcast_in_dim3A_575 : i32 to vector<16xi32>
        %ge3A = arith.constant 253952 : i32
        %ge3A_577 = vector.broadcast %ge3A : i32 to vector<16xi32>
        %ge3A_578 = arith.cmpi sge, %get3A_573, %ge3A_577 : vector<16xi32>
        %select_n3A = arith.select %ge3A_578, %broadcast_in_dim3A_574, %broadcast_in_dim3A_576 : vector<16xi1>, vector<16xi32>
        %ge3A_579 = arith.constant 507904 : i32
        %ge3A_580 = vector.broadcast %ge3A_579 : i32 to vector<16xi32>
        %ge3A_581 = arith.cmpi sge, %get3A_573, %ge3A_580 : vector<16xi32>
        %select_n3A_582 = arith.select %ge3A_581, %broadcast_in_dim3A_574, %broadcast_in_dim3A_576 : vector<16xi1>, vector<16xi32>
        %add3A_583 = arith.addi %select_n3A, %select_n3A_582 : vector<16xi32>
        %ge3A_584 = arith.constant 761856 : i32
        %ge3A_585 = vector.broadcast %ge3A_584 : i32 to vector<16xi32>
        %ge3A_586 = arith.cmpi sge, %get3A_573, %ge3A_585 : vector<16xi32>
        %select_n3A_587 = arith.select %ge3A_586, %broadcast_in_dim3A_574, %broadcast_in_dim3A_576 : vector<16xi1>, vector<16xi32>
        %add3A_588 = arith.addi %add3A_583, %select_n3A_587 : vector<16xi32>
        %mul3A_589 = arith.constant 4 : i32
        %mul3A_590 = vector.broadcast %mul3A_589 : i32 to vector<16xi32>
        %mul3A_591 = arith.muli %get3A_573, %mul3A_590 : vector<16xi32>
        %mul3A_592 = arith.constant 1015807 : i32
        %mul3A_593 = vector.broadcast %mul3A_592 : i32 to vector<16xi32>
        %mul3A_594 = arith.muli %add3A_588, %mul3A_593 : vector<16xi32>
        %sub3A_595 = arith.subi %mul3A_591, %mul3A_594 : vector<16xi32>
        %swap3A = arith.index_cast %mul3A_571 : i32 to index
        %swap3A_596 = tpu.vector_load %arg6[%swap3A] {strides = array<i32>} : memref<800xi32, #tpu.memory_space<vmem>>, vector<16xi32>,
        %swap3A_597 = vector.shape_cast %swap3A_596 : vector<16xi32> to vector<16xi32>
        %swap3A_598 = vector.shape_cast %sub3A_595 : vector<16xi32> to vector<16xi32>
        tpu.vector_store %arg6[%swap3A], %swap3A_598 {strides = array<i32>} : memref<800xi32, #tpu.memory_space<vmem>>, vector<16xi32>,
      }
      %dma_start3A_320 = arith.constant 0 : i32
      %dma_start3A_321 = arith.constant 0 : i32
      %dma_start3A_322 = tpu.memref_slice %arg8[%dma_start3A_320, %dma_start3A_321] : memref<800x32xf32, #tpu.memory_space<vmem>> -> memref<80x32xf32, #tpu.memory_space<vmem>>
      %dma_start3A_323 = arith.constant 0 : i32
      %dma_start3A_324 = tpu.memref_slice %arg6[%dma_start3A_323] : memref<800xi32, #tpu.memory_space<vmem>> -> memref<80xi32, #tpu.memory_space<vmem>>
      %dma_start3A_325 = arith.constant 0 : i32
      %dma_start3A_326 = arith.constant 0 : i32
      %dma_start3A_327 = tpu.memref_slice %arg2[%dma_start3A_325, %dma_start3A_326] : memref<1015808x32xf32, #tpu.memory_space<hbm>> -> memref<1015808x32xf32, #tpu.memory_space<hbm>>
      tpu.enqueue_indirect_dma source(%dma_start3A_327 : memref<1015808x32xf32, #tpu.memory_space<hbm>>) target(%dma_start3A_322 : memref<80x32xf32, #tpu.memory_space<vmem>>) offsets(%dma_start3A_324 : memref<80xi32, #tpu.memory_space<vmem>>) semaphore(%arg12 : memref<!tpu.dma_semaphore, #tpu.memory_space<semaphore_mem>>)
      %dma_start3A_328 = arith.constant 80 : i32
      %dma_start3A_329 = arith.constant 0 : i32
      %dma_start3A_330 = tpu.memref_slice %arg8[%dma_start3A_328, %dma_start3A_329] : memref<800x32xf32, #tpu.memory_space<vmem>> -> memref<80x32xf32, #tpu.memory_space<vmem>>
      %dma_start3A_331 = arith.constant 80 : i32
      %dma_start3A_332 = tpu.memref_slice %arg6[%dma_start3A_331] : memref<800xi32, #tpu.memory_space<vmem>> -> memref<80xi32, #tpu.memory_space<vmem>>
      %dma_start3A_333 = arith.constant 0 : i32
      %dma_start3A_334 = arith.constant 0 : i32
      %dma_start3A_335 = tpu.memref_slice %arg2[%dma_start3A_333, %dma_start3A_334] : memref<1015808x32xf32, #tpu.memory_space<hbm>> -> memref<1015808x32xf32, #tpu.memory_space<hbm>>
      tpu.enqueue_indirect_dma source(%dma_start3A_335 : memref<1015808x32xf32, #tpu.memory_space<hbm>>) target(%dma_start3A_330 : memref<80x32xf32, #tpu.memory_space<vmem>>) offsets(%dma_start3A_332 : memref<80xi32, #tpu.memory_space<vmem>>) semaphore(%arg12 : memref<!tpu.dma_semaphore, #tpu.memory_space<semaphore_mem>>)
      %dma_start3A_336 = arith.constant 160 : i32
      %dma_start3A_337 = arith.constant 0 : i32
      %dma_start3A_338 = tpu.memref_slice %arg8[%dma_start3A_336, %dma_start3A_337] : memref<800x32xf32, #tpu.memory_space<vmem>> -> memref<80x32xf32, #tpu.memory_space<vmem>>
      %dma_start3A_339 = arith.constant 160 : i32
      %dma_start3A_340 = tpu.memref_slice %arg6[%dma_start3A_339] : memref<800xi32, #tpu.memory_space<vmem>> -> memref<80xi32, #tpu.memory_space<vmem>>
      %dma_start3A_341 = arith.constant 0 : i32
      %dma_start3A_342 = arith.constant 0 : i32
      %dma_start3A_343 = tpu.memref_slice %arg2[%dma_start3A_341, %dma_start3A_342] : memref<1015808x32xf32, #tpu.memory_space<hbm>> -> memref<1015808x32xf32, #tpu.memory_space<hbm>>
      tpu.enqueue_indirect_dma source(%dma_start3A_343 : memref<1015808x32xf32, #tpu.memory_space<hbm>>) target(%dma_start3A_338 : memref<80x32xf32, #tpu.memory_space<vmem>>) offsets(%dma_start3A_340 : memref<80xi32, #tpu.memory_space<vmem>>) semaphore(%arg12 : memref<!tpu.dma_semaphore, #tpu.memory_space<semaphore_mem>>)
      %dma_start3A_344 = arith.constant 240 : i32
      %dma_start3A_345 = arith.constant 0 : i32
      %dma_start3A_346 = tpu.memref_slice %arg8[%dma_start3A_344, %dma_start3A_345] : memref<800x32xf32, #tpu.memory_space<vmem>> -> memref<80x32xf32, #tpu.memory_space<vmem>>
      %dma_start3A_347 = arith.constant 240 : i32
      %dma_start3A_348 = tpu.memref_slice %arg6[%dma_start3A_347] : memref<800xi32, #tpu.memory_space<vmem>> -> memref<80xi32, #tpu.memory_space<vmem>>
      %dma_start3A_349 = arith.constant 0 : i32
      %dma_start3A_350 = arith.constant 0 : i32
      %dma_start3A_351 = tpu.memref_slice %arg2[%dma_start3A_349, %dma_start3A_350] : memref<1015808x32xf32, #tpu.memory_space<hbm>> -> memref<1015808x32xf32, #tpu.memory_space<hbm>>
      tpu.enqueue_indirect_dma source(%dma_start3A_351 : memref<1015808x32xf32, #tpu.memory_space<hbm>>) target(%dma_start3A_346 : memref<80x32xf32, #tpu.memory_space<vmem>>) offsets(%dma_start3A_348 : memref<80xi32, #tpu.memory_space<vmem>>) semaphore(%arg12 : memref<!tpu.dma_semaphore, #tpu.memory_space<semaphore_mem>>)
      %dma_start3A_352 = arith.constant 320 : i32
      %dma_start3A_353 = arith.constant 0 : i32
      %dma_start3A_354 = tpu.memref_slice %arg8[%dma_start3A_352, %dma_start3A_353] : memref<800x32xf32, #tpu.memory_space<vmem>> -> memref<80x32xf32, #tpu.memory_space<vmem>>
      %dma_start3A_355 = arith.constant 320 : i32
      %dma_start3A_356 = tpu.memref_slice %arg6[%dma_start3A_355] : memref<800xi32, #tpu.memory_space<vmem>> -> memref<80xi32, #tpu.memory_space<vmem>>
      %dma_start3A_357 = arith.constant 0 : i32
      %dma_start3A_358 = arith.constant 0 : i32
      %dma_start3A_359 = tpu.memref_slice %arg2[%dma_start3A_357, %dma_start3A_358] : memref<1015808x32xf32, #tpu.memory_space<hbm>> -> memref<1015808x32xf32, #tpu.memory_space<hbm>>
      tpu.enqueue_indirect_dma source(%dma_start3A_359 : memref<1015808x32xf32, #tpu.memory_space<hbm>>) target(%dma_start3A_354 : memref<80x32xf32, #tpu.memory_space<vmem>>) offsets(%dma_start3A_356 : memref<80xi32, #tpu.memory_space<vmem>>) semaphore(%arg12 : memref<!tpu.dma_semaphore, #tpu.memory_space<semaphore_mem>>)
      %dma_start3A_360 = arith.constant 400 : i32
      %dma_start3A_361 = arith.constant 0 : i32
      %dma_start3A_362 = tpu.memref_slice %arg8[%dma_start3A_360, %dma_start3A_361] : memref<800x32xf32, #tpu.memory_space<vmem>> -> memref<80x32xf32, #tpu.memory_space<vmem>>
      %dma_start3A_363 = arith.constant 400 : i32
      %dma_start3A_364 = tpu.memref_slice %arg6[%dma_start3A_363] : memref<800xi32, #tpu.memory_space<vmem>> -> memref<80xi32, #tpu.memory_space<vmem>>
      %dma_start3A_365 = arith.constant 0 : i32
      %dma_start3A_366 = arith.constant 0 : i32
      %dma_start3A_367 = tpu.memref_slice %arg2[%dma_start3A_365, %dma_start3A_366] : memref<1015808x32xf32, #tpu.memory_space<hbm>> -> memref<1015808x32xf32, #tpu.memory_space<hbm>>
      tpu.enqueue_indirect_dma source(%dma_start3A_367 : memref<1015808x32xf32, #tpu.memory_space<hbm>>) target(%dma_start3A_362 : memref<80x32xf32, #tpu.memory_space<vmem>>) offsets(%dma_start3A_364 : memref<80xi32, #tpu.memory_space<vmem>>) semaphore(%arg12 : memref<!tpu.dma_semaphore, #tpu.memory_space<semaphore_mem>>)
      %dma_start3A_368 = arith.constant 480 : i32
      %dma_start3A_369 = arith.constant 0 : i32
      %dma_start3A_370 = tpu.memref_slice %arg8[%dma_start3A_368, %dma_start3A_369] : memref<800x32xf32, #tpu.memory_space<vmem>> -> memref<80x32xf32, #tpu.memory_space<vmem>>
      %dma_start3A_371 = arith.constant 480 : i32
      %dma_start3A_372 = tpu.memref_slice %arg6[%dma_start3A_371] : memref<800xi32, #tpu.memory_space<vmem>> -> memref<80xi32, #tpu.memory_space<vmem>>
      %dma_start3A_373 = arith.constant 0 : i32
      %dma_start3A_374 = arith.constant 0 : i32
      %dma_start3A_375 = tpu.memref_slice %arg2[%dma_start3A_373, %dma_start3A_374] : memref<1015808x32xf32, #tpu.memory_space<hbm>> -> memref<1015808x32xf32, #tpu.memory_space<hbm>>
      tpu.enqueue_indirect_dma source(%dma_start3A_375 : memref<1015808x32xf32, #tpu.memory_space<hbm>>) target(%dma_start3A_370 : memref<80x32xf32, #tpu.memory_space<vmem>>) offsets(%dma_start3A_372 : memref<80xi32, #tpu.memory_space<vmem>>) semaphore(%arg12 : memref<!tpu.dma_semaphore, #tpu.memory_space<semaphore_mem>>)
      %dma_start3A_376 = arith.constant 560 : i32
      %dma_start3A_377 = arith.constant 0 : i32
      %dma_start3A_378 = tpu.memref_slice %arg8[%dma_start3A_376, %dma_start3A_377] : memref<800x32xf32, #tpu.memory_space<vmem>> -> memref<80x32xf32, #tpu.memory_space<vmem>>
      %dma_start3A_379 = arith.constant 560 : i32
      %dma_start3A_380 = tpu.memref_slice %arg6[%dma_start3A_379] : memref<800xi32, #tpu.memory_space<vmem>> -> memref<80xi32, #tpu.memory_space<vmem>>
      %dma_start3A_381 = arith.constant 0 : i32
      %dma_start3A_382 = arith.constant 0 : i32
      %dma_start3A_383 = tpu.memref_slice %arg2[%dma_start3A_381, %dma_start3A_382] : memref<1015808x32xf32, #tpu.memory_space<hbm>> -> memref<1015808x32xf32, #tpu.memory_space<hbm>>
      tpu.enqueue_indirect_dma source(%dma_start3A_383 : memref<1015808x32xf32, #tpu.memory_space<hbm>>) target(%dma_start3A_378 : memref<80x32xf32, #tpu.memory_space<vmem>>) offsets(%dma_start3A_380 : memref<80xi32, #tpu.memory_space<vmem>>) semaphore(%arg12 : memref<!tpu.dma_semaphore, #tpu.memory_space<semaphore_mem>>)
      %dma_start3A_384 = arith.constant 640 : i32
      %dma_start3A_385 = arith.constant 0 : i32
      %dma_start3A_386 = tpu.memref_slice %arg8[%dma_start3A_384, %dma_start3A_385] : memref<800x32xf32, #tpu.memory_space<vmem>> -> memref<80x32xf32, #tpu.memory_space<vmem>>
      %dma_start3A_387 = arith.constant 640 : i32
      %dma_start3A_388 = tpu.memref_slice %arg6[%dma_start3A_387] : memref<800xi32, #tpu.memory_space<vmem>> -> memref<80xi32, #tpu.memory_space<vmem>>
      %dma_start3A_389 = arith.constant 0 : i32
      %dma_start3A_390 = arith.constant 0 : i32
      %dma_start3A_391 = tpu.memref_slice %arg2[%dma_start3A_389, %dma_start3A_390] : memref<1015808x32xf32, #tpu.memory_space<hbm>> -> memref<1015808x32xf32, #tpu.memory_space<hbm>>
      tpu.enqueue_indirect_dma source(%dma_start3A_391 : memref<1015808x32xf32, #tpu.memory_space<hbm>>) target(%dma_start3A_386 : memref<80x32xf32, #tpu.memory_space<vmem>>) offsets(%dma_start3A_388 : memref<80xi32, #tpu.memory_space<vmem>>) semaphore(%arg12 : memref<!tpu.dma_semaphore, #tpu.memory_space<semaphore_mem>>)
      %dma_start3A_392 = arith.constant 720 : i32
      %dma_start3A_393 = arith.constant 0 : i32
      %dma_start3A_394 = tpu.memref_slice %arg8[%dma_start3A_392, %dma_start3A_393] : memref<800x32xf32, #tpu.memory_space<vmem>> -> memref<80x32xf32, #tpu.memory_space<vmem>>
      %dma_start3A_395 = arith.constant 720 : i32
      %dma_start3A_396 = tpu.memref_slice %arg6[%dma_start3A_395] : memref<800xi32, #tpu.memory_space<vmem>> -> memref<80xi32, #tpu.memory_space<vmem>>
      %dma_start3A_397 = arith.constant 0 : i32
      %dma_start3A_398 = arith.constant 0 : i32
      %dma_start3A_399 = tpu.memref_slice %arg2[%dma_start3A_397, %dma_start3A_398] : memref<1015808x32xf32, #tpu.memory_space<hbm>> -> memref<1015808x32xf32, #tpu.memory_space<hbm>>
      tpu.enqueue_indirect_dma source(%dma_start3A_399 : memref<1015808x32xf32, #tpu.memory_space<hbm>>) target(%dma_start3A_394 : memref<80x32xf32, #tpu.memory_space<vmem>>) offsets(%dma_start3A_396 : memref<80xi32, #tpu.memory_space<vmem>>) semaphore(%arg12 : memref<!tpu.dma_semaphore, #tpu.memory_space<semaphore_mem>>)
      %dma_wait3A_400 = arith.constant 0 : i32
      %dma_wait3A_401 = arith.constant 0 : i32
      %dma_wait3A_402 = tpu.memref_slice %arg2[%dma_wait3A_400, %dma_wait3A_401] : memref<1015808x32xf32, #tpu.memory_space<hbm>> -> memref<800x32xf32, #tpu.memory_space<hbm>>
      %dma_wait3A_403 = arith.constant 0 : i32
      %dma_wait3A_404 = arith.constant 0 : i32
      %dma_wait3A_405 = tpu.memref_slice %arg2[%dma_wait3A_403, %dma_wait3A_404] : memref<1015808x32xf32, #tpu.memory_space<hbm>> -> memref<800x32xf32, #tpu.memory_space<hbm>>
      tpu.wait_dma2 semaphore(%arg11 : memref<!tpu.dma_semaphore, #tpu.memory_space<semaphore_mem>>) src(%dma_wait3A_405 : memref<800x32xf32, #tpu.memory_space<hbm>>) dst(%arg7 : memref<800x32xf32, #tpu.memory_space<vmem>>)
      %mul3A_406 = arith.constant 16 : i32
      %mul3A_407 = arith.muli %add3A_292, %mul3A_406 : i32
      %add3A_408 = arith.addi %mul3A_2, %mul3A_407 : i32
      %sub3A_409 = arith.constant 16 : i32
      %sub3A_410 = arith.constant 0 : i32
      %sub3A_411 = arith.subi %sub3A_409, %sub3A_410 : i32
      %sub3A_412 = arith.constant 1 : i32
      %sub3A_413 = arith.constant 1 : i32
      %sub3A_414 = arith.subi %sub3A_412, %sub3A_413 : i32
      %add3A_415 = arith.addi %sub3A_411, %sub3A_414 : i32
      %div3A_416 = arith.constant 1 : i32
      %div3A_417 = arith.divsi %add3A_415, %div3A_416 : i32
      %while3A_418 = arith.constant 1 : i32
      %while3A_419 = arith.constant 0 : i32
      %while3A_420 = arith.constant 0 : i32
      %while3A_421 = arith.subi %div3A_417, %while3A_420 : i32
      %while3A_422 = arith.addi %while3A_420, %while3A_421 : i32
      %while3A_423 = arith.constant 1 : i32
      %while3A_424 = arith.divsi %while3A_421, %while3A_423 : i32
      %while3A_425 = arith.muli %while3A_424, %while3A_423 : i32
      %while3A_426 = arith.addi %while3A_420, %while3A_425 : i32
      %while3A_427 = arith.constant 1 : i32
      scf.for %while3A_567 = %while3A_420 to %while3A_426 step %while3A_427  : i32 {
        %mul3A_568 = arith.muli %while3A_567, %while3A_418 : i32
        %add3A_569 = arith.addi %while3A_419, %mul3A_568 : i32
        %mul3A_570 = arith.constant 50 : i32
        %mul3A_571 = arith.muli %add3A_569, %mul3A_570 : i32
        %broadcast_in_dim3A = arith.constant 0.000000e+00 : f32
        %broadcast_in_dim3A_572 = vector.broadcast %broadcast_in_dim3A : f32 to vector<16xf32>
        %scan3A = arith.constant 0 : i32
        %scan3A_573 = arith.constant 25 : i32
        %scan3A_574 = arith.addi %scan3A, %scan3A_573 : i32
        %scan3A_575 = arith.constant 5 : i32
        %scan3A_576:5 = scf.for %scan3A_595 = %scan3A to %scan3A_574 step %scan3A_575 iter_args(%scan3A_596 = %mul3A_571, %scan3A_597 = %broadcast_in_dim3A_572, %scan3A_598 = %broadcast_in_dim3A_572, %scan3A_599 = %broadcast_in_dim3A_572, %scan3A_600 = %broadcast_in_dim3A_572) -> (i32, vector<16xf32>, vector<16xf32>, vector<16xf32>, vector<16xf32>)  : i32 {
          %get3A = arith.index_cast %scan3A_596 : i32 to index
          %get3A_601 = arith.constant 0 : index
          %get3A_602 = tpu.vector_load %arg7[%get3A, %get3A_601] {strides = array<i32>} : memref<800x32xf32, #tpu.memory_space<vmem>>, vector<1x16xf32>,
          %get3A_603 = vector.shape_cast %get3A_602 : vector<1x16xf32> to vector<16xf32>
          %add3A_604 = arith.addf %scan3A_597, %get3A_603 : vector<16xf32>
          %get3A_605 = arith.index_cast %scan3A_596 : i32 to index
          %get3A_606 = arith.constant 16 : index
          %get3A_607 = tpu.vector_load %arg7[%get3A_605, %get3A_606] {strides = array<i32>} : memref<800x32xf32, #tpu.memory_space<vmem>>, vector<1x16xf32>,
          %get3A_608 = vector.shape_cast %get3A_607 : vector<1x16xf32> to vector<16xf32>
          %add3A_609 = arith.addf %scan3A_598, %get3A_608 : vector<16xf32>
          %add3A_610 = arith.constant 1 : i32
          %add3A_611 = arith.addi %scan3A_596, %add3A_610 : i32
          %get3A_612 = arith.index_cast %add3A_611 : i32 to index
          %get3A_613 = arith.constant 0 : index
          %get3A_614 = tpu.vector_load %arg7[%get3A_612, %get3A_613] {strides = array<i32>} : memref<800x32xf32, #tpu.memory_space<vmem>>, vector<1x16xf32>,
          %get3A_615 = vector.shape_cast %get3A_614 : vector<1x16xf32> to vector<16xf32>
          %add3A_616 = arith.addf %scan3A_599, %get3A_615 : vector<16xf32>
          %add3A_617 = arith.constant 1 : i32
          %add3A_618 = arith.addi %scan3A_596, %add3A_617 : i32
          %get3A_619 = arith.index_cast %add3A_618 : i32 to index
          %get3A_620 = arith.constant 16 : index
          %get3A_621 = tpu.vector_load %arg7[%get3A_619, %get3A_620] {strides = array<i32>} : memref<800x32xf32, #tpu.memory_space<vmem>>, vector<1x16xf32>,
          %get3A_622 = vector.shape_cast %get3A_621 : vector<1x16xf32> to vector<16xf32>
          %add3A_623 = arith.addf %scan3A_600, %get3A_622 : vector<16xf32>
          %add3A_624 = arith.constant 2 : i32
          %add3A_625 = arith.addi %scan3A_596, %add3A_624 : i32
          %scan3A_626 = arith.constant 1 : i32
          %scan3A_627 = arith.addi %scan3A_595, %scan3A_626 : i32
          %get3A_628 = arith.index_cast %add3A_625 : i32 to index
          %get3A_629 = arith.constant 0 : index
          %get3A_630 = tpu.vector_load %arg7[%get3A_628, %get3A_629] {strides = array<i32>} : memref<800x32xf32, #tpu.memory_space<vmem>>, vector<1x16xf32>,
          %get3A_631 = vector.shape_cast %get3A_630 : vector<1x16xf32> to vector<16xf32>
          %add3A_632 = arith.addf %add3A_604, %get3A_631 : vector<16xf32>
          %get3A_633 = arith.index_cast %add3A_625 : i32 to index
          %get3A_634 = arith.constant 16 : index
          %get3A_635 = tpu.vector_load %arg7[%get3A_633, %get3A_634] {strides = array<i32>} : memref<800x32xf32, #tpu.memory_space<vmem>>, vector<1x16xf32>,
          %get3A_636 = vector.shape_cast %get3A_635 : vector<1x16xf32> to vector<16xf32>
          %add3A_637 = arith.addf %add3A_609, %get3A_636 : vector<16xf32>
          %add3A_638 = arith.constant 1 : i32
          %add3A_639 = arith.addi %add3A_625, %add3A_638 : i32
          %get3A_640 = arith.index_cast %add3A_639 : i32 to index
          %get3A_641 = arith.constant 0 : index
          %get3A_642 = tpu.vector_load %arg7[%get3A_640, %get3A_641] {strides = array<i32>} : memref<800x32xf32, #tpu.memory_space<vmem>>, vector<1x16xf32>,
          %get3A_643 = vector.shape_cast %get3A_642 : vector<1x16xf32> to vector<16xf32>
          %add3A_644 = arith.addf %add3A_616, %get3A_643 : vector<16xf32>
          %add3A_645 = arith.constant 1 : i32
          %add3A_646 = arith.addi %add3A_625, %add3A_645 : i32
          %get3A_647 = arith.index_cast %add3A_646 : i32 to index
          %get3A_648 = arith.constant 16 : index
          %get3A_649 = tpu.vector_load %arg7[%get3A_647, %get3A_648] {strides = array<i32>} : memref<800x32xf32, #tpu.memory_space<vmem>>, vector<1x16xf32>,
          %get3A_650 = vector.shape_cast %get3A_649 : vector<1x16xf32> to vector<16xf32>
          %add3A_651 = arith.addf %add3A_623, %get3A_650 : vector<16xf32>
          %add3A_652 = arith.constant 2 : i32
          %add3A_653 = arith.addi %add3A_625, %add3A_652 : i32
          %scan3A_654 = arith.constant 2 : i32
          %scan3A_655 = arith.addi %scan3A_595, %scan3A_654 : i32
          %get3A_656 = arith.index_cast %add3A_653 : i32 to index
          %get3A_657 = arith.constant 0 : index
          %get3A_658 = tpu.vector_load %arg7[%get3A_656, %get3A_657] {strides = array<i32>} : memref<800x32xf32, #tpu.memory_space<vmem>>, vector<1x16xf32>,
          %get3A_659 = vector.shape_cast %get3A_658 : vector<1x16xf32> to vector<16xf32>
          %add3A_660 = arith.addf %add3A_632, %get3A_659 : vector<16xf32>
          %get3A_661 = arith.index_cast %add3A_653 : i32 to index
          %get3A_662 = arith.constant 16 : index
          %get3A_663 = tpu.vector_load %arg7[%get3A_661, %get3A_662] {strides = array<i32>} : memref<800x32xf32, #tpu.memory_space<vmem>>, vector<1x16xf32>,
          %get3A_664 = vector.shape_cast %get3A_663 : vector<1x16xf32> to vector<16xf32>
          %add3A_665 = arith.addf %add3A_637, %get3A_664 : vector<16xf32>
          %add3A_666 = arith.constant 1 : i32
          %add3A_667 = arith.addi %add3A_653, %add3A_666 : i32
          %get3A_668 = arith.index_cast %add3A_667 : i32 to index
          %get3A_669 = arith.constant 0 : index
          %get3A_670 = tpu.vector_load %arg7[%get3A_668, %get3A_669] {strides = array<i32>} : memref<800x32xf32, #tpu.memory_space<vmem>>, vector<1x16xf32>,
          %get3A_671 = vector.shape_cast %get3A_670 : vector<1x16xf32> to vector<16xf32>
          %add3A_672 = arith.addf %add3A_644, %get3A_671 : vector<16xf32>
          %add3A_673 = arith.constant 1 : i32
          %add3A_674 = arith.addi %add3A_653, %add3A_673 : i32
          %get3A_675 = arith.index_cast %add3A_674 : i32 to index
          %get3A_676 = arith.constant 16 : index
          %get3A_677 = tpu.vector_load %arg7[%get3A_675, %get3A_676] {strides = array<i32>} : memref<800x32xf32, #tpu.memory_space<vmem>>, vector<1x16xf32>,
          %get3A_678 = vector.shape_cast %get3A_677 : vector<1x16xf32> to vector<16xf32>
          %add3A_679 = arith.addf %add3A_651, %get3A_678 : vector<16xf32>
          %add3A_680 = arith.constant 2 : i32
          %add3A_681 = arith.addi %add3A_653, %add3A_680 : i32
          %scan3A_682 = arith.constant 3 : i32
          %scan3A_683 = arith.addi %scan3A_595, %scan3A_682 : i32
          %get3A_684 = arith.index_cast %add3A_681 : i32 to index
          %get3A_685 = arith.constant 0 : index
          %get3A_686 = tpu.vector_load %arg7[%get3A_684, %get3A_685] {strides = array<i32>} : memref<800x32xf32, #tpu.memory_space<vmem>>, vector<1x16xf32>,
          %get3A_687 = vector.shape_cast %get3A_686 : vector<1x16xf32> to vector<16xf32>
          %add3A_688 = arith.addf %add3A_660, %get3A_687 : vector<16xf32>
          %get3A_689 = arith.index_cast %add3A_681 : i32 to index
          %get3A_690 = arith.constant 16 : index
          %get3A_691 = tpu.vector_load %arg7[%get3A_689, %get3A_690] {strides = array<i32>} : memref<800x32xf32, #tpu.memory_space<vmem>>, vector<1x16xf32>,
          %get3A_692 = vector.shape_cast %get3A_691 : vector<1x16xf32> to vector<16xf32>
          %add3A_693 = arith.addf %add3A_665, %get3A_692 : vector<16xf32>
          %add3A_694 = arith.constant 1 : i32
          %add3A_695 = arith.addi %add3A_681, %add3A_694 : i32
          %get3A_696 = arith.index_cast %add3A_695 : i32 to index
          %get3A_697 = arith.constant 0 : index
          %get3A_698 = tpu.vector_load %arg7[%get3A_696, %get3A_697] {strides = array<i32>} : memref<800x32xf32, #tpu.memory_space<vmem>>, vector<1x16xf32>,
          %get3A_699 = vector.shape_cast %get3A_698 : vector<1x16xf32> to vector<16xf32>
          %add3A_700 = arith.addf %add3A_672, %get3A_699 : vector<16xf32>
          %add3A_701 = arith.constant 1 : i32
          %add3A_702 = arith.addi %add3A_681, %add3A_701 : i32
          %get3A_703 = arith.index_cast %add3A_702 : i32 to index
          %get3A_704 = arith.constant 16 : index
          %get3A_705 = tpu.vector_load %arg7[%get3A_703, %get3A_704] {strides = array<i32>} : memref<800x32xf32, #tpu.memory_space<vmem>>, vector<1x16xf32>,
          %get3A_706 = vector.shape_cast %get3A_705 : vector<1x16xf32> to vector<16xf32>
          %add3A_707 = arith.addf %add3A_679, %get3A_706 : vector<16xf32>
          %add3A_708 = arith.constant 2 : i32
          %add3A_709 = arith.addi %add3A_681, %add3A_708 : i32
          %scan3A_710 = arith.constant 4 : i32
          %scan3A_711 = arith.addi %scan3A_595, %scan3A_710 : i32
          %get3A_712 = arith.index_cast %add3A_709 : i32 to index
          %get3A_713 = arith.constant 0 : index
          %get3A_714 = tpu.vector_load %arg7[%get3A_712, %get3A_713] {strides = array<i32>} : memref<800x32xf32, #tpu.memory_space<vmem>>, vector<1x16xf32>,
          %get3A_715 = vector.shape_cast %get3A_714 : vector<1x16xf32> to vector<16xf32>
          %add3A_716 = arith.addf %add3A_688, %get3A_715 : vector<16xf32>
          %get3A_717 = arith.index_cast %add3A_709 : i32 to index
          %get3A_718 = arith.constant 16 : index
          %get3A_719 = tpu.vector_load %arg7[%get3A_717, %get3A_718] {strides = array<i32>} : memref<800x32xf32, #tpu.memory_space<vmem>>, vector<1x16xf32>,
          %get3A_720 = vector.shape_cast %get3A_719 : vector<1x16xf32> to vector<16xf32>
          %add3A_721 = arith.addf %add3A_693, %get3A_720 : vector<16xf32>
          %add3A_722 = arith.constant 1 : i32
          %add3A_723 = arith.addi %add3A_709, %add3A_722 : i32
          %get3A_724 = arith.index_cast %add3A_723 : i32 to index
          %get3A_725 = arith.constant 0 : index
          %get3A_726 = tpu.vector_load %arg7[%get3A_724, %get3A_725] {strides = array<i32>} : memref<800x32xf32, #tpu.memory_space<vmem>>, vector<1x16xf32>,
          %get3A_727 = vector.shape_cast %get3A_726 : vector<1x16xf32> to vector<16xf32>
          %add3A_728 = arith.addf %add3A_700, %get3A_727 : vector<16xf32>
          %add3A_729 = arith.constant 1 : i32
          %add3A_730 = arith.addi %add3A_709, %add3A_729 : i32
          %get3A_731 = arith.index_cast %add3A_730 : i32 to index
          %get3A_732 = arith.constant 16 : index
          %get3A_733 = tpu.vector_load %arg7[%get3A_731, %get3A_732] {strides = array<i32>} : memref<800x32xf32, #tpu.memory_space<vmem>>, vector<1x16xf32>,
          %get3A_734 = vector.shape_cast %get3A_733 : vector<1x16xf32> to vector<16xf32>
          %add3A_735 = arith.addf %add3A_707, %get3A_734 : vector<16xf32>
          %add3A_736 = arith.constant 2 : i32
          %add3A_737 = arith.addi %add3A_709, %add3A_736 : i32
          scf.yield %add3A_737, %add3A_716, %add3A_721, %add3A_728, %add3A_735 : i32, vector<16xf32>, vector<16xf32>, vector<16xf32>, vector<16xf32>
        }
        %scan3A_577 = arith.constant 25 : i32
        %add3A_578 = arith.addf %scan3A_576#1, %scan3A_576#3 : vector<16xf32>
        %mul3A_579 = arith.constant 2.000000e-02 : f32
        %mul3A_580 = vector.broadcast %mul3A_579 : f32 to vector<16xf32>
        %mul3A_581 = arith.mulf %add3A_578, %mul3A_580 : vector<16xf32>
        %swap3A = arith.index_cast %add3A_569 : i32 to index
        %swap3A_582 = arith.constant 0 : index
        %swap3A_583 = tpu.vector_load %arg9[%swap3A, %swap3A_582] {strides = array<i32>} : memref<16x32xf32, #tpu.memory_space<vmem>>, vector<1x16xf32>,
        %swap3A_584 = vector.shape_cast %swap3A_583 : vector<1x16xf32> to vector<16xf32>
        %swap3A_585 = vector.shape_cast %mul3A_581 : vector<16xf32> to vector<1x16xf32>
        tpu.vector_store %arg9[%swap3A, %swap3A_582], %swap3A_585 {strides = array<i32>} : memref<16x32xf32, #tpu.memory_space<vmem>>, vector<1x16xf32>,
        %add3A_586 = arith.addf %scan3A_576#2, %scan3A_576#4 : vector<16xf32>
        %mul3A_587 = arith.constant 2.000000e-02 : f32
        %mul3A_588 = vector.broadcast %mul3A_587 : f32 to vector<16xf32>
        %mul3A_589 = arith.mulf %add3A_586, %mul3A_588 : vector<16xf32>
        %swap3A_590 = arith.index_cast %add3A_569 : i32 to index
        %swap3A_591 = arith.constant 16 : index
        %swap3A_592 = tpu.vector_load %arg9[%swap3A_590, %swap3A_591] {strides = array<i32>} : memref<16x32xf32, #tpu.memory_space<vmem>>, vector<1x16xf32>,
        %swap3A_593 = vector.shape_cast %swap3A_592 : vector<1x16xf32> to vector<16xf32>
        %swap3A_594 = vector.shape_cast %mul3A_589 : vector<16xf32> to vector<1x16xf32>
        tpu.vector_store %arg9[%swap3A_590, %swap3A_591], %swap3A_594 {strides = array<i32>} : memref<16x32xf32, #tpu.memory_space<vmem>>, vector<1x16xf32>,
      }
      %while3A_428 = arith.constant 1 : i32
      scf.for %while3A_567 = %while3A_426 to %while3A_422 step %while3A_428  : i32 {
        %mul3A_568 = arith.muli %while3A_567, %while3A_418 : i32
        %add3A_569 = arith.addi %while3A_419, %mul3A_568 : i32
        %mul3A_570 = arith.constant 50 : i32
        %mul3A_571 = arith.muli %add3A_569, %mul3A_570 : i32
        %broadcast_in_dim3A = arith.constant 0.000000e+00 : f32
        %broadcast_in_dim3A_572 = vector.broadcast %broadcast_in_dim3A : f32 to vector<16xf32>
        %scan3A = arith.constant 0 : i32
        %scan3A_573 = arith.constant 25 : i32
        %scan3A_574 = arith.addi %scan3A, %scan3A_573 : i32
        %scan3A_575 = arith.constant 5 : i32
        %scan3A_576:5 = scf.for %scan3A_595 = %scan3A to %scan3A_574 step %scan3A_575 iter_args(%scan3A_596 = %mul3A_571, %scan3A_597 = %broadcast_in_dim3A_572, %scan3A_598 = %broadcast_in_dim3A_572, %scan3A_599 = %broadcast_in_dim3A_572, %scan3A_600 = %broadcast_in_dim3A_572) -> (i32, vector<16xf32>, vector<16xf32>, vector<16xf32>, vector<16xf32>)  : i32 {
          %get3A = arith.index_cast %scan3A_596 : i32 to index
          %get3A_601 = arith.constant 0 : index
          %get3A_602 = tpu.vector_load %arg7[%get3A, %get3A_601] {strides = array<i32>} : memref<800x32xf32, #tpu.memory_space<vmem>>, vector<1x16xf32>,
          %get3A_603 = vector.shape_cast %get3A_602 : vector<1x16xf32> to vector<16xf32>
          %add3A_604 = arith.addf %scan3A_597, %get3A_603 : vector<16xf32>
          %get3A_605 = arith.index_cast %scan3A_596 : i32 to index
          %get3A_606 = arith.constant 16 : index
          %get3A_607 = tpu.vector_load %arg7[%get3A_605, %get3A_606] {strides = array<i32>} : memref<800x32xf32, #tpu.memory_space<vmem>>, vector<1x16xf32>,
          %get3A_608 = vector.shape_cast %get3A_607 : vector<1x16xf32> to vector<16xf32>
          %add3A_609 = arith.addf %scan3A_598, %get3A_608 : vector<16xf32>
          %add3A_610 = arith.constant 1 : i32
          %add3A_611 = arith.addi %scan3A_596, %add3A_610 : i32
          %get3A_612 = arith.index_cast %add3A_611 : i32 to index
          %get3A_613 = arith.constant 0 : index
          %get3A_614 = tpu.vector_load %arg7[%get3A_612, %get3A_613] {strides = array<i32>} : memref<800x32xf32, #tpu.memory_space<vmem>>, vector<1x16xf32>,
          %get3A_615 = vector.shape_cast %get3A_614 : vector<1x16xf32> to vector<16xf32>
          %add3A_616 = arith.addf %scan3A_599, %get3A_615 : vector<16xf32>
          %add3A_617 = arith.constant 1 : i32
          %add3A_618 = arith.addi %scan3A_596, %add3A_617 : i32
          %get3A_619 = arith.index_cast %add3A_618 : i32 to index
          %get3A_620 = arith.constant 16 : index
          %get3A_621 = tpu.vector_load %arg7[%get3A_619, %get3A_620] {strides = array<i32>} : memref<800x32xf32, #tpu.memory_space<vmem>>, vector<1x16xf32>,
          %get3A_622 = vector.shape_cast %get3A_621 : vector<1x16xf32> to vector<16xf32>
          %add3A_623 = arith.addf %scan3A_600, %get3A_622 : vector<16xf32>
          %add3A_624 = arith.constant 2 : i32
          %add3A_625 = arith.addi %scan3A_596, %add3A_624 : i32
          %scan3A_626 = arith.constant 1 : i32
          %scan3A_627 = arith.addi %scan3A_595, %scan3A_626 : i32
          %get3A_628 = arith.index_cast %add3A_625 : i32 to index
          %get3A_629 = arith.constant 0 : index
          %get3A_630 = tpu.vector_load %arg7[%get3A_628, %get3A_629] {strides = array<i32>} : memref<800x32xf32, #tpu.memory_space<vmem>>, vector<1x16xf32>,
          %get3A_631 = vector.shape_cast %get3A_630 : vector<1x16xf32> to vector<16xf32>
          %add3A_632 = arith.addf %add3A_604, %get3A_631 : vector<16xf32>
          %get3A_633 = arith.index_cast %add3A_625 : i32 to index
          %get3A_634 = arith.constant 16 : index
          %get3A_635 = tpu.vector_load %arg7[%get3A_633, %get3A_634] {strides = array<i32>} : memref<800x32xf32, #tpu.memory_space<vmem>>, vector<1x16xf32>,
          %get3A_636 = vector.shape_cast %get3A_635 : vector<1x16xf32> to vector<16xf32>
          %add3A_637 = arith.addf %add3A_609, %get3A_636 : vector<16xf32>
          %add3A_638 = arith.constant 1 : i32
          %add3A_639 = arith.addi %add3A_625, %add3A_638 : i32
          %get3A_640 = arith.index_cast %add3A_639 : i32 to index
          %get3A_641 = arith.constant 0 : index
          %get3A_642 = tpu.vector_load %arg7[%get3A_640, %get3A_641] {strides = array<i32>} : memref<800x32xf32, #tpu.memory_space<vmem>>, vector<1x16xf32>,
          %get3A_643 = vector.shape_cast %get3A_642 : vector<1x16xf32> to vector<16xf32>
          %add3A_644 = arith.addf %add3A_616, %get3A_643 : vector<16xf32>
          %add3A_645 = arith.constant 1 : i32
          %add3A_646 = arith.addi %add3A_625, %add3A_645 : i32
          %get3A_647 = arith.index_cast %add3A_646 : i32 to index
          %get3A_648 = arith.constant 16 : index
          %get3A_649 = tpu.vector_load %arg7[%get3A_647, %get3A_648] {strides = array<i32>} : memref<800x32xf32, #tpu.memory_space<vmem>>, vector<1x16xf32>,
          %get3A_650 = vector.shape_cast %get3A_649 : vector<1x16xf32> to vector<16xf32>
          %add3A_651 = arith.addf %add3A_623, %get3A_650 : vector<16xf32>
          %add3A_652 = arith.constant 2 : i32
          %add3A_653 = arith.addi %add3A_625, %add3A_652 : i32
          %scan3A_654 = arith.constant 2 : i32
          %scan3A_655 = arith.addi %scan3A_595, %scan3A_654 : i32
          %get3A_656 = arith.index_cast %add3A_653 : i32 to index
          %get3A_657 = arith.constant 0 : index
          %get3A_658 = tpu.vector_load %arg7[%get3A_656, %get3A_657] {strides = array<i32>} : memref<800x32xf32, #tpu.memory_space<vmem>>, vector<1x16xf32>,
          %get3A_659 = vector.shape_cast %get3A_658 : vector<1x16xf32> to vector<16xf32>
          %add3A_660 = arith.addf %add3A_632, %get3A_659 : vector<16xf32>
          %get3A_661 = arith.index_cast %add3A_653 : i32 to index
          %get3A_662 = arith.constant 16 : index
          %get3A_663 = tpu.vector_load %arg7[%get3A_661, %get3A_662] {strides = array<i32>} : memref<800x32xf32, #tpu.memory_space<vmem>>, vector<1x16xf32>,
          %get3A_664 = vector.shape_cast %get3A_663 : vector<1x16xf32> to vector<16xf32>
          %add3A_665 = arith.addf %add3A_637, %get3A_664 : vector<16xf32>
          %add3A_666 = arith.constant 1 : i32
          %add3A_667 = arith.addi %add3A_653, %add3A_666 : i32
          %get3A_668 = arith.index_cast %add3A_667 : i32 to index
          %get3A_669 = arith.constant 0 : index
          %get3A_670 = tpu.vector_load %arg7[%get3A_668, %get3A_669] {strides = array<i32>} : memref<800x32xf32, #tpu.memory_space<vmem>>, vector<1x16xf32>,
          %get3A_671 = vector.shape_cast %get3A_670 : vector<1x16xf32> to vector<16xf32>
          %add3A_672 = arith.addf %add3A_644, %get3A_671 : vector<16xf32>
          %add3A_673 = arith.constant 1 : i32
          %add3A_674 = arith.addi %add3A_653, %add3A_673 : i32
          %get3A_675 = arith.index_cast %add3A_674 : i32 to index
          %get3A_676 = arith.constant 16 : index
          %get3A_677 = tpu.vector_load %arg7[%get3A_675, %get3A_676] {strides = array<i32>} : memref<800x32xf32, #tpu.memory_space<vmem>>, vector<1x16xf32>,
          %get3A_678 = vector.shape_cast %get3A_677 : vector<1x16xf32> to vector<16xf32>
          %add3A_679 = arith.addf %add3A_651, %get3A_678 : vector<16xf32>
          %add3A_680 = arith.constant 2 : i32
          %add3A_681 = arith.addi %add3A_653, %add3A_680 : i32
          %scan3A_682 = arith.constant 3 : i32
          %scan3A_683 = arith.addi %scan3A_595, %scan3A_682 : i32
          %get3A_684 = arith.index_cast %add3A_681 : i32 to index
          %get3A_685 = arith.constant 0 : index
          %get3A_686 = tpu.vector_load %arg7[%get3A_684, %get3A_685] {strides = array<i32>} : memref<800x32xf32, #tpu.memory_space<vmem>>, vector<1x16xf32>,
          %get3A_687 = vector.shape_cast %get3A_686 : vector<1x16xf32> to vector<16xf32>
          %add3A_688 = arith.addf %add3A_660, %get3A_687 : vector<16xf32>
          %get3A_689 = arith.index_cast %add3A_681 : i32 to index
          %get3A_690 = arith.constant 16 : index
          %get3A_691 = tpu.vector_load %arg7[%get3A_689, %get3A_690] {strides = array<i32>} : memref<800x32xf32, #tpu.memory_space<vmem>>, vector<1x16xf32>,
          %get3A_692 = vector.shape_cast %get3A_691 : vector<1x16xf32> to vector<16xf32>
          %add3A_693 = arith.addf %add3A_665, %get3A_692 : vector<16xf32>
          %add3A_694 = arith.constant 1 : i32
          %add3A_695 = arith.addi %add3A_681, %add3A_694 : i32
          %get3A_696 = arith.index_cast %add3A_695 : i32 to index
          %get3A_697 = arith.constant 0 : index
          %get3A_698 = tpu.vector_load %arg7[%get3A_696, %get3A_697] {strides = array<i32>} : memref<800x32xf32, #tpu.memory_space<vmem>>, vector<1x16xf32>,
          %get3A_699 = vector.shape_cast %get3A_698 : vector<1x16xf32> to vector<16xf32>
          %add3A_700 = arith.addf %add3A_672, %get3A_699 : vector<16xf32>
          %add3A_701 = arith.constant 1 : i32
          %add3A_702 = arith.addi %add3A_681, %add3A_701 : i32
          %get3A_703 = arith.index_cast %add3A_702 : i32 to index
          %get3A_704 = arith.constant 16 : index
          %get3A_705 = tpu.vector_load %arg7[%get3A_703, %get3A_704] {strides = array<i32>} : memref<800x32xf32, #tpu.memory_space<vmem>>, vector<1x16xf32>,
          %get3A_706 = vector.shape_cast %get3A_705 : vector<1x16xf32> to vector<16xf32>
          %add3A_707 = arith.addf %add3A_679, %get3A_706 : vector<16xf32>
          %add3A_708 = arith.constant 2 : i32
          %add3A_709 = arith.addi %add3A_681, %add3A_708 : i32
          %scan3A_710 = arith.constant 4 : i32
          %scan3A_711 = arith.addi %scan3A_595, %scan3A_710 : i32
          %get3A_712 = arith.index_cast %add3A_709 : i32 to index
          %get3A_713 = arith.constant 0 : index
          %get3A_714 = tpu.vector_load %arg7[%get3A_712, %get3A_713] {strides = array<i32>} : memref<800x32xf32, #tpu.memory_space<vmem>>, vector<1x16xf32>,
          %get3A_715 = vector.shape_cast %get3A_714 : vector<1x16xf32> to vector<16xf32>
          %add3A_716 = arith.addf %add3A_688, %get3A_715 : vector<16xf32>
          %get3A_717 = arith.index_cast %add3A_709 : i32 to index
          %get3A_718 = arith.constant 16 : index
          %get3A_719 = tpu.vector_load %arg7[%get3A_717, %get3A_718] {strides = array<i32>} : memref<800x32xf32, #tpu.memory_space<vmem>>, vector<1x16xf32>,
          %get3A_720 = vector.shape_cast %get3A_719 : vector<1x16xf32> to vector<16xf32>
          %add3A_721 = arith.addf %add3A_693, %get3A_720 : vector<16xf32>
          %add3A_722 = arith.constant 1 : i32
          %add3A_723 = arith.addi %add3A_709, %add3A_722 : i32
          %get3A_724 = arith.index_cast %add3A_723 : i32 to index
          %get3A_725 = arith.constant 0 : index
          %get3A_726 = tpu.vector_load %arg7[%get3A_724, %get3A_725] {strides = array<i32>} : memref<800x32xf32, #tpu.memory_space<vmem>>, vector<1x16xf32>,
          %get3A_727 = vector.shape_cast %get3A_726 : vector<1x16xf32> to vector<16xf32>
          %add3A_728 = arith.addf %add3A_700, %get3A_727 : vector<16xf32>
          %add3A_729 = arith.constant 1 : i32
          %add3A_730 = arith.addi %add3A_709, %add3A_729 : i32
          %get3A_731 = arith.index_cast %add3A_730 : i32 to index
          %get3A_732 = arith.constant 16 : index
          %get3A_733 = tpu.vector_load %arg7[%get3A_731, %get3A_732] {strides = array<i32>} : memref<800x32xf32, #tpu.memory_space<vmem>>, vector<1x16xf32>,
          %get3A_734 = vector.shape_cast %get3A_733 : vector<1x16xf32> to vector<16xf32>
          %add3A_735 = arith.addf %add3A_707, %get3A_734 : vector<16xf32>
          %add3A_736 = arith.constant 2 : i32
          %add3A_737 = arith.addi %add3A_709, %add3A_736 : i32
          scf.yield %add3A_737, %add3A_716, %add3A_721, %add3A_728, %add3A_735 : i32, vector<16xf32>, vector<16xf32>, vector<16xf32>, vector<16xf32>
        }
        %scan3A_577 = arith.constant 25 : i32
        %add3A_578 = arith.addf %scan3A_576#1, %scan3A_576#3 : vector<16xf32>
        %mul3A_579 = arith.constant 2.000000e-02 : f32
        %mul3A_580 = vector.broadcast %mul3A_579 : f32 to vector<16xf32>
        %mul3A_581 = arith.mulf %add3A_578, %mul3A_580 : vector<16xf32>
        %swap3A = arith.index_cast %add3A_569 : i32 to index
        %swap3A_582 = arith.constant 0 : index
        %swap3A_583 = tpu.vector_load %arg9[%swap3A, %swap3A_582] {strides = array<i32>} : memref<16x32xf32, #tpu.memory_space<vmem>>, vector<1x16xf32>,
        %swap3A_584 = vector.shape_cast %swap3A_583 : vector<1x16xf32> to vector<16xf32>
        %swap3A_585 = vector.shape_cast %mul3A_581 : vector<16xf32> to vector<1x16xf32>
        tpu.vector_store %arg9[%swap3A, %swap3A_582], %swap3A_585 {strides = array<i32>} : memref<16x32xf32, #tpu.memory_space<vmem>>, vector<1x16xf32>,
        %add3A_586 = arith.addf %scan3A_576#2, %scan3A_576#4 : vector<16xf32>
        %mul3A_587 = arith.constant 2.000000e-02 : f32
        %mul3A_588 = vector.broadcast %mul3A_587 : f32 to vector<16xf32>
        %mul3A_589 = arith.mulf %add3A_586, %mul3A_588 : vector<16xf32>
        %swap3A_590 = arith.index_cast %add3A_569 : i32 to index
        %swap3A_591 = arith.constant 16 : index
        %swap3A_592 = tpu.vector_load %arg9[%swap3A_590, %swap3A_591] {strides = array<i32>} : memref<16x32xf32, #tpu.memory_space<vmem>>, vector<1x16xf32>,
        %swap3A_593 = vector.shape_cast %swap3A_592 : vector<1x16xf32> to vector<16xf32>
        %swap3A_594 = vector.shape_cast %mul3A_589 : vector<16xf32> to vector<1x16xf32>
        tpu.vector_store %arg9[%swap3A_590, %swap3A_591], %swap3A_594 {strides = array<i32>} : memref<16x32xf32, #tpu.memory_space<vmem>>, vector<1x16xf32>,
      }
      "tpu.region"() ({
        %run_scoped3A = tpu.sem_alloc : memref<!tpu.dma_semaphore, #tpu.memory_space<semaphore_mem>>
        %dma_start3A_567 = arith.constant 0 : i32
        %dma_start3A_568 = tpu.memref_slice %arg4[%add3A_408, %dma_start3A_567] : memref<16384x32xf32, #tpu.memory_space<hbm>> -> memref<16x32xf32, #tpu.memory_space<hbm>>
        %dma_start3A_569 = arith.constant 0 : i32
        %dma_start3A_570 = tpu.memref_slice %arg4[%add3A_408, %dma_start3A_569] : memref<16384x32xf32, #tpu.memory_space<hbm>> -> memref<16x32xf32, #tpu.memory_space<hbm>>
        tpu.enqueue_dma source(%arg9 : memref<16x32xf32, #tpu.memory_space<vmem>>) target(%dma_start3A_570 : memref<16x32xf32, #tpu.memory_space<hbm>>) target_semaphore(%run_scoped3A : memref<!tpu.dma_semaphore, #tpu.memory_space<semaphore_mem>>)
        %dma_wait3A_571 = arith.constant 0 : i32
        %dma_wait3A_572 = tpu.memref_slice %arg4[%add3A_408, %dma_wait3A_571] : memref<16384x32xf32, #tpu.memory_space<hbm>> -> memref<16x32xf32, #tpu.memory_space<hbm>>
        %dma_wait3A_573 = arith.constant 0 : i32
        %dma_wait3A_574 = tpu.memref_slice %arg4[%add3A_408, %dma_wait3A_573] : memref<16384x32xf32, #tpu.memory_space<hbm>> -> memref<16x32xf32, #tpu.memory_space<hbm>>
        tpu.wait_dma2 semaphore(%run_scoped3A : memref<!tpu.dma_semaphore, #tpu.memory_space<semaphore_mem>>) src(%arg9 : memref<16x32xf32, #tpu.memory_space<vmem>>) dst(%dma_wait3A_574 : memref<16x32xf32, #tpu.memory_space<hbm>>)
        tpu.yield
      }) : () -> ()
      %add3A_429 = arith.constant 2 : i32
      %add3A_430 = arith.addi %add3A_292, %add3A_429 : i32
      %mul3A_431 = arith.constant 16 : i32
      %mul3A_432 = arith.muli %add3A_430, %mul3A_431 : i32
      %add3A_433 = arith.addi %mul3A_2, %mul3A_432 : i32
      %mul3A_434 = arith.constant 50 : i32
      %mul3A_435 = arith.muli %add3A_433, %mul3A_434 : i32
      "tpu.region"() ({
        %run_scoped3A = tpu.sem_alloc : memref<!tpu.dma_semaphore, #tpu.memory_space<semaphore_mem>>
        %dma_start3A_567 = tpu.memref_slice %arg3[%mul3A_435] : memref<819200xi32, #tpu.memory_space<hbm>> -> memref<800xi32, #tpu.memory_space<hbm>>
        %dma_start3A_568 = tpu.memref_slice %arg3[%mul3A_435] : memref<819200xi32, #tpu.memory_space<hbm>> -> memref<800xi32, #tpu.memory_space<hbm>>
        tpu.enqueue_dma source(%dma_start3A_568 : memref<800xi32, #tpu.memory_space<hbm>>) target(%arg5 : memref<800xi32, #tpu.memory_space<vmem>>) target_semaphore(%run_scoped3A : memref<!tpu.dma_semaphore, #tpu.memory_space<semaphore_mem>>)
        %dma_wait3A_569 = tpu.memref_slice %arg3[%mul3A_435] : memref<819200xi32, #tpu.memory_space<hbm>> -> memref<800xi32, #tpu.memory_space<hbm>>
        %dma_wait3A_570 = tpu.memref_slice %arg3[%mul3A_435] : memref<819200xi32, #tpu.memory_space<hbm>> -> memref<800xi32, #tpu.memory_space<hbm>>
        tpu.wait_dma2 semaphore(%run_scoped3A : memref<!tpu.dma_semaphore, #tpu.memory_space<semaphore_mem>>) src(%dma_wait3A_570 : memref<800xi32, #tpu.memory_space<hbm>>) dst(%arg5 : memref<800xi32, #tpu.memory_space<vmem>>)
        tpu.yield
      }) : () -> ()
      %sub3A_436 = arith.constant 50 : i32
      %sub3A_437 = arith.constant 0 : i32
      %sub3A_438 = arith.subi %sub3A_436, %sub3A_437 : i32
      %sub3A_439 = arith.constant 1 : i32
      %sub3A_440 = arith.constant 1 : i32
      %sub3A_441 = arith.subi %sub3A_439, %sub3A_440 : i32
      %add3A_442 = arith.addi %sub3A_438, %sub3A_441 : i32
      %div3A_443 = arith.constant 1 : i32
      %div3A_444 = arith.divsi %add3A_442, %div3A_443 : i32
      %while3A_445 = arith.constant 1 : i32
      %while3A_446 = arith.constant 0 : i32
      %while3A_447 = arith.constant 0 : i32
      %while3A_448 = arith.subi %div3A_444, %while3A_447 : i32
      %while3A_449 = arith.addi %while3A_447, %while3A_448 : i32
      %while3A_450 = arith.constant 1 : i32
      %while3A_451 = arith.divsi %while3A_448, %while3A_450 : i32
      %while3A_452 = arith.muli %while3A_451, %while3A_450 : i32
      %while3A_453 = arith.addi %while3A_447, %while3A_452 : i32
      %while3A_454 = arith.constant 1 : i32
      scf.for %while3A_567 = %while3A_447 to %while3A_453 step %while3A_454  : i32 {
        %mul3A_568 = arith.muli %while3A_567, %while3A_445 : i32
        %add3A_569 = arith.addi %while3A_446, %mul3A_568 : i32
        %mul3A_570 = arith.constant 16 : i32
        %mul3A_571 = arith.muli %add3A_569, %mul3A_570 : i32
        %get3A = arith.index_cast %mul3A_571 : i32 to index
        %get3A_572 = tpu.vector_load %arg5[%get3A] {strides = array<i32>} : memref<800xi32, #tpu.memory_space<vmem>>, vector<16xi32>,
        %get3A_573 = vector.shape_cast %get3A_572 : vector<16xi32> to vector<16xi32>
        %broadcast_in_dim3A = arith.constant 1 : i32
        %broadcast_in_dim3A_574 = vector.broadcast %broadcast_in_dim3A : i32 to vector<16xi32>
        %broadcast_in_dim3A_575 = arith.constant 0 : i32
        %broadcast_in_dim3A_576 = vector.broadcast %broadcast_in_dim3A_575 : i32 to vector<16xi32>
        %ge3A = arith.constant 253952 : i32
        %ge3A_577 = vector.broadcast %ge3A : i32 to vector<16xi32>
        %ge3A_578 = arith.cmpi sge, %get3A_573, %ge3A_577 : vector<16xi32>
        %select_n3A = arith.select %ge3A_578, %broadcast_in_dim3A_574, %broadcast_in_dim3A_576 : vector<16xi1>, vector<16xi32>
        %ge3A_579 = arith.constant 507904 : i32
        %ge3A_580 = vector.broadcast %ge3A_579 : i32 to vector<16xi32>
        %ge3A_581 = arith.cmpi sge, %get3A_573, %ge3A_580 : vector<16xi32>
        %select_n3A_582 = arith.select %ge3A_581, %broadcast_in_dim3A_574, %broadcast_in_dim3A_576 : vector<16xi1>, vector<16xi32>
        %add3A_583 = arith.addi %select_n3A, %select_n3A_582 : vector<16xi32>
        %ge3A_584 = arith.constant 761856 : i32
        %ge3A_585 = vector.broadcast %ge3A_584 : i32 to vector<16xi32>
        %ge3A_586 = arith.cmpi sge, %get3A_573, %ge3A_585 : vector<16xi32>
        %select_n3A_587 = arith.select %ge3A_586, %broadcast_in_dim3A_574, %broadcast_in_dim3A_576 : vector<16xi1>, vector<16xi32>
        %add3A_588 = arith.addi %add3A_583, %select_n3A_587 : vector<16xi32>
        %mul3A_589 = arith.constant 4 : i32
        %mul3A_590 = vector.broadcast %mul3A_589 : i32 to vector<16xi32>
        %mul3A_591 = arith.muli %get3A_573, %mul3A_590 : vector<16xi32>
        %mul3A_592 = arith.constant 1015807 : i32
        %mul3A_593 = vector.broadcast %mul3A_592 : i32 to vector<16xi32>
        %mul3A_594 = arith.muli %add3A_588, %mul3A_593 : vector<16xi32>
        %sub3A_595 = arith.subi %mul3A_591, %mul3A_594 : vector<16xi32>
        %swap3A = arith.index_cast %mul3A_571 : i32 to index
        %swap3A_596 = tpu.vector_load %arg5[%swap3A] {strides = array<i32>} : memref<800xi32, #tpu.memory_space<vmem>>, vector<16xi32>,
        %swap3A_597 = vector.shape_cast %swap3A_596 : vector<16xi32> to vector<16xi32>
        %swap3A_598 = vector.shape_cast %sub3A_595 : vector<16xi32> to vector<16xi32>
        tpu.vector_store %arg5[%swap3A], %swap3A_598 {strides = array<i32>} : memref<800xi32, #tpu.memory_space<vmem>>, vector<16xi32>,
      }
      %while3A_455 = arith.constant 1 : i32
      scf.for %while3A_567 = %while3A_453 to %while3A_449 step %while3A_455  : i32 {
        %mul3A_568 = arith.muli %while3A_567, %while3A_445 : i32
        %add3A_569 = arith.addi %while3A_446, %mul3A_568 : i32
        %mul3A_570 = arith.constant 16 : i32
        %mul3A_571 = arith.muli %add3A_569, %mul3A_570 : i32
        %get3A = arith.index_cast %mul3A_571 : i32 to index
        %get3A_572 = tpu.vector_load %arg5[%get3A] {strides = array<i32>} : memref<800xi32, #tpu.memory_space<vmem>>, vector<16xi32>,
        %get3A_573 = vector.shape_cast %get3A_572 : vector<16xi32> to vector<16xi32>
        %broadcast_in_dim3A = arith.constant 1 : i32
        %broadcast_in_dim3A_574 = vector.broadcast %broadcast_in_dim3A : i32 to vector<16xi32>
        %broadcast_in_dim3A_575 = arith.constant 0 : i32
        %broadcast_in_dim3A_576 = vector.broadcast %broadcast_in_dim3A_575 : i32 to vector<16xi32>
        %ge3A = arith.constant 253952 : i32
        %ge3A_577 = vector.broadcast %ge3A : i32 to vector<16xi32>
        %ge3A_578 = arith.cmpi sge, %get3A_573, %ge3A_577 : vector<16xi32>
        %select_n3A = arith.select %ge3A_578, %broadcast_in_dim3A_574, %broadcast_in_dim3A_576 : vector<16xi1>, vector<16xi32>
        %ge3A_579 = arith.constant 507904 : i32
        %ge3A_580 = vector.broadcast %ge3A_579 : i32 to vector<16xi32>
        %ge3A_581 = arith.cmpi sge, %get3A_573, %ge3A_580 : vector<16xi32>
        %select_n3A_582 = arith.select %ge3A_581, %broadcast_in_dim3A_574, %broadcast_in_dim3A_576 : vector<16xi1>, vector<16xi32>
        %add3A_583 = arith.addi %select_n3A, %select_n3A_582 : vector<16xi32>
        %ge3A_584 = arith.constant 761856 : i32
        %ge3A_585 = vector.broadcast %ge3A_584 : i32 to vector<16xi32>
        %ge3A_586 = arith.cmpi sge, %get3A_573, %ge3A_585 : vector<16xi32>
        %select_n3A_587 = arith.select %ge3A_586, %broadcast_in_dim3A_574, %broadcast_in_dim3A_576 : vector<16xi1>, vector<16xi32>
        %add3A_588 = arith.addi %add3A_583, %select_n3A_587 : vector<16xi32>
        %mul3A_589 = arith.constant 4 : i32
        %mul3A_590 = vector.broadcast %mul3A_589 : i32 to vector<16xi32>
        %mul3A_591 = arith.muli %get3A_573, %mul3A_590 : vector<16xi32>
        %mul3A_592 = arith.constant 1015807 : i32
        %mul3A_593 = vector.broadcast %mul3A_592 : i32 to vector<16xi32>
        %mul3A_594 = arith.muli %add3A_588, %mul3A_593 : vector<16xi32>
        %sub3A_595 = arith.subi %mul3A_591, %mul3A_594 : vector<16xi32>
        %swap3A = arith.index_cast %mul3A_571 : i32 to index
        %swap3A_596 = tpu.vector_load %arg5[%swap3A] {strides = array<i32>} : memref<800xi32, #tpu.memory_space<vmem>>, vector<16xi32>,
        %swap3A_597 = vector.shape_cast %swap3A_596 : vector<16xi32> to vector<16xi32>
        %swap3A_598 = vector.shape_cast %sub3A_595 : vector<16xi32> to vector<16xi32>
        tpu.vector_store %arg5[%swap3A], %swap3A_598 {strides = array<i32>} : memref<800xi32, #tpu.memory_space<vmem>>, vector<16xi32>,
      }
      %dma_start3A_456 = arith.constant 0 : i32
      %dma_start3A_457 = arith.constant 0 : i32
      %dma_start3A_458 = tpu.memref_slice %arg7[%dma_start3A_456, %dma_start3A_457] : memref<800x32xf32, #tpu.memory_space<vmem>> -> memref<80x32xf32, #tpu.memory_space<vmem>>
      %dma_start3A_459 = arith.constant 0 : i32
      %dma_start3A_460 = tpu.memref_slice %arg5[%dma_start3A_459] : memref<800xi32, #tpu.memory_space<vmem>> -> memref<80xi32, #tpu.memory_space<vmem>>
      %dma_start3A_461 = arith.constant 0 : i32
      %dma_start3A_462 = arith.constant 0 : i32
      %dma_start3A_463 = tpu.memref_slice %arg2[%dma_start3A_461, %dma_start3A_462] : memref<1015808x32xf32, #tpu.memory_space<hbm>> -> memref<1015808x32xf32, #tpu.memory_space<hbm>>
      tpu.enqueue_indirect_dma source(%dma_start3A_463 : memref<1015808x32xf32, #tpu.memory_space<hbm>>) target(%dma_start3A_458 : memref<80x32xf32, #tpu.memory_space<vmem>>) offsets(%dma_start3A_460 : memref<80xi32, #tpu.memory_space<vmem>>) semaphore(%arg11 : memref<!tpu.dma_semaphore, #tpu.memory_space<semaphore_mem>>)
      %dma_start3A_464 = arith.constant 80 : i32
      %dma_start3A_465 = arith.constant 0 : i32
      %dma_start3A_466 = tpu.memref_slice %arg7[%dma_start3A_464, %dma_start3A_465] : memref<800x32xf32, #tpu.memory_space<vmem>> -> memref<80x32xf32, #tpu.memory_space<vmem>>
      %dma_start3A_467 = arith.constant 80 : i32
      %dma_start3A_468 = tpu.memref_slice %arg5[%dma_start3A_467] : memref<800xi32, #tpu.memory_space<vmem>> -> memref<80xi32, #tpu.memory_space<vmem>>
      %dma_start3A_469 = arith.constant 0 : i32
      %dma_start3A_470 = arith.constant 0 : i32
      %dma_start3A_471 = tpu.memref_slice %arg2[%dma_start3A_469, %dma_start3A_470] : memref<1015808x32xf32, #tpu.memory_space<hbm>> -> memref<1015808x32xf32, #tpu.memory_space<hbm>>
      tpu.enqueue_indirect_dma source(%dma_start3A_471 : memref<1015808x32xf32, #tpu.memory_space<hbm>>) target(%dma_start3A_466 : memref<80x32xf32, #tpu.memory_space<vmem>>) offsets(%dma_start3A_468 : memref<80xi32, #tpu.memory_space<vmem>>) semaphore(%arg11 : memref<!tpu.dma_semaphore, #tpu.memory_space<semaphore_mem>>)
      %dma_start3A_472 = arith.constant 160 : i32
      %dma_start3A_473 = arith.constant 0 : i32
      %dma_start3A_474 = tpu.memref_slice %arg7[%dma_start3A_472, %dma_start3A_473] : memref<800x32xf32, #tpu.memory_space<vmem>> -> memref<80x32xf32, #tpu.memory_space<vmem>>
      %dma_start3A_475 = arith.constant 160 : i32
      %dma_start3A_476 = tpu.memref_slice %arg5[%dma_start3A_475] : memref<800xi32, #tpu.memory_space<vmem>> -> memref<80xi32, #tpu.memory_space<vmem>>
      %dma_start3A_477 = arith.constant 0 : i32
      %dma_start3A_478 = arith.constant 0 : i32
      %dma_start3A_479 = tpu.memref_slice %arg2[%dma_start3A_477, %dma_start3A_478] : memref<1015808x32xf32, #tpu.memory_space<hbm>> -> memref<1015808x32xf32, #tpu.memory_space<hbm>>
      tpu.enqueue_indirect_dma source(%dma_start3A_479 : memref<1015808x32xf32, #tpu.memory_space<hbm>>) target(%dma_start3A_474 : memref<80x32xf32, #tpu.memory_space<vmem>>) offsets(%dma_start3A_476 : memref<80xi32, #tpu.memory_space<vmem>>) semaphore(%arg11 : memref<!tpu.dma_semaphore, #tpu.memory_space<semaphore_mem>>)
      %dma_start3A_480 = arith.constant 240 : i32
      %dma_start3A_481 = arith.constant 0 : i32
      %dma_start3A_482 = tpu.memref_slice %arg7[%dma_start3A_480, %dma_start3A_481] : memref<800x32xf32, #tpu.memory_space<vmem>> -> memref<80x32xf32, #tpu.memory_space<vmem>>
      %dma_start3A_483 = arith.constant 240 : i32
      %dma_start3A_484 = tpu.memref_slice %arg5[%dma_start3A_483] : memref<800xi32, #tpu.memory_space<vmem>> -> memref<80xi32, #tpu.memory_space<vmem>>
      %dma_start3A_485 = arith.constant 0 : i32
      %dma_start3A_486 = arith.constant 0 : i32
      %dma_start3A_487 = tpu.memref_slice %arg2[%dma_start3A_485, %dma_start3A_486] : memref<1015808x32xf32, #tpu.memory_space<hbm>> -> memref<1015808x32xf32, #tpu.memory_space<hbm>>
      tpu.enqueue_indirect_dma source(%dma_start3A_487 : memref<1015808x32xf32, #tpu.memory_space<hbm>>) target(%dma_start3A_482 : memref<80x32xf32, #tpu.memory_space<vmem>>) offsets(%dma_start3A_484 : memref<80xi32, #tpu.memory_space<vmem>>) semaphore(%arg11 : memref<!tpu.dma_semaphore, #tpu.memory_space<semaphore_mem>>)
      %dma_start3A_488 = arith.constant 320 : i32
      %dma_start3A_489 = arith.constant 0 : i32
      %dma_start3A_490 = tpu.memref_slice %arg7[%dma_start3A_488, %dma_start3A_489] : memref<800x32xf32, #tpu.memory_space<vmem>> -> memref<80x32xf32, #tpu.memory_space<vmem>>
      %dma_start3A_491 = arith.constant 320 : i32
      %dma_start3A_492 = tpu.memref_slice %arg5[%dma_start3A_491] : memref<800xi32, #tpu.memory_space<vmem>> -> memref<80xi32, #tpu.memory_space<vmem>>
      %dma_start3A_493 = arith.constant 0 : i32
      %dma_start3A_494 = arith.constant 0 : i32
      %dma_start3A_495 = tpu.memref_slice %arg2[%dma_start3A_493, %dma_start3A_494] : memref<1015808x32xf32, #tpu.memory_space<hbm>> -> memref<1015808x32xf32, #tpu.memory_space<hbm>>
      tpu.enqueue_indirect_dma source(%dma_start3A_495 : memref<1015808x32xf32, #tpu.memory_space<hbm>>) target(%dma_start3A_490 : memref<80x32xf32, #tpu.memory_space<vmem>>) offsets(%dma_start3A_492 : memref<80xi32, #tpu.memory_space<vmem>>) semaphore(%arg11 : memref<!tpu.dma_semaphore, #tpu.memory_space<semaphore_mem>>)
      %dma_start3A_496 = arith.constant 400 : i32
      %dma_start3A_497 = arith.constant 0 : i32
      %dma_start3A_498 = tpu.memref_slice %arg7[%dma_start3A_496, %dma_start3A_497] : memref<800x32xf32, #tpu.memory_space<vmem>> -> memref<80x32xf32, #tpu.memory_space<vmem>>
      %dma_start3A_499 = arith.constant 400 : i32
      %dma_start3A_500 = tpu.memref_slice %arg5[%dma_start3A_499] : memref<800xi32, #tpu.memory_space<vmem>> -> memref<80xi32, #tpu.memory_space<vmem>>
      %dma_start3A_501 = arith.constant 0 : i32
      %dma_start3A_502 = arith.constant 0 : i32
      %dma_start3A_503 = tpu.memref_slice %arg2[%dma_start3A_501, %dma_start3A_502] : memref<1015808x32xf32, #tpu.memory_space<hbm>> -> memref<1015808x32xf32, #tpu.memory_space<hbm>>
      tpu.enqueue_indirect_dma source(%dma_start3A_503 : memref<1015808x32xf32, #tpu.memory_space<hbm>>) target(%dma_start3A_498 : memref<80x32xf32, #tpu.memory_space<vmem>>) offsets(%dma_start3A_500 : memref<80xi32, #tpu.memory_space<vmem>>) semaphore(%arg11 : memref<!tpu.dma_semaphore, #tpu.memory_space<semaphore_mem>>)
      %dma_start3A_504 = arith.constant 480 : i32
      %dma_start3A_505 = arith.constant 0 : i32
      %dma_start3A_506 = tpu.memref_slice %arg7[%dma_start3A_504, %dma_start3A_505] : memref<800x32xf32, #tpu.memory_space<vmem>> -> memref<80x32xf32, #tpu.memory_space<vmem>>
      %dma_start3A_507 = arith.constant 480 : i32
      %dma_start3A_508 = tpu.memref_slice %arg5[%dma_start3A_507] : memref<800xi32, #tpu.memory_space<vmem>> -> memref<80xi32, #tpu.memory_space<vmem>>
      %dma_start3A_509 = arith.constant 0 : i32
      %dma_start3A_510 = arith.constant 0 : i32
      %dma_start3A_511 = tpu.memref_slice %arg2[%dma_start3A_509, %dma_start3A_510] : memref<1015808x32xf32, #tpu.memory_space<hbm>> -> memref<1015808x32xf32, #tpu.memory_space<hbm>>
      tpu.enqueue_indirect_dma source(%dma_start3A_511 : memref<1015808x32xf32, #tpu.memory_space<hbm>>) target(%dma_start3A_506 : memref<80x32xf32, #tpu.memory_space<vmem>>) offsets(%dma_start3A_508 : memref<80xi32, #tpu.memory_space<vmem>>) semaphore(%arg11 : memref<!tpu.dma_semaphore, #tpu.memory_space<semaphore_mem>>)
      %dma_start3A_512 = arith.constant 560 : i32
      %dma_start3A_513 = arith.constant 0 : i32
      %dma_start3A_514 = tpu.memref_slice %arg7[%dma_start3A_512, %dma_start3A_513] : memref<800x32xf32, #tpu.memory_space<vmem>> -> memref<80x32xf32, #tpu.memory_space<vmem>>
      %dma_start3A_515 = arith.constant 560 : i32
      %dma_start3A_516 = tpu.memref_slice %arg5[%dma_start3A_515] : memref<800xi32, #tpu.memory_space<vmem>> -> memref<80xi32, #tpu.memory_space<vmem>>
      %dma_start3A_517 = arith.constant 0 : i32
      %dma_start3A_518 = arith.constant 0 : i32
      %dma_start3A_519 = tpu.memref_slice %arg2[%dma_start3A_517, %dma_start3A_518] : memref<1015808x32xf32, #tpu.memory_space<hbm>> -> memref<1015808x32xf32, #tpu.memory_space<hbm>>
      tpu.enqueue_indirect_dma source(%dma_start3A_519 : memref<1015808x32xf32, #tpu.memory_space<hbm>>) target(%dma_start3A_514 : memref<80x32xf32, #tpu.memory_space<vmem>>) offsets(%dma_start3A_516 : memref<80xi32, #tpu.memory_space<vmem>>) semaphore(%arg11 : memref<!tpu.dma_semaphore, #tpu.memory_space<semaphore_mem>>)
      %dma_start3A_520 = arith.constant 640 : i32
      %dma_start3A_521 = arith.constant 0 : i32
      %dma_start3A_522 = tpu.memref_slice %arg7[%dma_start3A_520, %dma_start3A_521] : memref<800x32xf32, #tpu.memory_space<vmem>> -> memref<80x32xf32, #tpu.memory_space<vmem>>
      %dma_start3A_523 = arith.constant 640 : i32
      %dma_start3A_524 = tpu.memref_slice %arg5[%dma_start3A_523] : memref<800xi32, #tpu.memory_space<vmem>> -> memref<80xi32, #tpu.memory_space<vmem>>
      %dma_start3A_525 = arith.constant 0 : i32
      %dma_start3A_526 = arith.constant 0 : i32
      %dma_start3A_527 = tpu.memref_slice %arg2[%dma_start3A_525, %dma_start3A_526] : memref<1015808x32xf32, #tpu.memory_space<hbm>> -> memref<1015808x32xf32, #tpu.memory_space<hbm>>
      tpu.enqueue_indirect_dma source(%dma_start3A_527 : memref<1015808x32xf32, #tpu.memory_space<hbm>>) target(%dma_start3A_522 : memref<80x32xf32, #tpu.memory_space<vmem>>) offsets(%dma_start3A_524 : memref<80xi32, #tpu.memory_space<vmem>>) semaphore(%arg11 : memref<!tpu.dma_semaphore, #tpu.memory_space<semaphore_mem>>)
      %dma_start3A_528 = arith.constant 720 : i32
      %dma_start3A_529 = arith.constant 0 : i32
      %dma_start3A_530 = tpu.memref_slice %arg7[%dma_start3A_528, %dma_start3A_529] : memref<800x32xf32, #tpu.memory_space<vmem>> -> memref<80x32xf32, #tpu.memory_space<vmem>>
      %dma_start3A_531 = arith.constant 720 : i32
      %dma_start3A_532 = tpu.memref_slice %arg5[%dma_start3A_531] : memref<800xi32, #tpu.memory_space<vmem>> -> memref<80xi32, #tpu.memory_space<vmem>>
      %dma_start3A_533 = arith.constant 0 : i32
      %dma_start3A_534 = arith.constant 0 : i32
      %dma_start3A_535 = tpu.memref_slice %arg2[%dma_start3A_533, %dma_start3A_534] : memref<1015808x32xf32, #tpu.memory_space<hbm>> -> memref<1015808x32xf32, #tpu.memory_space<hbm>>
      tpu.enqueue_indirect_dma source(%dma_start3A_535 : memref<1015808x32xf32, #tpu.memory_space<hbm>>) target(%dma_start3A_530 : memref<80x32xf32, #tpu.memory_space<vmem>>) offsets(%dma_start3A_532 : memref<80xi32, #tpu.memory_space<vmem>>) semaphore(%arg11 : memref<!tpu.dma_semaphore, #tpu.memory_space<semaphore_mem>>)
      %dma_wait3A_536 = arith.constant 0 : i32
      %dma_wait3A_537 = arith.constant 0 : i32
      %dma_wait3A_538 = tpu.memref_slice %arg2[%dma_wait3A_536, %dma_wait3A_537] : memref<1015808x32xf32, #tpu.memory_space<hbm>> -> memref<800x32xf32, #tpu.memory_space<hbm>>
      %dma_wait3A_539 = arith.constant 0 : i32
      %dma_wait3A_540 = arith.constant 0 : i32
      %dma_wait3A_541 = tpu.memref_slice %arg2[%dma_wait3A_539, %dma_wait3A_540] : memref<1015808x32xf32, #tpu.memory_space<hbm>> -> memref<800x32xf32, #tpu.memory_space<hbm>>
      tpu.wait_dma2 semaphore(%arg12 : memref<!tpu.dma_semaphore, #tpu.memory_space<semaphore_mem>>) src(%dma_wait3A_541 : memref<800x32xf32, #tpu.memory_space<hbm>>) dst(%arg8 : memref<800x32xf32, #tpu.memory_space<vmem>>)
      %add3A_542 = arith.constant 1 : i32
      %add3A_543 = arith.addi %add3A_292, %add3A_542 : i32
      %mul3A_544 = arith.constant 16 : i32
      %mul3A_545 = arith.muli %add3A_543, %mul3A_544 : i32
      %add3A_546 = arith.addi %mul3A_2, %mul3A_545 : i32
      %sub3A_547 = arith.constant 16 : i32
      %sub3A_548 = arith.constant 0 : i32
      %sub3A_549 = arith.subi %sub3A_547, %sub3A_548 : i32
      %sub3A_550 = arith.constant 1 : i32
      %sub3A_551 = arith.constant 1 : i32
      %sub3A_552 = arith.subi %sub3A_550, %sub3A_551 : i32
      %add3A_553 = arith.addi %sub3A_549, %sub3A_552 : i32
      %div3A_554 = arith.constant 1 : i32
      %div3A_555 = arith.divsi %add3A_553, %div3A_554 : i32
      %while3A_556 = arith.constant 1 : i32
      %while3A_557 = arith.constant 0 : i32
      %while3A_558 = arith.constant 0 : i32
      %while3A_559 = arith.subi %div3A_555, %while3A_558 : i32
      %while3A_560 = arith.addi %while3A_558, %while3A_559 : i32
      %while3A_561 = arith.constant 1 : i32
      %while3A_562 = arith.divsi %while3A_559, %while3A_561 : i32
      %while3A_563 = arith.muli %while3A_562, %while3A_561 : i32
      %while3A_564 = arith.addi %while3A_558, %while3A_563 : i32
      %while3A_565 = arith.constant 1 : i32
      scf.for %while3A_567 = %while3A_558 to %while3A_564 step %while3A_565  : i32 {
        %mul3A_568 = arith.muli %while3A_567, %while3A_556 : i32
        %add3A_569 = arith.addi %while3A_557, %mul3A_568 : i32
        %mul3A_570 = arith.constant 50 : i32
        %mul3A_571 = arith.muli %add3A_569, %mul3A_570 : i32
        %broadcast_in_dim3A = arith.constant 0.000000e+00 : f32
        %broadcast_in_dim3A_572 = vector.broadcast %broadcast_in_dim3A : f32 to vector<16xf32>
        %scan3A = arith.constant 0 : i32
        %scan3A_573 = arith.constant 25 : i32
        %scan3A_574 = arith.addi %scan3A, %scan3A_573 : i32
        %scan3A_575 = arith.constant 5 : i32
        %scan3A_576:5 = scf.for %scan3A_595 = %scan3A to %scan3A_574 step %scan3A_575 iter_args(%scan3A_596 = %mul3A_571, %scan3A_597 = %broadcast_in_dim3A_572, %scan3A_598 = %broadcast_in_dim3A_572, %scan3A_599 = %broadcast_in_dim3A_572, %scan3A_600 = %broadcast_in_dim3A_572) -> (i32, vector<16xf32>, vector<16xf32>, vector<16xf32>, vector<16xf32>)  : i32 {
          %get3A = arith.index_cast %scan3A_596 : i32 to index
          %get3A_601 = arith.constant 0 : index
          %get3A_602 = tpu.vector_load %arg8[%get3A, %get3A_601] {strides = array<i32>} : memref<800x32xf32, #tpu.memory_space<vmem>>, vector<1x16xf32>,
          %get3A_603 = vector.shape_cast %get3A_602 : vector<1x16xf32> to vector<16xf32>
          %add3A_604 = arith.addf %scan3A_597, %get3A_603 : vector<16xf32>
          %get3A_605 = arith.index_cast %scan3A_596 : i32 to index
          %get3A_606 = arith.constant 16 : index
          %get3A_607 = tpu.vector_load %arg8[%get3A_605, %get3A_606] {strides = array<i32>} : memref<800x32xf32, #tpu.memory_space<vmem>>, vector<1x16xf32>,
          %get3A_608 = vector.shape_cast %get3A_607 : vector<1x16xf32> to vector<16xf32>
          %add3A_609 = arith.addf %scan3A_598, %get3A_608 : vector<16xf32>
          %add3A_610 = arith.constant 1 : i32
          %add3A_611 = arith.addi %scan3A_596, %add3A_610 : i32
          %get3A_612 = arith.index_cast %add3A_611 : i32 to index
          %get3A_613 = arith.constant 0 : index
          %get3A_614 = tpu.vector_load %arg8[%get3A_612, %get3A_613] {strides = array<i32>} : memref<800x32xf32, #tpu.memory_space<vmem>>, vector<1x16xf32>,
          %get3A_615 = vector.shape_cast %get3A_614 : vector<1x16xf32> to vector<16xf32>
          %add3A_616 = arith.addf %scan3A_599, %get3A_615 : vector<16xf32>
          %add3A_617 = arith.constant 1 : i32
          %add3A_618 = arith.addi %scan3A_596, %add3A_617 : i32
          %get3A_619 = arith.index_cast %add3A_618 : i32 to index
          %get3A_620 = arith.constant 16 : index
          %get3A_621 = tpu.vector_load %arg8[%get3A_619, %get3A_620] {strides = array<i32>} : memref<800x32xf32, #tpu.memory_space<vmem>>, vector<1x16xf32>,
          %get3A_622 = vector.shape_cast %get3A_621 : vector<1x16xf32> to vector<16xf32>
          %add3A_623 = arith.addf %scan3A_600, %get3A_622 : vector<16xf32>
          %add3A_624 = arith.constant 2 : i32
          %add3A_625 = arith.addi %scan3A_596, %add3A_624 : i32
          %scan3A_626 = arith.constant 1 : i32
          %scan3A_627 = arith.addi %scan3A_595, %scan3A_626 : i32
          %get3A_628 = arith.index_cast %add3A_625 : i32 to index
          %get3A_629 = arith.constant 0 : index
          %get3A_630 = tpu.vector_load %arg8[%get3A_628, %get3A_629] {strides = array<i32>} : memref<800x32xf32, #tpu.memory_space<vmem>>, vector<1x16xf32>,
          %get3A_631 = vector.shape_cast %get3A_630 : vector<1x16xf32> to vector<16xf32>
          %add3A_632 = arith.addf %add3A_604, %get3A_631 : vector<16xf32>
          %get3A_633 = arith.index_cast %add3A_625 : i32 to index
          %get3A_634 = arith.constant 16 : index
          %get3A_635 = tpu.vector_load %arg8[%get3A_633, %get3A_634] {strides = array<i32>} : memref<800x32xf32, #tpu.memory_space<vmem>>, vector<1x16xf32>,
          %get3A_636 = vector.shape_cast %get3A_635 : vector<1x16xf32> to vector<16xf32>
          %add3A_637 = arith.addf %add3A_609, %get3A_636 : vector<16xf32>
          %add3A_638 = arith.constant 1 : i32
          %add3A_639 = arith.addi %add3A_625, %add3A_638 : i32
          %get3A_640 = arith.index_cast %add3A_639 : i32 to index
          %get3A_641 = arith.constant 0 : index
          %get3A_642 = tpu.vector_load %arg8[%get3A_640, %get3A_641] {strides = array<i32>} : memref<800x32xf32, #tpu.memory_space<vmem>>, vector<1x16xf32>,
          %get3A_643 = vector.shape_cast %get3A_642 : vector<1x16xf32> to vector<16xf32>
          %add3A_644 = arith.addf %add3A_616, %get3A_643 : vector<16xf32>
          %add3A_645 = arith.constant 1 : i32
          %add3A_646 = arith.addi %add3A_625, %add3A_645 : i32
          %get3A_647 = arith.index_cast %add3A_646 : i32 to index
          %get3A_648 = arith.constant 16 : index
          %get3A_649 = tpu.vector_load %arg8[%get3A_647, %get3A_648] {strides = array<i32>} : memref<800x32xf32, #tpu.memory_space<vmem>>, vector<1x16xf32>,
          %get3A_650 = vector.shape_cast %get3A_649 : vector<1x16xf32> to vector<16xf32>
          %add3A_651 = arith.addf %add3A_623, %get3A_650 : vector<16xf32>
          %add3A_652 = arith.constant 2 : i32
          %add3A_653 = arith.addi %add3A_625, %add3A_652 : i32
          %scan3A_654 = arith.constant 2 : i32
          %scan3A_655 = arith.addi %scan3A_595, %scan3A_654 : i32
          %get3A_656 = arith.index_cast %add3A_653 : i32 to index
          %get3A_657 = arith.constant 0 : index
          %get3A_658 = tpu.vector_load %arg8[%get3A_656, %get3A_657] {strides = array<i32>} : memref<800x32xf32, #tpu.memory_space<vmem>>, vector<1x16xf32>,
          %get3A_659 = vector.shape_cast %get3A_658 : vector<1x16xf32> to vector<16xf32>
          %add3A_660 = arith.addf %add3A_632, %get3A_659 : vector<16xf32>
          %get3A_661 = arith.index_cast %add3A_653 : i32 to index
          %get3A_662 = arith.constant 16 : index
          %get3A_663 = tpu.vector_load %arg8[%get3A_661, %get3A_662] {strides = array<i32>} : memref<800x32xf32, #tpu.memory_space<vmem>>, vector<1x16xf32>,
          %get3A_664 = vector.shape_cast %get3A_663 : vector<1x16xf32> to vector<16xf32>
          %add3A_665 = arith.addf %add3A_637, %get3A_664 : vector<16xf32>
          %add3A_666 = arith.constant 1 : i32
          %add3A_667 = arith.addi %add3A_653, %add3A_666 : i32
          %get3A_668 = arith.index_cast %add3A_667 : i32 to index
          %get3A_669 = arith.constant 0 : index
          %get3A_670 = tpu.vector_load %arg8[%get3A_668, %get3A_669] {strides = array<i32>} : memref<800x32xf32, #tpu.memory_space<vmem>>, vector<1x16xf32>,
          %get3A_671 = vector.shape_cast %get3A_670 : vector<1x16xf32> to vector<16xf32>
          %add3A_672 = arith.addf %add3A_644, %get3A_671 : vector<16xf32>
          %add3A_673 = arith.constant 1 : i32
          %add3A_674 = arith.addi %add3A_653, %add3A_673 : i32
          %get3A_675 = arith.index_cast %add3A_674 : i32 to index
          %get3A_676 = arith.constant 16 : index
          %get3A_677 = tpu.vector_load %arg8[%get3A_675, %get3A_676] {strides = array<i32>} : memref<800x32xf32, #tpu.memory_space<vmem>>, vector<1x16xf32>,
          %get3A_678 = vector.shape_cast %get3A_677 : vector<1x16xf32> to vector<16xf32>
          %add3A_679 = arith.addf %add3A_651, %get3A_678 : vector<16xf32>
          %add3A_680 = arith.constant 2 : i32
          %add3A_681 = arith.addi %add3A_653, %add3A_680 : i32
          %scan3A_682 = arith.constant 3 : i32
          %scan3A_683 = arith.addi %scan3A_595, %scan3A_682 : i32
          %get3A_684 = arith.index_cast %add3A_681 : i32 to index
          %get3A_685 = arith.constant 0 : index
          %get3A_686 = tpu.vector_load %arg8[%get3A_684, %get3A_685] {strides = array<i32>} : memref<800x32xf32, #tpu.memory_space<vmem>>, vector<1x16xf32>,
          %get3A_687 = vector.shape_cast %get3A_686 : vector<1x16xf32> to vector<16xf32>
          %add3A_688 = arith.addf %add3A_660, %get3A_687 : vector<16xf32>
          %get3A_689 = arith.index_cast %add3A_681 : i32 to index
          %get3A_690 = arith.constant 16 : index
          %get3A_691 = tpu.vector_load %arg8[%get3A_689, %get3A_690] {strides = array<i32>} : memref<800x32xf32, #tpu.memory_space<vmem>>, vector<1x16xf32>,
          %get3A_692 = vector.shape_cast %get3A_691 : vector<1x16xf32> to vector<16xf32>
          %add3A_693 = arith.addf %add3A_665, %get3A_692 : vector<16xf32>
          %add3A_694 = arith.constant 1 : i32
          %add3A_695 = arith.addi %add3A_681, %add3A_694 : i32
          %get3A_696 = arith.index_cast %add3A_695 : i32 to index
          %get3A_697 = arith.constant 0 : index
          %get3A_698 = tpu.vector_load %arg8[%get3A_696, %get3A_697] {strides = array<i32>} : memref<800x32xf32, #tpu.memory_space<vmem>>, vector<1x16xf32>,
          %get3A_699 = vector.shape_cast %get3A_698 : vector<1x16xf32> to vector<16xf32>
          %add3A_700 = arith.addf %add3A_672, %get3A_699 : vector<16xf32>
          %add3A_701 = arith.constant 1 : i32
          %add3A_702 = arith.addi %add3A_681, %add3A_701 : i32
          %get3A_703 = arith.index_cast %add3A_702 : i32 to index
          %get3A_704 = arith.constant 16 : index
          %get3A_705 = tpu.vector_load %arg8[%get3A_703, %get3A_704] {strides = array<i32>} : memref<800x32xf32, #tpu.memory_space<vmem>>, vector<1x16xf32>,
          %get3A_706 = vector.shape_cast %get3A_705 : vector<1x16xf32> to vector<16xf32>
          %add3A_707 = arith.addf %add3A_679, %get3A_706 : vector<16xf32>
          %add3A_708 = arith.constant 2 : i32
          %add3A_709 = arith.addi %add3A_681, %add3A_708 : i32
          %scan3A_710 = arith.constant 4 : i32
          %scan3A_711 = arith.addi %scan3A_595, %scan3A_710 : i32
          %get3A_712 = arith.index_cast %add3A_709 : i32 to index
          %get3A_713 = arith.constant 0 : index
          %get3A_714 = tpu.vector_load %arg8[%get3A_712, %get3A_713] {strides = array<i32>} : memref<800x32xf32, #tpu.memory_space<vmem>>, vector<1x16xf32>,
          %get3A_715 = vector.shape_cast %get3A_714 : vector<1x16xf32> to vector<16xf32>
          %add3A_716 = arith.addf %add3A_688, %get3A_715 : vector<16xf32>
          %get3A_717 = arith.index_cast %add3A_709 : i32 to index
          %get3A_718 = arith.constant 16 : index
          %get3A_719 = tpu.vector_load %arg8[%get3A_717, %get3A_718] {strides = array<i32>} : memref<800x32xf32, #tpu.memory_space<vmem>>, vector<1x16xf32>,
          %get3A_720 = vector.shape_cast %get3A_719 : vector<1x16xf32> to vector<16xf32>
          %add3A_721 = arith.addf %add3A_693, %get3A_720 : vector<16xf32>
          %add3A_722 = arith.constant 1 : i32
          %add3A_723 = arith.addi %add3A_709, %add3A_722 : i32
          %get3A_724 = arith.index_cast %add3A_723 : i32 to index
          %get3A_725 = arith.constant 0 : index
          %get3A_726 = tpu.vector_load %arg8[%get3A_724, %get3A_725] {strides = array<i32>} : memref<800x32xf32, #tpu.memory_space<vmem>>, vector<1x16xf32>,
          %get3A_727 = vector.shape_cast %get3A_726 : vector<1x16xf32> to vector<16xf32>
          %add3A_728 = arith.addf %add3A_700, %get3A_727 : vector<16xf32>
          %add3A_729 = arith.constant 1 : i32
          %add3A_730 = arith.addi %add3A_709, %add3A_729 : i32
          %get3A_731 = arith.index_cast %add3A_730 : i32 to index
          %get3A_732 = arith.constant 16 : index
          %get3A_733 = tpu.vector_load %arg8[%get3A_731, %get3A_732] {strides = array<i32>} : memref<800x32xf32, #tpu.memory_space<vmem>>, vector<1x16xf32>,
          %get3A_734 = vector.shape_cast %get3A_733 : vector<1x16xf32> to vector<16xf32>
          %add3A_735 = arith.addf %add3A_707, %get3A_734 : vector<16xf32>
          %add3A_736 = arith.constant 2 : i32
          %add3A_737 = arith.addi %add3A_709, %add3A_736 : i32
          scf.yield %add3A_737, %add3A_716, %add3A_721, %add3A_728, %add3A_735 : i32, vector<16xf32>, vector<16xf32>, vector<16xf32>, vector<16xf32>
        }
        %scan3A_577 = arith.constant 25 : i32
        %add3A_578 = arith.addf %scan3A_576#1, %scan3A_576#3 : vector<16xf32>
        %mul3A_579 = arith.constant 2.000000e-02 : f32
        %mul3A_580 = vector.broadcast %mul3A_579 : f32 to vector<16xf32>
        %mul3A_581 = arith.mulf %add3A_578, %mul3A_580 : vector<16xf32>
        %swap3A = arith.index_cast %add3A_569 : i32 to index
        %swap3A_582 = arith.constant 0 : index
        %swap3A_583 = tpu.vector_load %arg10[%swap3A, %swap3A_582] {strides = array<i32>} : memref<16x32xf32, #tpu.memory_space<vmem>>, vector<1x16xf32>,
        %swap3A_584 = vector.shape_cast %swap3A_583 : vector<1x16xf32> to vector<16xf32>
        %swap3A_585 = vector.shape_cast %mul3A_581 : vector<16xf32> to vector<1x16xf32>
        tpu.vector_store %arg10[%swap3A, %swap3A_582], %swap3A_585 {strides = array<i32>} : memref<16x32xf32, #tpu.memory_space<vmem>>, vector<1x16xf32>,
        %add3A_586 = arith.addf %scan3A_576#2, %scan3A_576#4 : vector<16xf32>
        %mul3A_587 = arith.constant 2.000000e-02 : f32
        %mul3A_588 = vector.broadcast %mul3A_587 : f32 to vector<16xf32>
        %mul3A_589 = arith.mulf %add3A_586, %mul3A_588 : vector<16xf32>
        %swap3A_590 = arith.index_cast %add3A_569 : i32 to index
        %swap3A_591 = arith.constant 16 : index
        %swap3A_592 = tpu.vector_load %arg10[%swap3A_590, %swap3A_591] {strides = array<i32>} : memref<16x32xf32, #tpu.memory_space<vmem>>, vector<1x16xf32>,
        %swap3A_593 = vector.shape_cast %swap3A_592 : vector<1x16xf32> to vector<16xf32>
        %swap3A_594 = vector.shape_cast %mul3A_589 : vector<16xf32> to vector<1x16xf32>
        tpu.vector_store %arg10[%swap3A_590, %swap3A_591], %swap3A_594 {strides = array<i32>} : memref<16x32xf32, #tpu.memory_space<vmem>>, vector<1x16xf32>,
      }
      %while3A_566 = arith.constant 1 : i32
      scf.for %while3A_567 = %while3A_564 to %while3A_560 step %while3A_566  : i32 {
        %mul3A_568 = arith.muli %while3A_567, %while3A_556 : i32
        %add3A_569 = arith.addi %while3A_557, %mul3A_568 : i32
        %mul3A_570 = arith.constant 50 : i32
        %mul3A_571 = arith.muli %add3A_569, %mul3A_570 : i32
        %broadcast_in_dim3A = arith.constant 0.000000e+00 : f32
        %broadcast_in_dim3A_572 = vector.broadcast %broadcast_in_dim3A : f32 to vector<16xf32>
        %scan3A = arith.constant 0 : i32
        %scan3A_573 = arith.constant 25 : i32
        %scan3A_574 = arith.addi %scan3A, %scan3A_573 : i32
        %scan3A_575 = arith.constant 5 : i32
        %scan3A_576:5 = scf.for %scan3A_595 = %scan3A to %scan3A_574 step %scan3A_575 iter_args(%scan3A_596 = %mul3A_571, %scan3A_597 = %broadcast_in_dim3A_572, %scan3A_598 = %broadcast_in_dim3A_572, %scan3A_599 = %broadcast_in_dim3A_572, %scan3A_600 = %broadcast_in_dim3A_572) -> (i32, vector<16xf32>, vector<16xf32>, vector<16xf32>, vector<16xf32>)  : i32 {
          %get3A = arith.index_cast %scan3A_596 : i32 to index
          %get3A_601 = arith.constant 0 : index
          %get3A_602 = tpu.vector_load %arg8[%get3A, %get3A_601] {strides = array<i32>} : memref<800x32xf32, #tpu.memory_space<vmem>>, vector<1x16xf32>,
          %get3A_603 = vector.shape_cast %get3A_602 : vector<1x16xf32> to vector<16xf32>
          %add3A_604 = arith.addf %scan3A_597, %get3A_603 : vector<16xf32>
          %get3A_605 = arith.index_cast %scan3A_596 : i32 to index
          %get3A_606 = arith.constant 16 : index
          %get3A_607 = tpu.vector_load %arg8[%get3A_605, %get3A_606] {strides = array<i32>} : memref<800x32xf32, #tpu.memory_space<vmem>>, vector<1x16xf32>,
          %get3A_608 = vector.shape_cast %get3A_607 : vector<1x16xf32> to vector<16xf32>
          %add3A_609 = arith.addf %scan3A_598, %get3A_608 : vector<16xf32>
          %add3A_610 = arith.constant 1 : i32
          %add3A_611 = arith.addi %scan3A_596, %add3A_610 : i32
          %get3A_612 = arith.index_cast %add3A_611 : i32 to index
          %get3A_613 = arith.constant 0 : index
          %get3A_614 = tpu.vector_load %arg8[%get3A_612, %get3A_613] {strides = array<i32>} : memref<800x32xf32, #tpu.memory_space<vmem>>, vector<1x16xf32>,
          %get3A_615 = vector.shape_cast %get3A_614 : vector<1x16xf32> to vector<16xf32>
          %add3A_616 = arith.addf %scan3A_599, %get3A_615 : vector<16xf32>
          %add3A_617 = arith.constant 1 : i32
          %add3A_618 = arith.addi %scan3A_596, %add3A_617 : i32
          %get3A_619 = arith.index_cast %add3A_618 : i32 to index
          %get3A_620 = arith.constant 16 : index
          %get3A_621 = tpu.vector_load %arg8[%get3A_619, %get3A_620] {strides = array<i32>} : memref<800x32xf32, #tpu.memory_space<vmem>>, vector<1x16xf32>,
          %get3A_622 = vector.shape_cast %get3A_621 : vector<1x16xf32> to vector<16xf32>
          %add3A_623 = arith.addf %scan3A_600, %get3A_622 : vector<16xf32>
          %add3A_624 = arith.constant 2 : i32
          %add3A_625 = arith.addi %scan3A_596, %add3A_624 : i32
          %scan3A_626 = arith.constant 1 : i32
          %scan3A_627 = arith.addi %scan3A_595, %scan3A_626 : i32
          %get3A_628 = arith.index_cast %add3A_625 : i32 to index
          %get3A_629 = arith.constant 0 : index
          %get3A_630 = tpu.vector_load %arg8[%get3A_628, %get3A_629] {strides = array<i32>} : memref<800x32xf32, #tpu.memory_space<vmem>>, vector<1x16xf32>,
          %get3A_631 = vector.shape_cast %get3A_630 : vector<1x16xf32> to vector<16xf32>
          %add3A_632 = arith.addf %add3A_604, %get3A_631 : vector<16xf32>
          %get3A_633 = arith.index_cast %add3A_625 : i32 to index
          %get3A_634 = arith.constant 16 : index
          %get3A_635 = tpu.vector_load %arg8[%get3A_633, %get3A_634] {strides = array<i32>} : memref<800x32xf32, #tpu.memory_space<vmem>>, vector<1x16xf32>,
          %get3A_636 = vector.shape_cast %get3A_635 : vector<1x16xf32> to vector<16xf32>
          %add3A_637 = arith.addf %add3A_609, %get3A_636 : vector<16xf32>
          %add3A_638 = arith.constant 1 : i32
          %add3A_639 = arith.addi %add3A_625, %add3A_638 : i32
          %get3A_640 = arith.index_cast %add3A_639 : i32 to index
          %get3A_641 = arith.constant 0 : index
          %get3A_642 = tpu.vector_load %arg8[%get3A_640, %get3A_641] {strides = array<i32>} : memref<800x32xf32, #tpu.memory_space<vmem>>, vector<1x16xf32>,
          %get3A_643 = vector.shape_cast %get3A_642 : vector<1x16xf32> to vector<16xf32>
          %add3A_644 = arith.addf %add3A_616, %get3A_643 : vector<16xf32>
          %add3A_645 = arith.constant 1 : i32
          %add3A_646 = arith.addi %add3A_625, %add3A_645 : i32
          %get3A_647 = arith.index_cast %add3A_646 : i32 to index
          %get3A_648 = arith.constant 16 : index
          %get3A_649 = tpu.vector_load %arg8[%get3A_647, %get3A_648] {strides = array<i32>} : memref<800x32xf32, #tpu.memory_space<vmem>>, vector<1x16xf32>,
          %get3A_650 = vector.shape_cast %get3A_649 : vector<1x16xf32> to vector<16xf32>
          %add3A_651 = arith.addf %add3A_623, %get3A_650 : vector<16xf32>
          %add3A_652 = arith.constant 2 : i32
          %add3A_653 = arith.addi %add3A_625, %add3A_652 : i32
          %scan3A_654 = arith.constant 2 : i32
          %scan3A_655 = arith.addi %scan3A_595, %scan3A_654 : i32
          %get3A_656 = arith.index_cast %add3A_653 : i32 to index
          %get3A_657 = arith.constant 0 : index
          %get3A_658 = tpu.vector_load %arg8[%get3A_656, %get3A_657] {strides = array<i32>} : memref<800x32xf32, #tpu.memory_space<vmem>>, vector<1x16xf32>,
          %get3A_659 = vector.shape_cast %get3A_658 : vector<1x16xf32> to vector<16xf32>
          %add3A_660 = arith.addf %add3A_632, %get3A_659 : vector<16xf32>
          %get3A_661 = arith.index_cast %add3A_653 : i32 to index
          %get3A_662 = arith.constant 16 : index
          %get3A_663 = tpu.vector_load %arg8[%get3A_661, %get3A_662] {strides = array<i32>} : memref<800x32xf32, #tpu.memory_space<vmem>>, vector<1x16xf32>,
          %get3A_664 = vector.shape_cast %get3A_663 : vector<1x16xf32> to vector<16xf32>
          %add3A_665 = arith.addf %add3A_637, %get3A_664 : vector<16xf32>
          %add3A_666 = arith.constant 1 : i32
          %add3A_667 = arith.addi %add3A_653, %add3A_666 : i32
          %get3A_668 = arith.index_cast %add3A_667 : i32 to index
          %get3A_669 = arith.constant 0 : index
          %get3A_670 = tpu.vector_load %arg8[%get3A_668, %get3A_669] {strides = array<i32>} : memref<800x32xf32, #tpu.memory_space<vmem>>, vector<1x16xf32>,
          %get3A_671 = vector.shape_cast %get3A_670 : vector<1x16xf32> to vector<16xf32>
          %add3A_672 = arith.addf %add3A_644, %get3A_671 : vector<16xf32>
          %add3A_673 = arith.constant 1 : i32
          %add3A_674 = arith.addi %add3A_653, %add3A_673 : i32
          %get3A_675 = arith.index_cast %add3A_674 : i32 to index
          %get3A_676 = arith.constant 16 : index
          %get3A_677 = tpu.vector_load %arg8[%get3A_675, %get3A_676] {strides = array<i32>} : memref<800x32xf32, #tpu.memory_space<vmem>>, vector<1x16xf32>,
          %get3A_678 = vector.shape_cast %get3A_677 : vector<1x16xf32> to vector<16xf32>
          %add3A_679 = arith.addf %add3A_651, %get3A_678 : vector<16xf32>
          %add3A_680 = arith.constant 2 : i32
          %add3A_681 = arith.addi %add3A_653, %add3A_680 : i32
          %scan3A_682 = arith.constant 3 : i32
          %scan3A_683 = arith.addi %scan3A_595, %scan3A_682 : i32
          %get3A_684 = arith.index_cast %add3A_681 : i32 to index
          %get3A_685 = arith.constant 0 : index
          %get3A_686 = tpu.vector_load %arg8[%get3A_684, %get3A_685] {strides = array<i32>} : memref<800x32xf32, #tpu.memory_space<vmem>>, vector<1x16xf32>,
          %get3A_687 = vector.shape_cast %get3A_686 : vector<1x16xf32> to vector<16xf32>
          %add3A_688 = arith.addf %add3A_660, %get3A_687 : vector<16xf32>
          %get3A_689 = arith.index_cast %add3A_681 : i32 to index
          %get3A_690 = arith.constant 16 : index
          %get3A_691 = tpu.vector_load %arg8[%get3A_689, %get3A_690] {strides = array<i32>} : memref<800x32xf32, #tpu.memory_space<vmem>>, vector<1x16xf32>,
          %get3A_692 = vector.shape_cast %get3A_691 : vector<1x16xf32> to vector<16xf32>
          %add3A_693 = arith.addf %add3A_665, %get3A_692 : vector<16xf32>
          %add3A_694 = arith.constant 1 : i32
          %add3A_695 = arith.addi %add3A_681, %add3A_694 : i32
          %get3A_696 = arith.index_cast %add3A_695 : i32 to index
          %get3A_697 = arith.constant 0 : index
          %get3A_698 = tpu.vector_load %arg8[%get3A_696, %get3A_697] {strides = array<i32>} : memref<800x32xf32, #tpu.memory_space<vmem>>, vector<1x16xf32>,
          %get3A_699 = vector.shape_cast %get3A_698 : vector<1x16xf32> to vector<16xf32>
          %add3A_700 = arith.addf %add3A_672, %get3A_699 : vector<16xf32>
          %add3A_701 = arith.constant 1 : i32
          %add3A_702 = arith.addi %add3A_681, %add3A_701 : i32
          %get3A_703 = arith.index_cast %add3A_702 : i32 to index
          %get3A_704 = arith.constant 16 : index
          %get3A_705 = tpu.vector_load %arg8[%get3A_703, %get3A_704] {strides = array<i32>} : memref<800x32xf32, #tpu.memory_space<vmem>>, vector<1x16xf32>,
          %get3A_706 = vector.shape_cast %get3A_705 : vector<1x16xf32> to vector<16xf32>
          %add3A_707 = arith.addf %add3A_679, %get3A_706 : vector<16xf32>
          %add3A_708 = arith.constant 2 : i32
          %add3A_709 = arith.addi %add3A_681, %add3A_708 : i32
          %scan3A_710 = arith.constant 4 : i32
          %scan3A_711 = arith.addi %scan3A_595, %scan3A_710 : i32
          %get3A_712 = arith.index_cast %add3A_709 : i32 to index
          %get3A_713 = arith.constant 0 : index
          %get3A_714 = tpu.vector_load %arg8[%get3A_712, %get3A_713] {strides = array<i32>} : memref<800x32xf32, #tpu.memory_space<vmem>>, vector<1x16xf32>,
          %get3A_715 = vector.shape_cast %get3A_714 : vector<1x16xf32> to vector<16xf32>
          %add3A_716 = arith.addf %add3A_688, %get3A_715 : vector<16xf32>
          %get3A_717 = arith.index_cast %add3A_709 : i32 to index
          %get3A_718 = arith.constant 16 : index
          %get3A_719 = tpu.vector_load %arg8[%get3A_717, %get3A_718] {strides = array<i32>} : memref<800x32xf32, #tpu.memory_space<vmem>>, vector<1x16xf32>,
          %get3A_720 = vector.shape_cast %get3A_719 : vector<1x16xf32> to vector<16xf32>
          %add3A_721 = arith.addf %add3A_693, %get3A_720 : vector<16xf32>
          %add3A_722 = arith.constant 1 : i32
          %add3A_723 = arith.addi %add3A_709, %add3A_722 : i32
          %get3A_724 = arith.index_cast %add3A_723 : i32 to index
          %get3A_725 = arith.constant 0 : index
          %get3A_726 = tpu.vector_load %arg8[%get3A_724, %get3A_725] {strides = array<i32>} : memref<800x32xf32, #tpu.memory_space<vmem>>, vector<1x16xf32>,
          %get3A_727 = vector.shape_cast %get3A_726 : vector<1x16xf32> to vector<16xf32>
          %add3A_728 = arith.addf %add3A_700, %get3A_727 : vector<16xf32>
          %add3A_729 = arith.constant 1 : i32
          %add3A_730 = arith.addi %add3A_709, %add3A_729 : i32
          %get3A_731 = arith.index_cast %add3A_730 : i32 to index
          %get3A_732 = arith.constant 16 : index
          %get3A_733 = tpu.vector_load %arg8[%get3A_731, %get3A_732] {strides = array<i32>} : memref<800x32xf32, #tpu.memory_space<vmem>>, vector<1x16xf32>,
          %get3A_734 = vector.shape_cast %get3A_733 : vector<1x16xf32> to vector<16xf32>
          %add3A_735 = arith.addf %add3A_707, %get3A_734 : vector<16xf32>
          %add3A_736 = arith.constant 2 : i32
          %add3A_737 = arith.addi %add3A_709, %add3A_736 : i32
          scf.yield %add3A_737, %add3A_716, %add3A_721, %add3A_728, %add3A_735 : i32, vector<16xf32>, vector<16xf32>, vector<16xf32>, vector<16xf32>
        }
        %scan3A_577 = arith.constant 25 : i32
        %add3A_578 = arith.addf %scan3A_576#1, %scan3A_576#3 : vector<16xf32>
        %mul3A_579 = arith.constant 2.000000e-02 : f32
        %mul3A_580 = vector.broadcast %mul3A_579 : f32 to vector<16xf32>
        %mul3A_581 = arith.mulf %add3A_578, %mul3A_580 : vector<16xf32>
        %swap3A = arith.index_cast %add3A_569 : i32 to index
        %swap3A_582 = arith.constant 0 : index
        %swap3A_583 = tpu.vector_load %arg10[%swap3A, %swap3A_582] {strides = array<i32>} : memref<16x32xf32, #tpu.memory_space<vmem>>, vector<1x16xf32>,
        %swap3A_584 = vector.shape_cast %swap3A_583 : vector<1x16xf32> to vector<16xf32>
        %swap3A_585 = vector.shape_cast %mul3A_581 : vector<16xf32> to vector<1x16xf32>
        tpu.vector_store %arg10[%swap3A, %swap3A_582], %swap3A_585 {strides = array<i32>} : memref<16x32xf32, #tpu.memory_space<vmem>>, vector<1x16xf32>,
        %add3A_586 = arith.addf %scan3A_576#2, %scan3A_576#4 : vector<16xf32>
        %mul3A_587 = arith.constant 2.000000e-02 : f32
        %mul3A_588 = vector.broadcast %mul3A_587 : f32 to vector<16xf32>
        %mul3A_589 = arith.mulf %add3A_586, %mul3A_588 : vector<16xf32>
        %swap3A_590 = arith.index_cast %add3A_569 : i32 to index
        %swap3A_591 = arith.constant 16 : index
        %swap3A_592 = tpu.vector_load %arg10[%swap3A_590, %swap3A_591] {strides = array<i32>} : memref<16x32xf32, #tpu.memory_space<vmem>>, vector<1x16xf32>,
        %swap3A_593 = vector.shape_cast %swap3A_592 : vector<1x16xf32> to vector<16xf32>
        %swap3A_594 = vector.shape_cast %mul3A_589 : vector<16xf32> to vector<1x16xf32>
        tpu.vector_store %arg10[%swap3A_590, %swap3A_591], %swap3A_594 {strides = array<i32>} : memref<16x32xf32, #tpu.memory_space<vmem>>, vector<1x16xf32>,
      }
      "tpu.region"() ({
        %run_scoped3A = tpu.sem_alloc : memref<!tpu.dma_semaphore, #tpu.memory_space<semaphore_mem>>
        %dma_start3A_567 = arith.constant 0 : i32
        %dma_start3A_568 = tpu.memref_slice %arg4[%add3A_546, %dma_start3A_567] : memref<16384x32xf32, #tpu.memory_space<hbm>> -> memref<16x32xf32, #tpu.memory_space<hbm>>
        %dma_start3A_569 = arith.constant 0 : i32
        %dma_start3A_570 = tpu.memref_slice %arg4[%add3A_546, %dma_start3A_569] : memref<16384x32xf32, #tpu.memory_space<hbm>> -> memref<16x32xf32, #tpu.memory_space<hbm>>
        tpu.enqueue_dma source(%arg10 : memref<16x32xf32, #tpu.memory_space<vmem>>) target(%dma_start3A_570 : memref<16x32xf32, #tpu.memory_space<hbm>>) target_semaphore(%run_scoped3A : memref<!tpu.dma_semaphore, #tpu.memory_space<semaphore_mem>>)
        %dma_wait3A_571 = arith.constant 0 : i32
        %dma_wait3A_572 = tpu.memref_slice %arg4[%add3A_546, %dma_wait3A_571] : memref<16384x32xf32, #tpu.memory_space<hbm>> -> memref<16x32xf32, #tpu.memory_space<hbm>>
        %dma_wait3A_573 = arith.constant 0 : i32
        %dma_wait3A_574 = tpu.memref_slice %arg4[%add3A_546, %dma_wait3A_573] : memref<16384x32xf32, #tpu.memory_space<hbm>> -> memref<16x32xf32, #tpu.memory_space<hbm>>
        tpu.wait_dma2 semaphore(%run_scoped3A : memref<!tpu.dma_semaphore, #tpu.memory_space<semaphore_mem>>) src(%arg10 : memref<16x32xf32, #tpu.memory_space<vmem>>) dst(%dma_wait3A_574 : memref<16x32xf32, #tpu.memory_space<hbm>>)
        tpu.yield
      }) : () -> ()
    }
    %while3A_124 = arith.constant 1 : i32
    scf.for %while3A_290 = %while3A_122 to %while3A_118 step %while3A_124  : i32 {
      %mul3A_291 = arith.muli %while3A_290, %while3A_114 : i32
      %add3A_292 = arith.addi %while3A_115, %mul3A_291 : i32
      %add3A_293 = arith.constant 1 : i32
      %add3A_294 = arith.addi %add3A_292, %add3A_293 : i32
      %mul3A_295 = arith.constant 16 : i32
      %mul3A_296 = arith.muli %add3A_294, %mul3A_295 : i32
      %add3A_297 = arith.addi %mul3A_2, %mul3A_296 : i32
      %mul3A_298 = arith.constant 50 : i32
      %mul3A_299 = arith.muli %add3A_297, %mul3A_298 : i32
      "tpu.region"() ({
        %run_scoped3A = tpu.sem_alloc : memref<!tpu.dma_semaphore, #tpu.memory_space<semaphore_mem>>
        %dma_start3A_567 = tpu.memref_slice %arg3[%mul3A_299] : memref<819200xi32, #tpu.memory_space<hbm>> -> memref<800xi32, #tpu.memory_space<hbm>>
        %dma_start3A_568 = tpu.memref_slice %arg3[%mul3A_299] : memref<819200xi32, #tpu.memory_space<hbm>> -> memref<800xi32, #tpu.memory_space<hbm>>
        tpu.enqueue_dma source(%dma_start3A_568 : memref<800xi32, #tpu.memory_space<hbm>>) target(%arg6 : memref<800xi32, #tpu.memory_space<vmem>>) target_semaphore(%run_scoped3A : memref<!tpu.dma_semaphore, #tpu.memory_space<semaphore_mem>>)
        %dma_wait3A_569 = tpu.memref_slice %arg3[%mul3A_299] : memref<819200xi32, #tpu.memory_space<hbm>> -> memref<800xi32, #tpu.memory_space<hbm>>
        %dma_wait3A_570 = tpu.memref_slice %arg3[%mul3A_299] : memref<819200xi32, #tpu.memory_space<hbm>> -> memref<800xi32, #tpu.memory_space<hbm>>
        tpu.wait_dma2 semaphore(%run_scoped3A : memref<!tpu.dma_semaphore, #tpu.memory_space<semaphore_mem>>) src(%dma_wait3A_570 : memref<800xi32, #tpu.memory_space<hbm>>) dst(%arg6 : memref<800xi32, #tpu.memory_space<vmem>>)
        tpu.yield
      }) : () -> ()
      %sub3A_300 = arith.constant 50 : i32
      %sub3A_301 = arith.constant 0 : i32
      %sub3A_302 = arith.subi %sub3A_300, %sub3A_301 : i32
      %sub3A_303 = arith.constant 1 : i32
      %sub3A_304 = arith.constant 1 : i32
      %sub3A_305 = arith.subi %sub3A_303, %sub3A_304 : i32
      %add3A_306 = arith.addi %sub3A_302, %sub3A_305 : i32
      %div3A_307 = arith.constant 1 : i32
      %div3A_308 = arith.divsi %add3A_306, %div3A_307 : i32
      %while3A_309 = arith.constant 1 : i32
      %while3A_310 = arith.constant 0 : i32
      %while3A_311 = arith.constant 0 : i32
      %while3A_312 = arith.subi %div3A_308, %while3A_311 : i32
      %while3A_313 = arith.addi %while3A_311, %while3A_312 : i32
      %while3A_314 = arith.constant 1 : i32
      %while3A_315 = arith.divsi %while3A_312, %while3A_314 : i32
      %while3A_316 = arith.muli %while3A_315, %while3A_314 : i32
      %while3A_317 = arith.addi %while3A_311, %while3A_316 : i32
      %while3A_318 = arith.constant 1 : i32
      scf.for %while3A_567 = %while3A_311 to %while3A_317 step %while3A_318  : i32 {
        %mul3A_568 = arith.muli %while3A_567, %while3A_309 : i32
        %add3A_569 = arith.addi %while3A_310, %mul3A_568 : i32
        %mul3A_570 = arith.constant 16 : i32
        %mul3A_571 = arith.muli %add3A_569, %mul3A_570 : i32
        %get3A = arith.index_cast %mul3A_571 : i32 to index
        %get3A_572 = tpu.vector_load %arg6[%get3A] {strides = array<i32>} : memref<800xi32, #tpu.memory_space<vmem>>, vector<16xi32>,
        %get3A_573 = vector.shape_cast %get3A_572 : vector<16xi32> to vector<16xi32>
        %broadcast_in_dim3A = arith.constant 1 : i32
        %broadcast_in_dim3A_574 = vector.broadcast %broadcast_in_dim3A : i32 to vector<16xi32>
        %broadcast_in_dim3A_575 = arith.constant 0 : i32
        %broadcast_in_dim3A_576 = vector.broadcast %broadcast_in_dim3A_575 : i32 to vector<16xi32>
        %ge3A = arith.constant 253952 : i32
        %ge3A_577 = vector.broadcast %ge3A : i32 to vector<16xi32>
        %ge3A_578 = arith.cmpi sge, %get3A_573, %ge3A_577 : vector<16xi32>
        %select_n3A = arith.select %ge3A_578, %broadcast_in_dim3A_574, %broadcast_in_dim3A_576 : vector<16xi1>, vector<16xi32>
        %ge3A_579 = arith.constant 507904 : i32
        %ge3A_580 = vector.broadcast %ge3A_579 : i32 to vector<16xi32>
        %ge3A_581 = arith.cmpi sge, %get3A_573, %ge3A_580 : vector<16xi32>
        %select_n3A_582 = arith.select %ge3A_581, %broadcast_in_dim3A_574, %broadcast_in_dim3A_576 : vector<16xi1>, vector<16xi32>
        %add3A_583 = arith.addi %select_n3A, %select_n3A_582 : vector<16xi32>
        %ge3A_584 = arith.constant 761856 : i32
        %ge3A_585 = vector.broadcast %ge3A_584 : i32 to vector<16xi32>
        %ge3A_586 = arith.cmpi sge, %get3A_573, %ge3A_585 : vector<16xi32>
        %select_n3A_587 = arith.select %ge3A_586, %broadcast_in_dim3A_574, %broadcast_in_dim3A_576 : vector<16xi1>, vector<16xi32>
        %add3A_588 = arith.addi %add3A_583, %select_n3A_587 : vector<16xi32>
        %mul3A_589 = arith.constant 4 : i32
        %mul3A_590 = vector.broadcast %mul3A_589 : i32 to vector<16xi32>
        %mul3A_591 = arith.muli %get3A_573, %mul3A_590 : vector<16xi32>
        %mul3A_592 = arith.constant 1015807 : i32
        %mul3A_593 = vector.broadcast %mul3A_592 : i32 to vector<16xi32>
        %mul3A_594 = arith.muli %add3A_588, %mul3A_593 : vector<16xi32>
        %sub3A_595 = arith.subi %mul3A_591, %mul3A_594 : vector<16xi32>
        %swap3A = arith.index_cast %mul3A_571 : i32 to index
        %swap3A_596 = tpu.vector_load %arg6[%swap3A] {strides = array<i32>} : memref<800xi32, #tpu.memory_space<vmem>>, vector<16xi32>,
        %swap3A_597 = vector.shape_cast %swap3A_596 : vector<16xi32> to vector<16xi32>
        %swap3A_598 = vector.shape_cast %sub3A_595 : vector<16xi32> to vector<16xi32>
        tpu.vector_store %arg6[%swap3A], %swap3A_598 {strides = array<i32>} : memref<800xi32, #tpu.memory_space<vmem>>, vector<16xi32>,
      }
      %while3A_319 = arith.constant 1 : i32
      scf.for %while3A_567 = %while3A_317 to %while3A_313 step %while3A_319  : i32 {
        %mul3A_568 = arith.muli %while3A_567, %while3A_309 : i32
        %add3A_569 = arith.addi %while3A_310, %mul3A_568 : i32
        %mul3A_570 = arith.constant 16 : i32
        %mul3A_571 = arith.muli %add3A_569, %mul3A_570 : i32
        %get3A = arith.index_cast %mul3A_571 : i32 to index
        %get3A_572 = tpu.vector_load %arg6[%get3A] {strides = array<i32>} : memref<800xi32, #tpu.memory_space<vmem>>, vector<16xi32>,
        %get3A_573 = vector.shape_cast %get3A_572 : vector<16xi32> to vector<16xi32>
        %broadcast_in_dim3A = arith.constant 1 : i32
        %broadcast_in_dim3A_574 = vector.broadcast %broadcast_in_dim3A : i32 to vector<16xi32>
        %broadcast_in_dim3A_575 = arith.constant 0 : i32
        %broadcast_in_dim3A_576 = vector.broadcast %broadcast_in_dim3A_575 : i32 to vector<16xi32>
        %ge3A = arith.constant 253952 : i32
        %ge3A_577 = vector.broadcast %ge3A : i32 to vector<16xi32>
        %ge3A_578 = arith.cmpi sge, %get3A_573, %ge3A_577 : vector<16xi32>
        %select_n3A = arith.select %ge3A_578, %broadcast_in_dim3A_574, %broadcast_in_dim3A_576 : vector<16xi1>, vector<16xi32>
        %ge3A_579 = arith.constant 507904 : i32
        %ge3A_580 = vector.broadcast %ge3A_579 : i32 to vector<16xi32>
        %ge3A_581 = arith.cmpi sge, %get3A_573, %ge3A_580 : vector<16xi32>
        %select_n3A_582 = arith.select %ge3A_581, %broadcast_in_dim3A_574, %broadcast_in_dim3A_576 : vector<16xi1>, vector<16xi32>
        %add3A_583 = arith.addi %select_n3A, %select_n3A_582 : vector<16xi32>
        %ge3A_584 = arith.constant 761856 : i32
        %ge3A_585 = vector.broadcast %ge3A_584 : i32 to vector<16xi32>
        %ge3A_586 = arith.cmpi sge, %get3A_573, %ge3A_585 : vector<16xi32>
        %select_n3A_587 = arith.select %ge3A_586, %broadcast_in_dim3A_574, %broadcast_in_dim3A_576 : vector<16xi1>, vector<16xi32>
        %add3A_588 = arith.addi %add3A_583, %select_n3A_587 : vector<16xi32>
        %mul3A_589 = arith.constant 4 : i32
        %mul3A_590 = vector.broadcast %mul3A_589 : i32 to vector<16xi32>
        %mul3A_591 = arith.muli %get3A_573, %mul3A_590 : vector<16xi32>
        %mul3A_592 = arith.constant 1015807 : i32
        %mul3A_593 = vector.broadcast %mul3A_592 : i32 to vector<16xi32>
        %mul3A_594 = arith.muli %add3A_588, %mul3A_593 : vector<16xi32>
        %sub3A_595 = arith.subi %mul3A_591, %mul3A_594 : vector<16xi32>
        %swap3A = arith.index_cast %mul3A_571 : i32 to index
        %swap3A_596 = tpu.vector_load %arg6[%swap3A] {strides = array<i32>} : memref<800xi32, #tpu.memory_space<vmem>>, vector<16xi32>,
        %swap3A_597 = vector.shape_cast %swap3A_596 : vector<16xi32> to vector<16xi32>
        %swap3A_598 = vector.shape_cast %sub3A_595 : vector<16xi32> to vector<16xi32>
        tpu.vector_store %arg6[%swap3A], %swap3A_598 {strides = array<i32>} : memref<800xi32, #tpu.memory_space<vmem>>, vector<16xi32>,
      }
      %dma_start3A_320 = arith.constant 0 : i32
      %dma_start3A_321 = arith.constant 0 : i32
      %dma_start3A_322 = tpu.memref_slice %arg8[%dma_start3A_320, %dma_start3A_321] : memref<800x32xf32, #tpu.memory_space<vmem>> -> memref<80x32xf32, #tpu.memory_space<vmem>>
      %dma_start3A_323 = arith.constant 0 : i32
      %dma_start3A_324 = tpu.memref_slice %arg6[%dma_start3A_323] : memref<800xi32, #tpu.memory_space<vmem>> -> memref<80xi32, #tpu.memory_space<vmem>>
      %dma_start3A_325 = arith.constant 0 : i32
      %dma_start3A_326 = arith.constant 0 : i32
      %dma_start3A_327 = tpu.memref_slice %arg2[%dma_start3A_325, %dma_start3A_326] : memref<1015808x32xf32, #tpu.memory_space<hbm>> -> memref<1015808x32xf32, #tpu.memory_space<hbm>>
      tpu.enqueue_indirect_dma source(%dma_start3A_327 : memref<1015808x32xf32, #tpu.memory_space<hbm>>) target(%dma_start3A_322 : memref<80x32xf32, #tpu.memory_space<vmem>>) offsets(%dma_start3A_324 : memref<80xi32, #tpu.memory_space<vmem>>) semaphore(%arg12 : memref<!tpu.dma_semaphore, #tpu.memory_space<semaphore_mem>>)
      %dma_start3A_328 = arith.constant 80 : i32
      %dma_start3A_329 = arith.constant 0 : i32
      %dma_start3A_330 = tpu.memref_slice %arg8[%dma_start3A_328, %dma_start3A_329] : memref<800x32xf32, #tpu.memory_space<vmem>> -> memref<80x32xf32, #tpu.memory_space<vmem>>
      %dma_start3A_331 = arith.constant 80 : i32
      %dma_start3A_332 = tpu.memref_slice %arg6[%dma_start3A_331] : memref<800xi32, #tpu.memory_space<vmem>> -> memref<80xi32, #tpu.memory_space<vmem>>
      %dma_start3A_333 = arith.constant 0 : i32
      %dma_start3A_334 = arith.constant 0 : i32
      %dma_start3A_335 = tpu.memref_slice %arg2[%dma_start3A_333, %dma_start3A_334] : memref<1015808x32xf32, #tpu.memory_space<hbm>> -> memref<1015808x32xf32, #tpu.memory_space<hbm>>
      tpu.enqueue_indirect_dma source(%dma_start3A_335 : memref<1015808x32xf32, #tpu.memory_space<hbm>>) target(%dma_start3A_330 : memref<80x32xf32, #tpu.memory_space<vmem>>) offsets(%dma_start3A_332 : memref<80xi32, #tpu.memory_space<vmem>>) semaphore(%arg12 : memref<!tpu.dma_semaphore, #tpu.memory_space<semaphore_mem>>)
      %dma_start3A_336 = arith.constant 160 : i32
      %dma_start3A_337 = arith.constant 0 : i32
      %dma_start3A_338 = tpu.memref_slice %arg8[%dma_start3A_336, %dma_start3A_337] : memref<800x32xf32, #tpu.memory_space<vmem>> -> memref<80x32xf32, #tpu.memory_space<vmem>>
      %dma_start3A_339 = arith.constant 160 : i32
      %dma_start3A_340 = tpu.memref_slice %arg6[%dma_start3A_339] : memref<800xi32, #tpu.memory_space<vmem>> -> memref<80xi32, #tpu.memory_space<vmem>>
      %dma_start3A_341 = arith.constant 0 : i32
      %dma_start3A_342 = arith.constant 0 : i32
      %dma_start3A_343 = tpu.memref_slice %arg2[%dma_start3A_341, %dma_start3A_342] : memref<1015808x32xf32, #tpu.memory_space<hbm>> -> memref<1015808x32xf32, #tpu.memory_space<hbm>>
      tpu.enqueue_indirect_dma source(%dma_start3A_343 : memref<1015808x32xf32, #tpu.memory_space<hbm>>) target(%dma_start3A_338 : memref<80x32xf32, #tpu.memory_space<vmem>>) offsets(%dma_start3A_340 : memref<80xi32, #tpu.memory_space<vmem>>) semaphore(%arg12 : memref<!tpu.dma_semaphore, #tpu.memory_space<semaphore_mem>>)
      %dma_start3A_344 = arith.constant 240 : i32
      %dma_start3A_345 = arith.constant 0 : i32
      %dma_start3A_346 = tpu.memref_slice %arg8[%dma_start3A_344, %dma_start3A_345] : memref<800x32xf32, #tpu.memory_space<vmem>> -> memref<80x32xf32, #tpu.memory_space<vmem>>
      %dma_start3A_347 = arith.constant 240 : i32
      %dma_start3A_348 = tpu.memref_slice %arg6[%dma_start3A_347] : memref<800xi32, #tpu.memory_space<vmem>> -> memref<80xi32, #tpu.memory_space<vmem>>
      %dma_start3A_349 = arith.constant 0 : i32
      %dma_start3A_350 = arith.constant 0 : i32
      %dma_start3A_351 = tpu.memref_slice %arg2[%dma_start3A_349, %dma_start3A_350] : memref<1015808x32xf32, #tpu.memory_space<hbm>> -> memref<1015808x32xf32, #tpu.memory_space<hbm>>
      tpu.enqueue_indirect_dma source(%dma_start3A_351 : memref<1015808x32xf32, #tpu.memory_space<hbm>>) target(%dma_start3A_346 : memref<80x32xf32, #tpu.memory_space<vmem>>) offsets(%dma_start3A_348 : memref<80xi32, #tpu.memory_space<vmem>>) semaphore(%arg12 : memref<!tpu.dma_semaphore, #tpu.memory_space<semaphore_mem>>)
      %dma_start3A_352 = arith.constant 320 : i32
      %dma_start3A_353 = arith.constant 0 : i32
      %dma_start3A_354 = tpu.memref_slice %arg8[%dma_start3A_352, %dma_start3A_353] : memref<800x32xf32, #tpu.memory_space<vmem>> -> memref<80x32xf32, #tpu.memory_space<vmem>>
      %dma_start3A_355 = arith.constant 320 : i32
      %dma_start3A_356 = tpu.memref_slice %arg6[%dma_start3A_355] : memref<800xi32, #tpu.memory_space<vmem>> -> memref<80xi32, #tpu.memory_space<vmem>>
      %dma_start3A_357 = arith.constant 0 : i32
      %dma_start3A_358 = arith.constant 0 : i32
      %dma_start3A_359 = tpu.memref_slice %arg2[%dma_start3A_357, %dma_start3A_358] : memref<1015808x32xf32, #tpu.memory_space<hbm>> -> memref<1015808x32xf32, #tpu.memory_space<hbm>>
      tpu.enqueue_indirect_dma source(%dma_start3A_359 : memref<1015808x32xf32, #tpu.memory_space<hbm>>) target(%dma_start3A_354 : memref<80x32xf32, #tpu.memory_space<vmem>>) offsets(%dma_start3A_356 : memref<80xi32, #tpu.memory_space<vmem>>) semaphore(%arg12 : memref<!tpu.dma_semaphore, #tpu.memory_space<semaphore_mem>>)
      %dma_start3A_360 = arith.constant 400 : i32
      %dma_start3A_361 = arith.constant 0 : i32
      %dma_start3A_362 = tpu.memref_slice %arg8[%dma_start3A_360, %dma_start3A_361] : memref<800x32xf32, #tpu.memory_space<vmem>> -> memref<80x32xf32, #tpu.memory_space<vmem>>
      %dma_start3A_363 = arith.constant 400 : i32
      %dma_start3A_364 = tpu.memref_slice %arg6[%dma_start3A_363] : memref<800xi32, #tpu.memory_space<vmem>> -> memref<80xi32, #tpu.memory_space<vmem>>
      %dma_start3A_365 = arith.constant 0 : i32
      %dma_start3A_366 = arith.constant 0 : i32
      %dma_start3A_367 = tpu.memref_slice %arg2[%dma_start3A_365, %dma_start3A_366] : memref<1015808x32xf32, #tpu.memory_space<hbm>> -> memref<1015808x32xf32, #tpu.memory_space<hbm>>
      tpu.enqueue_indirect_dma source(%dma_start3A_367 : memref<1015808x32xf32, #tpu.memory_space<hbm>>) target(%dma_start3A_362 : memref<80x32xf32, #tpu.memory_space<vmem>>) offsets(%dma_start3A_364 : memref<80xi32, #tpu.memory_space<vmem>>) semaphore(%arg12 : memref<!tpu.dma_semaphore, #tpu.memory_space<semaphore_mem>>)
      %dma_start3A_368 = arith.constant 480 : i32
      %dma_start3A_369 = arith.constant 0 : i32
      %dma_start3A_370 = tpu.memref_slice %arg8[%dma_start3A_368, %dma_start3A_369] : memref<800x32xf32, #tpu.memory_space<vmem>> -> memref<80x32xf32, #tpu.memory_space<vmem>>
      %dma_start3A_371 = arith.constant 480 : i32
      %dma_start3A_372 = tpu.memref_slice %arg6[%dma_start3A_371] : memref<800xi32, #tpu.memory_space<vmem>> -> memref<80xi32, #tpu.memory_space<vmem>>
      %dma_start3A_373 = arith.constant 0 : i32
      %dma_start3A_374 = arith.constant 0 : i32
      %dma_start3A_375 = tpu.memref_slice %arg2[%dma_start3A_373, %dma_start3A_374] : memref<1015808x32xf32, #tpu.memory_space<hbm>> -> memref<1015808x32xf32, #tpu.memory_space<hbm>>
      tpu.enqueue_indirect_dma source(%dma_start3A_375 : memref<1015808x32xf32, #tpu.memory_space<hbm>>) target(%dma_start3A_370 : memref<80x32xf32, #tpu.memory_space<vmem>>) offsets(%dma_start3A_372 : memref<80xi32, #tpu.memory_space<vmem>>) semaphore(%arg12 : memref<!tpu.dma_semaphore, #tpu.memory_space<semaphore_mem>>)
      %dma_start3A_376 = arith.constant 560 : i32
      %dma_start3A_377 = arith.constant 0 : i32
      %dma_start3A_378 = tpu.memref_slice %arg8[%dma_start3A_376, %dma_start3A_377] : memref<800x32xf32, #tpu.memory_space<vmem>> -> memref<80x32xf32, #tpu.memory_space<vmem>>
      %dma_start3A_379 = arith.constant 560 : i32
      %dma_start3A_380 = tpu.memref_slice %arg6[%dma_start3A_379] : memref<800xi32, #tpu.memory_space<vmem>> -> memref<80xi32, #tpu.memory_space<vmem>>
      %dma_start3A_381 = arith.constant 0 : i32
      %dma_start3A_382 = arith.constant 0 : i32
      %dma_start3A_383 = tpu.memref_slice %arg2[%dma_start3A_381, %dma_start3A_382] : memref<1015808x32xf32, #tpu.memory_space<hbm>> -> memref<1015808x32xf32, #tpu.memory_space<hbm>>
      tpu.enqueue_indirect_dma source(%dma_start3A_383 : memref<1015808x32xf32, #tpu.memory_space<hbm>>) target(%dma_start3A_378 : memref<80x32xf32, #tpu.memory_space<vmem>>) offsets(%dma_start3A_380 : memref<80xi32, #tpu.memory_space<vmem>>) semaphore(%arg12 : memref<!tpu.dma_semaphore, #tpu.memory_space<semaphore_mem>>)
      %dma_start3A_384 = arith.constant 640 : i32
      %dma_start3A_385 = arith.constant 0 : i32
      %dma_start3A_386 = tpu.memref_slice %arg8[%dma_start3A_384, %dma_start3A_385] : memref<800x32xf32, #tpu.memory_space<vmem>> -> memref<80x32xf32, #tpu.memory_space<vmem>>
      %dma_start3A_387 = arith.constant 640 : i32
      %dma_start3A_388 = tpu.memref_slice %arg6[%dma_start3A_387] : memref<800xi32, #tpu.memory_space<vmem>> -> memref<80xi32, #tpu.memory_space<vmem>>
      %dma_start3A_389 = arith.constant 0 : i32
      %dma_start3A_390 = arith.constant 0 : i32
      %dma_start3A_391 = tpu.memref_slice %arg2[%dma_start3A_389, %dma_start3A_390] : memref<1015808x32xf32, #tpu.memory_space<hbm>> -> memref<1015808x32xf32, #tpu.memory_space<hbm>>
      tpu.enqueue_indirect_dma source(%dma_start3A_391 : memref<1015808x32xf32, #tpu.memory_space<hbm>>) target(%dma_start3A_386 : memref<80x32xf32, #tpu.memory_space<vmem>>) offsets(%dma_start3A_388 : memref<80xi32, #tpu.memory_space<vmem>>) semaphore(%arg12 : memref<!tpu.dma_semaphore, #tpu.memory_space<semaphore_mem>>)
      %dma_start3A_392 = arith.constant 720 : i32
      %dma_start3A_393 = arith.constant 0 : i32
      %dma_start3A_394 = tpu.memref_slice %arg8[%dma_start3A_392, %dma_start3A_393] : memref<800x32xf32, #tpu.memory_space<vmem>> -> memref<80x32xf32, #tpu.memory_space<vmem>>
      %dma_start3A_395 = arith.constant 720 : i32
      %dma_start3A_396 = tpu.memref_slice %arg6[%dma_start3A_395] : memref<800xi32, #tpu.memory_space<vmem>> -> memref<80xi32, #tpu.memory_space<vmem>>
      %dma_start3A_397 = arith.constant 0 : i32
      %dma_start3A_398 = arith.constant 0 : i32
      %dma_start3A_399 = tpu.memref_slice %arg2[%dma_start3A_397, %dma_start3A_398] : memref<1015808x32xf32, #tpu.memory_space<hbm>> -> memref<1015808x32xf32, #tpu.memory_space<hbm>>
      tpu.enqueue_indirect_dma source(%dma_start3A_399 : memref<1015808x32xf32, #tpu.memory_space<hbm>>) target(%dma_start3A_394 : memref<80x32xf32, #tpu.memory_space<vmem>>) offsets(%dma_start3A_396 : memref<80xi32, #tpu.memory_space<vmem>>) semaphore(%arg12 : memref<!tpu.dma_semaphore, #tpu.memory_space<semaphore_mem>>)
      %dma_wait3A_400 = arith.constant 0 : i32
      %dma_wait3A_401 = arith.constant 0 : i32
      %dma_wait3A_402 = tpu.memref_slice %arg2[%dma_wait3A_400, %dma_wait3A_401] : memref<1015808x32xf32, #tpu.memory_space<hbm>> -> memref<800x32xf32, #tpu.memory_space<hbm>>
      %dma_wait3A_403 = arith.constant 0 : i32
      %dma_wait3A_404 = arith.constant 0 : i32
      %dma_wait3A_405 = tpu.memref_slice %arg2[%dma_wait3A_403, %dma_wait3A_404] : memref<1015808x32xf32, #tpu.memory_space<hbm>> -> memref<800x32xf32, #tpu.memory_space<hbm>>
      tpu.wait_dma2 semaphore(%arg11 : memref<!tpu.dma_semaphore, #tpu.memory_space<semaphore_mem>>) src(%dma_wait3A_405 : memref<800x32xf32, #tpu.memory_space<hbm>>) dst(%arg7 : memref<800x32xf32, #tpu.memory_space<vmem>>)
      %mul3A_406 = arith.constant 16 : i32
      %mul3A_407 = arith.muli %add3A_292, %mul3A_406 : i32
      %add3A_408 = arith.addi %mul3A_2, %mul3A_407 : i32
      %sub3A_409 = arith.constant 16 : i32
      %sub3A_410 = arith.constant 0 : i32
      %sub3A_411 = arith.subi %sub3A_409, %sub3A_410 : i32
      %sub3A_412 = arith.constant 1 : i32
      %sub3A_413 = arith.constant 1 : i32
      %sub3A_414 = arith.subi %sub3A_412, %sub3A_413 : i32
      %add3A_415 = arith.addi %sub3A_411, %sub3A_414 : i32
      %div3A_416 = arith.constant 1 : i32
      %div3A_417 = arith.divsi %add3A_415, %div3A_416 : i32
      %while3A_418 = arith.constant 1 : i32
      %while3A_419 = arith.constant 0 : i32
      %while3A_420 = arith.constant 0 : i32
      %while3A_421 = arith.subi %div3A_417, %while3A_420 : i32
      %while3A_422 = arith.addi %while3A_420, %while3A_421 : i32
      %while3A_423 = arith.constant 1 : i32
      %while3A_424 = arith.divsi %while3A_421, %while3A_423 : i32
      %while3A_425 = arith.muli %while3A_424, %while3A_423 : i32
      %while3A_426 = arith.addi %while3A_420, %while3A_425 : i32
      %while3A_427 = arith.constant 1 : i32
      scf.for %while3A_567 = %while3A_420 to %while3A_426 step %while3A_427  : i32 {
        %mul3A_568 = arith.muli %while3A_567, %while3A_418 : i32
        %add3A_569 = arith.addi %while3A_419, %mul3A_568 : i32
        %mul3A_570 = arith.constant 50 : i32
        %mul3A_571 = arith.muli %add3A_569, %mul3A_570 : i32
        %broadcast_in_dim3A = arith.constant 0.000000e+00 : f32
        %broadcast_in_dim3A_572 = vector.broadcast %broadcast_in_dim3A : f32 to vector<16xf32>
        %scan3A = arith.constant 0 : i32
        %scan3A_573 = arith.constant 25 : i32
        %scan3A_574 = arith.addi %scan3A, %scan3A_573 : i32
        %scan3A_575 = arith.constant 5 : i32
        %scan3A_576:5 = scf.for %scan3A_595 = %scan3A to %scan3A_574 step %scan3A_575 iter_args(%scan3A_596 = %mul3A_571, %scan3A_597 = %broadcast_in_dim3A_572, %scan3A_598 = %broadcast_in_dim3A_572, %scan3A_599 = %broadcast_in_dim3A_572, %scan3A_600 = %broadcast_in_dim3A_572) -> (i32, vector<16xf32>, vector<16xf32>, vector<16xf32>, vector<16xf32>)  : i32 {
          %get3A = arith.index_cast %scan3A_596 : i32 to index
          %get3A_601 = arith.constant 0 : index
          %get3A_602 = tpu.vector_load %arg7[%get3A, %get3A_601] {strides = array<i32>} : memref<800x32xf32, #tpu.memory_space<vmem>>, vector<1x16xf32>,
          %get3A_603 = vector.shape_cast %get3A_602 : vector<1x16xf32> to vector<16xf32>
          %add3A_604 = arith.addf %scan3A_597, %get3A_603 : vector<16xf32>
          %get3A_605 = arith.index_cast %scan3A_596 : i32 to index
          %get3A_606 = arith.constant 16 : index
          %get3A_607 = tpu.vector_load %arg7[%get3A_605, %get3A_606] {strides = array<i32>} : memref<800x32xf32, #tpu.memory_space<vmem>>, vector<1x16xf32>,
          %get3A_608 = vector.shape_cast %get3A_607 : vector<1x16xf32> to vector<16xf32>
          %add3A_609 = arith.addf %scan3A_598, %get3A_608 : vector<16xf32>
          %add3A_610 = arith.constant 1 : i32
          %add3A_611 = arith.addi %scan3A_596, %add3A_610 : i32
          %get3A_612 = arith.index_cast %add3A_611 : i32 to index
          %get3A_613 = arith.constant 0 : index
          %get3A_614 = tpu.vector_load %arg7[%get3A_612, %get3A_613] {strides = array<i32>} : memref<800x32xf32, #tpu.memory_space<vmem>>, vector<1x16xf32>,
          %get3A_615 = vector.shape_cast %get3A_614 : vector<1x16xf32> to vector<16xf32>
          %add3A_616 = arith.addf %scan3A_599, %get3A_615 : vector<16xf32>
          %add3A_617 = arith.constant 1 : i32
          %add3A_618 = arith.addi %scan3A_596, %add3A_617 : i32
          %get3A_619 = arith.index_cast %add3A_618 : i32 to index
          %get3A_620 = arith.constant 16 : index
          %get3A_621 = tpu.vector_load %arg7[%get3A_619, %get3A_620] {strides = array<i32>} : memref<800x32xf32, #tpu.memory_space<vmem>>, vector<1x16xf32>,
          %get3A_622 = vector.shape_cast %get3A_621 : vector<1x16xf32> to vector<16xf32>
          %add3A_623 = arith.addf %scan3A_600, %get3A_622 : vector<16xf32>
          %add3A_624 = arith.constant 2 : i32
          %add3A_625 = arith.addi %scan3A_596, %add3A_624 : i32
          %scan3A_626 = arith.constant 1 : i32
          %scan3A_627 = arith.addi %scan3A_595, %scan3A_626 : i32
          %get3A_628 = arith.index_cast %add3A_625 : i32 to index
          %get3A_629 = arith.constant 0 : index
          %get3A_630 = tpu.vector_load %arg7[%get3A_628, %get3A_629] {strides = array<i32>} : memref<800x32xf32, #tpu.memory_space<vmem>>, vector<1x16xf32>,
          %get3A_631 = vector.shape_cast %get3A_630 : vector<1x16xf32> to vector<16xf32>
          %add3A_632 = arith.addf %add3A_604, %get3A_631 : vector<16xf32>
          %get3A_633 = arith.index_cast %add3A_625 : i32 to index
          %get3A_634 = arith.constant 16 : index
          %get3A_635 = tpu.vector_load %arg7[%get3A_633, %get3A_634] {strides = array<i32>} : memref<800x32xf32, #tpu.memory_space<vmem>>, vector<1x16xf32>,
          %get3A_636 = vector.shape_cast %get3A_635 : vector<1x16xf32> to vector<16xf32>
          %add3A_637 = arith.addf %add3A_609, %get3A_636 : vector<16xf32>
          %add3A_638 = arith.constant 1 : i32
          %add3A_639 = arith.addi %add3A_625, %add3A_638 : i32
          %get3A_640 = arith.index_cast %add3A_639 : i32 to index
          %get3A_641 = arith.constant 0 : index
          %get3A_642 = tpu.vector_load %arg7[%get3A_640, %get3A_641] {strides = array<i32>} : memref<800x32xf32, #tpu.memory_space<vmem>>, vector<1x16xf32>,
          %get3A_643 = vector.shape_cast %get3A_642 : vector<1x16xf32> to vector<16xf32>
          %add3A_644 = arith.addf %add3A_616, %get3A_643 : vector<16xf32>
          %add3A_645 = arith.constant 1 : i32
          %add3A_646 = arith.addi %add3A_625, %add3A_645 : i32
          %get3A_647 = arith.index_cast %add3A_646 : i32 to index
          %get3A_648 = arith.constant 16 : index
          %get3A_649 = tpu.vector_load %arg7[%get3A_647, %get3A_648] {strides = array<i32>} : memref<800x32xf32, #tpu.memory_space<vmem>>, vector<1x16xf32>,
          %get3A_650 = vector.shape_cast %get3A_649 : vector<1x16xf32> to vector<16xf32>
          %add3A_651 = arith.addf %add3A_623, %get3A_650 : vector<16xf32>
          %add3A_652 = arith.constant 2 : i32
          %add3A_653 = arith.addi %add3A_625, %add3A_652 : i32
          %scan3A_654 = arith.constant 2 : i32
          %scan3A_655 = arith.addi %scan3A_595, %scan3A_654 : i32
          %get3A_656 = arith.index_cast %add3A_653 : i32 to index
          %get3A_657 = arith.constant 0 : index
          %get3A_658 = tpu.vector_load %arg7[%get3A_656, %get3A_657] {strides = array<i32>} : memref<800x32xf32, #tpu.memory_space<vmem>>, vector<1x16xf32>,
          %get3A_659 = vector.shape_cast %get3A_658 : vector<1x16xf32> to vector<16xf32>
          %add3A_660 = arith.addf %add3A_632, %get3A_659 : vector<16xf32>
          %get3A_661 = arith.index_cast %add3A_653 : i32 to index
          %get3A_662 = arith.constant 16 : index
          %get3A_663 = tpu.vector_load %arg7[%get3A_661, %get3A_662] {strides = array<i32>} : memref<800x32xf32, #tpu.memory_space<vmem>>, vector<1x16xf32>,
          %get3A_664 = vector.shape_cast %get3A_663 : vector<1x16xf32> to vector<16xf32>
          %add3A_665 = arith.addf %add3A_637, %get3A_664 : vector<16xf32>
          %add3A_666 = arith.constant 1 : i32
          %add3A_667 = arith.addi %add3A_653, %add3A_666 : i32
          %get3A_668 = arith.index_cast %add3A_667 : i32 to index
          %get3A_669 = arith.constant 0 : index
          %get3A_670 = tpu.vector_load %arg7[%get3A_668, %get3A_669] {strides = array<i32>} : memref<800x32xf32, #tpu.memory_space<vmem>>, vector<1x16xf32>,
          %get3A_671 = vector.shape_cast %get3A_670 : vector<1x16xf32> to vector<16xf32>
          %add3A_672 = arith.addf %add3A_644, %get3A_671 : vector<16xf32>
          %add3A_673 = arith.constant 1 : i32
          %add3A_674 = arith.addi %add3A_653, %add3A_673 : i32
          %get3A_675 = arith.index_cast %add3A_674 : i32 to index
          %get3A_676 = arith.constant 16 : index
          %get3A_677 = tpu.vector_load %arg7[%get3A_675, %get3A_676] {strides = array<i32>} : memref<800x32xf32, #tpu.memory_space<vmem>>, vector<1x16xf32>,
          %get3A_678 = vector.shape_cast %get3A_677 : vector<1x16xf32> to vector<16xf32>
          %add3A_679 = arith.addf %add3A_651, %get3A_678 : vector<16xf32>
          %add3A_680 = arith.constant 2 : i32
          %add3A_681 = arith.addi %add3A_653, %add3A_680 : i32
          %scan3A_682 = arith.constant 3 : i32
          %scan3A_683 = arith.addi %scan3A_595, %scan3A_682 : i32
          %get3A_684 = arith.index_cast %add3A_681 : i32 to index
          %get3A_685 = arith.constant 0 : index
          %get3A_686 = tpu.vector_load %arg7[%get3A_684, %get3A_685] {strides = array<i32>} : memref<800x32xf32, #tpu.memory_space<vmem>>, vector<1x16xf32>,
          %get3A_687 = vector.shape_cast %get3A_686 : vector<1x16xf32> to vector<16xf32>
          %add3A_688 = arith.addf %add3A_660, %get3A_687 : vector<16xf32>
          %get3A_689 = arith.index_cast %add3A_681 : i32 to index
          %get3A_690 = arith.constant 16 : index
          %get3A_691 = tpu.vector_load %arg7[%get3A_689, %get3A_690] {strides = array<i32>} : memref<800x32xf32, #tpu.memory_space<vmem>>, vector<1x16xf32>,
          %get3A_692 = vector.shape_cast %get3A_691 : vector<1x16xf32> to vector<16xf32>
          %add3A_693 = arith.addf %add3A_665, %get3A_692 : vector<16xf32>
          %add3A_694 = arith.constant 1 : i32
          %add3A_695 = arith.addi %add3A_681, %add3A_694 : i32
          %get3A_696 = arith.index_cast %add3A_695 : i32 to index
          %get3A_697 = arith.constant 0 : index
          %get3A_698 = tpu.vector_load %arg7[%get3A_696, %get3A_697] {strides = array<i32>} : memref<800x32xf32, #tpu.memory_space<vmem>>, vector<1x16xf32>,
          %get3A_699 = vector.shape_cast %get3A_698 : vector<1x16xf32> to vector<16xf32>
          %add3A_700 = arith.addf %add3A_672, %get3A_699 : vector<16xf32>
          %add3A_701 = arith.constant 1 : i32
          %add3A_702 = arith.addi %add3A_681, %add3A_701 : i32
          %get3A_703 = arith.index_cast %add3A_702 : i32 to index
          %get3A_704 = arith.constant 16 : index
          %get3A_705 = tpu.vector_load %arg7[%get3A_703, %get3A_704] {strides = array<i32>} : memref<800x32xf32, #tpu.memory_space<vmem>>, vector<1x16xf32>,
          %get3A_706 = vector.shape_cast %get3A_705 : vector<1x16xf32> to vector<16xf32>
          %add3A_707 = arith.addf %add3A_679, %get3A_706 : vector<16xf32>
          %add3A_708 = arith.constant 2 : i32
          %add3A_709 = arith.addi %add3A_681, %add3A_708 : i32
          %scan3A_710 = arith.constant 4 : i32
          %scan3A_711 = arith.addi %scan3A_595, %scan3A_710 : i32
          %get3A_712 = arith.index_cast %add3A_709 : i32 to index
          %get3A_713 = arith.constant 0 : index
          %get3A_714 = tpu.vector_load %arg7[%get3A_712, %get3A_713] {strides = array<i32>} : memref<800x32xf32, #tpu.memory_space<vmem>>, vector<1x16xf32>,
          %get3A_715 = vector.shape_cast %get3A_714 : vector<1x16xf32> to vector<16xf32>
          %add3A_716 = arith.addf %add3A_688, %get3A_715 : vector<16xf32>
          %get3A_717 = arith.index_cast %add3A_709 : i32 to index
          %get3A_718 = arith.constant 16 : index
          %get3A_719 = tpu.vector_load %arg7[%get3A_717, %get3A_718] {strides = array<i32>} : memref<800x32xf32, #tpu.memory_space<vmem>>, vector<1x16xf32>,
          %get3A_720 = vector.shape_cast %get3A_719 : vector<1x16xf32> to vector<16xf32>
          %add3A_721 = arith.addf %add3A_693, %get3A_720 : vector<16xf32>
          %add3A_722 = arith.constant 1 : i32
          %add3A_723 = arith.addi %add3A_709, %add3A_722 : i32
          %get3A_724 = arith.index_cast %add3A_723 : i32 to index
          %get3A_725 = arith.constant 0 : index
          %get3A_726 = tpu.vector_load %arg7[%get3A_724, %get3A_725] {strides = array<i32>} : memref<800x32xf32, #tpu.memory_space<vmem>>, vector<1x16xf32>,
          %get3A_727 = vector.shape_cast %get3A_726 : vector<1x16xf32> to vector<16xf32>
          %add3A_728 = arith.addf %add3A_700, %get3A_727 : vector<16xf32>
          %add3A_729 = arith.constant 1 : i32
          %add3A_730 = arith.addi %add3A_709, %add3A_729 : i32
          %get3A_731 = arith.index_cast %add3A_730 : i32 to index
          %get3A_732 = arith.constant 16 : index
          %get3A_733 = tpu.vector_load %arg7[%get3A_731, %get3A_732] {strides = array<i32>} : memref<800x32xf32, #tpu.memory_space<vmem>>, vector<1x16xf32>,
          %get3A_734 = vector.shape_cast %get3A_733 : vector<1x16xf32> to vector<16xf32>
          %add3A_735 = arith.addf %add3A_707, %get3A_734 : vector<16xf32>
          %add3A_736 = arith.constant 2 : i32
          %add3A_737 = arith.addi %add3A_709, %add3A_736 : i32
          scf.yield %add3A_737, %add3A_716, %add3A_721, %add3A_728, %add3A_735 : i32, vector<16xf32>, vector<16xf32>, vector<16xf32>, vector<16xf32>
        }
        %scan3A_577 = arith.constant 25 : i32
        %add3A_578 = arith.addf %scan3A_576#1, %scan3A_576#3 : vector<16xf32>
        %mul3A_579 = arith.constant 2.000000e-02 : f32
        %mul3A_580 = vector.broadcast %mul3A_579 : f32 to vector<16xf32>
        %mul3A_581 = arith.mulf %add3A_578, %mul3A_580 : vector<16xf32>
        %swap3A = arith.index_cast %add3A_569 : i32 to index
        %swap3A_582 = arith.constant 0 : index
        %swap3A_583 = tpu.vector_load %arg9[%swap3A, %swap3A_582] {strides = array<i32>} : memref<16x32xf32, #tpu.memory_space<vmem>>, vector<1x16xf32>,
        %swap3A_584 = vector.shape_cast %swap3A_583 : vector<1x16xf32> to vector<16xf32>
        %swap3A_585 = vector.shape_cast %mul3A_581 : vector<16xf32> to vector<1x16xf32>
        tpu.vector_store %arg9[%swap3A, %swap3A_582], %swap3A_585 {strides = array<i32>} : memref<16x32xf32, #tpu.memory_space<vmem>>, vector<1x16xf32>,
        %add3A_586 = arith.addf %scan3A_576#2, %scan3A_576#4 : vector<16xf32>
        %mul3A_587 = arith.constant 2.000000e-02 : f32
        %mul3A_588 = vector.broadcast %mul3A_587 : f32 to vector<16xf32>
        %mul3A_589 = arith.mulf %add3A_586, %mul3A_588 : vector<16xf32>
        %swap3A_590 = arith.index_cast %add3A_569 : i32 to index
        %swap3A_591 = arith.constant 16 : index
        %swap3A_592 = tpu.vector_load %arg9[%swap3A_590, %swap3A_591] {strides = array<i32>} : memref<16x32xf32, #tpu.memory_space<vmem>>, vector<1x16xf32>,
        %swap3A_593 = vector.shape_cast %swap3A_592 : vector<1x16xf32> to vector<16xf32>
        %swap3A_594 = vector.shape_cast %mul3A_589 : vector<16xf32> to vector<1x16xf32>
        tpu.vector_store %arg9[%swap3A_590, %swap3A_591], %swap3A_594 {strides = array<i32>} : memref<16x32xf32, #tpu.memory_space<vmem>>, vector<1x16xf32>,
      }
      %while3A_428 = arith.constant 1 : i32
      scf.for %while3A_567 = %while3A_426 to %while3A_422 step %while3A_428  : i32 {
        %mul3A_568 = arith.muli %while3A_567, %while3A_418 : i32
        %add3A_569 = arith.addi %while3A_419, %mul3A_568 : i32
        %mul3A_570 = arith.constant 50 : i32
        %mul3A_571 = arith.muli %add3A_569, %mul3A_570 : i32
        %broadcast_in_dim3A = arith.constant 0.000000e+00 : f32
        %broadcast_in_dim3A_572 = vector.broadcast %broadcast_in_dim3A : f32 to vector<16xf32>
        %scan3A = arith.constant 0 : i32
        %scan3A_573 = arith.constant 25 : i32
        %scan3A_574 = arith.addi %scan3A, %scan3A_573 : i32
        %scan3A_575 = arith.constant 5 : i32
        %scan3A_576:5 = scf.for %scan3A_595 = %scan3A to %scan3A_574 step %scan3A_575 iter_args(%scan3A_596 = %mul3A_571, %scan3A_597 = %broadcast_in_dim3A_572, %scan3A_598 = %broadcast_in_dim3A_572, %scan3A_599 = %broadcast_in_dim3A_572, %scan3A_600 = %broadcast_in_dim3A_572) -> (i32, vector<16xf32>, vector<16xf32>, vector<16xf32>, vector<16xf32>)  : i32 {
          %get3A = arith.index_cast %scan3A_596 : i32 to index
          %get3A_601 = arith.constant 0 : index
          %get3A_602 = tpu.vector_load %arg7[%get3A, %get3A_601] {strides = array<i32>} : memref<800x32xf32, #tpu.memory_space<vmem>>, vector<1x16xf32>,
          %get3A_603 = vector.shape_cast %get3A_602 : vector<1x16xf32> to vector<16xf32>
          %add3A_604 = arith.addf %scan3A_597, %get3A_603 : vector<16xf32>
          %get3A_605 = arith.index_cast %scan3A_596 : i32 to index
          %get3A_606 = arith.constant 16 : index
          %get3A_607 = tpu.vector_load %arg7[%get3A_605, %get3A_606] {strides = array<i32>} : memref<800x32xf32, #tpu.memory_space<vmem>>, vector<1x16xf32>,
          %get3A_608 = vector.shape_cast %get3A_607 : vector<1x16xf32> to vector<16xf32>
          %add3A_609 = arith.addf %scan3A_598, %get3A_608 : vector<16xf32>
          %add3A_610 = arith.constant 1 : i32
          %add3A_611 = arith.addi %scan3A_596, %add3A_610 : i32
          %get3A_612 = arith.index_cast %add3A_611 : i32 to index
          %get3A_613 = arith.constant 0 : index
          %get3A_614 = tpu.vector_load %arg7[%get3A_612, %get3A_613] {strides = array<i32>} : memref<800x32xf32, #tpu.memory_space<vmem>>, vector<1x16xf32>,
          %get3A_615 = vector.shape_cast %get3A_614 : vector<1x16xf32> to vector<16xf32>
          %add3A_616 = arith.addf %scan3A_599, %get3A_615 : vector<16xf32>
          %add3A_617 = arith.constant 1 : i32
          %add3A_618 = arith.addi %scan3A_596, %add3A_617 : i32
          %get3A_619 = arith.index_cast %add3A_618 : i32 to index
          %get3A_620 = arith.constant 16 : index
          %get3A_621 = tpu.vector_load %arg7[%get3A_619, %get3A_620] {strides = array<i32>} : memref<800x32xf32, #tpu.memory_space<vmem>>, vector<1x16xf32>,
          %get3A_622 = vector.shape_cast %get3A_621 : vector<1x16xf32> to vector<16xf32>
          %add3A_623 = arith.addf %scan3A_600, %get3A_622 : vector<16xf32>
          %add3A_624 = arith.constant 2 : i32
          %add3A_625 = arith.addi %scan3A_596, %add3A_624 : i32
          %scan3A_626 = arith.constant 1 : i32
          %scan3A_627 = arith.addi %scan3A_595, %scan3A_626 : i32
          %get3A_628 = arith.index_cast %add3A_625 : i32 to index
          %get3A_629 = arith.constant 0 : index
          %get3A_630 = tpu.vector_load %arg7[%get3A_628, %get3A_629] {strides = array<i32>} : memref<800x32xf32, #tpu.memory_space<vmem>>, vector<1x16xf32>,
          %get3A_631 = vector.shape_cast %get3A_630 : vector<1x16xf32> to vector<16xf32>
          %add3A_632 = arith.addf %add3A_604, %get3A_631 : vector<16xf32>
          %get3A_633 = arith.index_cast %add3A_625 : i32 to index
          %get3A_634 = arith.constant 16 : index
          %get3A_635 = tpu.vector_load %arg7[%get3A_633, %get3A_634] {strides = array<i32>} : memref<800x32xf32, #tpu.memory_space<vmem>>, vector<1x16xf32>,
          %get3A_636 = vector.shape_cast %get3A_635 : vector<1x16xf32> to vector<16xf32>
          %add3A_637 = arith.addf %add3A_609, %get3A_636 : vector<16xf32>
          %add3A_638 = arith.constant 1 : i32
          %add3A_639 = arith.addi %add3A_625, %add3A_638 : i32
          %get3A_640 = arith.index_cast %add3A_639 : i32 to index
          %get3A_641 = arith.constant 0 : index
          %get3A_642 = tpu.vector_load %arg7[%get3A_640, %get3A_641] {strides = array<i32>} : memref<800x32xf32, #tpu.memory_space<vmem>>, vector<1x16xf32>,
          %get3A_643 = vector.shape_cast %get3A_642 : vector<1x16xf32> to vector<16xf32>
          %add3A_644 = arith.addf %add3A_616, %get3A_643 : vector<16xf32>
          %add3A_645 = arith.constant 1 : i32
          %add3A_646 = arith.addi %add3A_625, %add3A_645 : i32
          %get3A_647 = arith.index_cast %add3A_646 : i32 to index
          %get3A_648 = arith.constant 16 : index
          %get3A_649 = tpu.vector_load %arg7[%get3A_647, %get3A_648] {strides = array<i32>} : memref<800x32xf32, #tpu.memory_space<vmem>>, vector<1x16xf32>,
          %get3A_650 = vector.shape_cast %get3A_649 : vector<1x16xf32> to vector<16xf32>
          %add3A_651 = arith.addf %add3A_623, %get3A_650 : vector<16xf32>
          %add3A_652 = arith.constant 2 : i32
          %add3A_653 = arith.addi %add3A_625, %add3A_652 : i32
          %scan3A_654 = arith.constant 2 : i32
          %scan3A_655 = arith.addi %scan3A_595, %scan3A_654 : i32
          %get3A_656 = arith.index_cast %add3A_653 : i32 to index
          %get3A_657 = arith.constant 0 : index
          %get3A_658 = tpu.vector_load %arg7[%get3A_656, %get3A_657] {strides = array<i32>} : memref<800x32xf32, #tpu.memory_space<vmem>>, vector<1x16xf32>,
          %get3A_659 = vector.shape_cast %get3A_658 : vector<1x16xf32> to vector<16xf32>
          %add3A_660 = arith.addf %add3A_632, %get3A_659 : vector<16xf32>
          %get3A_661 = arith.index_cast %add3A_653 : i32 to index
          %get3A_662 = arith.constant 16 : index
          %get3A_663 = tpu.vector_load %arg7[%get3A_661, %get3A_662] {strides = array<i32>} : memref<800x32xf32, #tpu.memory_space<vmem>>, vector<1x16xf32>,
          %get3A_664 = vector.shape_cast %get3A_663 : vector<1x16xf32> to vector<16xf32>
          %add3A_665 = arith.addf %add3A_637, %get3A_664 : vector<16xf32>
          %add3A_666 = arith.constant 1 : i32
          %add3A_667 = arith.addi %add3A_653, %add3A_666 : i32
          %get3A_668 = arith.index_cast %add3A_667 : i32 to index
          %get3A_669 = arith.constant 0 : index
          %get3A_670 = tpu.vector_load %arg7[%get3A_668, %get3A_669] {strides = array<i32>} : memref<800x32xf32, #tpu.memory_space<vmem>>, vector<1x16xf32>,
          %get3A_671 = vector.shape_cast %get3A_670 : vector<1x16xf32> to vector<16xf32>
          %add3A_672 = arith.addf %add3A_644, %get3A_671 : vector<16xf32>
          %add3A_673 = arith.constant 1 : i32
          %add3A_674 = arith.addi %add3A_653, %add3A_673 : i32
          %get3A_675 = arith.index_cast %add3A_674 : i32 to index
          %get3A_676 = arith.constant 16 : index
          %get3A_677 = tpu.vector_load %arg7[%get3A_675, %get3A_676] {strides = array<i32>} : memref<800x32xf32, #tpu.memory_space<vmem>>, vector<1x16xf32>,
          %get3A_678 = vector.shape_cast %get3A_677 : vector<1x16xf32> to vector<16xf32>
          %add3A_679 = arith.addf %add3A_651, %get3A_678 : vector<16xf32>
          %add3A_680 = arith.constant 2 : i32
          %add3A_681 = arith.addi %add3A_653, %add3A_680 : i32
          %scan3A_682 = arith.constant 3 : i32
          %scan3A_683 = arith.addi %scan3A_595, %scan3A_682 : i32
          %get3A_684 = arith.index_cast %add3A_681 : i32 to index
          %get3A_685 = arith.constant 0 : index
          %get3A_686 = tpu.vector_load %arg7[%get3A_684, %get3A_685] {strides = array<i32>} : memref<800x32xf32, #tpu.memory_space<vmem>>, vector<1x16xf32>,
          %get3A_687 = vector.shape_cast %get3A_686 : vector<1x16xf32> to vector<16xf32>
          %add3A_688 = arith.addf %add3A_660, %get3A_687 : vector<16xf32>
          %get3A_689 = arith.index_cast %add3A_681 : i32 to index
          %get3A_690 = arith.constant 16 : index
          %get3A_691 = tpu.vector_load %arg7[%get3A_689, %get3A_690] {strides = array<i32>} : memref<800x32xf32, #tpu.memory_space<vmem>>, vector<1x16xf32>,
          %get3A_692 = vector.shape_cast %get3A_691 : vector<1x16xf32> to vector<16xf32>
          %add3A_693 = arith.addf %add3A_665, %get3A_692 : vector<16xf32>
          %add3A_694 = arith.constant 1 : i32
          %add3A_695 = arith.addi %add3A_681, %add3A_694 : i32
          %get3A_696 = arith.index_cast %add3A_695 : i32 to index
          %get3A_697 = arith.constant 0 : index
          %get3A_698 = tpu.vector_load %arg7[%get3A_696, %get3A_697] {strides = array<i32>} : memref<800x32xf32, #tpu.memory_space<vmem>>, vector<1x16xf32>,
          %get3A_699 = vector.shape_cast %get3A_698 : vector<1x16xf32> to vector<16xf32>
          %add3A_700 = arith.addf %add3A_672, %get3A_699 : vector<16xf32>
          %add3A_701 = arith.constant 1 : i32
          %add3A_702 = arith.addi %add3A_681, %add3A_701 : i32
          %get3A_703 = arith.index_cast %add3A_702 : i32 to index
          %get3A_704 = arith.constant 16 : index
          %get3A_705 = tpu.vector_load %arg7[%get3A_703, %get3A_704] {strides = array<i32>} : memref<800x32xf32, #tpu.memory_space<vmem>>, vector<1x16xf32>,
          %get3A_706 = vector.shape_cast %get3A_705 : vector<1x16xf32> to vector<16xf32>
          %add3A_707 = arith.addf %add3A_679, %get3A_706 : vector<16xf32>
          %add3A_708 = arith.constant 2 : i32
          %add3A_709 = arith.addi %add3A_681, %add3A_708 : i32
          %scan3A_710 = arith.constant 4 : i32
          %scan3A_711 = arith.addi %scan3A_595, %scan3A_710 : i32
          %get3A_712 = arith.index_cast %add3A_709 : i32 to index
          %get3A_713 = arith.constant 0 : index
          %get3A_714 = tpu.vector_load %arg7[%get3A_712, %get3A_713] {strides = array<i32>} : memref<800x32xf32, #tpu.memory_space<vmem>>, vector<1x16xf32>,
          %get3A_715 = vector.shape_cast %get3A_714 : vector<1x16xf32> to vector<16xf32>
          %add3A_716 = arith.addf %add3A_688, %get3A_715 : vector<16xf32>
          %get3A_717 = arith.index_cast %add3A_709 : i32 to index
          %get3A_718 = arith.constant 16 : index
          %get3A_719 = tpu.vector_load %arg7[%get3A_717, %get3A_718] {strides = array<i32>} : memref<800x32xf32, #tpu.memory_space<vmem>>, vector<1x16xf32>,
          %get3A_720 = vector.shape_cast %get3A_719 : vector<1x16xf32> to vector<16xf32>
          %add3A_721 = arith.addf %add3A_693, %get3A_720 : vector<16xf32>
          %add3A_722 = arith.constant 1 : i32
          %add3A_723 = arith.addi %add3A_709, %add3A_722 : i32
          %get3A_724 = arith.index_cast %add3A_723 : i32 to index
          %get3A_725 = arith.constant 0 : index
          %get3A_726 = tpu.vector_load %arg7[%get3A_724, %get3A_725] {strides = array<i32>} : memref<800x32xf32, #tpu.memory_space<vmem>>, vector<1x16xf32>,
          %get3A_727 = vector.shape_cast %get3A_726 : vector<1x16xf32> to vector<16xf32>
          %add3A_728 = arith.addf %add3A_700, %get3A_727 : vector<16xf32>
          %add3A_729 = arith.constant 1 : i32
          %add3A_730 = arith.addi %add3A_709, %add3A_729 : i32
          %get3A_731 = arith.index_cast %add3A_730 : i32 to index
          %get3A_732 = arith.constant 16 : index
          %get3A_733 = tpu.vector_load %arg7[%get3A_731, %get3A_732] {strides = array<i32>} : memref<800x32xf32, #tpu.memory_space<vmem>>, vector<1x16xf32>,
          %get3A_734 = vector.shape_cast %get3A_733 : vector<1x16xf32> to vector<16xf32>
          %add3A_735 = arith.addf %add3A_707, %get3A_734 : vector<16xf32>
          %add3A_736 = arith.constant 2 : i32
          %add3A_737 = arith.addi %add3A_709, %add3A_736 : i32
          scf.yield %add3A_737, %add3A_716, %add3A_721, %add3A_728, %add3A_735 : i32, vector<16xf32>, vector<16xf32>, vector<16xf32>, vector<16xf32>
        }
        %scan3A_577 = arith.constant 25 : i32
        %add3A_578 = arith.addf %scan3A_576#1, %scan3A_576#3 : vector<16xf32>
        %mul3A_579 = arith.constant 2.000000e-02 : f32
        %mul3A_580 = vector.broadcast %mul3A_579 : f32 to vector<16xf32>
        %mul3A_581 = arith.mulf %add3A_578, %mul3A_580 : vector<16xf32>
        %swap3A = arith.index_cast %add3A_569 : i32 to index
        %swap3A_582 = arith.constant 0 : index
        %swap3A_583 = tpu.vector_load %arg9[%swap3A, %swap3A_582] {strides = array<i32>} : memref<16x32xf32, #tpu.memory_space<vmem>>, vector<1x16xf32>,
        %swap3A_584 = vector.shape_cast %swap3A_583 : vector<1x16xf32> to vector<16xf32>
        %swap3A_585 = vector.shape_cast %mul3A_581 : vector<16xf32> to vector<1x16xf32>
        tpu.vector_store %arg9[%swap3A, %swap3A_582], %swap3A_585 {strides = array<i32>} : memref<16x32xf32, #tpu.memory_space<vmem>>, vector<1x16xf32>,
        %add3A_586 = arith.addf %scan3A_576#2, %scan3A_576#4 : vector<16xf32>
        %mul3A_587 = arith.constant 2.000000e-02 : f32
        %mul3A_588 = vector.broadcast %mul3A_587 : f32 to vector<16xf32>
        %mul3A_589 = arith.mulf %add3A_586, %mul3A_588 : vector<16xf32>
        %swap3A_590 = arith.index_cast %add3A_569 : i32 to index
        %swap3A_591 = arith.constant 16 : index
        %swap3A_592 = tpu.vector_load %arg9[%swap3A_590, %swap3A_591] {strides = array<i32>} : memref<16x32xf32, #tpu.memory_space<vmem>>, vector<1x16xf32>,
        %swap3A_593 = vector.shape_cast %swap3A_592 : vector<1x16xf32> to vector<16xf32>
        %swap3A_594 = vector.shape_cast %mul3A_589 : vector<16xf32> to vector<1x16xf32>
        tpu.vector_store %arg9[%swap3A_590, %swap3A_591], %swap3A_594 {strides = array<i32>} : memref<16x32xf32, #tpu.memory_space<vmem>>, vector<1x16xf32>,
      }
      "tpu.region"() ({
        %run_scoped3A = tpu.sem_alloc : memref<!tpu.dma_semaphore, #tpu.memory_space<semaphore_mem>>
        %dma_start3A_567 = arith.constant 0 : i32
        %dma_start3A_568 = tpu.memref_slice %arg4[%add3A_408, %dma_start3A_567] : memref<16384x32xf32, #tpu.memory_space<hbm>> -> memref<16x32xf32, #tpu.memory_space<hbm>>
        %dma_start3A_569 = arith.constant 0 : i32
        %dma_start3A_570 = tpu.memref_slice %arg4[%add3A_408, %dma_start3A_569] : memref<16384x32xf32, #tpu.memory_space<hbm>> -> memref<16x32xf32, #tpu.memory_space<hbm>>
        tpu.enqueue_dma source(%arg9 : memref<16x32xf32, #tpu.memory_space<vmem>>) target(%dma_start3A_570 : memref<16x32xf32, #tpu.memory_space<hbm>>) target_semaphore(%run_scoped3A : memref<!tpu.dma_semaphore, #tpu.memory_space<semaphore_mem>>)
        %dma_wait3A_571 = arith.constant 0 : i32
        %dma_wait3A_572 = tpu.memref_slice %arg4[%add3A_408, %dma_wait3A_571] : memref<16384x32xf32, #tpu.memory_space<hbm>> -> memref<16x32xf32, #tpu.memory_space<hbm>>
        %dma_wait3A_573 = arith.constant 0 : i32
        %dma_wait3A_574 = tpu.memref_slice %arg4[%add3A_408, %dma_wait3A_573] : memref<16384x32xf32, #tpu.memory_space<hbm>> -> memref<16x32xf32, #tpu.memory_space<hbm>>
        tpu.wait_dma2 semaphore(%run_scoped3A : memref<!tpu.dma_semaphore, #tpu.memory_space<semaphore_mem>>) src(%arg9 : memref<16x32xf32, #tpu.memory_space<vmem>>) dst(%dma_wait3A_574 : memref<16x32xf32, #tpu.memory_space<hbm>>)
        tpu.yield
      }) : () -> ()
      %add3A_429 = arith.constant 2 : i32
      %add3A_430 = arith.addi %add3A_292, %add3A_429 : i32
      %mul3A_431 = arith.constant 16 : i32
      %mul3A_432 = arith.muli %add3A_430, %mul3A_431 : i32
      %add3A_433 = arith.addi %mul3A_2, %mul3A_432 : i32
      %mul3A_434 = arith.constant 50 : i32
      %mul3A_435 = arith.muli %add3A_433, %mul3A_434 : i32
      "tpu.region"() ({
        %run_scoped3A = tpu.sem_alloc : memref<!tpu.dma_semaphore, #tpu.memory_space<semaphore_mem>>
        %dma_start3A_567 = tpu.memref_slice %arg3[%mul3A_435] : memref<819200xi32, #tpu.memory_space<hbm>> -> memref<800xi32, #tpu.memory_space<hbm>>
        %dma_start3A_568 = tpu.memref_slice %arg3[%mul3A_435] : memref<819200xi32, #tpu.memory_space<hbm>> -> memref<800xi32, #tpu.memory_space<hbm>>
        tpu.enqueue_dma source(%dma_start3A_568 : memref<800xi32, #tpu.memory_space<hbm>>) target(%arg5 : memref<800xi32, #tpu.memory_space<vmem>>) target_semaphore(%run_scoped3A : memref<!tpu.dma_semaphore, #tpu.memory_space<semaphore_mem>>)
        %dma_wait3A_569 = tpu.memref_slice %arg3[%mul3A_435] : memref<819200xi32, #tpu.memory_space<hbm>> -> memref<800xi32, #tpu.memory_space<hbm>>
        %dma_wait3A_570 = tpu.memref_slice %arg3[%mul3A_435] : memref<819200xi32, #tpu.memory_space<hbm>> -> memref<800xi32, #tpu.memory_space<hbm>>
        tpu.wait_dma2 semaphore(%run_scoped3A : memref<!tpu.dma_semaphore, #tpu.memory_space<semaphore_mem>>) src(%dma_wait3A_570 : memref<800xi32, #tpu.memory_space<hbm>>) dst(%arg5 : memref<800xi32, #tpu.memory_space<vmem>>)
        tpu.yield
      }) : () -> ()
      %sub3A_436 = arith.constant 50 : i32
      %sub3A_437 = arith.constant 0 : i32
      %sub3A_438 = arith.subi %sub3A_436, %sub3A_437 : i32
      %sub3A_439 = arith.constant 1 : i32
      %sub3A_440 = arith.constant 1 : i32
      %sub3A_441 = arith.subi %sub3A_439, %sub3A_440 : i32
      %add3A_442 = arith.addi %sub3A_438, %sub3A_441 : i32
      %div3A_443 = arith.constant 1 : i32
      %div3A_444 = arith.divsi %add3A_442, %div3A_443 : i32
      %while3A_445 = arith.constant 1 : i32
      %while3A_446 = arith.constant 0 : i32
      %while3A_447 = arith.constant 0 : i32
      %while3A_448 = arith.subi %div3A_444, %while3A_447 : i32
      %while3A_449 = arith.addi %while3A_447, %while3A_448 : i32
      %while3A_450 = arith.constant 1 : i32
      %while3A_451 = arith.divsi %while3A_448, %while3A_450 : i32
      %while3A_452 = arith.muli %while3A_451, %while3A_450 : i32
      %while3A_453 = arith.addi %while3A_447, %while3A_452 : i32
      %while3A_454 = arith.constant 1 : i32
      scf.for %while3A_567 = %while3A_447 to %while3A_453 step %while3A_454  : i32 {
        %mul3A_568 = arith.muli %while3A_567, %while3A_445 : i32
        %add3A_569 = arith.addi %while3A_446, %mul3A_568 : i32
        %mul3A_570 = arith.constant 16 : i32
        %mul3A_571 = arith.muli %add3A_569, %mul3A_570 : i32
        %get3A = arith.index_cast %mul3A_571 : i32 to index
        %get3A_572 = tpu.vector_load %arg5[%get3A] {strides = array<i32>} : memref<800xi32, #tpu.memory_space<vmem>>, vector<16xi32>,
        %get3A_573 = vector.shape_cast %get3A_572 : vector<16xi32> to vector<16xi32>
        %broadcast_in_dim3A = arith.constant 1 : i32
        %broadcast_in_dim3A_574 = vector.broadcast %broadcast_in_dim3A : i32 to vector<16xi32>
        %broadcast_in_dim3A_575 = arith.constant 0 : i32
        %broadcast_in_dim3A_576 = vector.broadcast %broadcast_in_dim3A_575 : i32 to vector<16xi32>
        %ge3A = arith.constant 253952 : i32
        %ge3A_577 = vector.broadcast %ge3A : i32 to vector<16xi32>
        %ge3A_578 = arith.cmpi sge, %get3A_573, %ge3A_577 : vector<16xi32>
        %select_n3A = arith.select %ge3A_578, %broadcast_in_dim3A_574, %broadcast_in_dim3A_576 : vector<16xi1>, vector<16xi32>
        %ge3A_579 = arith.constant 507904 : i32
        %ge3A_580 = vector.broadcast %ge3A_579 : i32 to vector<16xi32>
        %ge3A_581 = arith.cmpi sge, %get3A_573, %ge3A_580 : vector<16xi32>
        %select_n3A_582 = arith.select %ge3A_581, %broadcast_in_dim3A_574, %broadcast_in_dim3A_576 : vector<16xi1>, vector<16xi32>
        %add3A_583 = arith.addi %select_n3A, %select_n3A_582 : vector<16xi32>
        %ge3A_584 = arith.constant 761856 : i32
        %ge3A_585 = vector.broadcast %ge3A_584 : i32 to vector<16xi32>
        %ge3A_586 = arith.cmpi sge, %get3A_573, %ge3A_585 : vector<16xi32>
        %select_n3A_587 = arith.select %ge3A_586, %broadcast_in_dim3A_574, %broadcast_in_dim3A_576 : vector<16xi1>, vector<16xi32>
        %add3A_588 = arith.addi %add3A_583, %select_n3A_587 : vector<16xi32>
        %mul3A_589 = arith.constant 4 : i32
        %mul3A_590 = vector.broadcast %mul3A_589 : i32 to vector<16xi32>
        %mul3A_591 = arith.muli %get3A_573, %mul3A_590 : vector<16xi32>
        %mul3A_592 = arith.constant 1015807 : i32
        %mul3A_593 = vector.broadcast %mul3A_592 : i32 to vector<16xi32>
        %mul3A_594 = arith.muli %add3A_588, %mul3A_593 : vector<16xi32>
        %sub3A_595 = arith.subi %mul3A_591, %mul3A_594 : vector<16xi32>
        %swap3A = arith.index_cast %mul3A_571 : i32 to index
        %swap3A_596 = tpu.vector_load %arg5[%swap3A] {strides = array<i32>} : memref<800xi32, #tpu.memory_space<vmem>>, vector<16xi32>,
        %swap3A_597 = vector.shape_cast %swap3A_596 : vector<16xi32> to vector<16xi32>
        %swap3A_598 = vector.shape_cast %sub3A_595 : vector<16xi32> to vector<16xi32>
        tpu.vector_store %arg5[%swap3A], %swap3A_598 {strides = array<i32>} : memref<800xi32, #tpu.memory_space<vmem>>, vector<16xi32>,
      }
      %while3A_455 = arith.constant 1 : i32
      scf.for %while3A_567 = %while3A_453 to %while3A_449 step %while3A_455  : i32 {
        %mul3A_568 = arith.muli %while3A_567, %while3A_445 : i32
        %add3A_569 = arith.addi %while3A_446, %mul3A_568 : i32
        %mul3A_570 = arith.constant 16 : i32
        %mul3A_571 = arith.muli %add3A_569, %mul3A_570 : i32
        %get3A = arith.index_cast %mul3A_571 : i32 to index
        %get3A_572 = tpu.vector_load %arg5[%get3A] {strides = array<i32>} : memref<800xi32, #tpu.memory_space<vmem>>, vector<16xi32>,
        %get3A_573 = vector.shape_cast %get3A_572 : vector<16xi32> to vector<16xi32>
        %broadcast_in_dim3A = arith.constant 1 : i32
        %broadcast_in_dim3A_574 = vector.broadcast %broadcast_in_dim3A : i32 to vector<16xi32>
        %broadcast_in_dim3A_575 = arith.constant 0 : i32
        %broadcast_in_dim3A_576 = vector.broadcast %broadcast_in_dim3A_575 : i32 to vector<16xi32>
        %ge3A = arith.constant 253952 : i32
        %ge3A_577 = vector.broadcast %ge3A : i32 to vector<16xi32>
        %ge3A_578 = arith.cmpi sge, %get3A_573, %ge3A_577 : vector<16xi32>
        %select_n3A = arith.select %ge3A_578, %broadcast_in_dim3A_574, %broadcast_in_dim3A_576 : vector<16xi1>, vector<16xi32>
        %ge3A_579 = arith.constant 507904 : i32
        %ge3A_580 = vector.broadcast %ge3A_579 : i32 to vector<16xi32>
        %ge3A_581 = arith.cmpi sge, %get3A_573, %ge3A_580 : vector<16xi32>
        %select_n3A_582 = arith.select %ge3A_581, %broadcast_in_dim3A_574, %broadcast_in_dim3A_576 : vector<16xi1>, vector<16xi32>
        %add3A_583 = arith.addi %select_n3A, %select_n3A_582 : vector<16xi32>
        %ge3A_584 = arith.constant 761856 : i32
        %ge3A_585 = vector.broadcast %ge3A_584 : i32 to vector<16xi32>
        %ge3A_586 = arith.cmpi sge, %get3A_573, %ge3A_585 : vector<16xi32>
        %select_n3A_587 = arith.select %ge3A_586, %broadcast_in_dim3A_574, %broadcast_in_dim3A_576 : vector<16xi1>, vector<16xi32>
        %add3A_588 = arith.addi %add3A_583, %select_n3A_587 : vector<16xi32>
        %mul3A_589 = arith.constant 4 : i32
        %mul3A_590 = vector.broadcast %mul3A_589 : i32 to vector<16xi32>
        %mul3A_591 = arith.muli %get3A_573, %mul3A_590 : vector<16xi32>
        %mul3A_592 = arith.constant 1015807 : i32
        %mul3A_593 = vector.broadcast %mul3A_592 : i32 to vector<16xi32>
        %mul3A_594 = arith.muli %add3A_588, %mul3A_593 : vector<16xi32>
        %sub3A_595 = arith.subi %mul3A_591, %mul3A_594 : vector<16xi32>
        %swap3A = arith.index_cast %mul3A_571 : i32 to index
        %swap3A_596 = tpu.vector_load %arg5[%swap3A] {strides = array<i32>} : memref<800xi32, #tpu.memory_space<vmem>>, vector<16xi32>,
        %swap3A_597 = vector.shape_cast %swap3A_596 : vector<16xi32> to vector<16xi32>
        %swap3A_598 = vector.shape_cast %sub3A_595 : vector<16xi32> to vector<16xi32>
        tpu.vector_store %arg5[%swap3A], %swap3A_598 {strides = array<i32>} : memref<800xi32, #tpu.memory_space<vmem>>, vector<16xi32>,
      }
      %dma_start3A_456 = arith.constant 0 : i32
      %dma_start3A_457 = arith.constant 0 : i32
      %dma_start3A_458 = tpu.memref_slice %arg7[%dma_start3A_456, %dma_start3A_457] : memref<800x32xf32, #tpu.memory_space<vmem>> -> memref<80x32xf32, #tpu.memory_space<vmem>>
      %dma_start3A_459 = arith.constant 0 : i32
      %dma_start3A_460 = tpu.memref_slice %arg5[%dma_start3A_459] : memref<800xi32, #tpu.memory_space<vmem>> -> memref<80xi32, #tpu.memory_space<vmem>>
      %dma_start3A_461 = arith.constant 0 : i32
      %dma_start3A_462 = arith.constant 0 : i32
      %dma_start3A_463 = tpu.memref_slice %arg2[%dma_start3A_461, %dma_start3A_462] : memref<1015808x32xf32, #tpu.memory_space<hbm>> -> memref<1015808x32xf32, #tpu.memory_space<hbm>>
      tpu.enqueue_indirect_dma source(%dma_start3A_463 : memref<1015808x32xf32, #tpu.memory_space<hbm>>) target(%dma_start3A_458 : memref<80x32xf32, #tpu.memory_space<vmem>>) offsets(%dma_start3A_460 : memref<80xi32, #tpu.memory_space<vmem>>) semaphore(%arg11 : memref<!tpu.dma_semaphore, #tpu.memory_space<semaphore_mem>>)
      %dma_start3A_464 = arith.constant 80 : i32
      %dma_start3A_465 = arith.constant 0 : i32
      %dma_start3A_466 = tpu.memref_slice %arg7[%dma_start3A_464, %dma_start3A_465] : memref<800x32xf32, #tpu.memory_space<vmem>> -> memref<80x32xf32, #tpu.memory_space<vmem>>
      %dma_start3A_467 = arith.constant 80 : i32
      %dma_start3A_468 = tpu.memref_slice %arg5[%dma_start3A_467] : memref<800xi32, #tpu.memory_space<vmem>> -> memref<80xi32, #tpu.memory_space<vmem>>
      %dma_start3A_469 = arith.constant 0 : i32
      %dma_start3A_470 = arith.constant 0 : i32
      %dma_start3A_471 = tpu.memref_slice %arg2[%dma_start3A_469, %dma_start3A_470] : memref<1015808x32xf32, #tpu.memory_space<hbm>> -> memref<1015808x32xf32, #tpu.memory_space<hbm>>
      tpu.enqueue_indirect_dma source(%dma_start3A_471 : memref<1015808x32xf32, #tpu.memory_space<hbm>>) target(%dma_start3A_466 : memref<80x32xf32, #tpu.memory_space<vmem>>) offsets(%dma_start3A_468 : memref<80xi32, #tpu.memory_space<vmem>>) semaphore(%arg11 : memref<!tpu.dma_semaphore, #tpu.memory_space<semaphore_mem>>)
      %dma_start3A_472 = arith.constant 160 : i32
      %dma_start3A_473 = arith.constant 0 : i32
      %dma_start3A_474 = tpu.memref_slice %arg7[%dma_start3A_472, %dma_start3A_473] : memref<800x32xf32, #tpu.memory_space<vmem>> -> memref<80x32xf32, #tpu.memory_space<vmem>>
      %dma_start3A_475 = arith.constant 160 : i32
      %dma_start3A_476 = tpu.memref_slice %arg5[%dma_start3A_475] : memref<800xi32, #tpu.memory_space<vmem>> -> memref<80xi32, #tpu.memory_space<vmem>>
      %dma_start3A_477 = arith.constant 0 : i32
      %dma_start3A_478 = arith.constant 0 : i32
      %dma_start3A_479 = tpu.memref_slice %arg2[%dma_start3A_477, %dma_start3A_478] : memref<1015808x32xf32, #tpu.memory_space<hbm>> -> memref<1015808x32xf32, #tpu.memory_space<hbm>>
      tpu.enqueue_indirect_dma source(%dma_start3A_479 : memref<1015808x32xf32, #tpu.memory_space<hbm>>) target(%dma_start3A_474 : memref<80x32xf32, #tpu.memory_space<vmem>>) offsets(%dma_start3A_476 : memref<80xi32, #tpu.memory_space<vmem>>) semaphore(%arg11 : memref<!tpu.dma_semaphore, #tpu.memory_space<semaphore_mem>>)
      %dma_start3A_480 = arith.constant 240 : i32
      %dma_start3A_481 = arith.constant 0 : i32
      %dma_start3A_482 = tpu.memref_slice %arg7[%dma_start3A_480, %dma_start3A_481] : memref<800x32xf32, #tpu.memory_space<vmem>> -> memref<80x32xf32, #tpu.memory_space<vmem>>
      %dma_start3A_483 = arith.constant 240 : i32
      %dma_start3A_484 = tpu.memref_slice %arg5[%dma_start3A_483] : memref<800xi32, #tpu.memory_space<vmem>> -> memref<80xi32, #tpu.memory_space<vmem>>
      %dma_start3A_485 = arith.constant 0 : i32
      %dma_start3A_486 = arith.constant 0 : i32
      %dma_start3A_487 = tpu.memref_slice %arg2[%dma_start3A_485, %dma_start3A_486] : memref<1015808x32xf32, #tpu.memory_space<hbm>> -> memref<1015808x32xf32, #tpu.memory_space<hbm>>
      tpu.enqueue_indirect_dma source(%dma_start3A_487 : memref<1015808x32xf32, #tpu.memory_space<hbm>>) target(%dma_start3A_482 : memref<80x32xf32, #tpu.memory_space<vmem>>) offsets(%dma_start3A_484 : memref<80xi32, #tpu.memory_space<vmem>>) semaphore(%arg11 : memref<!tpu.dma_semaphore, #tpu.memory_space<semaphore_mem>>)
      %dma_start3A_488 = arith.constant 320 : i32
      %dma_start3A_489 = arith.constant 0 : i32
      %dma_start3A_490 = tpu.memref_slice %arg7[%dma_start3A_488, %dma_start3A_489] : memref<800x32xf32, #tpu.memory_space<vmem>> -> memref<80x32xf32, #tpu.memory_space<vmem>>
      %dma_start3A_491 = arith.constant 320 : i32
      %dma_start3A_492 = tpu.memref_slice %arg5[%dma_start3A_491] : memref<800xi32, #tpu.memory_space<vmem>> -> memref<80xi32, #tpu.memory_space<vmem>>
      %dma_start3A_493 = arith.constant 0 : i32
      %dma_start3A_494 = arith.constant 0 : i32
      %dma_start3A_495 = tpu.memref_slice %arg2[%dma_start3A_493, %dma_start3A_494] : memref<1015808x32xf32, #tpu.memory_space<hbm>> -> memref<1015808x32xf32, #tpu.memory_space<hbm>>
      tpu.enqueue_indirect_dma source(%dma_start3A_495 : memref<1015808x32xf32, #tpu.memory_space<hbm>>) target(%dma_start3A_490 : memref<80x32xf32, #tpu.memory_space<vmem>>) offsets(%dma_start3A_492 : memref<80xi32, #tpu.memory_space<vmem>>) semaphore(%arg11 : memref<!tpu.dma_semaphore, #tpu.memory_space<semaphore_mem>>)
      %dma_start3A_496 = arith.constant 400 : i32
      %dma_start3A_497 = arith.constant 0 : i32
      %dma_start3A_498 = tpu.memref_slice %arg7[%dma_start3A_496, %dma_start3A_497] : memref<800x32xf32, #tpu.memory_space<vmem>> -> memref<80x32xf32, #tpu.memory_space<vmem>>
      %dma_start3A_499 = arith.constant 400 : i32
      %dma_start3A_500 = tpu.memref_slice %arg5[%dma_start3A_499] : memref<800xi32, #tpu.memory_space<vmem>> -> memref<80xi32, #tpu.memory_space<vmem>>
      %dma_start3A_501 = arith.constant 0 : i32
      %dma_start3A_502 = arith.constant 0 : i32
      %dma_start3A_503 = tpu.memref_slice %arg2[%dma_start3A_501, %dma_start3A_502] : memref<1015808x32xf32, #tpu.memory_space<hbm>> -> memref<1015808x32xf32, #tpu.memory_space<hbm>>
      tpu.enqueue_indirect_dma source(%dma_start3A_503 : memref<1015808x32xf32, #tpu.memory_space<hbm>>) target(%dma_start3A_498 : memref<80x32xf32, #tpu.memory_space<vmem>>) offsets(%dma_start3A_500 : memref<80xi32, #tpu.memory_space<vmem>>) semaphore(%arg11 : memref<!tpu.dma_semaphore, #tpu.memory_space<semaphore_mem>>)
      %dma_start3A_504 = arith.constant 480 : i32
      %dma_start3A_505 = arith.constant 0 : i32
      %dma_start3A_506 = tpu.memref_slice %arg7[%dma_start3A_504, %dma_start3A_505] : memref<800x32xf32, #tpu.memory_space<vmem>> -> memref<80x32xf32, #tpu.memory_space<vmem>>
      %dma_start3A_507 = arith.constant 480 : i32
      %dma_start3A_508 = tpu.memref_slice %arg5[%dma_start3A_507] : memref<800xi32, #tpu.memory_space<vmem>> -> memref<80xi32, #tpu.memory_space<vmem>>
      %dma_start3A_509 = arith.constant 0 : i32
      %dma_start3A_510 = arith.constant 0 : i32
      %dma_start3A_511 = tpu.memref_slice %arg2[%dma_start3A_509, %dma_start3A_510] : memref<1015808x32xf32, #tpu.memory_space<hbm>> -> memref<1015808x32xf32, #tpu.memory_space<hbm>>
      tpu.enqueue_indirect_dma source(%dma_start3A_511 : memref<1015808x32xf32, #tpu.memory_space<hbm>>) target(%dma_start3A_506 : memref<80x32xf32, #tpu.memory_space<vmem>>) offsets(%dma_start3A_508 : memref<80xi32, #tpu.memory_space<vmem>>) semaphore(%arg11 : memref<!tpu.dma_semaphore, #tpu.memory_space<semaphore_mem>>)
      %dma_start3A_512 = arith.constant 560 : i32
      %dma_start3A_513 = arith.constant 0 : i32
      %dma_start3A_514 = tpu.memref_slice %arg7[%dma_start3A_512, %dma_start3A_513] : memref<800x32xf32, #tpu.memory_space<vmem>> -> memref<80x32xf32, #tpu.memory_space<vmem>>
      %dma_start3A_515 = arith.constant 560 : i32
      %dma_start3A_516 = tpu.memref_slice %arg5[%dma_start3A_515] : memref<800xi32, #tpu.memory_space<vmem>> -> memref<80xi32, #tpu.memory_space<vmem>>
      %dma_start3A_517 = arith.constant 0 : i32
      %dma_start3A_518 = arith.constant 0 : i32
      %dma_start3A_519 = tpu.memref_slice %arg2[%dma_start3A_517, %dma_start3A_518] : memref<1015808x32xf32, #tpu.memory_space<hbm>> -> memref<1015808x32xf32, #tpu.memory_space<hbm>>
      tpu.enqueue_indirect_dma source(%dma_start3A_519 : memref<1015808x32xf32, #tpu.memory_space<hbm>>) target(%dma_start3A_514 : memref<80x32xf32, #tpu.memory_space<vmem>>) offsets(%dma_start3A_516 : memref<80xi32, #tpu.memory_space<vmem>>) semaphore(%arg11 : memref<!tpu.dma_semaphore, #tpu.memory_space<semaphore_mem>>)
      %dma_start3A_520 = arith.constant 640 : i32
      %dma_start3A_521 = arith.constant 0 : i32
      %dma_start3A_522 = tpu.memref_slice %arg7[%dma_start3A_520, %dma_start3A_521] : memref<800x32xf32, #tpu.memory_space<vmem>> -> memref<80x32xf32, #tpu.memory_space<vmem>>
      %dma_start3A_523 = arith.constant 640 : i32
      %dma_start3A_524 = tpu.memref_slice %arg5[%dma_start3A_523] : memref<800xi32, #tpu.memory_space<vmem>> -> memref<80xi32, #tpu.memory_space<vmem>>
      %dma_start3A_525 = arith.constant 0 : i32
      %dma_start3A_526 = arith.constant 0 : i32
      %dma_start3A_527 = tpu.memref_slice %arg2[%dma_start3A_525, %dma_start3A_526] : memref<1015808x32xf32, #tpu.memory_space<hbm>> -> memref<1015808x32xf32, #tpu.memory_space<hbm>>
      tpu.enqueue_indirect_dma source(%dma_start3A_527 : memref<1015808x32xf32, #tpu.memory_space<hbm>>) target(%dma_start3A_522 : memref<80x32xf32, #tpu.memory_space<vmem>>) offsets(%dma_start3A_524 : memref<80xi32, #tpu.memory_space<vmem>>) semaphore(%arg11 : memref<!tpu.dma_semaphore, #tpu.memory_space<semaphore_mem>>)
      %dma_start3A_528 = arith.constant 720 : i32
      %dma_start3A_529 = arith.constant 0 : i32
      %dma_start3A_530 = tpu.memref_slice %arg7[%dma_start3A_528, %dma_start3A_529] : memref<800x32xf32, #tpu.memory_space<vmem>> -> memref<80x32xf32, #tpu.memory_space<vmem>>
      %dma_start3A_531 = arith.constant 720 : i32
      %dma_start3A_532 = tpu.memref_slice %arg5[%dma_start3A_531] : memref<800xi32, #tpu.memory_space<vmem>> -> memref<80xi32, #tpu.memory_space<vmem>>
      %dma_start3A_533 = arith.constant 0 : i32
      %dma_start3A_534 = arith.constant 0 : i32
      %dma_start3A_535 = tpu.memref_slice %arg2[%dma_start3A_533, %dma_start3A_534] : memref<1015808x32xf32, #tpu.memory_space<hbm>> -> memref<1015808x32xf32, #tpu.memory_space<hbm>>
      tpu.enqueue_indirect_dma source(%dma_start3A_535 : memref<1015808x32xf32, #tpu.memory_space<hbm>>) target(%dma_start3A_530 : memref<80x32xf32, #tpu.memory_space<vmem>>) offsets(%dma_start3A_532 : memref<80xi32, #tpu.memory_space<vmem>>) semaphore(%arg11 : memref<!tpu.dma_semaphore, #tpu.memory_space<semaphore_mem>>)
      %dma_wait3A_536 = arith.constant 0 : i32
      %dma_wait3A_537 = arith.constant 0 : i32
      %dma_wait3A_538 = tpu.memref_slice %arg2[%dma_wait3A_536, %dma_wait3A_537] : memref<1015808x32xf32, #tpu.memory_space<hbm>> -> memref<800x32xf32, #tpu.memory_space<hbm>>
      %dma_wait3A_539 = arith.constant 0 : i32
      %dma_wait3A_540 = arith.constant 0 : i32
      %dma_wait3A_541 = tpu.memref_slice %arg2[%dma_wait3A_539, %dma_wait3A_540] : memref<1015808x32xf32, #tpu.memory_space<hbm>> -> memref<800x32xf32, #tpu.memory_space<hbm>>
      tpu.wait_dma2 semaphore(%arg12 : memref<!tpu.dma_semaphore, #tpu.memory_space<semaphore_mem>>) src(%dma_wait3A_541 : memref<800x32xf32, #tpu.memory_space<hbm>>) dst(%arg8 : memref<800x32xf32, #tpu.memory_space<vmem>>)
      %add3A_542 = arith.constant 1 : i32
      %add3A_543 = arith.addi %add3A_292, %add3A_542 : i32
      %mul3A_544 = arith.constant 16 : i32
      %mul3A_545 = arith.muli %add3A_543, %mul3A_544 : i32
      %add3A_546 = arith.addi %mul3A_2, %mul3A_545 : i32
      %sub3A_547 = arith.constant 16 : i32
      %sub3A_548 = arith.constant 0 : i32
      %sub3A_549 = arith.subi %sub3A_547, %sub3A_548 : i32
      %sub3A_550 = arith.constant 1 : i32
      %sub3A_551 = arith.constant 1 : i32
      %sub3A_552 = arith.subi %sub3A_550, %sub3A_551 : i32
      %add3A_553 = arith.addi %sub3A_549, %sub3A_552 : i32
      %div3A_554 = arith.constant 1 : i32
      %div3A_555 = arith.divsi %add3A_553, %div3A_554 : i32
      %while3A_556 = arith.constant 1 : i32
      %while3A_557 = arith.constant 0 : i32
      %while3A_558 = arith.constant 0 : i32
      %while3A_559 = arith.subi %div3A_555, %while3A_558 : i32
      %while3A_560 = arith.addi %while3A_558, %while3A_559 : i32
      %while3A_561 = arith.constant 1 : i32
      %while3A_562 = arith.divsi %while3A_559, %while3A_561 : i32
      %while3A_563 = arith.muli %while3A_562, %while3A_561 : i32
      %while3A_564 = arith.addi %while3A_558, %while3A_563 : i32
      %while3A_565 = arith.constant 1 : i32
      scf.for %while3A_567 = %while3A_558 to %while3A_564 step %while3A_565  : i32 {
        %mul3A_568 = arith.muli %while3A_567, %while3A_556 : i32
        %add3A_569 = arith.addi %while3A_557, %mul3A_568 : i32
        %mul3A_570 = arith.constant 50 : i32
        %mul3A_571 = arith.muli %add3A_569, %mul3A_570 : i32
        %broadcast_in_dim3A = arith.constant 0.000000e+00 : f32
        %broadcast_in_dim3A_572 = vector.broadcast %broadcast_in_dim3A : f32 to vector<16xf32>
        %scan3A = arith.constant 0 : i32
        %scan3A_573 = arith.constant 25 : i32
        %scan3A_574 = arith.addi %scan3A, %scan3A_573 : i32
        %scan3A_575 = arith.constant 5 : i32
        %scan3A_576:5 = scf.for %scan3A_595 = %scan3A to %scan3A_574 step %scan3A_575 iter_args(%scan3A_596 = %mul3A_571, %scan3A_597 = %broadcast_in_dim3A_572, %scan3A_598 = %broadcast_in_dim3A_572, %scan3A_599 = %broadcast_in_dim3A_572, %scan3A_600 = %broadcast_in_dim3A_572) -> (i32, vector<16xf32>, vector<16xf32>, vector<16xf32>, vector<16xf32>)  : i32 {
          %get3A = arith.index_cast %scan3A_596 : i32 to index
          %get3A_601 = arith.constant 0 : index
          %get3A_602 = tpu.vector_load %arg8[%get3A, %get3A_601] {strides = array<i32>} : memref<800x32xf32, #tpu.memory_space<vmem>>, vector<1x16xf32>,
          %get3A_603 = vector.shape_cast %get3A_602 : vector<1x16xf32> to vector<16xf32>
          %add3A_604 = arith.addf %scan3A_597, %get3A_603 : vector<16xf32>
          %get3A_605 = arith.index_cast %scan3A_596 : i32 to index
          %get3A_606 = arith.constant 16 : index
          %get3A_607 = tpu.vector_load %arg8[%get3A_605, %get3A_606] {strides = array<i32>} : memref<800x32xf32, #tpu.memory_space<vmem>>, vector<1x16xf32>,
          %get3A_608 = vector.shape_cast %get3A_607 : vector<1x16xf32> to vector<16xf32>
          %add3A_609 = arith.addf %scan3A_598, %get3A_608 : vector<16xf32>
          %add3A_610 = arith.constant 1 : i32
          %add3A_611 = arith.addi %scan3A_596, %add3A_610 : i32
          %get3A_612 = arith.index_cast %add3A_611 : i32 to index
          %get3A_613 = arith.constant 0 : index
          %get3A_614 = tpu.vector_load %arg8[%get3A_612, %get3A_613] {strides = array<i32>} : memref<800x32xf32, #tpu.memory_space<vmem>>, vector<1x16xf32>,
          %get3A_615 = vector.shape_cast %get3A_614 : vector<1x16xf32> to vector<16xf32>
          %add3A_616 = arith.addf %scan3A_599, %get3A_615 : vector<16xf32>
          %add3A_617 = arith.constant 1 : i32
          %add3A_618 = arith.addi %scan3A_596, %add3A_617 : i32
          %get3A_619 = arith.index_cast %add3A_618 : i32 to index
          %get3A_620 = arith.constant 16 : index
          %get3A_621 = tpu.vector_load %arg8[%get3A_619, %get3A_620] {strides = array<i32>} : memref<800x32xf32, #tpu.memory_space<vmem>>, vector<1x16xf32>,
          %get3A_622 = vector.shape_cast %get3A_621 : vector<1x16xf32> to vector<16xf32>
          %add3A_623 = arith.addf %scan3A_600, %get3A_622 : vector<16xf32>
          %add3A_624 = arith.constant 2 : i32
          %add3A_625 = arith.addi %scan3A_596, %add3A_624 : i32
          %scan3A_626 = arith.constant 1 : i32
          %scan3A_627 = arith.addi %scan3A_595, %scan3A_626 : i32
          %get3A_628 = arith.index_cast %add3A_625 : i32 to index
          %get3A_629 = arith.constant 0 : index
          %get3A_630 = tpu.vector_load %arg8[%get3A_628, %get3A_629] {strides = array<i32>} : memref<800x32xf32, #tpu.memory_space<vmem>>, vector<1x16xf32>,
          %get3A_631 = vector.shape_cast %get3A_630 : vector<1x16xf32> to vector<16xf32>
          %add3A_632 = arith.addf %add3A_604, %get3A_631 : vector<16xf32>
          %get3A_633 = arith.index_cast %add3A_625 : i32 to index
          %get3A_634 = arith.constant 16 : index
          %get3A_635 = tpu.vector_load %arg8[%get3A_633, %get3A_634] {strides = array<i32>} : memref<800x32xf32, #tpu.memory_space<vmem>>, vector<1x16xf32>,
          %get3A_636 = vector.shape_cast %get3A_635 : vector<1x16xf32> to vector<16xf32>
          %add3A_637 = arith.addf %add3A_609, %get3A_636 : vector<16xf32>
          %add3A_638 = arith.constant 1 : i32
          %add3A_639 = arith.addi %add3A_625, %add3A_638 : i32
          %get3A_640 = arith.index_cast %add3A_639 : i32 to index
          %get3A_641 = arith.constant 0 : index
          %get3A_642 = tpu.vector_load %arg8[%get3A_640, %get3A_641] {strides = array<i32>} : memref<800x32xf32, #tpu.memory_space<vmem>>, vector<1x16xf32>,
          %get3A_643 = vector.shape_cast %get3A_642 : vector<1x16xf32> to vector<16xf32>
          %add3A_644 = arith.addf %add3A_616, %get3A_643 : vector<16xf32>
          %add3A_645 = arith.constant 1 : i32
          %add3A_646 = arith.addi %add3A_625, %add3A_645 : i32
          %get3A_647 = arith.index_cast %add3A_646 : i32 to index
          %get3A_648 = arith.constant 16 : index
          %get3A_649 = tpu.vector_load %arg8[%get3A_647, %get3A_648] {strides = array<i32>} : memref<800x32xf32, #tpu.memory_space<vmem>>, vector<1x16xf32>,
          %get3A_650 = vector.shape_cast %get3A_649 : vector<1x16xf32> to vector<16xf32>
          %add3A_651 = arith.addf %add3A_623, %get3A_650 : vector<16xf32>
          %add3A_652 = arith.constant 2 : i32
          %add3A_653 = arith.addi %add3A_625, %add3A_652 : i32
          %scan3A_654 = arith.constant 2 : i32
          %scan3A_655 = arith.addi %scan3A_595, %scan3A_654 : i32
          %get3A_656 = arith.index_cast %add3A_653 : i32 to index
          %get3A_657 = arith.constant 0 : index
          %get3A_658 = tpu.vector_load %arg8[%get3A_656, %get3A_657] {strides = array<i32>} : memref<800x32xf32, #tpu.memory_space<vmem>>, vector<1x16xf32>,
          %get3A_659 = vector.shape_cast %get3A_658 : vector<1x16xf32> to vector<16xf32>
          %add3A_660 = arith.addf %add3A_632, %get3A_659 : vector<16xf32>
          %get3A_661 = arith.index_cast %add3A_653 : i32 to index
          %get3A_662 = arith.constant 16 : index
          %get3A_663 = tpu.vector_load %arg8[%get3A_661, %get3A_662] {strides = array<i32>} : memref<800x32xf32, #tpu.memory_space<vmem>>, vector<1x16xf32>,
          %get3A_664 = vector.shape_cast %get3A_663 : vector<1x16xf32> to vector<16xf32>
          %add3A_665 = arith.addf %add3A_637, %get3A_664 : vector<16xf32>
          %add3A_666 = arith.constant 1 : i32
          %add3A_667 = arith.addi %add3A_653, %add3A_666 : i32
          %get3A_668 = arith.index_cast %add3A_667 : i32 to index
          %get3A_669 = arith.constant 0 : index
          %get3A_670 = tpu.vector_load %arg8[%get3A_668, %get3A_669] {strides = array<i32>} : memref<800x32xf32, #tpu.memory_space<vmem>>, vector<1x16xf32>,
          %get3A_671 = vector.shape_cast %get3A_670 : vector<1x16xf32> to vector<16xf32>
          %add3A_672 = arith.addf %add3A_644, %get3A_671 : vector<16xf32>
          %add3A_673 = arith.constant 1 : i32
          %add3A_674 = arith.addi %add3A_653, %add3A_673 : i32
          %get3A_675 = arith.index_cast %add3A_674 : i32 to index
          %get3A_676 = arith.constant 16 : index
          %get3A_677 = tpu.vector_load %arg8[%get3A_675, %get3A_676] {strides = array<i32>} : memref<800x32xf32, #tpu.memory_space<vmem>>, vector<1x16xf32>,
          %get3A_678 = vector.shape_cast %get3A_677 : vector<1x16xf32> to vector<16xf32>
          %add3A_679 = arith.addf %add3A_651, %get3A_678 : vector<16xf32>
          %add3A_680 = arith.constant 2 : i32
          %add3A_681 = arith.addi %add3A_653, %add3A_680 : i32
          %scan3A_682 = arith.constant 3 : i32
          %scan3A_683 = arith.addi %scan3A_595, %scan3A_682 : i32
          %get3A_684 = arith.index_cast %add3A_681 : i32 to index
          %get3A_685 = arith.constant 0 : index
          %get3A_686 = tpu.vector_load %arg8[%get3A_684, %get3A_685] {strides = array<i32>} : memref<800x32xf32, #tpu.memory_space<vmem>>, vector<1x16xf32>,
          %get3A_687 = vector.shape_cast %get3A_686 : vector<1x16xf32> to vector<16xf32>
          %add3A_688 = arith.addf %add3A_660, %get3A_687 : vector<16xf32>
          %get3A_689 = arith.index_cast %add3A_681 : i32 to index
          %get3A_690 = arith.constant 16 : index
          %get3A_691 = tpu.vector_load %arg8[%get3A_689, %get3A_690] {strides = array<i32>} : memref<800x32xf32, #tpu.memory_space<vmem>>, vector<1x16xf32>,
          %get3A_692 = vector.shape_cast %get3A_691 : vector<1x16xf32> to vector<16xf32>
          %add3A_693 = arith.addf %add3A_665, %get3A_692 : vector<16xf32>
          %add3A_694 = arith.constant 1 : i32
          %add3A_695 = arith.addi %add3A_681, %add3A_694 : i32
          %get3A_696 = arith.index_cast %add3A_695 : i32 to index
          %get3A_697 = arith.constant 0 : index
          %get3A_698 = tpu.vector_load %arg8[%get3A_696, %get3A_697] {strides = array<i32>} : memref<800x32xf32, #tpu.memory_space<vmem>>, vector<1x16xf32>,
          %get3A_699 = vector.shape_cast %get3A_698 : vector<1x16xf32> to vector<16xf32>
          %add3A_700 = arith.addf %add3A_672, %get3A_699 : vector<16xf32>
          %add3A_701 = arith.constant 1 : i32
          %add3A_702 = arith.addi %add3A_681, %add3A_701 : i32
          %get3A_703 = arith.index_cast %add3A_702 : i32 to index
          %get3A_704 = arith.constant 16 : index
          %get3A_705 = tpu.vector_load %arg8[%get3A_703, %get3A_704] {strides = array<i32>} : memref<800x32xf32, #tpu.memory_space<vmem>>, vector<1x16xf32>,
          %get3A_706 = vector.shape_cast %get3A_705 : vector<1x16xf32> to vector<16xf32>
          %add3A_707 = arith.addf %add3A_679, %get3A_706 : vector<16xf32>
          %add3A_708 = arith.constant 2 : i32
          %add3A_709 = arith.addi %add3A_681, %add3A_708 : i32
          %scan3A_710 = arith.constant 4 : i32
          %scan3A_711 = arith.addi %scan3A_595, %scan3A_710 : i32
          %get3A_712 = arith.index_cast %add3A_709 : i32 to index
          %get3A_713 = arith.constant 0 : index
          %get3A_714 = tpu.vector_load %arg8[%get3A_712, %get3A_713] {strides = array<i32>} : memref<800x32xf32, #tpu.memory_space<vmem>>, vector<1x16xf32>,
          %get3A_715 = vector.shape_cast %get3A_714 : vector<1x16xf32> to vector<16xf32>
          %add3A_716 = arith.addf %add3A_688, %get3A_715 : vector<16xf32>
          %get3A_717 = arith.index_cast %add3A_709 : i32 to index
          %get3A_718 = arith.constant 16 : index
          %get3A_719 = tpu.vector_load %arg8[%get3A_717, %get3A_718] {strides = array<i32>} : memref<800x32xf32, #tpu.memory_space<vmem>>, vector<1x16xf32>,
          %get3A_720 = vector.shape_cast %get3A_719 : vector<1x16xf32> to vector<16xf32>
          %add3A_721 = arith.addf %add3A_693, %get3A_720 : vector<16xf32>
          %add3A_722 = arith.constant 1 : i32
          %add3A_723 = arith.addi %add3A_709, %add3A_722 : i32
          %get3A_724 = arith.index_cast %add3A_723 : i32 to index
          %get3A_725 = arith.constant 0 : index
          %get3A_726 = tpu.vector_load %arg8[%get3A_724, %get3A_725] {strides = array<i32>} : memref<800x32xf32, #tpu.memory_space<vmem>>, vector<1x16xf32>,
          %get3A_727 = vector.shape_cast %get3A_726 : vector<1x16xf32> to vector<16xf32>
          %add3A_728 = arith.addf %add3A_700, %get3A_727 : vector<16xf32>
          %add3A_729 = arith.constant 1 : i32
          %add3A_730 = arith.addi %add3A_709, %add3A_729 : i32
          %get3A_731 = arith.index_cast %add3A_730 : i32 to index
          %get3A_732 = arith.constant 16 : index
          %get3A_733 = tpu.vector_load %arg8[%get3A_731, %get3A_732] {strides = array<i32>} : memref<800x32xf32, #tpu.memory_space<vmem>>, vector<1x16xf32>,
          %get3A_734 = vector.shape_cast %get3A_733 : vector<1x16xf32> to vector<16xf32>
          %add3A_735 = arith.addf %add3A_707, %get3A_734 : vector<16xf32>
          %add3A_736 = arith.constant 2 : i32
          %add3A_737 = arith.addi %add3A_709, %add3A_736 : i32
          scf.yield %add3A_737, %add3A_716, %add3A_721, %add3A_728, %add3A_735 : i32, vector<16xf32>, vector<16xf32>, vector<16xf32>, vector<16xf32>
        }
        %scan3A_577 = arith.constant 25 : i32
        %add3A_578 = arith.addf %scan3A_576#1, %scan3A_576#3 : vector<16xf32>
        %mul3A_579 = arith.constant 2.000000e-02 : f32
        %mul3A_580 = vector.broadcast %mul3A_579 : f32 to vector<16xf32>
        %mul3A_581 = arith.mulf %add3A_578, %mul3A_580 : vector<16xf32>
        %swap3A = arith.index_cast %add3A_569 : i32 to index
        %swap3A_582 = arith.constant 0 : index
        %swap3A_583 = tpu.vector_load %arg10[%swap3A, %swap3A_582] {strides = array<i32>} : memref<16x32xf32, #tpu.memory_space<vmem>>, vector<1x16xf32>,
        %swap3A_584 = vector.shape_cast %swap3A_583 : vector<1x16xf32> to vector<16xf32>
        %swap3A_585 = vector.shape_cast %mul3A_581 : vector<16xf32> to vector<1x16xf32>
        tpu.vector_store %arg10[%swap3A, %swap3A_582], %swap3A_585 {strides = array<i32>} : memref<16x32xf32, #tpu.memory_space<vmem>>, vector<1x16xf32>,
        %add3A_586 = arith.addf %scan3A_576#2, %scan3A_576#4 : vector<16xf32>
        %mul3A_587 = arith.constant 2.000000e-02 : f32
        %mul3A_588 = vector.broadcast %mul3A_587 : f32 to vector<16xf32>
        %mul3A_589 = arith.mulf %add3A_586, %mul3A_588 : vector<16xf32>
        %swap3A_590 = arith.index_cast %add3A_569 : i32 to index
        %swap3A_591 = arith.constant 16 : index
        %swap3A_592 = tpu.vector_load %arg10[%swap3A_590, %swap3A_591] {strides = array<i32>} : memref<16x32xf32, #tpu.memory_space<vmem>>, vector<1x16xf32>,
        %swap3A_593 = vector.shape_cast %swap3A_592 : vector<1x16xf32> to vector<16xf32>
        %swap3A_594 = vector.shape_cast %mul3A_589 : vector<16xf32> to vector<1x16xf32>
        tpu.vector_store %arg10[%swap3A_590, %swap3A_591], %swap3A_594 {strides = array<i32>} : memref<16x32xf32, #tpu.memory_space<vmem>>, vector<1x16xf32>,
      }
      %while3A_566 = arith.constant 1 : i32
      scf.for %while3A_567 = %while3A_564 to %while3A_560 step %while3A_566  : i32 {
        %mul3A_568 = arith.muli %while3A_567, %while3A_556 : i32
        %add3A_569 = arith.addi %while3A_557, %mul3A_568 : i32
        %mul3A_570 = arith.constant 50 : i32
        %mul3A_571 = arith.muli %add3A_569, %mul3A_570 : i32
        %broadcast_in_dim3A = arith.constant 0.000000e+00 : f32
        %broadcast_in_dim3A_572 = vector.broadcast %broadcast_in_dim3A : f32 to vector<16xf32>
        %scan3A = arith.constant 0 : i32
        %scan3A_573 = arith.constant 25 : i32
        %scan3A_574 = arith.addi %scan3A, %scan3A_573 : i32
        %scan3A_575 = arith.constant 5 : i32
        %scan3A_576:5 = scf.for %scan3A_595 = %scan3A to %scan3A_574 step %scan3A_575 iter_args(%scan3A_596 = %mul3A_571, %scan3A_597 = %broadcast_in_dim3A_572, %scan3A_598 = %broadcast_in_dim3A_572, %scan3A_599 = %broadcast_in_dim3A_572, %scan3A_600 = %broadcast_in_dim3A_572) -> (i32, vector<16xf32>, vector<16xf32>, vector<16xf32>, vector<16xf32>)  : i32 {
          %get3A = arith.index_cast %scan3A_596 : i32 to index
          %get3A_601 = arith.constant 0 : index
          %get3A_602 = tpu.vector_load %arg8[%get3A, %get3A_601] {strides = array<i32>} : memref<800x32xf32, #tpu.memory_space<vmem>>, vector<1x16xf32>,
          %get3A_603 = vector.shape_cast %get3A_602 : vector<1x16xf32> to vector<16xf32>
          %add3A_604 = arith.addf %scan3A_597, %get3A_603 : vector<16xf32>
          %get3A_605 = arith.index_cast %scan3A_596 : i32 to index
          %get3A_606 = arith.constant 16 : index
          %get3A_607 = tpu.vector_load %arg8[%get3A_605, %get3A_606] {strides = array<i32>} : memref<800x32xf32, #tpu.memory_space<vmem>>, vector<1x16xf32>,
          %get3A_608 = vector.shape_cast %get3A_607 : vector<1x16xf32> to vector<16xf32>
          %add3A_609 = arith.addf %scan3A_598, %get3A_608 : vector<16xf32>
          %add3A_610 = arith.constant 1 : i32
          %add3A_611 = arith.addi %scan3A_596, %add3A_610 : i32
          %get3A_612 = arith.index_cast %add3A_611 : i32 to index
          %get3A_613 = arith.constant 0 : index
          %get3A_614 = tpu.vector_load %arg8[%get3A_612, %get3A_613] {strides = array<i32>} : memref<800x32xf32, #tpu.memory_space<vmem>>, vector<1x16xf32>,
          %get3A_615 = vector.shape_cast %get3A_614 : vector<1x16xf32> to vector<16xf32>
          %add3A_616 = arith.addf %scan3A_599, %get3A_615 : vector<16xf32>
          %add3A_617 = arith.constant 1 : i32
          %add3A_618 = arith.addi %scan3A_596, %add3A_617 : i32
          %get3A_619 = arith.index_cast %add3A_618 : i32 to index
          %get3A_620 = arith.constant 16 : index
          %get3A_621 = tpu.vector_load %arg8[%get3A_619, %get3A_620] {strides = array<i32>} : memref<800x32xf32, #tpu.memory_space<vmem>>, vector<1x16xf32>,
          %get3A_622 = vector.shape_cast %get3A_621 : vector<1x16xf32> to vector<16xf32>
          %add3A_623 = arith.addf %scan3A_600, %get3A_622 : vector<16xf32>
          %add3A_624 = arith.constant 2 : i32
          %add3A_625 = arith.addi %scan3A_596, %add3A_624 : i32
          %scan3A_626 = arith.constant 1 : i32
          %scan3A_627 = arith.addi %scan3A_595, %scan3A_626 : i32
          %get3A_628 = arith.index_cast %add3A_625 : i32 to index
          %get3A_629 = arith.constant 0 : index
          %get3A_630 = tpu.vector_load %arg8[%get3A_628, %get3A_629] {strides = array<i32>} : memref<800x32xf32, #tpu.memory_space<vmem>>, vector<1x16xf32>,
          %get3A_631 = vector.shape_cast %get3A_630 : vector<1x16xf32> to vector<16xf32>
          %add3A_632 = arith.addf %add3A_604, %get3A_631 : vector<16xf32>
          %get3A_633 = arith.index_cast %add3A_625 : i32 to index
          %get3A_634 = arith.constant 16 : index
          %get3A_635 = tpu.vector_load %arg8[%get3A_633, %get3A_634] {strides = array<i32>} : memref<800x32xf32, #tpu.memory_space<vmem>>, vector<1x16xf32>,
          %get3A_636 = vector.shape_cast %get3A_635 : vector<1x16xf32> to vector<16xf32>
          %add3A_637 = arith.addf %add3A_609, %get3A_636 : vector<16xf32>
          %add3A_638 = arith.constant 1 : i32
          %add3A_639 = arith.addi %add3A_625, %add3A_638 : i32
          %get3A_640 = arith.index_cast %add3A_639 : i32 to index
          %get3A_641 = arith.constant 0 : index
          %get3A_642 = tpu.vector_load %arg8[%get3A_640, %get3A_641] {strides = array<i32>} : memref<800x32xf32, #tpu.memory_space<vmem>>, vector<1x16xf32>,
          %get3A_643 = vector.shape_cast %get3A_642 : vector<1x16xf32> to vector<16xf32>
          %add3A_644 = arith.addf %add3A_616, %get3A_643 : vector<16xf32>
          %add3A_645 = arith.constant 1 : i32
          %add3A_646 = arith.addi %add3A_625, %add3A_645 : i32
          %get3A_647 = arith.index_cast %add3A_646 : i32 to index
          %get3A_648 = arith.constant 16 : index
          %get3A_649 = tpu.vector_load %arg8[%get3A_647, %get3A_648] {strides = array<i32>} : memref<800x32xf32, #tpu.memory_space<vmem>>, vector<1x16xf32>,
          %get3A_650 = vector.shape_cast %get3A_649 : vector<1x16xf32> to vector<16xf32>
          %add3A_651 = arith.addf %add3A_623, %get3A_650 : vector<16xf32>
          %add3A_652 = arith.constant 2 : i32
          %add3A_653 = arith.addi %add3A_625, %add3A_652 : i32
          %scan3A_654 = arith.constant 2 : i32
          %scan3A_655 = arith.addi %scan3A_595, %scan3A_654 : i32
          %get3A_656 = arith.index_cast %add3A_653 : i32 to index
          %get3A_657 = arith.constant 0 : index
          %get3A_658 = tpu.vector_load %arg8[%get3A_656, %get3A_657] {strides = array<i32>} : memref<800x32xf32, #tpu.memory_space<vmem>>, vector<1x16xf32>,
          %get3A_659 = vector.shape_cast %get3A_658 : vector<1x16xf32> to vector<16xf32>
          %add3A_660 = arith.addf %add3A_632, %get3A_659 : vector<16xf32>
          %get3A_661 = arith.index_cast %add3A_653 : i32 to index
          %get3A_662 = arith.constant 16 : index
          %get3A_663 = tpu.vector_load %arg8[%get3A_661, %get3A_662] {strides = array<i32>} : memref<800x32xf32, #tpu.memory_space<vmem>>, vector<1x16xf32>,
          %get3A_664 = vector.shape_cast %get3A_663 : vector<1x16xf32> to vector<16xf32>
          %add3A_665 = arith.addf %add3A_637, %get3A_664 : vector<16xf32>
          %add3A_666 = arith.constant 1 : i32
          %add3A_667 = arith.addi %add3A_653, %add3A_666 : i32
          %get3A_668 = arith.index_cast %add3A_667 : i32 to index
          %get3A_669 = arith.constant 0 : index
          %get3A_670 = tpu.vector_load %arg8[%get3A_668, %get3A_669] {strides = array<i32>} : memref<800x32xf32, #tpu.memory_space<vmem>>, vector<1x16xf32>,
          %get3A_671 = vector.shape_cast %get3A_670 : vector<1x16xf32> to vector<16xf32>
          %add3A_672 = arith.addf %add3A_644, %get3A_671 : vector<16xf32>
          %add3A_673 = arith.constant 1 : i32
          %add3A_674 = arith.addi %add3A_653, %add3A_673 : i32
          %get3A_675 = arith.index_cast %add3A_674 : i32 to index
          %get3A_676 = arith.constant 16 : index
          %get3A_677 = tpu.vector_load %arg8[%get3A_675, %get3A_676] {strides = array<i32>} : memref<800x32xf32, #tpu.memory_space<vmem>>, vector<1x16xf32>,
          %get3A_678 = vector.shape_cast %get3A_677 : vector<1x16xf32> to vector<16xf32>
          %add3A_679 = arith.addf %add3A_651, %get3A_678 : vector<16xf32>
          %add3A_680 = arith.constant 2 : i32
          %add3A_681 = arith.addi %add3A_653, %add3A_680 : i32
          %scan3A_682 = arith.constant 3 : i32
          %scan3A_683 = arith.addi %scan3A_595, %scan3A_682 : i32
          %get3A_684 = arith.index_cast %add3A_681 : i32 to index
          %get3A_685 = arith.constant 0 : index
          %get3A_686 = tpu.vector_load %arg8[%get3A_684, %get3A_685] {strides = array<i32>} : memref<800x32xf32, #tpu.memory_space<vmem>>, vector<1x16xf32>,
          %get3A_687 = vector.shape_cast %get3A_686 : vector<1x16xf32> to vector<16xf32>
          %add3A_688 = arith.addf %add3A_660, %get3A_687 : vector<16xf32>
          %get3A_689 = arith.index_cast %add3A_681 : i32 to index
          %get3A_690 = arith.constant 16 : index
          %get3A_691 = tpu.vector_load %arg8[%get3A_689, %get3A_690] {strides = array<i32>} : memref<800x32xf32, #tpu.memory_space<vmem>>, vector<1x16xf32>,
          %get3A_692 = vector.shape_cast %get3A_691 : vector<1x16xf32> to vector<16xf32>
          %add3A_693 = arith.addf %add3A_665, %get3A_692 : vector<16xf32>
          %add3A_694 = arith.constant 1 : i32
          %add3A_695 = arith.addi %add3A_681, %add3A_694 : i32
          %get3A_696 = arith.index_cast %add3A_695 : i32 to index
          %get3A_697 = arith.constant 0 : index
          %get3A_698 = tpu.vector_load %arg8[%get3A_696, %get3A_697] {strides = array<i32>} : memref<800x32xf32, #tpu.memory_space<vmem>>, vector<1x16xf32>,
          %get3A_699 = vector.shape_cast %get3A_698 : vector<1x16xf32> to vector<16xf32>
          %add3A_700 = arith.addf %add3A_672, %get3A_699 : vector<16xf32>
          %add3A_701 = arith.constant 1 : i32
          %add3A_702 = arith.addi %add3A_681, %add3A_701 : i32
          %get3A_703 = arith.index_cast %add3A_702 : i32 to index
          %get3A_704 = arith.constant 16 : index
          %get3A_705 = tpu.vector_load %arg8[%get3A_703, %get3A_704] {strides = array<i32>} : memref<800x32xf32, #tpu.memory_space<vmem>>, vector<1x16xf32>,
          %get3A_706 = vector.shape_cast %get3A_705 : vector<1x16xf32> to vector<16xf32>
          %add3A_707 = arith.addf %add3A_679, %get3A_706 : vector<16xf32>
          %add3A_708 = arith.constant 2 : i32
          %add3A_709 = arith.addi %add3A_681, %add3A_708 : i32
          %scan3A_710 = arith.constant 4 : i32
          %scan3A_711 = arith.addi %scan3A_595, %scan3A_710 : i32
          %get3A_712 = arith.index_cast %add3A_709 : i32 to index
          %get3A_713 = arith.constant 0 : index
          %get3A_714 = tpu.vector_load %arg8[%get3A_712, %get3A_713] {strides = array<i32>} : memref<800x32xf32, #tpu.memory_space<vmem>>, vector<1x16xf32>,
          %get3A_715 = vector.shape_cast %get3A_714 : vector<1x16xf32> to vector<16xf32>
          %add3A_716 = arith.addf %add3A_688, %get3A_715 : vector<16xf32>
          %get3A_717 = arith.index_cast %add3A_709 : i32 to index
          %get3A_718 = arith.constant 16 : index
          %get3A_719 = tpu.vector_load %arg8[%get3A_717, %get3A_718] {strides = array<i32>} : memref<800x32xf32, #tpu.memory_space<vmem>>, vector<1x16xf32>,
          %get3A_720 = vector.shape_cast %get3A_719 : vector<1x16xf32> to vector<16xf32>
          %add3A_721 = arith.addf %add3A_693, %get3A_720 : vector<16xf32>
          %add3A_722 = arith.constant 1 : i32
          %add3A_723 = arith.addi %add3A_709, %add3A_722 : i32
          %get3A_724 = arith.index_cast %add3A_723 : i32 to index
          %get3A_725 = arith.constant 0 : index
          %get3A_726 = tpu.vector_load %arg8[%get3A_724, %get3A_725] {strides = array<i32>} : memref<800x32xf32, #tpu.memory_space<vmem>>, vector<1x16xf32>,
          %get3A_727 = vector.shape_cast %get3A_726 : vector<1x16xf32> to vector<16xf32>
          %add3A_728 = arith.addf %add3A_700, %get3A_727 : vector<16xf32>
          %add3A_729 = arith.constant 1 : i32
          %add3A_730 = arith.addi %add3A_709, %add3A_729 : i32
          %get3A_731 = arith.index_cast %add3A_730 : i32 to index
          %get3A_732 = arith.constant 16 : index
          %get3A_733 = tpu.vector_load %arg8[%get3A_731, %get3A_732] {strides = array<i32>} : memref<800x32xf32, #tpu.memory_space<vmem>>, vector<1x16xf32>,
          %get3A_734 = vector.shape_cast %get3A_733 : vector<1x16xf32> to vector<16xf32>
          %add3A_735 = arith.addf %add3A_707, %get3A_734 : vector<16xf32>
          %add3A_736 = arith.constant 2 : i32
          %add3A_737 = arith.addi %add3A_709, %add3A_736 : i32
          scf.yield %add3A_737, %add3A_716, %add3A_721, %add3A_728, %add3A_735 : i32, vector<16xf32>, vector<16xf32>, vector<16xf32>, vector<16xf32>
        }
        %scan3A_577 = arith.constant 25 : i32
        %add3A_578 = arith.addf %scan3A_576#1, %scan3A_576#3 : vector<16xf32>
        %mul3A_579 = arith.constant 2.000000e-02 : f32
        %mul3A_580 = vector.broadcast %mul3A_579 : f32 to vector<16xf32>
        %mul3A_581 = arith.mulf %add3A_578, %mul3A_580 : vector<16xf32>
        %swap3A = arith.index_cast %add3A_569 : i32 to index
        %swap3A_582 = arith.constant 0 : index
        %swap3A_583 = tpu.vector_load %arg10[%swap3A, %swap3A_582] {strides = array<i32>} : memref<16x32xf32, #tpu.memory_space<vmem>>, vector<1x16xf32>,
        %swap3A_584 = vector.shape_cast %swap3A_583 : vector<1x16xf32> to vector<16xf32>
        %swap3A_585 = vector.shape_cast %mul3A_581 : vector<16xf32> to vector<1x16xf32>
        tpu.vector_store %arg10[%swap3A, %swap3A_582], %swap3A_585 {strides = array<i32>} : memref<16x32xf32, #tpu.memory_space<vmem>>, vector<1x16xf32>,
        %add3A_586 = arith.addf %scan3A_576#2, %scan3A_576#4 : vector<16xf32>
        %mul3A_587 = arith.constant 2.000000e-02 : f32
        %mul3A_588 = vector.broadcast %mul3A_587 : f32 to vector<16xf32>
        %mul3A_589 = arith.mulf %add3A_586, %mul3A_588 : vector<16xf32>
        %swap3A_590 = arith.index_cast %add3A_569 : i32 to index
        %swap3A_591 = arith.constant 16 : index
        %swap3A_592 = tpu.vector_load %arg10[%swap3A_590, %swap3A_591] {strides = array<i32>} : memref<16x32xf32, #tpu.memory_space<vmem>>, vector<1x16xf32>,
        %swap3A_593 = vector.shape_cast %swap3A_592 : vector<1x16xf32> to vector<16xf32>
        %swap3A_594 = vector.shape_cast %mul3A_589 : vector<16xf32> to vector<1x16xf32>
        tpu.vector_store %arg10[%swap3A_590, %swap3A_591], %swap3A_594 {strides = array<i32>} : memref<16x32xf32, #tpu.memory_space<vmem>>, vector<1x16xf32>,
      }
      "tpu.region"() ({
        %run_scoped3A = tpu.sem_alloc : memref<!tpu.dma_semaphore, #tpu.memory_space<semaphore_mem>>
        %dma_start3A_567 = arith.constant 0 : i32
        %dma_start3A_568 = tpu.memref_slice %arg4[%add3A_546, %dma_start3A_567] : memref<16384x32xf32, #tpu.memory_space<hbm>> -> memref<16x32xf32, #tpu.memory_space<hbm>>
        %dma_start3A_569 = arith.constant 0 : i32
        %dma_start3A_570 = tpu.memref_slice %arg4[%add3A_546, %dma_start3A_569] : memref<16384x32xf32, #tpu.memory_space<hbm>> -> memref<16x32xf32, #tpu.memory_space<hbm>>
        tpu.enqueue_dma source(%arg10 : memref<16x32xf32, #tpu.memory_space<vmem>>) target(%dma_start3A_570 : memref<16x32xf32, #tpu.memory_space<hbm>>) target_semaphore(%run_scoped3A : memref<!tpu.dma_semaphore, #tpu.memory_space<semaphore_mem>>)
        %dma_wait3A_571 = arith.constant 0 : i32
        %dma_wait3A_572 = tpu.memref_slice %arg4[%add3A_546, %dma_wait3A_571] : memref<16384x32xf32, #tpu.memory_space<hbm>> -> memref<16x32xf32, #tpu.memory_space<hbm>>
        %dma_wait3A_573 = arith.constant 0 : i32
        %dma_wait3A_574 = tpu.memref_slice %arg4[%add3A_546, %dma_wait3A_573] : memref<16384x32xf32, #tpu.memory_space<hbm>> -> memref<16x32xf32, #tpu.memory_space<hbm>>
        tpu.wait_dma2 semaphore(%run_scoped3A : memref<!tpu.dma_semaphore, #tpu.memory_space<semaphore_mem>>) src(%arg10 : memref<16x32xf32, #tpu.memory_space<vmem>>) dst(%dma_wait3A_574 : memref<16x32xf32, #tpu.memory_space<hbm>>)
        tpu.yield
      }) : () -> ()
    }
    %mul3A_125 = arith.constant 31 : i32
    %mul3A_126 = arith.constant 16 : i32
    %mul3A_127 = arith.muli %mul3A_125, %mul3A_126 : i32
    %add3A_128 = arith.addi %mul3A_2, %mul3A_127 : i32
    %mul3A_129 = arith.constant 50 : i32
    %mul3A_130 = arith.muli %add3A_128, %mul3A_129 : i32
    "tpu.region"() ({
      %run_scoped3A = tpu.sem_alloc : memref<!tpu.dma_semaphore, #tpu.memory_space<semaphore_mem>>
      %dma_start3A_290 = tpu.memref_slice %arg3[%mul3A_130] : memref<819200xi32, #tpu.memory_space<hbm>> -> memref<800xi32, #tpu.memory_space<hbm>>
      %dma_start3A_291 = tpu.memref_slice %arg3[%mul3A_130] : memref<819200xi32, #tpu.memory_space<hbm>> -> memref<800xi32, #tpu.memory_space<hbm>>
      tpu.enqueue_dma source(%dma_start3A_291 : memref<800xi32, #tpu.memory_space<hbm>>) target(%arg6 : memref<800xi32, #tpu.memory_space<vmem>>) target_semaphore(%run_scoped3A : memref<!tpu.dma_semaphore, #tpu.memory_space<semaphore_mem>>)
      %dma_wait3A_292 = tpu.memref_slice %arg3[%mul3A_130] : memref<819200xi32, #tpu.memory_space<hbm>> -> memref<800xi32, #tpu.memory_space<hbm>>
      %dma_wait3A_293 = tpu.memref_slice %arg3[%mul3A_130] : memref<819200xi32, #tpu.memory_space<hbm>> -> memref<800xi32, #tpu.memory_space<hbm>>
      tpu.wait_dma2 semaphore(%run_scoped3A : memref<!tpu.dma_semaphore, #tpu.memory_space<semaphore_mem>>) src(%dma_wait3A_293 : memref<800xi32, #tpu.memory_space<hbm>>) dst(%arg6 : memref<800xi32, #tpu.memory_space<vmem>>)
      tpu.yield
    }) : () -> ()
    %sub3A_131 = arith.constant 50 : i32
    %sub3A_132 = arith.constant 0 : i32
    %sub3A_133 = arith.subi %sub3A_131, %sub3A_132 : i32
    %sub3A_134 = arith.constant 1 : i32
    %sub3A_135 = arith.constant 1 : i32
    %sub3A_136 = arith.subi %sub3A_134, %sub3A_135 : i32
    %add3A_137 = arith.addi %sub3A_133, %sub3A_136 : i32
    %div3A_138 = arith.constant 1 : i32
    %div3A_139 = arith.divsi %add3A_137, %div3A_138 : i32
    %while3A_140 = arith.constant 1 : i32
    %while3A_141 = arith.constant 0 : i32
    %while3A_142 = arith.constant 0 : i32
    %while3A_143 = arith.subi %div3A_139, %while3A_142 : i32
    %while3A_144 = arith.addi %while3A_142, %while3A_143 : i32
    %while3A_145 = arith.constant 1 : i32
    %while3A_146 = arith.divsi %while3A_143, %while3A_145 : i32
    %while3A_147 = arith.muli %while3A_146, %while3A_145 : i32
    %while3A_148 = arith.addi %while3A_142, %while3A_147 : i32
    %while3A_149 = arith.constant 1 : i32
    scf.for %while3A_290 = %while3A_142 to %while3A_148 step %while3A_149  : i32 {
      %mul3A_291 = arith.muli %while3A_290, %while3A_140 : i32
      %add3A_292 = arith.addi %while3A_141, %mul3A_291 : i32
      %mul3A_293 = arith.constant 16 : i32
      %mul3A_294 = arith.muli %add3A_292, %mul3A_293 : i32
      %get3A = arith.index_cast %mul3A_294 : i32 to index
      %get3A_295 = tpu.vector_load %arg6[%get3A] {strides = array<i32>} : memref<800xi32, #tpu.memory_space<vmem>>, vector<16xi32>,
      %get3A_296 = vector.shape_cast %get3A_295 : vector<16xi32> to vector<16xi32>
      %broadcast_in_dim3A = arith.constant 1 : i32
      %broadcast_in_dim3A_297 = vector.broadcast %broadcast_in_dim3A : i32 to vector<16xi32>
      %broadcast_in_dim3A_298 = arith.constant 0 : i32
      %broadcast_in_dim3A_299 = vector.broadcast %broadcast_in_dim3A_298 : i32 to vector<16xi32>
      %ge3A = arith.constant 253952 : i32
      %ge3A_300 = vector.broadcast %ge3A : i32 to vector<16xi32>
      %ge3A_301 = arith.cmpi sge, %get3A_296, %ge3A_300 : vector<16xi32>
      %select_n3A = arith.select %ge3A_301, %broadcast_in_dim3A_297, %broadcast_in_dim3A_299 : vector<16xi1>, vector<16xi32>
      %ge3A_302 = arith.constant 507904 : i32
      %ge3A_303 = vector.broadcast %ge3A_302 : i32 to vector<16xi32>
      %ge3A_304 = arith.cmpi sge, %get3A_296, %ge3A_303 : vector<16xi32>
      %select_n3A_305 = arith.select %ge3A_304, %broadcast_in_dim3A_297, %broadcast_in_dim3A_299 : vector<16xi1>, vector<16xi32>
      %add3A_306 = arith.addi %select_n3A, %select_n3A_305 : vector<16xi32>
      %ge3A_307 = arith.constant 761856 : i32
      %ge3A_308 = vector.broadcast %ge3A_307 : i32 to vector<16xi32>
      %ge3A_309 = arith.cmpi sge, %get3A_296, %ge3A_308 : vector<16xi32>
      %select_n3A_310 = arith.select %ge3A_309, %broadcast_in_dim3A_297, %broadcast_in_dim3A_299 : vector<16xi1>, vector<16xi32>
      %add3A_311 = arith.addi %add3A_306, %select_n3A_310 : vector<16xi32>
      %mul3A_312 = arith.constant 4 : i32
      %mul3A_313 = vector.broadcast %mul3A_312 : i32 to vector<16xi32>
      %mul3A_314 = arith.muli %get3A_296, %mul3A_313 : vector<16xi32>
      %mul3A_315 = arith.constant 1015807 : i32
      %mul3A_316 = vector.broadcast %mul3A_315 : i32 to vector<16xi32>
      %mul3A_317 = arith.muli %add3A_311, %mul3A_316 : vector<16xi32>
      %sub3A_318 = arith.subi %mul3A_314, %mul3A_317 : vector<16xi32>
      %swap3A = arith.index_cast %mul3A_294 : i32 to index
      %swap3A_319 = tpu.vector_load %arg6[%swap3A] {strides = array<i32>} : memref<800xi32, #tpu.memory_space<vmem>>, vector<16xi32>,
      %swap3A_320 = vector.shape_cast %swap3A_319 : vector<16xi32> to vector<16xi32>
      %swap3A_321 = vector.shape_cast %sub3A_318 : vector<16xi32> to vector<16xi32>
      tpu.vector_store %arg6[%swap3A], %swap3A_321 {strides = array<i32>} : memref<800xi32, #tpu.memory_space<vmem>>, vector<16xi32>,
    }
    %while3A_150 = arith.constant 1 : i32
    scf.for %while3A_290 = %while3A_148 to %while3A_144 step %while3A_150  : i32 {
      %mul3A_291 = arith.muli %while3A_290, %while3A_140 : i32
      %add3A_292 = arith.addi %while3A_141, %mul3A_291 : i32
      %mul3A_293 = arith.constant 16 : i32
      %mul3A_294 = arith.muli %add3A_292, %mul3A_293 : i32
      %get3A = arith.index_cast %mul3A_294 : i32 to index
      %get3A_295 = tpu.vector_load %arg6[%get3A] {strides = array<i32>} : memref<800xi32, #tpu.memory_space<vmem>>, vector<16xi32>,
      %get3A_296 = vector.shape_cast %get3A_295 : vector<16xi32> to vector<16xi32>
      %broadcast_in_dim3A = arith.constant 1 : i32
      %broadcast_in_dim3A_297 = vector.broadcast %broadcast_in_dim3A : i32 to vector<16xi32>
      %broadcast_in_dim3A_298 = arith.constant 0 : i32
      %broadcast_in_dim3A_299 = vector.broadcast %broadcast_in_dim3A_298 : i32 to vector<16xi32>
      %ge3A = arith.constant 253952 : i32
      %ge3A_300 = vector.broadcast %ge3A : i32 to vector<16xi32>
      %ge3A_301 = arith.cmpi sge, %get3A_296, %ge3A_300 : vector<16xi32>
      %select_n3A = arith.select %ge3A_301, %broadcast_in_dim3A_297, %broadcast_in_dim3A_299 : vector<16xi1>, vector<16xi32>
      %ge3A_302 = arith.constant 507904 : i32
      %ge3A_303 = vector.broadcast %ge3A_302 : i32 to vector<16xi32>
      %ge3A_304 = arith.cmpi sge, %get3A_296, %ge3A_303 : vector<16xi32>
      %select_n3A_305 = arith.select %ge3A_304, %broadcast_in_dim3A_297, %broadcast_in_dim3A_299 : vector<16xi1>, vector<16xi32>
      %add3A_306 = arith.addi %select_n3A, %select_n3A_305 : vector<16xi32>
      %ge3A_307 = arith.constant 761856 : i32
      %ge3A_308 = vector.broadcast %ge3A_307 : i32 to vector<16xi32>
      %ge3A_309 = arith.cmpi sge, %get3A_296, %ge3A_308 : vector<16xi32>
      %select_n3A_310 = arith.select %ge3A_309, %broadcast_in_dim3A_297, %broadcast_in_dim3A_299 : vector<16xi1>, vector<16xi32>
      %add3A_311 = arith.addi %add3A_306, %select_n3A_310 : vector<16xi32>
      %mul3A_312 = arith.constant 4 : i32
      %mul3A_313 = vector.broadcast %mul3A_312 : i32 to vector<16xi32>
      %mul3A_314 = arith.muli %get3A_296, %mul3A_313 : vector<16xi32>
      %mul3A_315 = arith.constant 1015807 : i32
      %mul3A_316 = vector.broadcast %mul3A_315 : i32 to vector<16xi32>
      %mul3A_317 = arith.muli %add3A_311, %mul3A_316 : vector<16xi32>
      %sub3A_318 = arith.subi %mul3A_314, %mul3A_317 : vector<16xi32>
      %swap3A = arith.index_cast %mul3A_294 : i32 to index
      %swap3A_319 = tpu.vector_load %arg6[%swap3A] {strides = array<i32>} : memref<800xi32, #tpu.memory_space<vmem>>, vector<16xi32>,
      %swap3A_320 = vector.shape_cast %swap3A_319 : vector<16xi32> to vector<16xi32>
      %swap3A_321 = vector.shape_cast %sub3A_318 : vector<16xi32> to vector<16xi32>
      tpu.vector_store %arg6[%swap3A], %swap3A_321 {strides = array<i32>} : memref<800xi32, #tpu.memory_space<vmem>>, vector<16xi32>,
    }
    %dma_start3A_151 = arith.constant 0 : i32
    %dma_start3A_152 = arith.constant 0 : i32
    %dma_start3A_153 = tpu.memref_slice %arg8[%dma_start3A_151, %dma_start3A_152] : memref<800x32xf32, #tpu.memory_space<vmem>> -> memref<80x32xf32, #tpu.memory_space<vmem>>
    %dma_start3A_154 = arith.constant 0 : i32
    %dma_start3A_155 = tpu.memref_slice %arg6[%dma_start3A_154] : memref<800xi32, #tpu.memory_space<vmem>> -> memref<80xi32, #tpu.memory_space<vmem>>
    %dma_start3A_156 = arith.constant 0 : i32
    %dma_start3A_157 = arith.constant 0 : i32
    %dma_start3A_158 = tpu.memref_slice %arg2[%dma_start3A_156, %dma_start3A_157] : memref<1015808x32xf32, #tpu.memory_space<hbm>> -> memref<1015808x32xf32, #tpu.memory_space<hbm>>
    tpu.enqueue_indirect_dma source(%dma_start3A_158 : memref<1015808x32xf32, #tpu.memory_space<hbm>>) target(%dma_start3A_153 : memref<80x32xf32, #tpu.memory_space<vmem>>) offsets(%dma_start3A_155 : memref<80xi32, #tpu.memory_space<vmem>>) semaphore(%arg12 : memref<!tpu.dma_semaphore, #tpu.memory_space<semaphore_mem>>)
    %dma_start3A_159 = arith.constant 80 : i32
    %dma_start3A_160 = arith.constant 0 : i32
    %dma_start3A_161 = tpu.memref_slice %arg8[%dma_start3A_159, %dma_start3A_160] : memref<800x32xf32, #tpu.memory_space<vmem>> -> memref<80x32xf32, #tpu.memory_space<vmem>>
    %dma_start3A_162 = arith.constant 80 : i32
    %dma_start3A_163 = tpu.memref_slice %arg6[%dma_start3A_162] : memref<800xi32, #tpu.memory_space<vmem>> -> memref<80xi32, #tpu.memory_space<vmem>>
    %dma_start3A_164 = arith.constant 0 : i32
    %dma_start3A_165 = arith.constant 0 : i32
    %dma_start3A_166 = tpu.memref_slice %arg2[%dma_start3A_164, %dma_start3A_165] : memref<1015808x32xf32, #tpu.memory_space<hbm>> -> memref<1015808x32xf32, #tpu.memory_space<hbm>>
    tpu.enqueue_indirect_dma source(%dma_start3A_166 : memref<1015808x32xf32, #tpu.memory_space<hbm>>) target(%dma_start3A_161 : memref<80x32xf32, #tpu.memory_space<vmem>>) offsets(%dma_start3A_163 : memref<80xi32, #tpu.memory_space<vmem>>) semaphore(%arg12 : memref<!tpu.dma_semaphore, #tpu.memory_space<semaphore_mem>>)
    %dma_start3A_167 = arith.constant 160 : i32
    %dma_start3A_168 = arith.constant 0 : i32
    %dma_start3A_169 = tpu.memref_slice %arg8[%dma_start3A_167, %dma_start3A_168] : memref<800x32xf32, #tpu.memory_space<vmem>> -> memref<80x32xf32, #tpu.memory_space<vmem>>
    %dma_start3A_170 = arith.constant 160 : i32
    %dma_start3A_171 = tpu.memref_slice %arg6[%dma_start3A_170] : memref<800xi32, #tpu.memory_space<vmem>> -> memref<80xi32, #tpu.memory_space<vmem>>
    %dma_start3A_172 = arith.constant 0 : i32
    %dma_start3A_173 = arith.constant 0 : i32
    %dma_start3A_174 = tpu.memref_slice %arg2[%dma_start3A_172, %dma_start3A_173] : memref<1015808x32xf32, #tpu.memory_space<hbm>> -> memref<1015808x32xf32, #tpu.memory_space<hbm>>
    tpu.enqueue_indirect_dma source(%dma_start3A_174 : memref<1015808x32xf32, #tpu.memory_space<hbm>>) target(%dma_start3A_169 : memref<80x32xf32, #tpu.memory_space<vmem>>) offsets(%dma_start3A_171 : memref<80xi32, #tpu.memory_space<vmem>>) semaphore(%arg12 : memref<!tpu.dma_semaphore, #tpu.memory_space<semaphore_mem>>)
    %dma_start3A_175 = arith.constant 240 : i32
    %dma_start3A_176 = arith.constant 0 : i32
    %dma_start3A_177 = tpu.memref_slice %arg8[%dma_start3A_175, %dma_start3A_176] : memref<800x32xf32, #tpu.memory_space<vmem>> -> memref<80x32xf32, #tpu.memory_space<vmem>>
    %dma_start3A_178 = arith.constant 240 : i32
    %dma_start3A_179 = tpu.memref_slice %arg6[%dma_start3A_178] : memref<800xi32, #tpu.memory_space<vmem>> -> memref<80xi32, #tpu.memory_space<vmem>>
    %dma_start3A_180 = arith.constant 0 : i32
    %dma_start3A_181 = arith.constant 0 : i32
    %dma_start3A_182 = tpu.memref_slice %arg2[%dma_start3A_180, %dma_start3A_181] : memref<1015808x32xf32, #tpu.memory_space<hbm>> -> memref<1015808x32xf32, #tpu.memory_space<hbm>>
    tpu.enqueue_indirect_dma source(%dma_start3A_182 : memref<1015808x32xf32, #tpu.memory_space<hbm>>) target(%dma_start3A_177 : memref<80x32xf32, #tpu.memory_space<vmem>>) offsets(%dma_start3A_179 : memref<80xi32, #tpu.memory_space<vmem>>) semaphore(%arg12 : memref<!tpu.dma_semaphore, #tpu.memory_space<semaphore_mem>>)
    %dma_start3A_183 = arith.constant 320 : i32
    %dma_start3A_184 = arith.constant 0 : i32
    %dma_start3A_185 = tpu.memref_slice %arg8[%dma_start3A_183, %dma_start3A_184] : memref<800x32xf32, #tpu.memory_space<vmem>> -> memref<80x32xf32, #tpu.memory_space<vmem>>
    %dma_start3A_186 = arith.constant 320 : i32
    %dma_start3A_187 = tpu.memref_slice %arg6[%dma_start3A_186] : memref<800xi32, #tpu.memory_space<vmem>> -> memref<80xi32, #tpu.memory_space<vmem>>
    %dma_start3A_188 = arith.constant 0 : i32
    %dma_start3A_189 = arith.constant 0 : i32
    %dma_start3A_190 = tpu.memref_slice %arg2[%dma_start3A_188, %dma_start3A_189] : memref<1015808x32xf32, #tpu.memory_space<hbm>> -> memref<1015808x32xf32, #tpu.memory_space<hbm>>
    tpu.enqueue_indirect_dma source(%dma_start3A_190 : memref<1015808x32xf32, #tpu.memory_space<hbm>>) target(%dma_start3A_185 : memref<80x32xf32, #tpu.memory_space<vmem>>) offsets(%dma_start3A_187 : memref<80xi32, #tpu.memory_space<vmem>>) semaphore(%arg12 : memref<!tpu.dma_semaphore, #tpu.memory_space<semaphore_mem>>)
    %dma_start3A_191 = arith.constant 400 : i32
    %dma_start3A_192 = arith.constant 0 : i32
    %dma_start3A_193 = tpu.memref_slice %arg8[%dma_start3A_191, %dma_start3A_192] : memref<800x32xf32, #tpu.memory_space<vmem>> -> memref<80x32xf32, #tpu.memory_space<vmem>>
    %dma_start3A_194 = arith.constant 400 : i32
    %dma_start3A_195 = tpu.memref_slice %arg6[%dma_start3A_194] : memref<800xi32, #tpu.memory_space<vmem>> -> memref<80xi32, #tpu.memory_space<vmem>>
    %dma_start3A_196 = arith.constant 0 : i32
    %dma_start3A_197 = arith.constant 0 : i32
    %dma_start3A_198 = tpu.memref_slice %arg2[%dma_start3A_196, %dma_start3A_197] : memref<1015808x32xf32, #tpu.memory_space<hbm>> -> memref<1015808x32xf32, #tpu.memory_space<hbm>>
    tpu.enqueue_indirect_dma source(%dma_start3A_198 : memref<1015808x32xf32, #tpu.memory_space<hbm>>) target(%dma_start3A_193 : memref<80x32xf32, #tpu.memory_space<vmem>>) offsets(%dma_start3A_195 : memref<80xi32, #tpu.memory_space<vmem>>) semaphore(%arg12 : memref<!tpu.dma_semaphore, #tpu.memory_space<semaphore_mem>>)
    %dma_start3A_199 = arith.constant 480 : i32
    %dma_start3A_200 = arith.constant 0 : i32
    %dma_start3A_201 = tpu.memref_slice %arg8[%dma_start3A_199, %dma_start3A_200] : memref<800x32xf32, #tpu.memory_space<vmem>> -> memref<80x32xf32, #tpu.memory_space<vmem>>
    %dma_start3A_202 = arith.constant 480 : i32
    %dma_start3A_203 = tpu.memref_slice %arg6[%dma_start3A_202] : memref<800xi32, #tpu.memory_space<vmem>> -> memref<80xi32, #tpu.memory_space<vmem>>
    %dma_start3A_204 = arith.constant 0 : i32
    %dma_start3A_205 = arith.constant 0 : i32
    %dma_start3A_206 = tpu.memref_slice %arg2[%dma_start3A_204, %dma_start3A_205] : memref<1015808x32xf32, #tpu.memory_space<hbm>> -> memref<1015808x32xf32, #tpu.memory_space<hbm>>
    tpu.enqueue_indirect_dma source(%dma_start3A_206 : memref<1015808x32xf32, #tpu.memory_space<hbm>>) target(%dma_start3A_201 : memref<80x32xf32, #tpu.memory_space<vmem>>) offsets(%dma_start3A_203 : memref<80xi32, #tpu.memory_space<vmem>>) semaphore(%arg12 : memref<!tpu.dma_semaphore, #tpu.memory_space<semaphore_mem>>)
    %dma_start3A_207 = arith.constant 560 : i32
    %dma_start3A_208 = arith.constant 0 : i32
    %dma_start3A_209 = tpu.memref_slice %arg8[%dma_start3A_207, %dma_start3A_208] : memref<800x32xf32, #tpu.memory_space<vmem>> -> memref<80x32xf32, #tpu.memory_space<vmem>>
    %dma_start3A_210 = arith.constant 560 : i32
    %dma_start3A_211 = tpu.memref_slice %arg6[%dma_start3A_210] : memref<800xi32, #tpu.memory_space<vmem>> -> memref<80xi32, #tpu.memory_space<vmem>>
    %dma_start3A_212 = arith.constant 0 : i32
    %dma_start3A_213 = arith.constant 0 : i32
    %dma_start3A_214 = tpu.memref_slice %arg2[%dma_start3A_212, %dma_start3A_213] : memref<1015808x32xf32, #tpu.memory_space<hbm>> -> memref<1015808x32xf32, #tpu.memory_space<hbm>>
    tpu.enqueue_indirect_dma source(%dma_start3A_214 : memref<1015808x32xf32, #tpu.memory_space<hbm>>) target(%dma_start3A_209 : memref<80x32xf32, #tpu.memory_space<vmem>>) offsets(%dma_start3A_211 : memref<80xi32, #tpu.memory_space<vmem>>) semaphore(%arg12 : memref<!tpu.dma_semaphore, #tpu.memory_space<semaphore_mem>>)
    %dma_start3A_215 = arith.constant 640 : i32
    %dma_start3A_216 = arith.constant 0 : i32
    %dma_start3A_217 = tpu.memref_slice %arg8[%dma_start3A_215, %dma_start3A_216] : memref<800x32xf32, #tpu.memory_space<vmem>> -> memref<80x32xf32, #tpu.memory_space<vmem>>
    %dma_start3A_218 = arith.constant 640 : i32
    %dma_start3A_219 = tpu.memref_slice %arg6[%dma_start3A_218] : memref<800xi32, #tpu.memory_space<vmem>> -> memref<80xi32, #tpu.memory_space<vmem>>
    %dma_start3A_220 = arith.constant 0 : i32
    %dma_start3A_221 = arith.constant 0 : i32
    %dma_start3A_222 = tpu.memref_slice %arg2[%dma_start3A_220, %dma_start3A_221] : memref<1015808x32xf32, #tpu.memory_space<hbm>> -> memref<1015808x32xf32, #tpu.memory_space<hbm>>
    tpu.enqueue_indirect_dma source(%dma_start3A_222 : memref<1015808x32xf32, #tpu.memory_space<hbm>>) target(%dma_start3A_217 : memref<80x32xf32, #tpu.memory_space<vmem>>) offsets(%dma_start3A_219 : memref<80xi32, #tpu.memory_space<vmem>>) semaphore(%arg12 : memref<!tpu.dma_semaphore, #tpu.memory_space<semaphore_mem>>)
    %dma_start3A_223 = arith.constant 720 : i32
    %dma_start3A_224 = arith.constant 0 : i32
    %dma_start3A_225 = tpu.memref_slice %arg8[%dma_start3A_223, %dma_start3A_224] : memref<800x32xf32, #tpu.memory_space<vmem>> -> memref<80x32xf32, #tpu.memory_space<vmem>>
    %dma_start3A_226 = arith.constant 720 : i32
    %dma_start3A_227 = tpu.memref_slice %arg6[%dma_start3A_226] : memref<800xi32, #tpu.memory_space<vmem>> -> memref<80xi32, #tpu.memory_space<vmem>>
    %dma_start3A_228 = arith.constant 0 : i32
    %dma_start3A_229 = arith.constant 0 : i32
    %dma_start3A_230 = tpu.memref_slice %arg2[%dma_start3A_228, %dma_start3A_229] : memref<1015808x32xf32, #tpu.memory_space<hbm>> -> memref<1015808x32xf32, #tpu.memory_space<hbm>>
    tpu.enqueue_indirect_dma source(%dma_start3A_230 : memref<1015808x32xf32, #tpu.memory_space<hbm>>) target(%dma_start3A_225 : memref<80x32xf32, #tpu.memory_space<vmem>>) offsets(%dma_start3A_227 : memref<80xi32, #tpu.memory_space<vmem>>) semaphore(%arg12 : memref<!tpu.dma_semaphore, #tpu.memory_space<semaphore_mem>>)
    %dma_wait3A = arith.constant 0 : i32
    %dma_wait3A_231 = arith.constant 0 : i32
    %dma_wait3A_232 = tpu.memref_slice %arg2[%dma_wait3A, %dma_wait3A_231] : memref<1015808x32xf32, #tpu.memory_space<hbm>> -> memref<800x32xf32, #tpu.memory_space<hbm>>
    %dma_wait3A_233 = arith.constant 0 : i32
    %dma_wait3A_234 = arith.constant 0 : i32
    %dma_wait3A_235 = tpu.memref_slice %arg2[%dma_wait3A_233, %dma_wait3A_234] : memref<1015808x32xf32, #tpu.memory_space<hbm>> -> memref<800x32xf32, #tpu.memory_space<hbm>>
    tpu.wait_dma2 semaphore(%arg11 : memref<!tpu.dma_semaphore, #tpu.memory_space<semaphore_mem>>) src(%dma_wait3A_235 : memref<800x32xf32, #tpu.memory_space<hbm>>) dst(%arg7 : memref<800x32xf32, #tpu.memory_space<vmem>>)
    %mul3A_236 = arith.constant 30 : i32
    %mul3A_237 = arith.constant 16 : i32
    %mul3A_238 = arith.muli %mul3A_236, %mul3A_237 : i32
    %add3A_239 = arith.addi %mul3A_2, %mul3A_238 : i32
    %sub3A_240 = arith.constant 16 : i32
    %sub3A_241 = arith.constant 0 : i32
    %sub3A_242 = arith.subi %sub3A_240, %sub3A_241 : i32
    %sub3A_243 = arith.constant 1 : i32
    %sub3A_244 = arith.constant 1 : i32
    %sub3A_245 = arith.subi %sub3A_243, %sub3A_244 : i32
    %add3A_246 = arith.addi %sub3A_242, %sub3A_245 : i32
    %div3A_247 = arith.constant 1 : i32
    %div3A_248 = arith.divsi %add3A_246, %div3A_247 : i32
    %while3A_249 = arith.constant 1 : i32
    %while3A_250 = arith.constant 0 : i32
    %while3A_251 = arith.constant 0 : i32
    %while3A_252 = arith.subi %div3A_248, %while3A_251 : i32
    %while3A_253 = arith.addi %while3A_251, %while3A_252 : i32
    %while3A_254 = arith.constant 1 : i32
    %while3A_255 = arith.divsi %while3A_252, %while3A_254 : i32
    %while3A_256 = arith.muli %while3A_255, %while3A_254 : i32
    %while3A_257 = arith.addi %while3A_251, %while3A_256 : i32
    %while3A_258 = arith.constant 1 : i32
    scf.for %while3A_290 = %while3A_251 to %while3A_257 step %while3A_258  : i32 {
      %mul3A_291 = arith.muli %while3A_290, %while3A_249 : i32
      %add3A_292 = arith.addi %while3A_250, %mul3A_291 : i32
      %mul3A_293 = arith.constant 50 : i32
      %mul3A_294 = arith.muli %add3A_292, %mul3A_293 : i32
      %broadcast_in_dim3A = arith.constant 0.000000e+00 : f32
      %broadcast_in_dim3A_295 = vector.broadcast %broadcast_in_dim3A : f32 to vector<16xf32>
      %scan3A = arith.constant 0 : i32
      %scan3A_296 = arith.constant 25 : i32
      %scan3A_297 = arith.addi %scan3A, %scan3A_296 : i32
      %scan3A_298 = arith.constant 5 : i32
      %scan3A_299:5 = scf.for %scan3A_318 = %scan3A to %scan3A_297 step %scan3A_298 iter_args(%scan3A_319 = %mul3A_294, %scan3A_320 = %broadcast_in_dim3A_295, %scan3A_321 = %broadcast_in_dim3A_295, %scan3A_322 = %broadcast_in_dim3A_295, %scan3A_323 = %broadcast_in_dim3A_295) -> (i32, vector<16xf32>, vector<16xf32>, vector<16xf32>, vector<16xf32>)  : i32 {
        %get3A = arith.index_cast %scan3A_319 : i32 to index
        %get3A_324 = arith.constant 0 : index
        %get3A_325 = tpu.vector_load %arg7[%get3A, %get3A_324] {strides = array<i32>} : memref<800x32xf32, #tpu.memory_space<vmem>>, vector<1x16xf32>,
        %get3A_326 = vector.shape_cast %get3A_325 : vector<1x16xf32> to vector<16xf32>
        %add3A_327 = arith.addf %scan3A_320, %get3A_326 : vector<16xf32>
        %get3A_328 = arith.index_cast %scan3A_319 : i32 to index
        %get3A_329 = arith.constant 16 : index
        %get3A_330 = tpu.vector_load %arg7[%get3A_328, %get3A_329] {strides = array<i32>} : memref<800x32xf32, #tpu.memory_space<vmem>>, vector<1x16xf32>,
        %get3A_331 = vector.shape_cast %get3A_330 : vector<1x16xf32> to vector<16xf32>
        %add3A_332 = arith.addf %scan3A_321, %get3A_331 : vector<16xf32>
        %add3A_333 = arith.constant 1 : i32
        %add3A_334 = arith.addi %scan3A_319, %add3A_333 : i32
        %get3A_335 = arith.index_cast %add3A_334 : i32 to index
        %get3A_336 = arith.constant 0 : index
        %get3A_337 = tpu.vector_load %arg7[%get3A_335, %get3A_336] {strides = array<i32>} : memref<800x32xf32, #tpu.memory_space<vmem>>, vector<1x16xf32>,
        %get3A_338 = vector.shape_cast %get3A_337 : vector<1x16xf32> to vector<16xf32>
        %add3A_339 = arith.addf %scan3A_322, %get3A_338 : vector<16xf32>
        %add3A_340 = arith.constant 1 : i32
        %add3A_341 = arith.addi %scan3A_319, %add3A_340 : i32
        %get3A_342 = arith.index_cast %add3A_341 : i32 to index
        %get3A_343 = arith.constant 16 : index
        %get3A_344 = tpu.vector_load %arg7[%get3A_342, %get3A_343] {strides = array<i32>} : memref<800x32xf32, #tpu.memory_space<vmem>>, vector<1x16xf32>,
        %get3A_345 = vector.shape_cast %get3A_344 : vector<1x16xf32> to vector<16xf32>
        %add3A_346 = arith.addf %scan3A_323, %get3A_345 : vector<16xf32>
        %add3A_347 = arith.constant 2 : i32
        %add3A_348 = arith.addi %scan3A_319, %add3A_347 : i32
        %scan3A_349 = arith.constant 1 : i32
        %scan3A_350 = arith.addi %scan3A_318, %scan3A_349 : i32
        %get3A_351 = arith.index_cast %add3A_348 : i32 to index
        %get3A_352 = arith.constant 0 : index
        %get3A_353 = tpu.vector_load %arg7[%get3A_351, %get3A_352] {strides = array<i32>} : memref<800x32xf32, #tpu.memory_space<vmem>>, vector<1x16xf32>,
        %get3A_354 = vector.shape_cast %get3A_353 : vector<1x16xf32> to vector<16xf32>
        %add3A_355 = arith.addf %add3A_327, %get3A_354 : vector<16xf32>
        %get3A_356 = arith.index_cast %add3A_348 : i32 to index
        %get3A_357 = arith.constant 16 : index
        %get3A_358 = tpu.vector_load %arg7[%get3A_356, %get3A_357] {strides = array<i32>} : memref<800x32xf32, #tpu.memory_space<vmem>>, vector<1x16xf32>,
        %get3A_359 = vector.shape_cast %get3A_358 : vector<1x16xf32> to vector<16xf32>
        %add3A_360 = arith.addf %add3A_332, %get3A_359 : vector<16xf32>
        %add3A_361 = arith.constant 1 : i32
        %add3A_362 = arith.addi %add3A_348, %add3A_361 : i32
        %get3A_363 = arith.index_cast %add3A_362 : i32 to index
        %get3A_364 = arith.constant 0 : index
        %get3A_365 = tpu.vector_load %arg7[%get3A_363, %get3A_364] {strides = array<i32>} : memref<800x32xf32, #tpu.memory_space<vmem>>, vector<1x16xf32>,
        %get3A_366 = vector.shape_cast %get3A_365 : vector<1x16xf32> to vector<16xf32>
        %add3A_367 = arith.addf %add3A_339, %get3A_366 : vector<16xf32>
        %add3A_368 = arith.constant 1 : i32
        %add3A_369 = arith.addi %add3A_348, %add3A_368 : i32
        %get3A_370 = arith.index_cast %add3A_369 : i32 to index
        %get3A_371 = arith.constant 16 : index
        %get3A_372 = tpu.vector_load %arg7[%get3A_370, %get3A_371] {strides = array<i32>} : memref<800x32xf32, #tpu.memory_space<vmem>>, vector<1x16xf32>,
        %get3A_373 = vector.shape_cast %get3A_372 : vector<1x16xf32> to vector<16xf32>
        %add3A_374 = arith.addf %add3A_346, %get3A_373 : vector<16xf32>
        %add3A_375 = arith.constant 2 : i32
        %add3A_376 = arith.addi %add3A_348, %add3A_375 : i32
        %scan3A_377 = arith.constant 2 : i32
        %scan3A_378 = arith.addi %scan3A_318, %scan3A_377 : i32
        %get3A_379 = arith.index_cast %add3A_376 : i32 to index
        %get3A_380 = arith.constant 0 : index
        %get3A_381 = tpu.vector_load %arg7[%get3A_379, %get3A_380] {strides = array<i32>} : memref<800x32xf32, #tpu.memory_space<vmem>>, vector<1x16xf32>,
        %get3A_382 = vector.shape_cast %get3A_381 : vector<1x16xf32> to vector<16xf32>
        %add3A_383 = arith.addf %add3A_355, %get3A_382 : vector<16xf32>
        %get3A_384 = arith.index_cast %add3A_376 : i32 to index
        %get3A_385 = arith.constant 16 : index
        %get3A_386 = tpu.vector_load %arg7[%get3A_384, %get3A_385] {strides = array<i32>} : memref<800x32xf32, #tpu.memory_space<vmem>>, vector<1x16xf32>,
        %get3A_387 = vector.shape_cast %get3A_386 : vector<1x16xf32> to vector<16xf32>
        %add3A_388 = arith.addf %add3A_360, %get3A_387 : vector<16xf32>
        %add3A_389 = arith.constant 1 : i32
        %add3A_390 = arith.addi %add3A_376, %add3A_389 : i32
        %get3A_391 = arith.index_cast %add3A_390 : i32 to index
        %get3A_392 = arith.constant 0 : index
        %get3A_393 = tpu.vector_load %arg7[%get3A_391, %get3A_392] {strides = array<i32>} : memref<800x32xf32, #tpu.memory_space<vmem>>, vector<1x16xf32>,
        %get3A_394 = vector.shape_cast %get3A_393 : vector<1x16xf32> to vector<16xf32>
        %add3A_395 = arith.addf %add3A_367, %get3A_394 : vector<16xf32>
        %add3A_396 = arith.constant 1 : i32
        %add3A_397 = arith.addi %add3A_376, %add3A_396 : i32
        %get3A_398 = arith.index_cast %add3A_397 : i32 to index
        %get3A_399 = arith.constant 16 : index
        %get3A_400 = tpu.vector_load %arg7[%get3A_398, %get3A_399] {strides = array<i32>} : memref<800x32xf32, #tpu.memory_space<vmem>>, vector<1x16xf32>,
        %get3A_401 = vector.shape_cast %get3A_400 : vector<1x16xf32> to vector<16xf32>
        %add3A_402 = arith.addf %add3A_374, %get3A_401 : vector<16xf32>
        %add3A_403 = arith.constant 2 : i32
        %add3A_404 = arith.addi %add3A_376, %add3A_403 : i32
        %scan3A_405 = arith.constant 3 : i32
        %scan3A_406 = arith.addi %scan3A_318, %scan3A_405 : i32
        %get3A_407 = arith.index_cast %add3A_404 : i32 to index
        %get3A_408 = arith.constant 0 : index
        %get3A_409 = tpu.vector_load %arg7[%get3A_407, %get3A_408] {strides = array<i32>} : memref<800x32xf32, #tpu.memory_space<vmem>>, vector<1x16xf32>,
        %get3A_410 = vector.shape_cast %get3A_409 : vector<1x16xf32> to vector<16xf32>
        %add3A_411 = arith.addf %add3A_383, %get3A_410 : vector<16xf32>
        %get3A_412 = arith.index_cast %add3A_404 : i32 to index
        %get3A_413 = arith.constant 16 : index
        %get3A_414 = tpu.vector_load %arg7[%get3A_412, %get3A_413] {strides = array<i32>} : memref<800x32xf32, #tpu.memory_space<vmem>>, vector<1x16xf32>,
        %get3A_415 = vector.shape_cast %get3A_414 : vector<1x16xf32> to vector<16xf32>
        %add3A_416 = arith.addf %add3A_388, %get3A_415 : vector<16xf32>
        %add3A_417 = arith.constant 1 : i32
        %add3A_418 = arith.addi %add3A_404, %add3A_417 : i32
        %get3A_419 = arith.index_cast %add3A_418 : i32 to index
        %get3A_420 = arith.constant 0 : index
        %get3A_421 = tpu.vector_load %arg7[%get3A_419, %get3A_420] {strides = array<i32>} : memref<800x32xf32, #tpu.memory_space<vmem>>, vector<1x16xf32>,
        %get3A_422 = vector.shape_cast %get3A_421 : vector<1x16xf32> to vector<16xf32>
        %add3A_423 = arith.addf %add3A_395, %get3A_422 : vector<16xf32>
        %add3A_424 = arith.constant 1 : i32
        %add3A_425 = arith.addi %add3A_404, %add3A_424 : i32
        %get3A_426 = arith.index_cast %add3A_425 : i32 to index
        %get3A_427 = arith.constant 16 : index
        %get3A_428 = tpu.vector_load %arg7[%get3A_426, %get3A_427] {strides = array<i32>} : memref<800x32xf32, #tpu.memory_space<vmem>>, vector<1x16xf32>,
        %get3A_429 = vector.shape_cast %get3A_428 : vector<1x16xf32> to vector<16xf32>
        %add3A_430 = arith.addf %add3A_402, %get3A_429 : vector<16xf32>
        %add3A_431 = arith.constant 2 : i32
        %add3A_432 = arith.addi %add3A_404, %add3A_431 : i32
        %scan3A_433 = arith.constant 4 : i32
        %scan3A_434 = arith.addi %scan3A_318, %scan3A_433 : i32
        %get3A_435 = arith.index_cast %add3A_432 : i32 to index
        %get3A_436 = arith.constant 0 : index
        %get3A_437 = tpu.vector_load %arg7[%get3A_435, %get3A_436] {strides = array<i32>} : memref<800x32xf32, #tpu.memory_space<vmem>>, vector<1x16xf32>,
        %get3A_438 = vector.shape_cast %get3A_437 : vector<1x16xf32> to vector<16xf32>
        %add3A_439 = arith.addf %add3A_411, %get3A_438 : vector<16xf32>
        %get3A_440 = arith.index_cast %add3A_432 : i32 to index
        %get3A_441 = arith.constant 16 : index
        %get3A_442 = tpu.vector_load %arg7[%get3A_440, %get3A_441] {strides = array<i32>} : memref<800x32xf32, #tpu.memory_space<vmem>>, vector<1x16xf32>,
        %get3A_443 = vector.shape_cast %get3A_442 : vector<1x16xf32> to vector<16xf32>
        %add3A_444 = arith.addf %add3A_416, %get3A_443 : vector<16xf32>
        %add3A_445 = arith.constant 1 : i32
        %add3A_446 = arith.addi %add3A_432, %add3A_445 : i32
        %get3A_447 = arith.index_cast %add3A_446 : i32 to index
        %get3A_448 = arith.constant 0 : index
        %get3A_449 = tpu.vector_load %arg7[%get3A_447, %get3A_448] {strides = array<i32>} : memref<800x32xf32, #tpu.memory_space<vmem>>, vector<1x16xf32>,
        %get3A_450 = vector.shape_cast %get3A_449 : vector<1x16xf32> to vector<16xf32>
        %add3A_451 = arith.addf %add3A_423, %get3A_450 : vector<16xf32>
        %add3A_452 = arith.constant 1 : i32
        %add3A_453 = arith.addi %add3A_432, %add3A_452 : i32
        %get3A_454 = arith.index_cast %add3A_453 : i32 to index
        %get3A_455 = arith.constant 16 : index
        %get3A_456 = tpu.vector_load %arg7[%get3A_454, %get3A_455] {strides = array<i32>} : memref<800x32xf32, #tpu.memory_space<vmem>>, vector<1x16xf32>,
        %get3A_457 = vector.shape_cast %get3A_456 : vector<1x16xf32> to vector<16xf32>
        %add3A_458 = arith.addf %add3A_430, %get3A_457 : vector<16xf32>
        %add3A_459 = arith.constant 2 : i32
        %add3A_460 = arith.addi %add3A_432, %add3A_459 : i32
        scf.yield %add3A_460, %add3A_439, %add3A_444, %add3A_451, %add3A_458 : i32, vector<16xf32>, vector<16xf32>, vector<16xf32>, vector<16xf32>
      }
      %scan3A_300 = arith.constant 25 : i32
      %add3A_301 = arith.addf %scan3A_299#1, %scan3A_299#3 : vector<16xf32>
      %mul3A_302 = arith.constant 2.000000e-02 : f32
      %mul3A_303 = vector.broadcast %mul3A_302 : f32 to vector<16xf32>
      %mul3A_304 = arith.mulf %add3A_301, %mul3A_303 : vector<16xf32>
      %swap3A = arith.index_cast %add3A_292 : i32 to index
      %swap3A_305 = arith.constant 0 : index
      %swap3A_306 = tpu.vector_load %arg9[%swap3A, %swap3A_305] {strides = array<i32>} : memref<16x32xf32, #tpu.memory_space<vmem>>, vector<1x16xf32>,
      %swap3A_307 = vector.shape_cast %swap3A_306 : vector<1x16xf32> to vector<16xf32>
      %swap3A_308 = vector.shape_cast %mul3A_304 : vector<16xf32> to vector<1x16xf32>
      tpu.vector_store %arg9[%swap3A, %swap3A_305], %swap3A_308 {strides = array<i32>} : memref<16x32xf32, #tpu.memory_space<vmem>>, vector<1x16xf32>,
      %add3A_309 = arith.addf %scan3A_299#2, %scan3A_299#4 : vector<16xf32>
      %mul3A_310 = arith.constant 2.000000e-02 : f32
      %mul3A_311 = vector.broadcast %mul3A_310 : f32 to vector<16xf32>
      %mul3A_312 = arith.mulf %add3A_309, %mul3A_311 : vector<16xf32>
      %swap3A_313 = arith.index_cast %add3A_292 : i32 to index
      %swap3A_314 = arith.constant 16 : index
      %swap3A_315 = tpu.vector_load %arg9[%swap3A_313, %swap3A_314] {strides = array<i32>} : memref<16x32xf32, #tpu.memory_space<vmem>>, vector<1x16xf32>,
      %swap3A_316 = vector.shape_cast %swap3A_315 : vector<1x16xf32> to vector<16xf32>
      %swap3A_317 = vector.shape_cast %mul3A_312 : vector<16xf32> to vector<1x16xf32>
      tpu.vector_store %arg9[%swap3A_313, %swap3A_314], %swap3A_317 {strides = array<i32>} : memref<16x32xf32, #tpu.memory_space<vmem>>, vector<1x16xf32>,
    }
    %while3A_259 = arith.constant 1 : i32
    scf.for %while3A_290 = %while3A_257 to %while3A_253 step %while3A_259  : i32 {
      %mul3A_291 = arith.muli %while3A_290, %while3A_249 : i32
      %add3A_292 = arith.addi %while3A_250, %mul3A_291 : i32
      %mul3A_293 = arith.constant 50 : i32
      %mul3A_294 = arith.muli %add3A_292, %mul3A_293 : i32
      %broadcast_in_dim3A = arith.constant 0.000000e+00 : f32
      %broadcast_in_dim3A_295 = vector.broadcast %broadcast_in_dim3A : f32 to vector<16xf32>
      %scan3A = arith.constant 0 : i32
      %scan3A_296 = arith.constant 25 : i32
      %scan3A_297 = arith.addi %scan3A, %scan3A_296 : i32
      %scan3A_298 = arith.constant 5 : i32
      %scan3A_299:5 = scf.for %scan3A_318 = %scan3A to %scan3A_297 step %scan3A_298 iter_args(%scan3A_319 = %mul3A_294, %scan3A_320 = %broadcast_in_dim3A_295, %scan3A_321 = %broadcast_in_dim3A_295, %scan3A_322 = %broadcast_in_dim3A_295, %scan3A_323 = %broadcast_in_dim3A_295) -> (i32, vector<16xf32>, vector<16xf32>, vector<16xf32>, vector<16xf32>)  : i32 {
        %get3A = arith.index_cast %scan3A_319 : i32 to index
        %get3A_324 = arith.constant 0 : index
        %get3A_325 = tpu.vector_load %arg7[%get3A, %get3A_324] {strides = array<i32>} : memref<800x32xf32, #tpu.memory_space<vmem>>, vector<1x16xf32>,
        %get3A_326 = vector.shape_cast %get3A_325 : vector<1x16xf32> to vector<16xf32>
        %add3A_327 = arith.addf %scan3A_320, %get3A_326 : vector<16xf32>
        %get3A_328 = arith.index_cast %scan3A_319 : i32 to index
        %get3A_329 = arith.constant 16 : index
        %get3A_330 = tpu.vector_load %arg7[%get3A_328, %get3A_329] {strides = array<i32>} : memref<800x32xf32, #tpu.memory_space<vmem>>, vector<1x16xf32>,
        %get3A_331 = vector.shape_cast %get3A_330 : vector<1x16xf32> to vector<16xf32>
        %add3A_332 = arith.addf %scan3A_321, %get3A_331 : vector<16xf32>
        %add3A_333 = arith.constant 1 : i32
        %add3A_334 = arith.addi %scan3A_319, %add3A_333 : i32
        %get3A_335 = arith.index_cast %add3A_334 : i32 to index
        %get3A_336 = arith.constant 0 : index
        %get3A_337 = tpu.vector_load %arg7[%get3A_335, %get3A_336] {strides = array<i32>} : memref<800x32xf32, #tpu.memory_space<vmem>>, vector<1x16xf32>,
        %get3A_338 = vector.shape_cast %get3A_337 : vector<1x16xf32> to vector<16xf32>
        %add3A_339 = arith.addf %scan3A_322, %get3A_338 : vector<16xf32>
        %add3A_340 = arith.constant 1 : i32
        %add3A_341 = arith.addi %scan3A_319, %add3A_340 : i32
        %get3A_342 = arith.index_cast %add3A_341 : i32 to index
        %get3A_343 = arith.constant 16 : index
        %get3A_344 = tpu.vector_load %arg7[%get3A_342, %get3A_343] {strides = array<i32>} : memref<800x32xf32, #tpu.memory_space<vmem>>, vector<1x16xf32>,
        %get3A_345 = vector.shape_cast %get3A_344 : vector<1x16xf32> to vector<16xf32>
        %add3A_346 = arith.addf %scan3A_323, %get3A_345 : vector<16xf32>
        %add3A_347 = arith.constant 2 : i32
        %add3A_348 = arith.addi %scan3A_319, %add3A_347 : i32
        %scan3A_349 = arith.constant 1 : i32
        %scan3A_350 = arith.addi %scan3A_318, %scan3A_349 : i32
        %get3A_351 = arith.index_cast %add3A_348 : i32 to index
        %get3A_352 = arith.constant 0 : index
        %get3A_353 = tpu.vector_load %arg7[%get3A_351, %get3A_352] {strides = array<i32>} : memref<800x32xf32, #tpu.memory_space<vmem>>, vector<1x16xf32>,
        %get3A_354 = vector.shape_cast %get3A_353 : vector<1x16xf32> to vector<16xf32>
        %add3A_355 = arith.addf %add3A_327, %get3A_354 : vector<16xf32>
        %get3A_356 = arith.index_cast %add3A_348 : i32 to index
        %get3A_357 = arith.constant 16 : index
        %get3A_358 = tpu.vector_load %arg7[%get3A_356, %get3A_357] {strides = array<i32>} : memref<800x32xf32, #tpu.memory_space<vmem>>, vector<1x16xf32>,
        %get3A_359 = vector.shape_cast %get3A_358 : vector<1x16xf32> to vector<16xf32>
        %add3A_360 = arith.addf %add3A_332, %get3A_359 : vector<16xf32>
        %add3A_361 = arith.constant 1 : i32
        %add3A_362 = arith.addi %add3A_348, %add3A_361 : i32
        %get3A_363 = arith.index_cast %add3A_362 : i32 to index
        %get3A_364 = arith.constant 0 : index
        %get3A_365 = tpu.vector_load %arg7[%get3A_363, %get3A_364] {strides = array<i32>} : memref<800x32xf32, #tpu.memory_space<vmem>>, vector<1x16xf32>,
        %get3A_366 = vector.shape_cast %get3A_365 : vector<1x16xf32> to vector<16xf32>
        %add3A_367 = arith.addf %add3A_339, %get3A_366 : vector<16xf32>
        %add3A_368 = arith.constant 1 : i32
        %add3A_369 = arith.addi %add3A_348, %add3A_368 : i32
        %get3A_370 = arith.index_cast %add3A_369 : i32 to index
        %get3A_371 = arith.constant 16 : index
        %get3A_372 = tpu.vector_load %arg7[%get3A_370, %get3A_371] {strides = array<i32>} : memref<800x32xf32, #tpu.memory_space<vmem>>, vector<1x16xf32>,
        %get3A_373 = vector.shape_cast %get3A_372 : vector<1x16xf32> to vector<16xf32>
        %add3A_374 = arith.addf %add3A_346, %get3A_373 : vector<16xf32>
        %add3A_375 = arith.constant 2 : i32
        %add3A_376 = arith.addi %add3A_348, %add3A_375 : i32
        %scan3A_377 = arith.constant 2 : i32
        %scan3A_378 = arith.addi %scan3A_318, %scan3A_377 : i32
        %get3A_379 = arith.index_cast %add3A_376 : i32 to index
        %get3A_380 = arith.constant 0 : index
        %get3A_381 = tpu.vector_load %arg7[%get3A_379, %get3A_380] {strides = array<i32>} : memref<800x32xf32, #tpu.memory_space<vmem>>, vector<1x16xf32>,
        %get3A_382 = vector.shape_cast %get3A_381 : vector<1x16xf32> to vector<16xf32>
        %add3A_383 = arith.addf %add3A_355, %get3A_382 : vector<16xf32>
        %get3A_384 = arith.index_cast %add3A_376 : i32 to index
        %get3A_385 = arith.constant 16 : index
        %get3A_386 = tpu.vector_load %arg7[%get3A_384, %get3A_385] {strides = array<i32>} : memref<800x32xf32, #tpu.memory_space<vmem>>, vector<1x16xf32>,
        %get3A_387 = vector.shape_cast %get3A_386 : vector<1x16xf32> to vector<16xf32>
        %add3A_388 = arith.addf %add3A_360, %get3A_387 : vector<16xf32>
        %add3A_389 = arith.constant 1 : i32
        %add3A_390 = arith.addi %add3A_376, %add3A_389 : i32
        %get3A_391 = arith.index_cast %add3A_390 : i32 to index
        %get3A_392 = arith.constant 0 : index
        %get3A_393 = tpu.vector_load %arg7[%get3A_391, %get3A_392] {strides = array<i32>} : memref<800x32xf32, #tpu.memory_space<vmem>>, vector<1x16xf32>,
        %get3A_394 = vector.shape_cast %get3A_393 : vector<1x16xf32> to vector<16xf32>
        %add3A_395 = arith.addf %add3A_367, %get3A_394 : vector<16xf32>
        %add3A_396 = arith.constant 1 : i32
        %add3A_397 = arith.addi %add3A_376, %add3A_396 : i32
        %get3A_398 = arith.index_cast %add3A_397 : i32 to index
        %get3A_399 = arith.constant 16 : index
        %get3A_400 = tpu.vector_load %arg7[%get3A_398, %get3A_399] {strides = array<i32>} : memref<800x32xf32, #tpu.memory_space<vmem>>, vector<1x16xf32>,
        %get3A_401 = vector.shape_cast %get3A_400 : vector<1x16xf32> to vector<16xf32>
        %add3A_402 = arith.addf %add3A_374, %get3A_401 : vector<16xf32>
        %add3A_403 = arith.constant 2 : i32
        %add3A_404 = arith.addi %add3A_376, %add3A_403 : i32
        %scan3A_405 = arith.constant 3 : i32
        %scan3A_406 = arith.addi %scan3A_318, %scan3A_405 : i32
        %get3A_407 = arith.index_cast %add3A_404 : i32 to index
        %get3A_408 = arith.constant 0 : index
        %get3A_409 = tpu.vector_load %arg7[%get3A_407, %get3A_408] {strides = array<i32>} : memref<800x32xf32, #tpu.memory_space<vmem>>, vector<1x16xf32>,
        %get3A_410 = vector.shape_cast %get3A_409 : vector<1x16xf32> to vector<16xf32>
        %add3A_411 = arith.addf %add3A_383, %get3A_410 : vector<16xf32>
        %get3A_412 = arith.index_cast %add3A_404 : i32 to index
        %get3A_413 = arith.constant 16 : index
        %get3A_414 = tpu.vector_load %arg7[%get3A_412, %get3A_413] {strides = array<i32>} : memref<800x32xf32, #tpu.memory_space<vmem>>, vector<1x16xf32>,
        %get3A_415 = vector.shape_cast %get3A_414 : vector<1x16xf32> to vector<16xf32>
        %add3A_416 = arith.addf %add3A_388, %get3A_415 : vector<16xf32>
        %add3A_417 = arith.constant 1 : i32
        %add3A_418 = arith.addi %add3A_404, %add3A_417 : i32
        %get3A_419 = arith.index_cast %add3A_418 : i32 to index
        %get3A_420 = arith.constant 0 : index
        %get3A_421 = tpu.vector_load %arg7[%get3A_419, %get3A_420] {strides = array<i32>} : memref<800x32xf32, #tpu.memory_space<vmem>>, vector<1x16xf32>,
        %get3A_422 = vector.shape_cast %get3A_421 : vector<1x16xf32> to vector<16xf32>
        %add3A_423 = arith.addf %add3A_395, %get3A_422 : vector<16xf32>
        %add3A_424 = arith.constant 1 : i32
        %add3A_425 = arith.addi %add3A_404, %add3A_424 : i32
        %get3A_426 = arith.index_cast %add3A_425 : i32 to index
        %get3A_427 = arith.constant 16 : index
        %get3A_428 = tpu.vector_load %arg7[%get3A_426, %get3A_427] {strides = array<i32>} : memref<800x32xf32, #tpu.memory_space<vmem>>, vector<1x16xf32>,
        %get3A_429 = vector.shape_cast %get3A_428 : vector<1x16xf32> to vector<16xf32>
        %add3A_430 = arith.addf %add3A_402, %get3A_429 : vector<16xf32>
        %add3A_431 = arith.constant 2 : i32
        %add3A_432 = arith.addi %add3A_404, %add3A_431 : i32
        %scan3A_433 = arith.constant 4 : i32
        %scan3A_434 = arith.addi %scan3A_318, %scan3A_433 : i32
        %get3A_435 = arith.index_cast %add3A_432 : i32 to index
        %get3A_436 = arith.constant 0 : index
        %get3A_437 = tpu.vector_load %arg7[%get3A_435, %get3A_436] {strides = array<i32>} : memref<800x32xf32, #tpu.memory_space<vmem>>, vector<1x16xf32>,
        %get3A_438 = vector.shape_cast %get3A_437 : vector<1x16xf32> to vector<16xf32>
        %add3A_439 = arith.addf %add3A_411, %get3A_438 : vector<16xf32>
        %get3A_440 = arith.index_cast %add3A_432 : i32 to index
        %get3A_441 = arith.constant 16 : index
        %get3A_442 = tpu.vector_load %arg7[%get3A_440, %get3A_441] {strides = array<i32>} : memref<800x32xf32, #tpu.memory_space<vmem>>, vector<1x16xf32>,
        %get3A_443 = vector.shape_cast %get3A_442 : vector<1x16xf32> to vector<16xf32>
        %add3A_444 = arith.addf %add3A_416, %get3A_443 : vector<16xf32>
        %add3A_445 = arith.constant 1 : i32
        %add3A_446 = arith.addi %add3A_432, %add3A_445 : i32
        %get3A_447 = arith.index_cast %add3A_446 : i32 to index
        %get3A_448 = arith.constant 0 : index
        %get3A_449 = tpu.vector_load %arg7[%get3A_447, %get3A_448] {strides = array<i32>} : memref<800x32xf32, #tpu.memory_space<vmem>>, vector<1x16xf32>,
        %get3A_450 = vector.shape_cast %get3A_449 : vector<1x16xf32> to vector<16xf32>
        %add3A_451 = arith.addf %add3A_423, %get3A_450 : vector<16xf32>
        %add3A_452 = arith.constant 1 : i32
        %add3A_453 = arith.addi %add3A_432, %add3A_452 : i32
        %get3A_454 = arith.index_cast %add3A_453 : i32 to index
        %get3A_455 = arith.constant 16 : index
        %get3A_456 = tpu.vector_load %arg7[%get3A_454, %get3A_455] {strides = array<i32>} : memref<800x32xf32, #tpu.memory_space<vmem>>, vector<1x16xf32>,
        %get3A_457 = vector.shape_cast %get3A_456 : vector<1x16xf32> to vector<16xf32>
        %add3A_458 = arith.addf %add3A_430, %get3A_457 : vector<16xf32>
        %add3A_459 = arith.constant 2 : i32
        %add3A_460 = arith.addi %add3A_432, %add3A_459 : i32
        scf.yield %add3A_460, %add3A_439, %add3A_444, %add3A_451, %add3A_458 : i32, vector<16xf32>, vector<16xf32>, vector<16xf32>, vector<16xf32>
      }
      %scan3A_300 = arith.constant 25 : i32
      %add3A_301 = arith.addf %scan3A_299#1, %scan3A_299#3 : vector<16xf32>
      %mul3A_302 = arith.constant 2.000000e-02 : f32
      %mul3A_303 = vector.broadcast %mul3A_302 : f32 to vector<16xf32>
      %mul3A_304 = arith.mulf %add3A_301, %mul3A_303 : vector<16xf32>
      %swap3A = arith.index_cast %add3A_292 : i32 to index
      %swap3A_305 = arith.constant 0 : index
      %swap3A_306 = tpu.vector_load %arg9[%swap3A, %swap3A_305] {strides = array<i32>} : memref<16x32xf32, #tpu.memory_space<vmem>>, vector<1x16xf32>,
      %swap3A_307 = vector.shape_cast %swap3A_306 : vector<1x16xf32> to vector<16xf32>
      %swap3A_308 = vector.shape_cast %mul3A_304 : vector<16xf32> to vector<1x16xf32>
      tpu.vector_store %arg9[%swap3A, %swap3A_305], %swap3A_308 {strides = array<i32>} : memref<16x32xf32, #tpu.memory_space<vmem>>, vector<1x16xf32>,
      %add3A_309 = arith.addf %scan3A_299#2, %scan3A_299#4 : vector<16xf32>
      %mul3A_310 = arith.constant 2.000000e-02 : f32
      %mul3A_311 = vector.broadcast %mul3A_310 : f32 to vector<16xf32>
      %mul3A_312 = arith.mulf %add3A_309, %mul3A_311 : vector<16xf32>
      %swap3A_313 = arith.index_cast %add3A_292 : i32 to index
      %swap3A_314 = arith.constant 16 : index
      %swap3A_315 = tpu.vector_load %arg9[%swap3A_313, %swap3A_314] {strides = array<i32>} : memref<16x32xf32, #tpu.memory_space<vmem>>, vector<1x16xf32>,
      %swap3A_316 = vector.shape_cast %swap3A_315 : vector<1x16xf32> to vector<16xf32>
      %swap3A_317 = vector.shape_cast %mul3A_312 : vector<16xf32> to vector<1x16xf32>
      tpu.vector_store %arg9[%swap3A_313, %swap3A_314], %swap3A_317 {strides = array<i32>} : memref<16x32xf32, #tpu.memory_space<vmem>>, vector<1x16xf32>,
    }
    "tpu.region"() ({
      %run_scoped3A = tpu.sem_alloc : memref<!tpu.dma_semaphore, #tpu.memory_space<semaphore_mem>>
      %dma_start3A_290 = arith.constant 0 : i32
      %dma_start3A_291 = tpu.memref_slice %arg4[%add3A_239, %dma_start3A_290] : memref<16384x32xf32, #tpu.memory_space<hbm>> -> memref<16x32xf32, #tpu.memory_space<hbm>>
      %dma_start3A_292 = arith.constant 0 : i32
      %dma_start3A_293 = tpu.memref_slice %arg4[%add3A_239, %dma_start3A_292] : memref<16384x32xf32, #tpu.memory_space<hbm>> -> memref<16x32xf32, #tpu.memory_space<hbm>>
      tpu.enqueue_dma source(%arg9 : memref<16x32xf32, #tpu.memory_space<vmem>>) target(%dma_start3A_293 : memref<16x32xf32, #tpu.memory_space<hbm>>) target_semaphore(%run_scoped3A : memref<!tpu.dma_semaphore, #tpu.memory_space<semaphore_mem>>)
      %dma_wait3A_294 = arith.constant 0 : i32
      %dma_wait3A_295 = tpu.memref_slice %arg4[%add3A_239, %dma_wait3A_294] : memref<16384x32xf32, #tpu.memory_space<hbm>> -> memref<16x32xf32, #tpu.memory_space<hbm>>
      %dma_wait3A_296 = arith.constant 0 : i32
      %dma_wait3A_297 = tpu.memref_slice %arg4[%add3A_239, %dma_wait3A_296] : memref<16384x32xf32, #tpu.memory_space<hbm>> -> memref<16x32xf32, #tpu.memory_space<hbm>>
      tpu.wait_dma2 semaphore(%run_scoped3A : memref<!tpu.dma_semaphore, #tpu.memory_space<semaphore_mem>>) src(%arg9 : memref<16x32xf32, #tpu.memory_space<vmem>>) dst(%dma_wait3A_297 : memref<16x32xf32, #tpu.memory_space<hbm>>)
      tpu.yield
    }) : () -> ()
    %dma_wait3A_260 = arith.constant 0 : i32
    %dma_wait3A_261 = arith.constant 0 : i32
    %dma_wait3A_262 = tpu.memref_slice %arg2[%dma_wait3A_260, %dma_wait3A_261] : memref<1015808x32xf32, #tpu.memory_space<hbm>> -> memref<800x32xf32, #tpu.memory_space<hbm>>
    %dma_wait3A_263 = arith.constant 0 : i32
    %dma_wait3A_264 = arith.constant 0 : i32
    %dma_wait3A_265 = tpu.memref_slice %arg2[%dma_wait3A_263, %dma_wait3A_264] : memref<1015808x32xf32, #tpu.memory_space<hbm>> -> memref<800x32xf32, #tpu.memory_space<hbm>>
    tpu.wait_dma2 semaphore(%arg12 : memref<!tpu.dma_semaphore, #tpu.memory_space<semaphore_mem>>) src(%dma_wait3A_265 : memref<800x32xf32, #tpu.memory_space<hbm>>) dst(%arg8 : memref<800x32xf32, #tpu.memory_space<vmem>>)
    %mul3A_266 = arith.constant 31 : i32
    %mul3A_267 = arith.constant 16 : i32
    %mul3A_268 = arith.muli %mul3A_266, %mul3A_267 : i32
    %add3A_269 = arith.addi %mul3A_2, %mul3A_268 : i32
    %sub3A_270 = arith.constant 16 : i32
    %sub3A_271 = arith.constant 0 : i32
    %sub3A_272 = arith.subi %sub3A_270, %sub3A_271 : i32
    %sub3A_273 = arith.constant 1 : i32
    %sub3A_274 = arith.constant 1 : i32
    %sub3A_275 = arith.subi %sub3A_273, %sub3A_274 : i32
    %add3A_276 = arith.addi %sub3A_272, %sub3A_275 : i32
    %div3A_277 = arith.constant 1 : i32
    %div3A_278 = arith.divsi %add3A_276, %div3A_277 : i32
    %while3A_279 = arith.constant 1 : i32
    %while3A_280 = arith.constant 0 : i32
    %while3A_281 = arith.constant 0 : i32
    %while3A_282 = arith.subi %div3A_278, %while3A_281 : i32
    %while3A_283 = arith.addi %while3A_281, %while3A_282 : i32
    %while3A_284 = arith.constant 1 : i32
    %while3A_285 = arith.divsi %while3A_282, %while3A_284 : i32
    %while3A_286 = arith.muli %while3A_285, %while3A_284 : i32
    %while3A_287 = arith.addi %while3A_281, %while3A_286 : i32
    %while3A_288 = arith.constant 1 : i32
    scf.for %while3A_290 = %while3A_281 to %while3A_287 step %while3A_288  : i32 {
      %mul3A_291 = arith.muli %while3A_290, %while3A_279 : i32
      %add3A_292 = arith.addi %while3A_280, %mul3A_291 : i32
      %mul3A_293 = arith.constant 50 : i32
      %mul3A_294 = arith.muli %add3A_292, %mul3A_293 : i32
      %broadcast_in_dim3A = arith.constant 0.000000e+00 : f32
      %broadcast_in_dim3A_295 = vector.broadcast %broadcast_in_dim3A : f32 to vector<16xf32>
      %scan3A = arith.constant 0 : i32
      %scan3A_296 = arith.constant 25 : i32
      %scan3A_297 = arith.addi %scan3A, %scan3A_296 : i32
      %scan3A_298 = arith.constant 5 : i32
      %scan3A_299:5 = scf.for %scan3A_318 = %scan3A to %scan3A_297 step %scan3A_298 iter_args(%scan3A_319 = %mul3A_294, %scan3A_320 = %broadcast_in_dim3A_295, %scan3A_321 = %broadcast_in_dim3A_295, %scan3A_322 = %broadcast_in_dim3A_295, %scan3A_323 = %broadcast_in_dim3A_295) -> (i32, vector<16xf32>, vector<16xf32>, vector<16xf32>, vector<16xf32>)  : i32 {
        %get3A = arith.index_cast %scan3A_319 : i32 to index
        %get3A_324 = arith.constant 0 : index
        %get3A_325 = tpu.vector_load %arg8[%get3A, %get3A_324] {strides = array<i32>} : memref<800x32xf32, #tpu.memory_space<vmem>>, vector<1x16xf32>,
        %get3A_326 = vector.shape_cast %get3A_325 : vector<1x16xf32> to vector<16xf32>
        %add3A_327 = arith.addf %scan3A_320, %get3A_326 : vector<16xf32>
        %get3A_328 = arith.index_cast %scan3A_319 : i32 to index
        %get3A_329 = arith.constant 16 : index
        %get3A_330 = tpu.vector_load %arg8[%get3A_328, %get3A_329] {strides = array<i32>} : memref<800x32xf32, #tpu.memory_space<vmem>>, vector<1x16xf32>,
        %get3A_331 = vector.shape_cast %get3A_330 : vector<1x16xf32> to vector<16xf32>
        %add3A_332 = arith.addf %scan3A_321, %get3A_331 : vector<16xf32>
        %add3A_333 = arith.constant 1 : i32
        %add3A_334 = arith.addi %scan3A_319, %add3A_333 : i32
        %get3A_335 = arith.index_cast %add3A_334 : i32 to index
        %get3A_336 = arith.constant 0 : index
        %get3A_337 = tpu.vector_load %arg8[%get3A_335, %get3A_336] {strides = array<i32>} : memref<800x32xf32, #tpu.memory_space<vmem>>, vector<1x16xf32>,
        %get3A_338 = vector.shape_cast %get3A_337 : vector<1x16xf32> to vector<16xf32>
        %add3A_339 = arith.addf %scan3A_322, %get3A_338 : vector<16xf32>
        %add3A_340 = arith.constant 1 : i32
        %add3A_341 = arith.addi %scan3A_319, %add3A_340 : i32
        %get3A_342 = arith.index_cast %add3A_341 : i32 to index
        %get3A_343 = arith.constant 16 : index
        %get3A_344 = tpu.vector_load %arg8[%get3A_342, %get3A_343] {strides = array<i32>} : memref<800x32xf32, #tpu.memory_space<vmem>>, vector<1x16xf32>,
        %get3A_345 = vector.shape_cast %get3A_344 : vector<1x16xf32> to vector<16xf32>
        %add3A_346 = arith.addf %scan3A_323, %get3A_345 : vector<16xf32>
        %add3A_347 = arith.constant 2 : i32
        %add3A_348 = arith.addi %scan3A_319, %add3A_347 : i32
        %scan3A_349 = arith.constant 1 : i32
        %scan3A_350 = arith.addi %scan3A_318, %scan3A_349 : i32
        %get3A_351 = arith.index_cast %add3A_348 : i32 to index
        %get3A_352 = arith.constant 0 : index
        %get3A_353 = tpu.vector_load %arg8[%get3A_351, %get3A_352] {strides = array<i32>} : memref<800x32xf32, #tpu.memory_space<vmem>>, vector<1x16xf32>,
        %get3A_354 = vector.shape_cast %get3A_353 : vector<1x16xf32> to vector<16xf32>
        %add3A_355 = arith.addf %add3A_327, %get3A_354 : vector<16xf32>
        %get3A_356 = arith.index_cast %add3A_348 : i32 to index
        %get3A_357 = arith.constant 16 : index
        %get3A_358 = tpu.vector_load %arg8[%get3A_356, %get3A_357] {strides = array<i32>} : memref<800x32xf32, #tpu.memory_space<vmem>>, vector<1x16xf32>,
        %get3A_359 = vector.shape_cast %get3A_358 : vector<1x16xf32> to vector<16xf32>
        %add3A_360 = arith.addf %add3A_332, %get3A_359 : vector<16xf32>
        %add3A_361 = arith.constant 1 : i32
        %add3A_362 = arith.addi %add3A_348, %add3A_361 : i32
        %get3A_363 = arith.index_cast %add3A_362 : i32 to index
        %get3A_364 = arith.constant 0 : index
        %get3A_365 = tpu.vector_load %arg8[%get3A_363, %get3A_364] {strides = array<i32>} : memref<800x32xf32, #tpu.memory_space<vmem>>, vector<1x16xf32>,
        %get3A_366 = vector.shape_cast %get3A_365 : vector<1x16xf32> to vector<16xf32>
        %add3A_367 = arith.addf %add3A_339, %get3A_366 : vector<16xf32>
        %add3A_368 = arith.constant 1 : i32
        %add3A_369 = arith.addi %add3A_348, %add3A_368 : i32
        %get3A_370 = arith.index_cast %add3A_369 : i32 to index
        %get3A_371 = arith.constant 16 : index
        %get3A_372 = tpu.vector_load %arg8[%get3A_370, %get3A_371] {strides = array<i32>} : memref<800x32xf32, #tpu.memory_space<vmem>>, vector<1x16xf32>,
        %get3A_373 = vector.shape_cast %get3A_372 : vector<1x16xf32> to vector<16xf32>
        %add3A_374 = arith.addf %add3A_346, %get3A_373 : vector<16xf32>
        %add3A_375 = arith.constant 2 : i32
        %add3A_376 = arith.addi %add3A_348, %add3A_375 : i32
        %scan3A_377 = arith.constant 2 : i32
        %scan3A_378 = arith.addi %scan3A_318, %scan3A_377 : i32
        %get3A_379 = arith.index_cast %add3A_376 : i32 to index
        %get3A_380 = arith.constant 0 : index
        %get3A_381 = tpu.vector_load %arg8[%get3A_379, %get3A_380] {strides = array<i32>} : memref<800x32xf32, #tpu.memory_space<vmem>>, vector<1x16xf32>,
        %get3A_382 = vector.shape_cast %get3A_381 : vector<1x16xf32> to vector<16xf32>
        %add3A_383 = arith.addf %add3A_355, %get3A_382 : vector<16xf32>
        %get3A_384 = arith.index_cast %add3A_376 : i32 to index
        %get3A_385 = arith.constant 16 : index
        %get3A_386 = tpu.vector_load %arg8[%get3A_384, %get3A_385] {strides = array<i32>} : memref<800x32xf32, #tpu.memory_space<vmem>>, vector<1x16xf32>,
        %get3A_387 = vector.shape_cast %get3A_386 : vector<1x16xf32> to vector<16xf32>
        %add3A_388 = arith.addf %add3A_360, %get3A_387 : vector<16xf32>
        %add3A_389 = arith.constant 1 : i32
        %add3A_390 = arith.addi %add3A_376, %add3A_389 : i32
        %get3A_391 = arith.index_cast %add3A_390 : i32 to index
        %get3A_392 = arith.constant 0 : index
        %get3A_393 = tpu.vector_load %arg8[%get3A_391, %get3A_392] {strides = array<i32>} : memref<800x32xf32, #tpu.memory_space<vmem>>, vector<1x16xf32>,
        %get3A_394 = vector.shape_cast %get3A_393 : vector<1x16xf32> to vector<16xf32>
        %add3A_395 = arith.addf %add3A_367, %get3A_394 : vector<16xf32>
        %add3A_396 = arith.constant 1 : i32
        %add3A_397 = arith.addi %add3A_376, %add3A_396 : i32
        %get3A_398 = arith.index_cast %add3A_397 : i32 to index
        %get3A_399 = arith.constant 16 : index
        %get3A_400 = tpu.vector_load %arg8[%get3A_398, %get3A_399] {strides = array<i32>} : memref<800x32xf32, #tpu.memory_space<vmem>>, vector<1x16xf32>,
        %get3A_401 = vector.shape_cast %get3A_400 : vector<1x16xf32> to vector<16xf32>
        %add3A_402 = arith.addf %add3A_374, %get3A_401 : vector<16xf32>
        %add3A_403 = arith.constant 2 : i32
        %add3A_404 = arith.addi %add3A_376, %add3A_403 : i32
        %scan3A_405 = arith.constant 3 : i32
        %scan3A_406 = arith.addi %scan3A_318, %scan3A_405 : i32
        %get3A_407 = arith.index_cast %add3A_404 : i32 to index
        %get3A_408 = arith.constant 0 : index
        %get3A_409 = tpu.vector_load %arg8[%get3A_407, %get3A_408] {strides = array<i32>} : memref<800x32xf32, #tpu.memory_space<vmem>>, vector<1x16xf32>,
        %get3A_410 = vector.shape_cast %get3A_409 : vector<1x16xf32> to vector<16xf32>
        %add3A_411 = arith.addf %add3A_383, %get3A_410 : vector<16xf32>
        %get3A_412 = arith.index_cast %add3A_404 : i32 to index
        %get3A_413 = arith.constant 16 : index
        %get3A_414 = tpu.vector_load %arg8[%get3A_412, %get3A_413] {strides = array<i32>} : memref<800x32xf32, #tpu.memory_space<vmem>>, vector<1x16xf32>,
        %get3A_415 = vector.shape_cast %get3A_414 : vector<1x16xf32> to vector<16xf32>
        %add3A_416 = arith.addf %add3A_388, %get3A_415 : vector<16xf32>
        %add3A_417 = arith.constant 1 : i32
        %add3A_418 = arith.addi %add3A_404, %add3A_417 : i32
        %get3A_419 = arith.index_cast %add3A_418 : i32 to index
        %get3A_420 = arith.constant 0 : index
        %get3A_421 = tpu.vector_load %arg8[%get3A_419, %get3A_420] {strides = array<i32>} : memref<800x32xf32, #tpu.memory_space<vmem>>, vector<1x16xf32>,
        %get3A_422 = vector.shape_cast %get3A_421 : vector<1x16xf32> to vector<16xf32>
        %add3A_423 = arith.addf %add3A_395, %get3A_422 : vector<16xf32>
        %add3A_424 = arith.constant 1 : i32
        %add3A_425 = arith.addi %add3A_404, %add3A_424 : i32
        %get3A_426 = arith.index_cast %add3A_425 : i32 to index
        %get3A_427 = arith.constant 16 : index
        %get3A_428 = tpu.vector_load %arg8[%get3A_426, %get3A_427] {strides = array<i32>} : memref<800x32xf32, #tpu.memory_space<vmem>>, vector<1x16xf32>,
        %get3A_429 = vector.shape_cast %get3A_428 : vector<1x16xf32> to vector<16xf32>
        %add3A_430 = arith.addf %add3A_402, %get3A_429 : vector<16xf32>
        %add3A_431 = arith.constant 2 : i32
        %add3A_432 = arith.addi %add3A_404, %add3A_431 : i32
        %scan3A_433 = arith.constant 4 : i32
        %scan3A_434 = arith.addi %scan3A_318, %scan3A_433 : i32
        %get3A_435 = arith.index_cast %add3A_432 : i32 to index
        %get3A_436 = arith.constant 0 : index
        %get3A_437 = tpu.vector_load %arg8[%get3A_435, %get3A_436] {strides = array<i32>} : memref<800x32xf32, #tpu.memory_space<vmem>>, vector<1x16xf32>,
        %get3A_438 = vector.shape_cast %get3A_437 : vector<1x16xf32> to vector<16xf32>
        %add3A_439 = arith.addf %add3A_411, %get3A_438 : vector<16xf32>
        %get3A_440 = arith.index_cast %add3A_432 : i32 to index
        %get3A_441 = arith.constant 16 : index
        %get3A_442 = tpu.vector_load %arg8[%get3A_440, %get3A_441] {strides = array<i32>} : memref<800x32xf32, #tpu.memory_space<vmem>>, vector<1x16xf32>,
        %get3A_443 = vector.shape_cast %get3A_442 : vector<1x16xf32> to vector<16xf32>
        %add3A_444 = arith.addf %add3A_416, %get3A_443 : vector<16xf32>
        %add3A_445 = arith.constant 1 : i32
        %add3A_446 = arith.addi %add3A_432, %add3A_445 : i32
        %get3A_447 = arith.index_cast %add3A_446 : i32 to index
        %get3A_448 = arith.constant 0 : index
        %get3A_449 = tpu.vector_load %arg8[%get3A_447, %get3A_448] {strides = array<i32>} : memref<800x32xf32, #tpu.memory_space<vmem>>, vector<1x16xf32>,
        %get3A_450 = vector.shape_cast %get3A_449 : vector<1x16xf32> to vector<16xf32>
        %add3A_451 = arith.addf %add3A_423, %get3A_450 : vector<16xf32>
        %add3A_452 = arith.constant 1 : i32
        %add3A_453 = arith.addi %add3A_432, %add3A_452 : i32
        %get3A_454 = arith.index_cast %add3A_453 : i32 to index
        %get3A_455 = arith.constant 16 : index
        %get3A_456 = tpu.vector_load %arg8[%get3A_454, %get3A_455] {strides = array<i32>} : memref<800x32xf32, #tpu.memory_space<vmem>>, vector<1x16xf32>,
        %get3A_457 = vector.shape_cast %get3A_456 : vector<1x16xf32> to vector<16xf32>
        %add3A_458 = arith.addf %add3A_430, %get3A_457 : vector<16xf32>
        %add3A_459 = arith.constant 2 : i32
        %add3A_460 = arith.addi %add3A_432, %add3A_459 : i32
        scf.yield %add3A_460, %add3A_439, %add3A_444, %add3A_451, %add3A_458 : i32, vector<16xf32>, vector<16xf32>, vector<16xf32>, vector<16xf32>
      }
      %scan3A_300 = arith.constant 25 : i32
      %add3A_301 = arith.addf %scan3A_299#1, %scan3A_299#3 : vector<16xf32>
      %mul3A_302 = arith.constant 2.000000e-02 : f32
      %mul3A_303 = vector.broadcast %mul3A_302 : f32 to vector<16xf32>
      %mul3A_304 = arith.mulf %add3A_301, %mul3A_303 : vector<16xf32>
      %swap3A = arith.index_cast %add3A_292 : i32 to index
      %swap3A_305 = arith.constant 0 : index
      %swap3A_306 = tpu.vector_load %arg10[%swap3A, %swap3A_305] {strides = array<i32>} : memref<16x32xf32, #tpu.memory_space<vmem>>, vector<1x16xf32>,
      %swap3A_307 = vector.shape_cast %swap3A_306 : vector<1x16xf32> to vector<16xf32>
      %swap3A_308 = vector.shape_cast %mul3A_304 : vector<16xf32> to vector<1x16xf32>
      tpu.vector_store %arg10[%swap3A, %swap3A_305], %swap3A_308 {strides = array<i32>} : memref<16x32xf32, #tpu.memory_space<vmem>>, vector<1x16xf32>,
      %add3A_309 = arith.addf %scan3A_299#2, %scan3A_299#4 : vector<16xf32>
      %mul3A_310 = arith.constant 2.000000e-02 : f32
      %mul3A_311 = vector.broadcast %mul3A_310 : f32 to vector<16xf32>
      %mul3A_312 = arith.mulf %add3A_309, %mul3A_311 : vector<16xf32>
      %swap3A_313 = arith.index_cast %add3A_292 : i32 to index
      %swap3A_314 = arith.constant 16 : index
      %swap3A_315 = tpu.vector_load %arg10[%swap3A_313, %swap3A_314] {strides = array<i32>} : memref<16x32xf32, #tpu.memory_space<vmem>>, vector<1x16xf32>,
      %swap3A_316 = vector.shape_cast %swap3A_315 : vector<1x16xf32> to vector<16xf32>
      %swap3A_317 = vector.shape_cast %mul3A_312 : vector<16xf32> to vector<1x16xf32>
      tpu.vector_store %arg10[%swap3A_313, %swap3A_314], %swap3A_317 {strides = array<i32>} : memref<16x32xf32, #tpu.memory_space<vmem>>, vector<1x16xf32>,
    }
    %while3A_289 = arith.constant 1 : i32
    scf.for %while3A_290 = %while3A_287 to %while3A_283 step %while3A_289  : i32 {
      %mul3A_291 = arith.muli %while3A_290, %while3A_279 : i32
      %add3A_292 = arith.addi %while3A_280, %mul3A_291 : i32
      %mul3A_293 = arith.constant 50 : i32
      %mul3A_294 = arith.muli %add3A_292, %mul3A_293 : i32
      %broadcast_in_dim3A = arith.constant 0.000000e+00 : f32
      %broadcast_in_dim3A_295 = vector.broadcast %broadcast_in_dim3A : f32 to vector<16xf32>
      %scan3A = arith.constant 0 : i32
      %scan3A_296 = arith.constant 25 : i32
      %scan3A_297 = arith.addi %scan3A, %scan3A_296 : i32
      %scan3A_298 = arith.constant 5 : i32
      %scan3A_299:5 = scf.for %scan3A_318 = %scan3A to %scan3A_297 step %scan3A_298 iter_args(%scan3A_319 = %mul3A_294, %scan3A_320 = %broadcast_in_dim3A_295, %scan3A_321 = %broadcast_in_dim3A_295, %scan3A_322 = %broadcast_in_dim3A_295, %scan3A_323 = %broadcast_in_dim3A_295) -> (i32, vector<16xf32>, vector<16xf32>, vector<16xf32>, vector<16xf32>)  : i32 {
        %get3A = arith.index_cast %scan3A_319 : i32 to index
        %get3A_324 = arith.constant 0 : index
        %get3A_325 = tpu.vector_load %arg8[%get3A, %get3A_324] {strides = array<i32>} : memref<800x32xf32, #tpu.memory_space<vmem>>, vector<1x16xf32>,
        %get3A_326 = vector.shape_cast %get3A_325 : vector<1x16xf32> to vector<16xf32>
        %add3A_327 = arith.addf %scan3A_320, %get3A_326 : vector<16xf32>
        %get3A_328 = arith.index_cast %scan3A_319 : i32 to index
        %get3A_329 = arith.constant 16 : index
        %get3A_330 = tpu.vector_load %arg8[%get3A_328, %get3A_329] {strides = array<i32>} : memref<800x32xf32, #tpu.memory_space<vmem>>, vector<1x16xf32>,
        %get3A_331 = vector.shape_cast %get3A_330 : vector<1x16xf32> to vector<16xf32>
        %add3A_332 = arith.addf %scan3A_321, %get3A_331 : vector<16xf32>
        %add3A_333 = arith.constant 1 : i32
        %add3A_334 = arith.addi %scan3A_319, %add3A_333 : i32
        %get3A_335 = arith.index_cast %add3A_334 : i32 to index
        %get3A_336 = arith.constant 0 : index
        %get3A_337 = tpu.vector_load %arg8[%get3A_335, %get3A_336] {strides = array<i32>} : memref<800x32xf32, #tpu.memory_space<vmem>>, vector<1x16xf32>,
        %get3A_338 = vector.shape_cast %get3A_337 : vector<1x16xf32> to vector<16xf32>
        %add3A_339 = arith.addf %scan3A_322, %get3A_338 : vector<16xf32>
        %add3A_340 = arith.constant 1 : i32
        %add3A_341 = arith.addi %scan3A_319, %add3A_340 : i32
        %get3A_342 = arith.index_cast %add3A_341 : i32 to index
        %get3A_343 = arith.constant 16 : index
        %get3A_344 = tpu.vector_load %arg8[%get3A_342, %get3A_343] {strides = array<i32>} : memref<800x32xf32, #tpu.memory_space<vmem>>, vector<1x16xf32>,
        %get3A_345 = vector.shape_cast %get3A_344 : vector<1x16xf32> to vector<16xf32>
        %add3A_346 = arith.addf %scan3A_323, %get3A_345 : vector<16xf32>
        %add3A_347 = arith.constant 2 : i32
        %add3A_348 = arith.addi %scan3A_319, %add3A_347 : i32
        %scan3A_349 = arith.constant 1 : i32
        %scan3A_350 = arith.addi %scan3A_318, %scan3A_349 : i32
        %get3A_351 = arith.index_cast %add3A_348 : i32 to index
        %get3A_352 = arith.constant 0 : index
        %get3A_353 = tpu.vector_load %arg8[%get3A_351, %get3A_352] {strides = array<i32>} : memref<800x32xf32, #tpu.memory_space<vmem>>, vector<1x16xf32>,
        %get3A_354 = vector.shape_cast %get3A_353 : vector<1x16xf32> to vector<16xf32>
        %add3A_355 = arith.addf %add3A_327, %get3A_354 : vector<16xf32>
        %get3A_356 = arith.index_cast %add3A_348 : i32 to index
        %get3A_357 = arith.constant 16 : index
        %get3A_358 = tpu.vector_load %arg8[%get3A_356, %get3A_357] {strides = array<i32>} : memref<800x32xf32, #tpu.memory_space<vmem>>, vector<1x16xf32>,
        %get3A_359 = vector.shape_cast %get3A_358 : vector<1x16xf32> to vector<16xf32>
        %add3A_360 = arith.addf %add3A_332, %get3A_359 : vector<16xf32>
        %add3A_361 = arith.constant 1 : i32
        %add3A_362 = arith.addi %add3A_348, %add3A_361 : i32
        %get3A_363 = arith.index_cast %add3A_362 : i32 to index
        %get3A_364 = arith.constant 0 : index
        %get3A_365 = tpu.vector_load %arg8[%get3A_363, %get3A_364] {strides = array<i32>} : memref<800x32xf32, #tpu.memory_space<vmem>>, vector<1x16xf32>,
        %get3A_366 = vector.shape_cast %get3A_365 : vector<1x16xf32> to vector<16xf32>
        %add3A_367 = arith.addf %add3A_339, %get3A_366 : vector<16xf32>
        %add3A_368 = arith.constant 1 : i32
        %add3A_369 = arith.addi %add3A_348, %add3A_368 : i32
        %get3A_370 = arith.index_cast %add3A_369 : i32 to index
        %get3A_371 = arith.constant 16 : index
        %get3A_372 = tpu.vector_load %arg8[%get3A_370, %get3A_371] {strides = array<i32>} : memref<800x32xf32, #tpu.memory_space<vmem>>, vector<1x16xf32>,
        %get3A_373 = vector.shape_cast %get3A_372 : vector<1x16xf32> to vector<16xf32>
        %add3A_374 = arith.addf %add3A_346, %get3A_373 : vector<16xf32>
        %add3A_375 = arith.constant 2 : i32
        %add3A_376 = arith.addi %add3A_348, %add3A_375 : i32
        %scan3A_377 = arith.constant 2 : i32
        %scan3A_378 = arith.addi %scan3A_318, %scan3A_377 : i32
        %get3A_379 = arith.index_cast %add3A_376 : i32 to index
        %get3A_380 = arith.constant 0 : index
        %get3A_381 = tpu.vector_load %arg8[%get3A_379, %get3A_380] {strides = array<i32>} : memref<800x32xf32, #tpu.memory_space<vmem>>, vector<1x16xf32>,
        %get3A_382 = vector.shape_cast %get3A_381 : vector<1x16xf32> to vector<16xf32>
        %add3A_383 = arith.addf %add3A_355, %get3A_382 : vector<16xf32>
        %get3A_384 = arith.index_cast %add3A_376 : i32 to index
        %get3A_385 = arith.constant 16 : index
        %get3A_386 = tpu.vector_load %arg8[%get3A_384, %get3A_385] {strides = array<i32>} : memref<800x32xf32, #tpu.memory_space<vmem>>, vector<1x16xf32>,
        %get3A_387 = vector.shape_cast %get3A_386 : vector<1x16xf32> to vector<16xf32>
        %add3A_388 = arith.addf %add3A_360, %get3A_387 : vector<16xf32>
        %add3A_389 = arith.constant 1 : i32
        %add3A_390 = arith.addi %add3A_376, %add3A_389 : i32
        %get3A_391 = arith.index_cast %add3A_390 : i32 to index
        %get3A_392 = arith.constant 0 : index
        %get3A_393 = tpu.vector_load %arg8[%get3A_391, %get3A_392] {strides = array<i32>} : memref<800x32xf32, #tpu.memory_space<vmem>>, vector<1x16xf32>,
        %get3A_394 = vector.shape_cast %get3A_393 : vector<1x16xf32> to vector<16xf32>
        %add3A_395 = arith.addf %add3A_367, %get3A_394 : vector<16xf32>
        %add3A_396 = arith.constant 1 : i32
        %add3A_397 = arith.addi %add3A_376, %add3A_396 : i32
        %get3A_398 = arith.index_cast %add3A_397 : i32 to index
        %get3A_399 = arith.constant 16 : index
        %get3A_400 = tpu.vector_load %arg8[%get3A_398, %get3A_399] {strides = array<i32>} : memref<800x32xf32, #tpu.memory_space<vmem>>, vector<1x16xf32>,
        %get3A_401 = vector.shape_cast %get3A_400 : vector<1x16xf32> to vector<16xf32>
        %add3A_402 = arith.addf %add3A_374, %get3A_401 : vector<16xf32>
        %add3A_403 = arith.constant 2 : i32
        %add3A_404 = arith.addi %add3A_376, %add3A_403 : i32
        %scan3A_405 = arith.constant 3 : i32
        %scan3A_406 = arith.addi %scan3A_318, %scan3A_405 : i32
        %get3A_407 = arith.index_cast %add3A_404 : i32 to index
        %get3A_408 = arith.constant 0 : index
        %get3A_409 = tpu.vector_load %arg8[%get3A_407, %get3A_408] {strides = array<i32>} : memref<800x32xf32, #tpu.memory_space<vmem>>, vector<1x16xf32>,
        %get3A_410 = vector.shape_cast %get3A_409 : vector<1x16xf32> to vector<16xf32>
        %add3A_411 = arith.addf %add3A_383, %get3A_410 : vector<16xf32>
        %get3A_412 = arith.index_cast %add3A_404 : i32 to index
        %get3A_413 = arith.constant 16 : index
        %get3A_414 = tpu.vector_load %arg8[%get3A_412, %get3A_413] {strides = array<i32>} : memref<800x32xf32, #tpu.memory_space<vmem>>, vector<1x16xf32>,
        %get3A_415 = vector.shape_cast %get3A_414 : vector<1x16xf32> to vector<16xf32>
        %add3A_416 = arith.addf %add3A_388, %get3A_415 : vector<16xf32>
        %add3A_417 = arith.constant 1 : i32
        %add3A_418 = arith.addi %add3A_404, %add3A_417 : i32
        %get3A_419 = arith.index_cast %add3A_418 : i32 to index
        %get3A_420 = arith.constant 0 : index
        %get3A_421 = tpu.vector_load %arg8[%get3A_419, %get3A_420] {strides = array<i32>} : memref<800x32xf32, #tpu.memory_space<vmem>>, vector<1x16xf32>,
        %get3A_422 = vector.shape_cast %get3A_421 : vector<1x16xf32> to vector<16xf32>
        %add3A_423 = arith.addf %add3A_395, %get3A_422 : vector<16xf32>
        %add3A_424 = arith.constant 1 : i32
        %add3A_425 = arith.addi %add3A_404, %add3A_424 : i32
        %get3A_426 = arith.index_cast %add3A_425 : i32 to index
        %get3A_427 = arith.constant 16 : index
        %get3A_428 = tpu.vector_load %arg8[%get3A_426, %get3A_427] {strides = array<i32>} : memref<800x32xf32, #tpu.memory_space<vmem>>, vector<1x16xf32>,
        %get3A_429 = vector.shape_cast %get3A_428 : vector<1x16xf32> to vector<16xf32>
        %add3A_430 = arith.addf %add3A_402, %get3A_429 : vector<16xf32>
        %add3A_431 = arith.constant 2 : i32
        %add3A_432 = arith.addi %add3A_404, %add3A_431 : i32
        %scan3A_433 = arith.constant 4 : i32
        %scan3A_434 = arith.addi %scan3A_318, %scan3A_433 : i32
        %get3A_435 = arith.index_cast %add3A_432 : i32 to index
        %get3A_436 = arith.constant 0 : index
        %get3A_437 = tpu.vector_load %arg8[%get3A_435, %get3A_436] {strides = array<i32>} : memref<800x32xf32, #tpu.memory_space<vmem>>, vector<1x16xf32>,
        %get3A_438 = vector.shape_cast %get3A_437 : vector<1x16xf32> to vector<16xf32>
        %add3A_439 = arith.addf %add3A_411, %get3A_438 : vector<16xf32>
        %get3A_440 = arith.index_cast %add3A_432 : i32 to index
        %get3A_441 = arith.constant 16 : index
        %get3A_442 = tpu.vector_load %arg8[%get3A_440, %get3A_441] {strides = array<i32>} : memref<800x32xf32, #tpu.memory_space<vmem>>, vector<1x16xf32>,
        %get3A_443 = vector.shape_cast %get3A_442 : vector<1x16xf32> to vector<16xf32>
        %add3A_444 = arith.addf %add3A_416, %get3A_443 : vector<16xf32>
        %add3A_445 = arith.constant 1 : i32
        %add3A_446 = arith.addi %add3A_432, %add3A_445 : i32
        %get3A_447 = arith.index_cast %add3A_446 : i32 to index
        %get3A_448 = arith.constant 0 : index
        %get3A_449 = tpu.vector_load %arg8[%get3A_447, %get3A_448] {strides = array<i32>} : memref<800x32xf32, #tpu.memory_space<vmem>>, vector<1x16xf32>,
        %get3A_450 = vector.shape_cast %get3A_449 : vector<1x16xf32> to vector<16xf32>
        %add3A_451 = arith.addf %add3A_423, %get3A_450 : vector<16xf32>
        %add3A_452 = arith.constant 1 : i32
        %add3A_453 = arith.addi %add3A_432, %add3A_452 : i32
        %get3A_454 = arith.index_cast %add3A_453 : i32 to index
        %get3A_455 = arith.constant 16 : index
        %get3A_456 = tpu.vector_load %arg8[%get3A_454, %get3A_455] {strides = array<i32>} : memref<800x32xf32, #tpu.memory_space<vmem>>, vector<1x16xf32>,
        %get3A_457 = vector.shape_cast %get3A_456 : vector<1x16xf32> to vector<16xf32>
        %add3A_458 = arith.addf %add3A_430, %get3A_457 : vector<16xf32>
        %add3A_459 = arith.constant 2 : i32
        %add3A_460 = arith.addi %add3A_432, %add3A_459 : i32
        scf.yield %add3A_460, %add3A_439, %add3A_444, %add3A_451, %add3A_458 : i32, vector<16xf32>, vector<16xf32>, vector<16xf32>, vector<16xf32>
      }
      %scan3A_300 = arith.constant 25 : i32
      %add3A_301 = arith.addf %scan3A_299#1, %scan3A_299#3 : vector<16xf32>
      %mul3A_302 = arith.constant 2.000000e-02 : f32
      %mul3A_303 = vector.broadcast %mul3A_302 : f32 to vector<16xf32>
      %mul3A_304 = arith.mulf %add3A_301, %mul3A_303 : vector<16xf32>
      %swap3A = arith.index_cast %add3A_292 : i32 to index
      %swap3A_305 = arith.constant 0 : index
      %swap3A_306 = tpu.vector_load %arg10[%swap3A, %swap3A_305] {strides = array<i32>} : memref<16x32xf32, #tpu.memory_space<vmem>>, vector<1x16xf32>,
      %swap3A_307 = vector.shape_cast %swap3A_306 : vector<1x16xf32> to vector<16xf32>
      %swap3A_308 = vector.shape_cast %mul3A_304 : vector<16xf32> to vector<1x16xf32>
      tpu.vector_store %arg10[%swap3A, %swap3A_305], %swap3A_308 {strides = array<i32>} : memref<16x32xf32, #tpu.memory_space<vmem>>, vector<1x16xf32>,
      %add3A_309 = arith.addf %scan3A_299#2, %scan3A_299#4 : vector<16xf32>
      %mul3A_310 = arith.constant 2.000000e-02 : f32
      %mul3A_311 = vector.broadcast %mul3A_310 : f32 to vector<16xf32>
      %mul3A_312 = arith.mulf %add3A_309, %mul3A_311 : vector<16xf32>
      %swap3A_313 = arith.index_cast %add3A_292 : i32 to index
      %swap3A_314 = arith.constant 16 : index
      %swap3A_315 = tpu.vector_load %arg10[%swap3A_313, %swap3A_314] {strides = array<i32>} : memref<16x32xf32, #tpu.memory_space<vmem>>, vector<1x16xf32>,
      %swap3A_316 = vector.shape_cast %swap3A_315 : vector<1x16xf32> to vector<16xf32>
      %swap3A_317 = vector.shape_cast %mul3A_312 : vector<16xf32> to vector<1x16xf32>
      tpu.vector_store %arg10[%swap3A_313, %swap3A_314], %swap3A_317 {strides = array<i32>} : memref<16x32xf32, #tpu.memory_space<vmem>>, vector<1x16xf32>,
    }
    "tpu.region"() ({
      %run_scoped3A = tpu.sem_alloc : memref<!tpu.dma_semaphore, #tpu.memory_space<semaphore_mem>>
      %dma_start3A_290 = arith.constant 0 : i32
      %dma_start3A_291 = tpu.memref_slice %arg4[%add3A_269, %dma_start3A_290] : memref<16384x32xf32, #tpu.memory_space<hbm>> -> memref<16x32xf32, #tpu.memory_space<hbm>>
      %dma_start3A_292 = arith.constant 0 : i32
      %dma_start3A_293 = tpu.memref_slice %arg4[%add3A_269, %dma_start3A_292] : memref<16384x32xf32, #tpu.memory_space<hbm>> -> memref<16x32xf32, #tpu.memory_space<hbm>>
      tpu.enqueue_dma source(%arg10 : memref<16x32xf32, #tpu.memory_space<vmem>>) target(%dma_start3A_293 : memref<16x32xf32, #tpu.memory_space<hbm>>) target_semaphore(%run_scoped3A : memref<!tpu.dma_semaphore, #tpu.memory_space<semaphore_mem>>)
      %dma_wait3A_294 = arith.constant 0 : i32
      %dma_wait3A_295 = tpu.memref_slice %arg4[%add3A_269, %dma_wait3A_294] : memref<16384x32xf32, #tpu.memory_space<hbm>> -> memref<16x32xf32, #tpu.memory_space<hbm>>
      %dma_wait3A_296 = arith.constant 0 : i32
      %dma_wait3A_297 = tpu.memref_slice %arg4[%add3A_269, %dma_wait3A_296] : memref<16384x32xf32, #tpu.memory_space<hbm>> -> memref<16x32xf32, #tpu.memory_space<hbm>>
      tpu.wait_dma2 semaphore(%run_scoped3A : memref<!tpu.dma_semaphore, #tpu.memory_space<semaphore_mem>>) src(%arg10 : memref<16x32xf32, #tpu.memory_space<vmem>>) dst(%dma_wait3A_297 : memref<16x32xf32, #tpu.memory_space<hbm>>)
      tpu.yield
    }) : () -> ()
    return
  }
}

module attributes {stable_mosaic.version = 14 : i64} {
  func.func @body(%arg0: i32, %arg1: memref<32x4096xf32, #tpu.memory_space<vmem>>, %arg2: memref<32x4096xf32, #tpu.memory_space<vmem>>, %arg3: memref<32x4096xf32, #tpu.memory_space<vmem>>, %arg4: memref<32x4096xf32, #tpu.memory_space<vmem>>, %arg5: memref<4096x128xf32, #tpu.memory_space<vmem>>) attributes {dimension_semantics = [#tpu.dimension_semantics<arbitrary>], iteration_bounds = array<i64: 62>, scalar_prefetch = 0 : i64, scratch_operands = 0 : i64, tpu.core_type = #tpu.core_type<tc>, window_params = [{transform_indices = @transform_0, window_bounds = array<i64: 32, 4096>}, {transform_indices = @transform_1, window_bounds = array<i64: 32, 4096>}, {transform_indices = @transform_2, window_bounds = array<i64: 32, 4096>}, {transform_indices = @transform_3, window_bounds = array<i64: 32, 4096>}, {transform_indices = @transform_4, window_bounds = array<i64: 4096, 128>}]} {
    %get3A = arith.constant 0 : index
    %get3A_0 = arith.constant 0 : index
    %get3A_1 = vector.load %arg1[%get3A, %get3A_0] : memref<32x4096xf32, #tpu.memory_space<vmem>>, vector<32x4096xf32>
    %transpose3A = tpu.transpose %get3A_1, [1, 0] : vector<32x4096xf32> -> vector<4096x32xf32>
    %swap3A = arith.constant 0 : index
    %swap3A_2 = arith.constant 0 : index
    %swap3A_3 = vector.load %arg5[%swap3A, %swap3A_2] : memref<4096x128xf32, #tpu.memory_space<vmem>>, vector<4096x32xf32>
    tpu.vector_store %arg5[%swap3A, %swap3A_2], %transpose3A {strides = array<i32>} : memref<4096x128xf32, #tpu.memory_space<vmem>>, vector<4096x32xf32>,
    %get3A_4 = arith.constant 0 : index
    %get3A_5 = arith.constant 0 : index
    %get3A_6 = vector.load %arg2[%get3A_4, %get3A_5] : memref<32x4096xf32, #tpu.memory_space<vmem>>, vector<32x4096xf32>
    %transpose3A_7 = tpu.transpose %get3A_6, [1, 0] : vector<32x4096xf32> -> vector<4096x32xf32>
    %swap3A_8 = arith.constant 0 : index
    %swap3A_9 = arith.constant 32 : index
    %swap3A_10 = vector.load %arg5[%swap3A_8, %swap3A_9] : memref<4096x128xf32, #tpu.memory_space<vmem>>, vector<4096x32xf32>
    tpu.vector_store %arg5[%swap3A_8, %swap3A_9], %transpose3A_7 {strides = array<i32>} : memref<4096x128xf32, #tpu.memory_space<vmem>>, vector<4096x32xf32>,
    %get3A_11 = arith.constant 0 : index
    %get3A_12 = arith.constant 0 : index
    %get3A_13 = vector.load %arg3[%get3A_11, %get3A_12] : memref<32x4096xf32, #tpu.memory_space<vmem>>, vector<32x4096xf32>
    %transpose3A_14 = tpu.transpose %get3A_13, [1, 0] : vector<32x4096xf32> -> vector<4096x32xf32>
    %swap3A_15 = arith.constant 0 : index
    %swap3A_16 = arith.constant 64 : index
    %swap3A_17 = vector.load %arg5[%swap3A_15, %swap3A_16] : memref<4096x128xf32, #tpu.memory_space<vmem>>, vector<4096x32xf32>
    tpu.vector_store %arg5[%swap3A_15, %swap3A_16], %transpose3A_14 {strides = array<i32>} : memref<4096x128xf32, #tpu.memory_space<vmem>>, vector<4096x32xf32>,
    %get3A_18 = arith.constant 0 : index
    %get3A_19 = arith.constant 0 : index
    %get3A_20 = vector.load %arg4[%get3A_18, %get3A_19] : memref<32x4096xf32, #tpu.memory_space<vmem>>, vector<32x4096xf32>
    %transpose3A_21 = tpu.transpose %get3A_20, [1, 0] : vector<32x4096xf32> -> vector<4096x32xf32>
    %swap3A_22 = arith.constant 0 : index
    %swap3A_23 = arith.constant 96 : index
    %swap3A_24 = vector.load %arg5[%swap3A_22, %swap3A_23] : memref<4096x128xf32, #tpu.memory_space<vmem>>, vector<4096x32xf32>
    tpu.vector_store %arg5[%swap3A_22, %swap3A_23], %transpose3A_21 {strides = array<i32>} : memref<4096x128xf32, #tpu.memory_space<vmem>>, vector<4096x32xf32>,
    return
  }
  func.func @transform_0(%arg0: i32) -> (i32, i32) {
    %add3A = arith.constant 0 : i32
    %add3A_0 = arith.addi %add3A, %arg0 : i32
    %min3A = arith.constant 244 : i32
    %min3A_1 = arith.minsi %add3A_0, %min3A : i32
    %c0_i32 = arith.constant 0 : i32
    %c0_i32_2 = arith.constant 0 : i32
    return %c0_i32, %min3A_1 : i32, i32
  }
  func.func @transform_1(%arg0: i32) -> (i32, i32) {
    %add3A = arith.constant 62 : i32
    %add3A_0 = arith.addi %add3A, %arg0 : i32
    %min3A = arith.constant 244 : i32
    %min3A_1 = arith.minsi %add3A_0, %min3A : i32
    %c0_i32 = arith.constant 0 : i32
    %c0_i32_2 = arith.constant 0 : i32
    return %c0_i32, %min3A_1 : i32, i32
  }
  func.func @transform_2(%arg0: i32) -> (i32, i32) {
    %add3A = arith.constant 124 : i32
    %add3A_0 = arith.addi %add3A, %arg0 : i32
    %min3A = arith.constant 244 : i32
    %min3A_1 = arith.minsi %add3A_0, %min3A : i32
    %c0_i32 = arith.constant 0 : i32
    %c0_i32_2 = arith.constant 0 : i32
    return %c0_i32, %min3A_1 : i32, i32
  }
  func.func @transform_3(%arg0: i32) -> (i32, i32) {
    %add3A = arith.constant 186 : i32
    %add3A_0 = arith.addi %add3A, %arg0 : i32
    %min3A = arith.constant 244 : i32
    %min3A_1 = arith.minsi %add3A_0, %min3A : i32
    %c0_i32 = arith.constant 0 : i32
    %c0_i32_2 = arith.constant 0 : i32
    return %c0_i32, %min3A_1 : i32, i32
  }
  func.func @transform_4(%arg0: i32) -> (i32, i32) {
    %c0_i32 = arith.constant 0 : i32
    %c0_i32_0 = arith.constant 0 : i32
    return %arg0, %c0_i32 : i32, i32
  }
}

</mosaic_0001>

<sc_bundles>
// kernel: kernel.4.cloned.1.call-start
scs
__scs_entry_jumppad:
0x0: {  	(pc) =	sbr.rel $0x88, $3  }
0x1: {  	(tag) =	ssettag $0x0;
	lr =	simm.s32 $0x1  }
0x2: {  	[smem:$0x3F9F] =	sst lr;
	_ =	strace $0xD0000000  }
0x3: {  	_ = 	snop  }
0x4: {  	_ = 	snop  }
0x5: {  	_ = 	snop  }
0x6: {  	_ = 	snop  }
0x7: {  	_ = 	snop  }
__scs_overlays_trampoline_lowered:
0x8: {  	[smem:$0x3FAE] =	sst s0  }
0x9: {  	[smem:$0x3FAF] =	sst s1  }
0xa: {  	[smem:$0x3FB0] =	sst s2  }
0xb: {  	[smem:$0x3FB1] =	sst s3  }
0xc: {  	[smem:$0x3FB2] =	sst s4  }
0xd: {  	[smem:$0x3FB3] =	sst s5  }
0xe: {  	[smem:$0x3FB4] =	sst s6  }
0xf: {  	[smem:$0x3FB5] =	sst s7  }
0x10: {  	[smem:$0x3FB6] =	sst s8  }
0x11: {  	[smem:$0x3FB7] =	sst s9;
	s0 =	simm.s32 @!p0 $0x0  }
0x12: {  	s1 =	sld [smem:$0x3F9D];
	s0 =	simm.s32 @p0 $0x1  }
0x13: {  	[smem:$0x3FB8] =	sst s0;
	s0 =	simm.s32 @!p1 $0x0  }
0x14: {  	s2 =	sld [smem:$0x3F9C];
	s0 =	simm.s32 @p1 $0x1  }
0x15: {  	[smem:$0x3FB9] =	sst s0;
	s0 =	simm.s32 @!p2 $0x0  }
0x16: {  	s3 =	sld [smem:$0x3FDB];
	s0 =	simm.s32 @p2 $0x1  }
0x17: {  	s4 =	simm.s32 $0x1BF5;
	[smem:$0x3FBB] =	sst s0  }
0x18: {  	s0 =	sld [smem:$0x3F9E];
	_ =	swait.ge [sflag:s4], $0x0  }
0x19: {  	s7 =	sld [smem:$0x3F9F]  }
0x1a: {  	s8 =	sadd.s32 $0xFFFFE003, lr  }
0x1b: {  	s9 =	sadd.s32 $0xFFFFFEF7, lr;
	s5 =	simm.s32 $0xFFFFFFFF;
	p2 =	slt.u32 s8, $0xFFFFF086  }
0x1c: {  	p1 =	slt.u32 s9, $0xF7A;
	s5 =	simm.s32 @!p2 $0x0  }
0x1d: {  	s5 =	simm.s32 @p1 $0x1;
	p0 =	seq.s32 s7, s2  }
0x1e: {  	s7 =	smul.u32 @!p0 $0xF7A, s2;
	p2 =	seq.s32 @!p0 s5, $0x0  }
0x1f: {  	s9 =	smul.u32 $0xF7A, s1;
	s8 =	simm.s32 @!p0 $0x1BF5;
	p2 =	por !p2, p0  }
0x20: {  	[sflag:s8] =	ssyncset.s32 @!p0 $0xFFFFF086;
	s6 =	sadd.s32 @!p0 s3, s7;
	s7 =	simm.s32 @!p0 $0x108  }
0x21: {  	s3 =	sadd.s32 s3, s9;
	s6 =	sadd.s32 @!p0 $0x88, s6;
	s7 =	simm.s32 @p2 $0x1082  }
0x22: {  	[simem:s7], [sflag:s8] =	dma.local @!p0 [hbm:s6], $0xF7A  }
0x23: {  	s9 =	sor.u32 $0xD0000000, s2;
	s6 =	simm.s32 $0x108;
	_ =	swait.ge @!p0 [sflag:s8], $0x0  }
0x24: {  	s3 =	sadd.s32 $0x88, s3;
	s6 =	simm.s32 @!p1 $0x1082;
	[sflag:s4] =	ssyncset.s32 $0xFFFFF086  }
0x25: {  	[simem:s6], [sflag:s4] =	dma.local [hbm:s3], $0xF7A  }
0x26: {  	[smem:$0x3F9F] =	sst s1;
	(tag) =	ssettag s2;
	_ =	strace s9  }
0x27: {  	s1 =	sld [smem:$0x3FAF]  }
0x28: {  	s2 =	sld [smem:$0x3FB0]  }
0x29: {  	s4 =	sld [smem:$0x3FB2]  }
0x2a: {  	p0 =	seq.s32 s5, $0x0;
	s5 =	sld [smem:$0x3FB3]  }
0x2b: {  	s6 =	sld [smem:$0x3FB4]  }
0x2c: {  	s7 =	sld [smem:$0x3FB5]  }
0x2d: {  	s3 =	simm.s32 $0x108;
	s8 =	sld [smem:$0x3FB6]  }
0x2e: {  	s3 =	simm.s32 @!p0 $0x1082;
	s9 =	sld [smem:$0x3FB7]  }
0x2f: {  	lr =	sadd.s32 s0, s3;
	s0 =	sld [smem:$0x3FAE]  }
0x30: {  	s3 =	sld [smem:$0x3FB1]  }
0x31: {  	[smem:$0x3FBA] =	sst s10  }
0x32: {  	s10 =	sld [smem:$0x3FB8];
	_ =	sdelay $0x3  }
0x33: {  	p0 =	seq.s32 s10, $0x1;
	s10 =	sld [smem:$0x3FBA];
	_ =	sdelay $0x3  }
0x34: {  	[smem:$0x3FBA] =	sst s10  }
0x35: {  	s10 =	sld [smem:$0x3FB9];
	_ =	sdelay $0x3  }
0x36: {  	p1 =	seq.s32 s10, $0x1;
	s10 =	sld [smem:$0x3FBA];
	_ =	sdelay $0x3  }
0x37: {  	[smem:$0x3FBA] =	sst s10  }
0x38: {  	s10 =	sld [smem:$0x3FBB]  }
0x39: {  	_ = 	snop;
	(pc) =	sbr.ind lr, $3  }
0x3a: {  	_ = 	snop  }
0x3b: {  	_ = 	snop  }
0x3c: {  	p2 =	seq.s32 s10, $0x1;
	s10 =	sld [smem:$0x3FBA]  }
0x3d: {  	_ =	shalt  }
0x3e: {  	_ =	shalt  }
0x3f: {  	_ =	shalt  }
0x40: {  	_ =	shalt  }
0x41: {  	_ =	shalt  }
0x42: {  	_ =	shalt  }
0x43: {  	_ =	shalt  }
0x44: {  	_ =	shalt  }
0x45: {  	_ =	shalt  }
0x46: {  	_ =	shalt  }
0x47: {  	_ =	shalt  }
0x48: {  	_ =	shalt  }
0x49: {  	_ =	shalt  }
0x4a: {  	_ =	shalt  }
0x4b: {  	_ =	shalt  }
0x4c: {  	_ =	shalt  }
0x4d: {  	_ =	shalt  }
0x4e: {  	_ =	shalt  }
0x4f: {  	_ =	shalt  }
0x50: {  	_ =	shalt  }
0x51: {  	_ =	shalt  }
0x52: {  	_ =	shalt  }
0x53: {  	_ =	shalt  }
0x54: {  	_ =	shalt  }
0x55: {  	_ =	shalt  }
0x56: {  	_ =	shalt  }
0x57: {  	_ =	shalt  }
0x58: {  	_ =	shalt  }
0x59: {  	_ =	shalt  }
0x5a: {  	_ =	shalt  }
0x5b: {  	_ =	shalt  }
0x5c: {  	_ =	shalt  }
0x5d: {  	_ =	shalt  }
0x5e: {  	_ =	shalt  }
0x5f: {  	_ =	shalt  }
0x60: {  	_ =	shalt  }
0x61: {  	_ =	shalt  }
0x62: {  	_ =	shalt  }
0x63: {  	_ =	shalt  }
0x64: {  	_ =	shalt  }
0x65: {  	_ =	shalt  }
0x66: {  	_ =	shalt  }
0x67: {  	_ =	shalt  }
0x68: {  	_ =	shalt  }
0x69: {  	_ =	shalt  }
0x6a: {  	_ =	shalt  }
0x6b: {  	_ =	shalt  }
0x6c: {  	_ =	shalt  }
0x6d: {  	_ =	shalt  }
0x6e: {  	_ =	shalt  }
0x6f: {  	_ =	shalt  }
0x70: {  	_ =	shalt  }
0x71: {  	_ =	shalt  }
0x72: {  	_ =	shalt  }
0x73: {  	_ =	shalt  }
0x74: {  	_ =	shalt  }
0x75: {  	_ =	shalt  }
0x76: {  	_ =	shalt  }
0x77: {  	_ =	shalt  }
0x78: {  	_ =	shalt  }
0x79: {  	_ =	shalt  }
0x7a: {  	_ =	shalt  }
0x7b: {  	_ =	shalt  }
0x7c: {  	_ =	shalt  }
0x7d: {  	_ =	shalt  }
0x7e: {  	_ =	shalt  }
0x7f: {  	_ =	shalt  }
0x80: {  	_ =	shalt  }
0x81: {  	_ =	shalt  }
0x82: {  	_ =	shalt  }
0x83: {  	_ =	shalt  }
0x84: {  	_ =	shalt  }
0x85: {  	_ =	shalt  }
0x86: {  	_ =	shalt  }
0x87: {  	_ =	shalt  }
.Lfunc_end0:
.L_simem_size_0:
called_computation_lowered:
.L_overlay_start_0:
0x88: {  	s2 =	sld [smem:$0x3FD9]  }
0x89: {  	s3 =	sld [smem:$0x3FFE];
	_ =	sdelay $0x1  }
0x8a: {  	s1 =	srdreg.scid  }
0x8b: {  	s0 =	sand.u32 $0x1, s1  }
0x8c: {  	s17 =	sshll.u32 s0, $0xA;
	s2 =	sadd.s32 s3, s2  }
0x8d: {  	s2 =	sadd.s32 s2, s17  }
0x8e: {  	[smem:$0x3FC6] =	sst s2  }
0x8f: {  	_ = 	snop  }
0x90: {  	s2 =	sld [smem:$0x3FD0];
	(tm) =	ssettm $0x1  }
0x91: {  	s18 =	sld [smem:$0x3FFB];
	_ =	sdelay $0x3  }
0x92: {  	_ =	strace s18  }
0x93: {  	s3 =	sld [smem:$0x3FFC];
	_ =	sdelay $0x3  }
0x94: {  	_ =	strace s3  }
0x95: {  	s3 =	sld [smem:$0x3FFD];
	_ =	sdelay $0x3  }
0x96: {  	_ =	strace s3  }
0x97: {  	_ =	strace $0x8FFFFFFF  }
0x98: {  	s19 =	sld [smem:$0x3FDB];
	_ =	sdelay $0x1  }
0x99: {  	s4 =	simm.s32 $_scs_section_size  }
0x9a: {  	s5 =	simm.s32 $_size__tile_overlayer_lowered;
	s6 =	simm.s32 $_tile_overlayer_lowered  }
0x9b: {  	s22 =	simm.s32 $0x1BFF;
	s21 =	sshll.u32 s6, $0x1;
	s3 =	sadd.s32 s4, s19  }
0x9c: {  	s7 =	simm.s32 $0x0;
	s20 =	sshll.u32 s5, $0x1;
	s5 =	sadd.s32 s21, s3  }
0x9d: {  	[timem:s7], [sflag:s22] =	dma.local [hbm:s5], s20  }
0x9e: {  	_ =	swait.ge [sflag:s22], s20  }
0x9f: {  	s4 =	ssub.s32 $0x0, s20;
	[sflag:s22] =	ssyncset.done $0x0  }
0xa0: {  	[sflag:s22] =	ssyncadd.s32 s4;
	_ =	sdelay $0x1  }
0xa1: {  	s23 =	simm.s32 $0x1B8B  }
0xa2: {  	_ =	swait.ge [sflag:s23], $0x1  }
0xa3: {  	[sflag:s23] =	ssyncset.done $0x0  }
0xa4: {  	s25 =	simm.s32 $0x1B8E;
	s24 =	sld [smem:$0x3FFE];
	[sflag:s23] =	ssyncadd.s32 $0xFFFFFFFF  }
0xa5: {  	s26 =	simm.s32 $execute0_lowered;
	[smem:$0x3FD2] =	sst s25  }
0xa6: {  	s5 =	sshll.u32 s26, $0x1;
	_ =	strace $0x80000046;
	[dreg:$0x1] =	wrdreg $0xFFFFFFFF  }
0xa7: {  	s28 =	simm.s32 $_size_execute0_lowered;
	s3 =	sadd.s32 s3, s5;
	[dreg:$0x0] =	wrdreg $0x0  }
0xa8: {  	s5 =	sshll.u32 s28, $0x1;
	[dreg:$0x2] =	wrdreg s3  }
0xa9: {  	[dreg:$0x3] =	wrdreg s5  }
0xaa: {  	[dreg:$0x4] =	wrdreg $0xC0  }
0xab: {  	_ =	task [dreg:s7], $0x5FFFF  }
0xac: {  	[dreg:$0x1] =	wrdreg $0xFFFFFFFF  }
0xad: {  	[dreg:$0x0] =	wrdreg $0x60  }
0xae: {  	[dreg:$0x2] =	wrdreg s24  }
0xaf: {  	[dreg:$0x3] =	wrdreg s2  }
0xb0: {  	[dreg:$0x4] =	wrdreg $0x9  }
0xb1: {  	_ =	task.clear_ibuf [dreg:s7], $0x5FFFF;
	_ =	strace $0x90000046  }
0xb2: {  	s29 =	simm.s32 $0x9;
	_ =	strace $0x80000048  }
0xb3: {  	_ =	swait.ge [sflag:s29], $0x1  }
0xb4: {  	[sflag:s29] =	ssyncadd.s32 $0xFFFFFFFF  }
0xb5: {  	_ =	strace $0x90000048  }
0xb6: {  	_ =	sfence  }
0xb7: {  	s30 =	sld [smem:$0x0];
	_ =	sdelay $0x2  }
0xb8: {  	s31 =	sshll.u32 s1, $0xD;
	s1 =	sshrl.u32 s1, $0x2  }
0xb9: {  	s3 =	sand.u32 $0x4000, s31;
	s1 =	sadd.s32 s1, s30  }
0xba: {  	s0 =	sor.u32 s3, s0;
	s1 =	sshll.u32 s1, $0x11  }
0xbb: {  	s0 =	sor.u32 s1, s0  }
0xbc: {  	s0 =	sadd.s32 $0x8F2B, s0  }
0xbd: {  	[sflag:s0] =	ssyncadd.remote.s32 $0x1  }
0xbe: {  	_ =	sfence.sel $0xFFFF  }
0xbf: {  	[dreg:$0x0] =	wrdreg $0xFFFFFFFF;
	(pc) =	sbr.abs _section_cstart, $3  }
0xc0: {  	[dreg:$0x1] =	wrdreg $0xFFFFFFFF  }
0xc1: {  	_ =	task.clear_ibuf [dreg:s7], $0x2FFFF;
	_ =	strace $0x9FFFFFFF  }
0xc2: {  	(tm) =	ssettm $0x7FFFFFFF  }
0xc3: {  	_ =	shalt  }
tec
execute0_lowered:
.L_overlay_start_1:
0x0: {  	(tag) =	ssettag $0x1  }
0x1: {  	s0 =	rddreg [dreg:$0x0]  }
0x2: {  	s11 =	rddreg [dreg:$0x1];
	s1 =	srdreg.scid  }
0x3: {  	s2 =	stileid.u32;
	s12 =	simm.s32 $0x0;
	s14 =	simm.s32 $0x3  }
0x4: {  	s15 =	simm.s32 $0x50;
	s19 =	simm.s32 $0x9240;
	s20 =	simm.s32 $0x4B0  }
0x5: {  	s28 =	simm.s32 $0xBA40;
	s29 =	simm.s32 $0x5F0;
	s30 =	simm.s32 $0xC440  }
0x6: {  	s31 =	simm.s32 $0x1;
	s1 =	sand.u32 $0x1, s1;
	s2 =	sshll.u32 s2, $0x1  }
0x7: {  	[smem:$0x7FF] =	sst s12;
	s4 =	sadd.s32 $0x19400, s0;
	s5 =	sadd.s32 $0x400, s0  }
0x8: {  	s2 =	sor.u32 s1, s2;
	_ =	strace $0x80000047;
	s1 =	ssub.s32 $0x2, s1  }
0x9: {  	s3 =	sshll.u32 s2, $0x9;
	s6 =	smul.u32 $0xC80, s2;
	s21 =	sshrl.u32 s1, $0x1  }
0xa: {  	s23 =	sshll.u32 s2, $0xB;
	s9 =	sor.u32 $0x1F0, s3;
	s0 =	ssub.s32 s1, s21  }
0xb: {  	s7 =	sadd.s32 s11, s23;
	s8 =	sor.u32 $0x20, s3;
	s13 =	sor.u32 $0x10, s3  }
0xc: {  	s21 =	simm.s32 $0x9C40;
	s23 =	simm.s32 $0xA640;
	s3 =	simm.s32 $0x0  }
0xd: {  	s10 =	smul.u32 $0x32, s9;
	s22 =	sadd.s32 s5, s6;
	s25 =	sadd.s32 $0x780, s7  }
0xe: {  	s26 =	sshll.u32 s9, $0x2;
	s0 =	smax.u32 s0, $0x1;
	[dreg:$0x3] =	wrdreg s22  }
0xf: {  	s9 =	simm.s32 $0x320;
	s6 =	simm.s32 $0xD040;
	[dreg:$0x5] =	wrdreg s25  }
0x10: {  	[dreg:$0x7] =	wrdreg s0;
	s22 =	simm.s32 $0x500;
	s24 =	sshrl.u32 s10, $0x3  }
0x11: {  	s25 =	simm.s32 $0xB040;
	s0 =	simm.s32 $0xCE40;
	s1 =	sadd.s32 s5, s24  }
0x12: {  	s24 =	simm.s32 $0x550;
	[dreg:$0x4] =	wrdreg s1;
	s1 =	sadd.s32 s11, s26  }
0x13: {  	v0 =	vimm.s32 $0x0;
	s26 =	simm.s32 $0x5A0;
	[dreg:$0x6] =	wrdreg s1;
	s1 =	simm.s32 $0x2  }
.LBB2_1:
0x14: {  	[dreg:$0x8] =	wrdreg s3  }
0x15: {  	s2 =	rddreg [dreg:$0x3]  }
0x16: {  	[tilespmem:s12], [sflag:$0x3] =	stream.linear.gather [hbm4b:s2+s12], $0x320, $0x38;
	[tilespmem:$0xD240] =	vst v63  }
0x17: {  	_ =	swait.ge [sflag:s14], $0x320  }
0x18: {  	[sflag:s14] =	ssyncset.done $0x0  }
0x19: {  	s3 =	simm.s32 $0x40;
	s2 =	simm.s32 $0x0;
	[sflag:s14] =	ssyncadd.s32 $0xFFFFFCE0  }
.LBB2_2:
0x1a: {  	p0 =	sne.s32 s3, $0xC40;
	v1 =	vld [tilespmem:s2+$0x0];
	_ =	sdelay $0x4  }
0x1b: {  	vm0 =	vgt.s32 v1, $0x3DFFF;
	vm1 =	vgt.s32 v1, $0x7BFFF  }
0x1c: {  	v2 =	vsel vm0, $0x1, v0;
	v3 =	vsel vm1, $0x1, v0;
	vm0 =	vgt.s32 v1, $0xB9FFF  }
0x1d: {  	v2 =	vadd.s32 v3, v2;
	v3 =	vsel vm0, $0x1, v0  }
.Ltmp0:
0x1e: {  	v2 =	vadd.s32 v3, v2;
	(pc) =	sbr.rel @p0 .LBB2_2-.Ltmp0, $4  }
0x1f: {  	v2 =	vmul.u32 $0xFFF08001, v2  }
0x20: {  	v1 =	vshll.u32 v1, $0x2  }
0x21: {  	v1 =	vadd.s32 v1, v2  }
0x22: {  	[tilespmem:s2+$0x0] =	vst v1;
	s2 =	sshra.s32 s3, $0x2;
	s3 =	sadd.s32 $0x40, s3  }
0x23: {  	v1 =	vld [tilespmem:s2+$0x0];
	_ =	sdelay $0x4  }
0x24: {  	vm0 =	vgt.s32 v1, $0x3DFFF;
	vm1 =	vgt.s32 v1, $0x7BFFF  }
0x25: {  	vm15 =	vgt.s32 v1, $0xB9FFF;
	v2 =	vsel vm0, $0x1, v0;
	v3 =	vsel vm1, $0x1, v0  }
0x26: {  	v2 =	vadd.s32 v3, v2;
	v3 =	vsel vm15, $0x1, v0  }
0x27: {  	v2 =	vadd.s32 v3, v2  }
0x28: {  	v2 =	vmul.u32 $0xFFF08001, v2  }
0x29: {  	v1 =	vshll.u32 v1, $0x2  }
0x2a: {  	v1 =	vadd.s32 v1, v2  }
0x2b: {  	s10 =	simm.s32 $0x0;
	s11 =	simm.s32 $0x640;
	[tilespmem:s2+$0x0] =	vst v1  }
0x2c: {  	[tilespmem:s11], [sflag:$0x1] =	stream.indirect.gather [hbm4b:s4+s15], $0x20, s10, s15, $0xb8;
	[tilespmem:$0xD240] =	vst v63  }
0x2d: {  	s12 =	simm.s32 $0x1040  }
0x2e: {  	[tilespmem:s12], [sflag:$0x1] =	stream.indirect.gather [hbm4b:s4+s15], $0x20, s15, s15, $0xb8;
	[tilespmem:$0xD240] =	vst v63  }
0x2f: {  	s16 =	simm.s32 $0xA0;
	s3 =	simm.s32 $0x1A40  }
0x30: {  	[tilespmem:s3], [sflag:$0x1] =	stream.indirect.gather [hbm4b:s4+s15], $0x20, s16, s15, $0xb8;
	[tilespmem:$0xD240] =	vst v63  }
0x31: {  	s17 =	simm.s32 $0xF0;
	s18 =	simm.s32 $0x2440  }
0x32: {  	[tilespmem:s18], [sflag:$0x1] =	stream.indirect.gather [hbm4b:s4+s15], $0x20, s17, s15, $0xb8;
	[tilespmem:$0xD240] =	vst v63  }
0x33: {  	s11 =	simm.s32 $0x2E40;
	s3 =	simm.s32 $0x140  }
0x34: {  	[tilespmem:s11], [sflag:$0x1] =	stream.indirect.gather [hbm4b:s4+s15], $0x20, s3, s15, $0xb8;
	[tilespmem:$0xD240] =	vst v63  }
0x35: {  	s12 =	simm.s32 $0x190;
	s16 =	simm.s32 $0x3840  }
0x36: {  	[tilespmem:s16], [sflag:$0x1] =	stream.indirect.gather [hbm4b:s4+s15], $0x20, s12, s15, $0xb8;
	[tilespmem:$0xD240] =	vst v63  }
0x37: {  	s17 =	simm.s32 $0x1E0;
	s18 =	simm.s32 $0x4240  }
0x38: {  	[tilespmem:s18], [sflag:$0x1] =	stream.indirect.gather [hbm4b:s4+s15], $0x20, s17, s15, $0xb8;
	[tilespmem:$0xD240] =	vst v63  }
0x39: {  	s3 =	simm.s32 $0x230;
	s11 =	simm.s32 $0x4C40  }
0x3a: {  	[tilespmem:s11], [sflag:$0x1] =	stream.indirect.gather [hbm4b:s4+s15], $0x20, s3, s15, $0xb8;
	[tilespmem:$0xD240] =	vst v63  }
0x3b: {  	s12 =	simm.s32 $0x280;
	s16 =	simm.s32 $0x5640  }
0x3c: {  	[tilespmem:s16], [sflag:$0x1] =	stream.indirect.gather [hbm4b:s4+s15], $0x20, s12, s15, $0xb8;
	[tilespmem:$0xD240] =	vst v63  }
0x3d: {  	s17 =	simm.s32 $0x2D0;
	s18 =	simm.s32 $0x6040;
	s11 =	simm.s32 $0x0  }
0x3e: {  	[tilespmem:s18], [sflag:$0x1] =	stream.indirect.gather [hbm4b:s4+s15], $0x20, s17, s15, $0xb8;
	[tilespmem:$0xD240] =	vst v63  }
.LBB2_4:
0x3f: {  	s2 =	sshll.u32 s11, $0x5  }
0x40: {  	s12 =	sor.u32 s13, s2  }
0x41: {  	s3 =	smul.u32 $0x32, s12;
	_ =	sdelay $0x1  }
0x42: {  	s3 =	sshrl.u32 s3, $0x3  }
0x43: {  	s3 =	sadd.s32 s5, s3  }
0x44: {  	[tilespmem:s9], [sflag:$0x3] =	stream.linear.gather [hbm4b:s3+s10], $0x320, $0x38;
	[tilespmem:$0xD240] =	vst v63  }
0x45: {  	_ =	swait.ge [sflag:s14], $0x320  }
0x46: {  	[sflag:s14] =	ssyncset.done $0x0  }
0x47: {  	s16 =	simm.s32 $0x40;
	s3 =	simm.s32 $0x0;
	[sflag:s14] =	ssyncadd.s32 $0xFFFFFCE0  }
.LBB2_5:
0x48: {  	p0 =	sne.s32 s16, $0xC40;
	v1 =	vld [tilespmem:s3+$0x320];
	_ =	sdelay $0x4  }
0x49: {  	vm0 =	vgt.s32 v1, $0x3DFFF;
	vm1 =	vgt.s32 v1, $0x7BFFF  }
0x4a: {  	v2 =	vsel vm0, $0x1, v0;
	v3 =	vsel vm1, $0x1, v0;
	vm0 =	vgt.s32 v1, $0xB9FFF  }
0x4b: {  	v2 =	vadd.s32 v3, v2;
	v3 =	vsel vm0, $0x1, v0  }
.Ltmp1:
0x4c: {  	v2 =	vadd.s32 v3, v2;
	(pc) =	sbr.rel @p0 .LBB2_5-.Ltmp1, $4  }
0x4d: {  	v2 =	vmul.u32 $0xFFF08001, v2  }
0x4e: {  	v1 =	vshll.u32 v1, $0x2  }
0x4f: {  	v1 =	vadd.s32 v1, v2  }
0x50: {  	[tilespmem:s3+$0x320] =	vst v1;
	s3 =	sshra.s32 s16, $0x2;
	s16 =	sadd.s32 $0x40, s16  }
0x51: {  	v1 =	vld [tilespmem:s3+$0x320];
	_ =	sdelay $0x4  }
0x52: {  	vm0 =	vgt.s32 v1, $0x3DFFF;
	vm1 =	vgt.s32 v1, $0x7BFFF  }
0x53: {  	vm15 =	vgt.s32 v1, $0xB9FFF;
	v2 =	vsel vm0, $0x1, v0;
	v3 =	vsel vm1, $0x1, v0  }
0x54: {  	v2 =	vadd.s32 v3, v2;
	v3 =	vsel vm15, $0x1, v0  }
0x55: {  	v2 =	vadd.s32 v3, v2  }
0x56: {  	v2 =	vmul.u32 $0xFFF08001, v2  }
0x57: {  	v1 =	vshll.u32 v1, $0x2  }
0x58: {  	v1 =	vadd.s32 v1, v2  }
0x59: {  	s17 =	simm.s32 $0x6A40;
	[tilespmem:s3+$0x320] =	vst v1  }
0x5a: {  	[tilespmem:s17], [sflag:$0x2] =	stream.indirect.gather [hbm4b:s4+s15], $0x20, s9, s15, $0xb8;
	[tilespmem:$0xD240] =	vst v63  }
0x5b: {  	s18 =	simm.s32 $0x370;
	s16 =	simm.s32 $0x7440  }
0x5c: {  	[tilespmem:s16], [sflag:$0x2] =	stream.indirect.gather [hbm4b:s4+s15], $0x20, s18, s15, $0xb8;
	[tilespmem:$0xD240] =	vst v63  }
0x5d: {  	s17 =	simm.s32 $0x3C0;
	s18 =	simm.s32 $0x7E40  }
0x5e: {  	[tilespmem:s18], [sflag:$0x2] =	stream.indirect.gather [hbm4b:s4+s15], $0x20, s17, s15, $0xb8;
	[tilespmem:$0xD240] =	vst v63  }
0x5f: {  	s16 =	simm.s32 $0x410;
	s17 =	simm.s32 $0x8840  }
0x60: {  	[tilespmem:s17], [sflag:$0x2] =	stream.indirect.gather [hbm4b:s4+s15], $0x20, s16, s15, $0xb8;
	[tilespmem:$0xD240] =	vst v63  }
0x61: {  	s18 =	simm.s32 $0x460  }
0x62: {  	[tilespmem:s19], [sflag:$0x2] =	stream.indirect.gather [hbm4b:s4+s15], $0x20, s18, s15, $0xb8;
	[tilespmem:$0xD240] =	vst v63  }
0x63: {  	_ = 	snop  }
0x64: {  	[tilespmem:s21], [sflag:$0x2] =	stream.indirect.gather [hbm4b:s4+s15], $0x20, s20, s15, $0xb8;
	[tilespmem:$0xD240] =	vst v63  }
0x65: {  	_ = 	snop  }
0x66: {  	[tilespmem:s23], [sflag:$0x2] =	stream.indirect.gather [hbm4b:s4+s15], $0x20, s22, s15, $0xb8;
	[tilespmem:$0xD240] =	vst v63  }
0x67: {  	_ = 	snop  }
0x68: {  	[tilespmem:s25], [sflag:$0x2] =	stream.indirect.gather [hbm4b:s4+s15], $0x20, s24, s15, $0xb8;
	[tilespmem:$0xD240] =	vst v63  }
0x69: {  	_ = 	snop  }
0x6a: {  	[tilespmem:s28], [sflag:$0x2] =	stream.indirect.gather [hbm4b:s4+s15], $0x20, s26, s15, $0xb8;
	[tilespmem:$0xD240] =	vst v63  }
0x6b: {  	_ = 	snop  }
0x6c: {  	[tilespmem:s30], [sflag:$0x2] =	stream.indirect.gather [hbm4b:s4+s15], $0x20, s29, s15, $0xb8;
	[tilespmem:$0xD240] =	vst v63  }
0x6d: {  	_ =	swait.ge [sflag:s31], $0x6400  }
0x6e: {  	[sflag:s31] =	ssyncset.done $0x0  }
0x6f: {  	s3 =	simm.s32 $0x0;
	s16 =	simm.s32 $0x6E0;
	[sflag:s31] =	ssyncadd.s32 $0xFFFF9C00  }
.LBB2_7:
0x70: {  	v1 =	vld [tilespmem:s16+$0x60]  }
0x71: {  	v2 =	vld [tilespmem:s16+$0x70]  }
0x72: {  	v3 =	vld [tilespmem:s16+$0x20]  }
0x73: {  	v4 =	vld [tilespmem:s16+$0x30]  }
0x74: {  	v10 =	vld [tilespmem:s16+$0xFFFFFFE0]  }
0x75: {  	v13 =	vld [tilespmem:s16+$0xFFFFFFF0]  }
0x76: {  	v8 =	vld [tilespmem:s16+$0xFFFFFFA0]  }
0x77: {  	v9 =	vld [tilespmem:s16+$0xFFFFFFB0]  }
0x78: {  	v6 =	vld [tilespmem:s16+$0xFFFFFF60]  }
0x79: {  	v7 =	vld [tilespmem:s16+$0xFFFFFF70]  }
0x7a: {  	v11 =	vld [tilespmem:s16+$0xFFFFFF80]  }
0x7b: {  	v12 =	vld [tilespmem:s16+$0xFFFFFF90]  }
0x7c: {  	v14 =	vld [tilespmem:s16+$0xFFFFFFC0]  }
0x7d: {  	v15 =	vld [tilespmem:s16+$0xFFFFFFD0]  }
0x7e: {  	v16 =	vimm.f32 $0.0e+00;
	v5 =	vld [tilespmem:s16+$0x0]  }
0x7f: {  	v17 =	vadd.f32 v6, v16;
	v18 =	vadd.f32 v7, v16;
	v7 =	vld [tilespmem:s16+$0x10]  }
0x80: {  	v11 =	vadd.f32 v11, v16;
	v12 =	vadd.f32 v12, v16;
	v6 =	vld [tilespmem:s16+$0x40]  }
0x81: {  	v62 =	vadd.f32 v8, v17;
	v63 =	vadd.f32 v9, v18;
	v9 =	vld [tilespmem:s16+$0x50]  }
0x82: {  	v11 =	vadd.f32 v14, v11;
	v12 =	vadd.f32 v15, v12;
	v8 =	vld [tilespmem:s16+$0x80]  }
0x83: {  	s17 =	simm.s32 $0x0;
	s18 =	sadd.s32 $0x140, s16;
	v14 =	vadd.f32 v10, v62;
	v13 =	vadd.f32 v13, v63;
	v10 =	vld [tilespmem:s16+$0x90]  }
.LBB2_8:
0x84: {  	v15 =	vld [tilespmem:s18+$0x60];
	v5 =	vadd.f32 v5, v11;
	v7 =	vadd.f32 v7, v12  }
0x85: {  	v11 =	vld [tilespmem:s18+$0x70];
	v12 =	vadd.f32 v3, v14;
	v13 =	vadd.f32 v4, v13  }
0x86: {  	v3 =	vld [tilespmem:s18+$0x20];
	v5 =	vadd.f32 v6, v5;
	v6 =	vadd.f32 v9, v7  }
0x87: {  	v4 =	vld [tilespmem:s18+$0x30];
	v7 =	vadd.f32 v1, v12;
	v9 =	vadd.f32 v2, v13  }
0x88: {  	v13 =	vld [tilespmem:s18+$0xFFFFFFE0];
	v8 =	vadd.f32 v8, v5;
	v6 =	vadd.f32 v10, v6  }
0x89: {  	v10 =	vld [tilespmem:s18+$0xFFFFFFF0];
	v1 =	vmov v15  }
0x8a: {  	v12 =	vld [tilespmem:s18+$0xFFFFFFA0];
	v2 =	vmov v11  }
0x8b: {  	v11 =	vld [tilespmem:s18+$0xFFFFFFB0]  }
0x8c: {  	v14 =	vld [tilespmem:s18+$0xFFFFFF60]  }
0x8d: {  	v15 =	vld [tilespmem:s18+$0xFFFFFF70]  }
0x8e: {  	v16 =	vld [tilespmem:s18+$0xFFFFFF80]  }
0x8f: {  	s17 =	sadd.s32 $0x5, s17;
	v17 =	vld [tilespmem:s18+$0xFFFFFF90]  }
0x90: {  	p0 =	slt.u32 s17, $0x14;
	v18 =	vld [tilespmem:s18+$0xFFFFFFC0]  }
0x91: {  	v19 =	vld [tilespmem:s18+$0xFFFFFFD0]  }
0x92: {  	v5 =	vld [tilespmem:s18+$0x0]  }
.Ltmp2:
0x93: {  	v14 =	vadd.f32 v14, v7;
	v9 =	vadd.f32 v15, v9;
	v7 =	vld [tilespmem:s18+$0x10];
	(pc) =	sbr.rel @p0 .LBB2_8-.Ltmp2, $4  }
0x94: {  	v8 =	vadd.f32 v16, v8;
	v15 =	vadd.f32 v17, v6;
	v6 =	vld [tilespmem:s18+$0x40]  }
0x95: {  	v14 =	vadd.f32 v12, v14;
	v16 =	vadd.f32 v11, v9;
	v9 =	vld [tilespmem:s18+$0x50]  }
0x96: {  	v11 =	vadd.f32 v18, v8;
	v12 =	vadd.f32 v19, v15;
	v8 =	vld [tilespmem:s18+$0x80]  }
0x97: {  	v14 =	vadd.f32 v13, v14;
	v13 =	vadd.f32 v10, v16;
	v10 =	vld [tilespmem:s18+$0x90];
	s18 =	sadd.s32 $0x140, s18  }
0x98: {  	v5 =	vadd.f32 v5, v11  }
0x99: {  	v7 =	vadd.f32 v7, v12  }
0x9a: {  	v3 =	vadd.f32 v3, v14;
	v5 =	vadd.f32 v6, v5  }
0x9b: {  	v4 =	vadd.f32 v4, v13;
	v62 =	vadd.f32 v9, v7  }
0x9c: {  	v1 =	vadd.f32 v1, v3;
	v3 =	vadd.f32 v8, v5  }
0x9d: {  	s17 =	sshll.u32 s3, $0x5;
	s3 =	sadd.s32 $0x1, s3;
	v2 =	vadd.f32 v2, v4;
	v63 =	vadd.f32 v10, v62  }
0x9e: {  	p0 =	sne.s32 s3, $0x10;
	v1 =	vadd.f32 v3, v1  }
.Ltmp3:
0x9f: {  	v2 =	vadd.f32 v63, v2;
	(pc) =	sbr.rel @p0 .LBB2_7-.Ltmp3, $4  }
0xa0: {  	v1 =	vmul.f32 $1.999999960e-02, v1  }
0xa1: {  	s17 =	sand.u32 $0x3FFFFFE0, s17;
	v2 =	vmul.f32 $1.999999960e-02, v2  }
0xa2: {  	[tilespmem:s17+$0xCE40] =	vst v1  }
0xa3: {  	s16 =	sadd.s32 $0x640, s16;
	[tilespmem:s17+$0xCE50] =	vst v2  }
0xa4: {  	s3 =	sshll.u32 s11, $0x7;
	s2 =	sadd.s32 s2, s8  }
0xa5: {  	s16 =	simm.s32 $0x0;
	s3 =	sadd.s32 s3, s7;
	s2 =	smul.u32 $0x32, s2  }
0xa6: {  	[hbm4b:s3+s16] =	stream.linear.scatter [tilespmem:s0], [sflag:$0x3], $0x200, $0x38;
	[tilespmem:$0xD240] =	vst v63  }
0xa7: {  	_ =	swait.ge [sflag:s14], $0x200  }
0xa8: {  	s2 =	sshrl.u32 s2, $0x3;
	[sflag:s14] =	ssyncset.done $0x0  }
0xa9: {  	s2 =	sadd.s32 s5, s2;
	[sflag:s14] =	ssyncadd.s32 $0xFFFFFE00  }
0xaa: {  	[tilespmem:s16], [sflag:$0x3] =	stream.linear.gather [hbm4b:s2+s16], $0x320, $0x38;
	[tilespmem:$0xD240] =	vst v63  }
0xab: {  	_ =	swait.ge [sflag:s14], $0x320  }
0xac: {  	[sflag:s14] =	ssyncset.done $0x0  }
0xad: {  	s3 =	simm.s32 $0x40;
	s2 =	simm.s32 $0x0;
	[sflag:s14] =	ssyncadd.s32 $0xFFFFFCE0  }
.LBB2_11:
0xae: {  	p0 =	sne.s32 s3, $0xC40;
	v1 =	vld [tilespmem:s2+$0x0];
	_ =	sdelay $0x4  }
0xaf: {  	vm0 =	vgt.s32 v1, $0x3DFFF;
	vm1 =	vgt.s32 v1, $0x7BFFF  }
0xb0: {  	v2 =	vsel vm0, $0x1, v0;
	v3 =	vsel vm1, $0x1, v0;
	vm0 =	vgt.s32 v1, $0xB9FFF  }
0xb1: {  	v2 =	vadd.s32 v3, v2;
	v3 =	vsel vm0, $0x1, v0  }
.Ltmp4:
0xb2: {  	v2 =	vadd.s32 v3, v2;
	(pc) =	sbr.rel @p0 .LBB2_11-.Ltmp4, $4  }
0xb3: {  	v2 =	vmul.u32 $0xFFF08001, v2  }
0xb4: {  	v1 =	vshll.u32 v1, $0x2  }
0xb5: {  	v1 =	vadd.s32 v1, v2  }
0xb6: {  	[tilespmem:s2+$0x0] =	vst v1;
	s2 =	sshra.s32 s3, $0x2;
	s3 =	sadd.s32 $0x40, s3  }
0xb7: {  	v1 =	vld [tilespmem:s2+$0x0];
	_ =	sdelay $0x4  }
0xb8: {  	vm0 =	vgt.s32 v1, $0x3DFFF;
	vm1 =	vgt.s32 v1, $0x7BFFF  }
0xb9: {  	vm15 =	vgt.s32 v1, $0xB9FFF;
	v2 =	vsel vm0, $0x1, v0;
	v3 =	vsel vm1, $0x1, v0  }
0xba: {  	v2 =	vadd.s32 v3, v2;
	v3 =	vsel vm15, $0x1, v0  }
0xbb: {  	v2 =	vadd.s32 v3, v2  }
0xbc: {  	v2 =	vmul.u32 $0xFFF08001, v2  }
0xbd: {  	v1 =	vshll.u32 v1, $0x2  }
0xbe: {  	v1 =	vadd.s32 v1, v2  }
0xbf: {  	s3 =	simm.s32 $0x640;
	[tilespmem:s2+$0x0] =	vst v1;
	s2 =	simm.s32 $0x0  }
0xc0: {  	[tilespmem:s3], [sflag:$0x1] =	stream.indirect.gather [hbm4b:s4+s15], $0x20, s2, s15, $0xb8;
	[tilespmem:$0xD240] =	vst v63  }
0xc1: {  	s17 =	simm.s32 $0x1040  }
0xc2: {  	[tilespmem:s17], [sflag:$0x1] =	stream.indirect.gather [hbm4b:s4+s15], $0x20, s15, s15, $0xb8;
	[tilespmem:$0xD240] =	vst v63  }
0xc3: {  	s18 =	simm.s32 $0xA0;
	s16 =	simm.s32 $0x1A40  }
0xc4: {  	[tilespmem:s16], [sflag:$0x1] =	stream.indirect.gather [hbm4b:s4+s15], $0x20, s18, s15, $0xb8;
	[tilespmem:$0xD240] =	vst v63  }
0xc5: {  	s17 =	simm.s32 $0xF0;
	s18 =	simm.s32 $0x2440  }
0xc6: {  	[tilespmem:s18], [sflag:$0x1] =	stream.indirect.gather [hbm4b:s4+s15], $0x20, s17, s15, $0xb8;
	[tilespmem:$0xD240] =	vst v63  }
0xc7: {  	s17 =	simm.s32 $0x140;
	s18 =	simm.s32 $0x2E40  }
0xc8: {  	[tilespmem:s18], [sflag:$0x1] =	stream.indirect.gather [hbm4b:s4+s15], $0x20, s17, s15, $0xb8;
	[tilespmem:$0xD240] =	vst v63  }
0xc9: {  	s17 =	simm.s32 $0x190;
	s18 =	simm.s32 $0x3840  }
0xca: {  	[tilespmem:s18], [sflag:$0x1] =	stream.indirect.gather [hbm4b:s4+s15], $0x20, s17, s15, $0xb8;
	[tilespmem:$0xD240] =	vst v63  }
0xcb: {  	s17 =	simm.s32 $0x1E0;
	s18 =	simm.s32 $0x4240  }
0xcc: {  	[tilespmem:s18], [sflag:$0x1] =	stream.indirect.gather [hbm4b:s4+s15], $0x20, s17, s15, $0xb8;
	[tilespmem:$0xD240] =	vst v63  }
0xcd: {  	s17 =	simm.s32 $0x230;
	s18 =	simm.s32 $0x4C40  }
0xce: {  	[tilespmem:s18], [sflag:$0x1] =	stream.indirect.gather [hbm4b:s4+s15], $0x20, s17, s15, $0xb8;
	[tilespmem:$0xD240] =	vst v63  }
0xcf: {  	s17 =	simm.s32 $0x280;
	s18 =	simm.s32 $0x5640  }
0xd0: {  	[tilespmem:s18], [sflag:$0x1] =	stream.indirect.gather [hbm4b:s4+s15], $0x20, s17, s15, $0xb8;
	[tilespmem:$0xD240] =	vst v63  }
0xd1: {  	s17 =	simm.s32 $0x2D0;
	s18 =	simm.s32 $0x6040  }
0xd2: {  	[tilespmem:s18], [sflag:$0x1] =	stream.indirect.gather [hbm4b:s4+s15], $0x20, s17, s15, $0xb8;
	[tilespmem:$0xD240] =	vst v63  }
0xd3: {  	_ =	swait.ge [sflag:s1], $0x6400  }
0xd4: {  	[sflag:s1] =	ssyncset.done $0x0  }
0xd5: {  	s3 =	simm.s32 $0x6AE0;
	[sflag:s1] =	ssyncadd.s32 $0xFFFF9C00  }
.LBB2_13:
0xd6: {  	v1 =	vld [tilespmem:s3+$0x60]  }
0xd7: {  	v2 =	vld [tilespmem:s3+$0x70]  }
0xd8: {  	v3 =	vld [tilespmem:s3+$0x20]  }
0xd9: {  	v4 =	vld [tilespmem:s3+$0x30]  }
0xda: {  	v10 =	vld [tilespmem:s3+$0xFFFFFFE0]  }
0xdb: {  	v13 =	vld [tilespmem:s3+$0xFFFFFFF0]  }
0xdc: {  	v8 =	vld [tilespmem:s3+$0xFFFFFFA0]  }
0xdd: {  	v9 =	vld [tilespmem:s3+$0xFFFFFFB0]  }
0xde: {  	v6 =	vld [tilespmem:s3+$0xFFFFFF60]  }
0xdf: {  	v7 =	vld [tilespmem:s3+$0xFFFFFF70]  }
0xe0: {  	v11 =	vld [tilespmem:s3+$0xFFFFFF80]  }
0xe1: {  	v12 =	vld [tilespmem:s3+$0xFFFFFF90]  }
0xe2: {  	v14 =	vld [tilespmem:s3+$0xFFFFFFC0]  }
0xe3: {  	v15 =	vld [tilespmem:s3+$0xFFFFFFD0]  }
0xe4: {  	v16 =	vimm.f32 $0.0e+00;
	v5 =	vld [tilespmem:s3+$0x0]  }
0xe5: {  	v17 =	vadd.f32 v6, v16;
	v18 =	vadd.f32 v7, v16;
	v7 =	vld [tilespmem:s3+$0x10]  }
0xe6: {  	v11 =	vadd.f32 v11, v16;
	v12 =	vadd.f32 v12, v16;
	v6 =	vld [tilespmem:s3+$0x40]  }
0xe7: {  	v62 =	vadd.f32 v8, v17;
	v63 =	vadd.f32 v9, v18;
	v9 =	vld [tilespmem:s3+$0x50]  }
0xe8: {  	v11 =	vadd.f32 v14, v11;
	v12 =	vadd.f32 v15, v12;
	v8 =	vld [tilespmem:s3+$0x80]  }
0xe9: {  	s16 =	simm.s32 $0x0;
	s17 =	sadd.s32 $0x140, s3;
	v14 =	vadd.f32 v10, v62;
	v13 =	vadd.f32 v13, v63;
	v10 =	vld [tilespmem:s3+$0x90]  }
.LBB2_14:
0xea: {  	v15 =	vld [tilespmem:s17+$0x60];
	v5 =	vadd.f32 v5, v11;
	v7 =	vadd.f32 v7, v12  }
0xeb: {  	v11 =	vld [tilespmem:s17+$0x70];
	v12 =	vadd.f32 v3, v14;
	v13 =	vadd.f32 v4, v13  }
0xec: {  	v3 =	vld [tilespmem:s17+$0x20];
	v5 =	vadd.f32 v6, v5;
	v6 =	vadd.f32 v9, v7  }
0xed: {  	v4 =	vld [tilespmem:s17+$0x30];
	v7 =	vadd.f32 v1, v12;
	v9 =	vadd.f32 v2, v13  }
0xee: {  	v13 =	vld [tilespmem:s17+$0xFFFFFFE0];
	v8 =	vadd.f32 v8, v5;
	v6 =	vadd.f32 v10, v6  }
0xef: {  	v10 =	vld [tilespmem:s17+$0xFFFFFFF0];
	v1 =	vmov v15  }
0xf0: {  	v12 =	vld [tilespmem:s17+$0xFFFFFFA0];
	v2 =	vmov v11  }
0xf1: {  	v11 =	vld [tilespmem:s17+$0xFFFFFFB0]  }
0xf2: {  	v14 =	vld [tilespmem:s17+$0xFFFFFF60]  }
0xf3: {  	v15 =	vld [tilespmem:s17+$0xFFFFFF70]  }
0xf4: {  	v16 =	vld [tilespmem:s17+$0xFFFFFF80]  }
0xf5: {  	s16 =	sadd.s32 $0x5, s16;
	v17 =	vld [tilespmem:s17+$0xFFFFFF90]  }
0xf6: {  	p0 =	slt.u32 s16, $0x14;
	v18 =	vld [tilespmem:s17+$0xFFFFFFC0]  }
0xf7: {  	v19 =	vld [tilespmem:s17+$0xFFFFFFD0]  }
0xf8: {  	v5 =	vld [tilespmem:s17+$0x0]  }
.Ltmp5:
0xf9: {  	v14 =	vadd.f32 v14, v7;
	v9 =	vadd.f32 v15, v9;
	v7 =	vld [tilespmem:s17+$0x10];
	(pc) =	sbr.rel @p0 .LBB2_14-.Ltmp5, $4  }
0xfa: {  	v8 =	vadd.f32 v16, v8;
	v15 =	vadd.f32 v17, v6;
	v6 =	vld [tilespmem:s17+$0x40]  }
0xfb: {  	v14 =	vadd.f32 v12, v14;
	v16 =	vadd.f32 v11, v9;
	v9 =	vld [tilespmem:s17+$0x50]  }
0xfc: {  	v11 =	vadd.f32 v18, v8;
	v12 =	vadd.f32 v19, v15;
	v8 =	vld [tilespmem:s17+$0x80]  }
0xfd: {  	v14 =	vadd.f32 v13, v14;
	v13 =	vadd.f32 v10, v16;
	v10 =	vld [tilespmem:s17+$0x90];
	s17 =	sadd.s32 $0x140, s17  }
0xfe: {  	v5 =	vadd.f32 v5, v11  }
0xff: {  	v7 =	vadd.f32 v7, v12  }
0x100: {  	v3 =	vadd.f32 v3, v14;
	v5 =	vadd.f32 v6, v5  }
0x101: {  	v4 =	vadd.f32 v4, v13;
	v62 =	vadd.f32 v9, v7  }
0x102: {  	v1 =	vadd.f32 v1, v3;
	v3 =	vadd.f32 v8, v5  }
0x103: {  	s16 =	sshll.u32 s2, $0x5;
	s2 =	sadd.s32 $0x1, s2;
	v2 =	vadd.f32 v2, v4;
	v63 =	vadd.f32 v10, v62  }
0x104: {  	p0 =	sne.s32 s2, $0x10;
	v1 =	vadd.f32 v3, v1  }
.Ltmp6:
0x105: {  	v2 =	vadd.f32 v63, v2;
	(pc) =	sbr.rel @p0 .LBB2_13-.Ltmp6, $4  }
0x106: {  	v1 =	vmul.f32 $1.999999960e-02, v1  }
0x107: {  	s16 =	sand.u32 $0x3FFFFFE0, s16;
	v2 =	vmul.f32 $1.999999960e-02, v2  }
0x108: {  	[tilespmem:s16+$0xD040] =	vst v1  }
0x109: {  	s3 =	sadd.s32 $0x640, s3;
	[tilespmem:s16+$0xD050] =	vst v2  }
0x10a: {  	s2 =	sshll.u32 s12, $0x2;
	s11 =	sadd.s32 $0x1, s11  }
0x10b: {  	s3 =	rddreg [dreg:$0x1];
	s2 =	sand.u32 $0x1FFFFFC0, s2;
	p0 =	sne.s32 s11, $0xF  }
.Ltmp7:
0x10c: {  	s12 =	simm.s32 $0x0;
	s2 =	sadd.s32 s3, s2;
	(pc) =	sbr.rel @p0 .LBB2_4-.Ltmp7, $4  }
0x10d: {  	[hbm4b:s2+s12] =	stream.linear.scatter [tilespmem:s6], [sflag:$0x3], $0x200, $0x38;
	[tilespmem:$0xD240] =	vst v63  }
0x10e: {  	_ =	swait.ge [sflag:s14], $0x200  }
0x10f: {  	[sflag:s14] =	ssyncset.done $0x0  }
0x110: {  	[sflag:s14] =	ssyncadd.s32 $0xFFFFFE00  }
0x111: {  	s2 =	simm.s32 $0x0;
	s3 =	rddreg [dreg:$0x4]  }
0x112: {  	[tilespmem:s9], [sflag:$0x3] =	stream.linear.gather [hbm4b:s3+s2], $0x320, $0x38;
	[tilespmem:$0xD240] =	vst v63  }
0x113: {  	_ =	swait.ge [sflag:s14], $0x320  }
0x114: {  	[sflag:s14] =	ssyncset.done $0x0  }
0x115: {  	s2 =	simm.s32 $0x0;
	s3 =	simm.s32 $0x40;
	[sflag:s14] =	ssyncadd.s32 $0xFFFFFCE0  }
.LBB2_18:
0x116: {  	p0 =	sne.s32 s3, $0xC40;
	v1 =	vld [tilespmem:s2+$0x320];
	_ =	sdelay $0x4  }
0x117: {  	vm0 =	vgt.s32 v1, $0x3DFFF;
	vm1 =	vgt.s32 v1, $0x7BFFF  }
0x118: {  	v2 =	vsel vm0, $0x1, v0;
	v3 =	vsel vm1, $0x1, v0;
	vm0 =	vgt.s32 v1, $0xB9FFF  }
0x119: {  	v2 =	vadd.s32 v3, v2;
	v3 =	vsel vm0, $0x1, v0  }
.Ltmp8:
0x11a: {  	v2 =	vadd.s32 v3, v2;
	(pc) =	sbr.rel @p0 .LBB2_18-.Ltmp8, $4  }
0x11b: {  	v2 =	vmul.u32 $0xFFF08001, v2  }
0x11c: {  	v1 =	vshll.u32 v1, $0x2  }
0x11d: {  	v1 =	vadd.s32 v1, v2  }
0x11e: {  	[tilespmem:s2+$0x320] =	vst v1;
	s2 =	sshra.s32 s3, $0x2;
	s3 =	sadd.s32 $0x40, s3  }
0x11f: {  	v1 =	vld [tilespmem:s2+$0x320];
	_ =	sdelay $0x4  }
0x120: {  	vm0 =	vgt.s32 v1, $0x3DFFF;
	vm1 =	vgt.s32 v1, $0x7BFFF  }
0x121: {  	vm15 =	vgt.s32 v1, $0xB9FFF;
	v2 =	vsel vm0, $0x1, v0;
	v3 =	vsel vm1, $0x1, v0  }
0x122: {  	v2 =	vadd.s32 v3, v2;
	v3 =	vsel vm15, $0x1, v0  }
0x123: {  	v2 =	vadd.s32 v3, v2  }
0x124: {  	v2 =	vmul.u32 $0xFFF08001, v2  }
0x125: {  	v1 =	vshll.u32 v1, $0x2  }
0x126: {  	v1 =	vadd.s32 v1, v2  }
0x127: {  	s17 =	simm.s32 $0x6A40;
	[tilespmem:s2+$0x320] =	vst v1  }
0x128: {  	[tilespmem:s17], [sflag:$0x2] =	stream.indirect.gather [hbm4b:s4+s15], $0x20, s9, s15, $0xb8;
	[tilespmem:$0xD240] =	vst v63  }
0x129: {  	s18 =	simm.s32 $0x370;
	s3 =	simm.s32 $0x7440  }
0x12a: {  	[tilespmem:s3], [sflag:$0x2] =	stream.indirect.gather [hbm4b:s4+s15], $0x20, s18, s15, $0xb8;
	[tilespmem:$0xD240] =	vst v63  }
0x12b: {  	s10 =	simm.s32 $0x3C0;
	s11 =	simm.s32 $0x7E40  }
0x12c: {  	[tilespmem:s11], [sflag:$0x2] =	stream.indirect.gather [hbm4b:s4+s15], $0x20, s10, s15, $0xb8;
	[tilespmem:$0xD240] =	vst v63  }
0x12d: {  	s16 =	simm.s32 $0x410;
	s17 =	simm.s32 $0x8840  }
0x12e: {  	[tilespmem:s17], [sflag:$0x2] =	stream.indirect.gather [hbm4b:s4+s15], $0x20, s16, s15, $0xb8;
	[tilespmem:$0xD240] =	vst v63  }
0x12f: {  	s18 =	simm.s32 $0x460  }
0x130: {  	[tilespmem:s19], [sflag:$0x2] =	stream.indirect.gather [hbm4b:s4+s15], $0x20, s18, s15, $0xb8;
	[tilespmem:$0xD240] =	vst v63  }
0x131: {  	_ = 	snop  }
0x132: {  	[tilespmem:s21], [sflag:$0x2] =	stream.indirect.gather [hbm4b:s4+s15], $0x20, s20, s15, $0xb8;
	[tilespmem:$0xD240] =	vst v63  }
0x133: {  	_ = 	snop  }
0x134: {  	[tilespmem:s23], [sflag:$0x2] =	stream.indirect.gather [hbm4b:s4+s15], $0x20, s22, s15, $0xb8;
	[tilespmem:$0xD240] =	vst v63  }
0x135: {  	_ = 	snop  }
0x136: {  	[tilespmem:s25], [sflag:$0x2] =	stream.indirect.gather [hbm4b:s4+s15], $0x20, s24, s15, $0xb8;
	[tilespmem:$0xD240] =	vst v63  }
0x137: {  	_ = 	snop  }
0x138: {  	[tilespmem:s28], [sflag:$0x2] =	stream.indirect.gather [hbm4b:s4+s15], $0x20, s26, s15, $0xb8;
	[tilespmem:$0xD240] =	vst v63  }
0x139: {  	_ = 	snop  }
0x13a: {  	[tilespmem:s30], [sflag:$0x2] =	stream.indirect.gather [hbm4b:s4+s15], $0x20, s29, s15, $0xb8;
	[tilespmem:$0xD240] =	vst v63  }
0x13b: {  	_ =	swait.ge [sflag:s31], $0x6400  }
0x13c: {  	[sflag:s31] =	ssyncset.done $0x0  }
0x13d: {  	s2 =	simm.s32 $0x0;
	s3 =	simm.s32 $0x6E0;
	[sflag:s31] =	ssyncadd.s32 $0xFFFF9C00  }
.LBB2_20:
0x13e: {  	v1 =	vld [tilespmem:s3+$0x60]  }
0x13f: {  	v2 =	vld [tilespmem:s3+$0x70]  }
0x140: {  	v3 =	vld [tilespmem:s3+$0x20]  }
0x141: {  	v4 =	vld [tilespmem:s3+$0x30]  }
0x142: {  	v10 =	vld [tilespmem:s3+$0xFFFFFFE0]  }
0x143: {  	v13 =	vld [tilespmem:s3+$0xFFFFFFF0]  }
0x144: {  	v8 =	vld [tilespmem:s3+$0xFFFFFFA0]  }
0x145: {  	v9 =	vld [tilespmem:s3+$0xFFFFFFB0]  }
0x146: {  	v6 =	vld [tilespmem:s3+$0xFFFFFF60]  }
0x147: {  	v7 =	vld [tilespmem:s3+$0xFFFFFF70]  }
0x148: {  	v11 =	vld [tilespmem:s3+$0xFFFFFF80]  }
0x149: {  	v12 =	vld [tilespmem:s3+$0xFFFFFF90]  }
0x14a: {  	v14 =	vld [tilespmem:s3+$0xFFFFFFC0]  }
0x14b: {  	v15 =	vld [tilespmem:s3+$0xFFFFFFD0]  }
0x14c: {  	v16 =	vimm.f32 $0.0e+00;
	v5 =	vld [tilespmem:s3+$0x0]  }
0x14d: {  	v17 =	vadd.f32 v6, v16;
	v18 =	vadd.f32 v7, v16;
	v7 =	vld [tilespmem:s3+$0x10]  }
0x14e: {  	v11 =	vadd.f32 v11, v16;
	v12 =	vadd.f32 v12, v16;
	v6 =	vld [tilespmem:s3+$0x40]  }
0x14f: {  	v62 =	vadd.f32 v8, v17;
	v63 =	vadd.f32 v9, v18;
	v9 =	vld [tilespmem:s3+$0x50]  }
0x150: {  	v11 =	vadd.f32 v14, v11;
	v12 =	vadd.f32 v15, v12;
	v8 =	vld [tilespmem:s3+$0x80]  }
0x151: {  	s10 =	simm.s32 $0x0;
	s11 =	sadd.s32 $0x140, s3;
	v14 =	vadd.f32 v10, v62;
	v13 =	vadd.f32 v13, v63;
	v10 =	vld [tilespmem:s3+$0x90]  }
.LBB2_21:
0x152: {  	v15 =	vld [tilespmem:s11+$0x60];
	v5 =	vadd.f32 v5, v11;
	v7 =	vadd.f32 v7, v12  }
0x153: {  	v11 =	vld [tilespmem:s11+$0x70];
	v12 =	vadd.f32 v3, v14;
	v13 =	vadd.f32 v4, v13  }
0x154: {  	v3 =	vld [tilespmem:s11+$0x20];
	v5 =	vadd.f32 v6, v5;
	v6 =	vadd.f32 v9, v7  }
0x155: {  	v4 =	vld [tilespmem:s11+$0x30];
	v7 =	vadd.f32 v1, v12;
	v9 =	vadd.f32 v2, v13  }
0x156: {  	v13 =	vld [tilespmem:s11+$0xFFFFFFE0];
	v8 =	vadd.f32 v8, v5;
	v6 =	vadd.f32 v10, v6  }
0x157: {  	v10 =	vld [tilespmem:s11+$0xFFFFFFF0];
	v1 =	vmov v15  }
0x158: {  	v12 =	vld [tilespmem:s11+$0xFFFFFFA0];
	v2 =	vmov v11  }
0x159: {  	v11 =	vld [tilespmem:s11+$0xFFFFFFB0]  }
0x15a: {  	v14 =	vld [tilespmem:s11+$0xFFFFFF60]  }
0x15b: {  	v15 =	vld [tilespmem:s11+$0xFFFFFF70]  }
0x15c: {  	v16 =	vld [tilespmem:s11+$0xFFFFFF80]  }
0x15d: {  	s10 =	sadd.s32 $0x5, s10;
	v17 =	vld [tilespmem:s11+$0xFFFFFF90]  }
0x15e: {  	p0 =	slt.u32 s10, $0x14;
	v18 =	vld [tilespmem:s11+$0xFFFFFFC0]  }
0x15f: {  	v19 =	vld [tilespmem:s11+$0xFFFFFFD0]  }
0x160: {  	v5 =	vld [tilespmem:s11+$0x0]  }
.Ltmp9:
0x161: {  	v14 =	vadd.f32 v14, v7;
	v9 =	vadd.f32 v15, v9;
	v7 =	vld [tilespmem:s11+$0x10];
	(pc) =	sbr.rel @p0 .LBB2_21-.Ltmp9, $4  }
0x162: {  	v8 =	vadd.f32 v16, v8;
	v15 =	vadd.f32 v17, v6;
	v6 =	vld [tilespmem:s11+$0x40]  }
0x163: {  	v14 =	vadd.f32 v12, v14;
	v16 =	vadd.f32 v11, v9;
	v9 =	vld [tilespmem:s11+$0x50]  }
0x164: {  	v11 =	vadd.f32 v18, v8;
	v12 =	vadd.f32 v19, v15;
	v8 =	vld [tilespmem:s11+$0x80]  }
0x165: {  	v14 =	vadd.f32 v13, v14;
	v13 =	vadd.f32 v10, v16;
	v10 =	vld [tilespmem:s11+$0x90];
	s11 =	sadd.s32 $0x140, s11  }
0x166: {  	v5 =	vadd.f32 v5, v11  }
0x167: {  	v7 =	vadd.f32 v7, v12  }
0x168: {  	v3 =	vadd.f32 v3, v14;
	v5 =	vadd.f32 v6, v5  }
0x169: {  	v4 =	vadd.f32 v4, v13;
	v62 =	vadd.f32 v9, v7  }
0x16a: {  	v1 =	vadd.f32 v1, v3;
	v3 =	vadd.f32 v8, v5  }
0x16b: {  	s10 =	sshll.u32 s2, $0x5;
	s2 =	sadd.s32 $0x1, s2;
	v2 =	vadd.f32 v2, v4;
	v63 =	vadd.f32 v10, v62  }
0x16c: {  	p0 =	sne.s32 s2, $0x10;
	v1 =	vadd.f32 v3, v1  }
.Ltmp10:
0x16d: {  	v2 =	vadd.f32 v63, v2;
	(pc) =	sbr.rel @p0 .LBB2_20-.Ltmp10, $4  }
0x16e: {  	v1 =	vmul.f32 $1.999999960e-02, v1  }
0x16f: {  	s10 =	sand.u32 $0x3FFFFFE0, s10;
	v2 =	vmul.f32 $1.999999960e-02, v2  }
0x170: {  	[tilespmem:s10+$0xCE40] =	vst v1  }
0x171: {  	s3 =	sadd.s32 $0x640, s3;
	[tilespmem:s10+$0xCE50] =	vst v2  }
0x172: {  	s2 =	simm.s32 $0x0;
	s3 =	rddreg [dreg:$0x5]  }
0x173: {  	[hbm4b:s3+s2] =	stream.linear.scatter [tilespmem:s0], [sflag:$0x3], $0x200, $0x38;
	[tilespmem:$0xD240] =	vst v63  }
0x174: {  	_ =	swait.ge [sflag:s14], $0x200  }
0x175: {  	[sflag:s14] =	ssyncset.done $0x0  }
0x176: {  	[sflag:s14] =	ssyncadd.s32 $0xFFFFFE00  }
0x177: {  	_ =	swait.ge [sflag:s1], $0x6400  }
0x178: {  	[sflag:s1] =	ssyncset.done $0x0  }
0x179: {  	s3 =	simm.s32 $0x6AE0;
	[sflag:s1] =	ssyncadd.s32 $0xFFFF9C00  }
.LBB2_24:
0x17a: {  	v1 =	vld [tilespmem:s3+$0x60]  }
0x17b: {  	v2 =	vld [tilespmem:s3+$0x70]  }
0x17c: {  	v3 =	vld [tilespmem:s3+$0x20]  }
0x17d: {  	v4 =	vld [tilespmem:s3+$0x30]  }
0x17e: {  	v10 =	vld [tilespmem:s3+$0xFFFFFFE0]  }
0x17f: {  	v13 =	vld [tilespmem:s3+$0xFFFFFFF0]  }
0x180: {  	v8 =	vld [tilespmem:s3+$0xFFFFFFA0]  }
0x181: {  	v9 =	vld [tilespmem:s3+$0xFFFFFFB0]  }
0x182: {  	v6 =	vld [tilespmem:s3+$0xFFFFFF60]  }
0x183: {  	v7 =	vld [tilespmem:s3+$0xFFFFFF70]  }
0x184: {  	v11 =	vld [tilespmem:s3+$0xFFFFFF80]  }
0x185: {  	v12 =	vld [tilespmem:s3+$0xFFFFFF90]  }
0x186: {  	v14 =	vld [tilespmem:s3+$0xFFFFFFC0]  }
0x187: {  	v15 =	vld [tilespmem:s3+$0xFFFFFFD0]  }
0x188: {  	v16 =	vimm.f32 $0.0e+00;
	v5 =	vld [tilespmem:s3+$0x0]  }
0x189: {  	v17 =	vadd.f32 v6, v16;
	v18 =	vadd.f32 v7, v16;
	v7 =	vld [tilespmem:s3+$0x10]  }
0x18a: {  	v11 =	vadd.f32 v11, v16;
	v12 =	vadd.f32 v12, v16;
	v6 =	vld [tilespmem:s3+$0x40]  }
0x18b: {  	v62 =	vadd.f32 v8, v17;
	v63 =	vadd.f32 v9, v18;
	v9 =	vld [tilespmem:s3+$0x50]  }
0x18c: {  	v11 =	vadd.f32 v14, v11;
	v12 =	vadd.f32 v15, v12;
	v8 =	vld [tilespmem:s3+$0x80]  }
0x18d: {  	s10 =	simm.s32 $0x0;
	s11 =	sadd.s32 $0x140, s3;
	v14 =	vadd.f32 v10, v62;
	v13 =	vadd.f32 v13, v63;
	v10 =	vld [tilespmem:s3+$0x90]  }
.LBB2_25:
0x18e: {  	v15 =	vld [tilespmem:s11+$0x60];
	v5 =	vadd.f32 v5, v11;
	v7 =	vadd.f32 v7, v12  }
0x18f: {  	v11 =	vld [tilespmem:s11+$0x70];
	v12 =	vadd.f32 v3, v14;
	v13 =	vadd.f32 v4, v13  }
0x190: {  	v3 =	vld [tilespmem:s11+$0x20];
	v5 =	vadd.f32 v6, v5;
	v6 =	vadd.f32 v9, v7  }
0x191: {  	v4 =	vld [tilespmem:s11+$0x30];
	v7 =	vadd.f32 v1, v12;
	v9 =	vadd.f32 v2, v13  }
0x192: {  	v13 =	vld [tilespmem:s11+$0xFFFFFFE0];
	v8 =	vadd.f32 v8, v5;
	v6 =	vadd.f32 v10, v6  }
0x193: {  	v10 =	vld [tilespmem:s11+$0xFFFFFFF0];
	v1 =	vmov v15  }
0x194: {  	v12 =	vld [tilespmem:s11+$0xFFFFFFA0];
	v2 =	vmov v11  }
0x195: {  	v11 =	vld [tilespmem:s11+$0xFFFFFFB0]  }
0x196: {  	v14 =	vld [tilespmem:s11+$0xFFFFFF60]  }
0x197: {  	v15 =	vld [tilespmem:s11+$0xFFFFFF70]  }
0x198: {  	v16 =	vld [tilespmem:s11+$0xFFFFFF80]  }
0x199: {  	s10 =	sadd.s32 $0x5, s10;
	v17 =	vld [tilespmem:s11+$0xFFFFFF90]  }
0x19a: {  	p0 =	slt.u32 s10, $0x14;
	v18 =	vld [tilespmem:s11+$0xFFFFFFC0]  }
0x19b: {  	v19 =	vld [tilespmem:s11+$0xFFFFFFD0]  }
0x19c: {  	v5 =	vld [tilespmem:s11+$0x0]  }
.Ltmp11:
0x19d: {  	v14 =	vadd.f32 v14, v7;
	v9 =	vadd.f32 v15, v9;
	v7 =	vld [tilespmem:s11+$0x10];
	(pc) =	sbr.rel @p0 .LBB2_25-.Ltmp11, $4  }
0x19e: {  	v8 =	vadd.f32 v16, v8;
	v15 =	vadd.f32 v17, v6;
	v6 =	vld [tilespmem:s11+$0x40]  }
0x19f: {  	v14 =	vadd.f32 v12, v14;
	v16 =	vadd.f32 v11, v9;
	v9 =	vld [tilespmem:s11+$0x50]  }
0x1a0: {  	v11 =	vadd.f32 v18, v8;
	v12 =	vadd.f32 v19, v15;
	v8 =	vld [tilespmem:s11+$0x80]  }
0x1a1: {  	v14 =	vadd.f32 v13, v14;
	v13 =	vadd.f32 v10, v16;
	v10 =	vld [tilespmem:s11+$0x90];
	s11 =	sadd.s32 $0x140, s11  }
0x1a2: {  	v5 =	vadd.f32 v5, v11  }
0x1a3: {  	v7 =	vadd.f32 v7, v12  }
0x1a4: {  	v3 =	vadd.f32 v3, v14;
	v5 =	vadd.f32 v6, v5  }
0x1a5: {  	v4 =	vadd.f32 v4, v13;
	v62 =	vadd.f32 v9, v7  }
0x1a6: {  	v1 =	vadd.f32 v1, v3;
	v3 =	vadd.f32 v8, v5  }
0x1a7: {  	s10 =	sshll.u32 s2, $0x5;
	s2 =	sadd.s32 $0x1, s2;
	v2 =	vadd.f32 v2, v4;
	v63 =	vadd.f32 v10, v62  }
0x1a8: {  	p0 =	sne.s32 s2, $0x10;
	v1 =	vadd.f32 v3, v1  }
.Ltmp12:
0x1a9: {  	v2 =	vadd.f32 v63, v2;
	(pc) =	sbr.rel @p0 .LBB2_24-.Ltmp12, $4  }
0x1aa: {  	v1 =	vmul.f32 $1.999999960e-02, v1  }
0x1ab: {  	s10 =	sand.u32 $0x3FFFFFE0, s10;
	v2 =	vmul.f32 $1.999999960e-02, v2  }
0x1ac: {  	[tilespmem:s10+$0xD040] =	vst v1  }
0x1ad: {  	s3 =	sadd.s32 $0x640, s3;
	[tilespmem:s10+$0xD050] =	vst v2  }
0x1ae: {  	s2 =	rddreg [dreg:$0x6]  }
0x1af: {  	[hbm4b:s2+s12] =	stream.linear.scatter [tilespmem:s6], [sflag:$0x3], $0x200, $0x38;
	[tilespmem:$0xD240] =	vst v63  }
0x1b0: {  	_ =	swait.ge [sflag:s14], $0x200  }
0x1b1: {  	s3 =	rddreg [dreg:$0x8]  }
0x1b2: {  	s18 =	rddreg [dreg:$0x7];
	s3 =	sadd.s32 $0x1, s3  }
0x1b3: {  	p0 =	sne.s32 s3, s18  }
.Ltmp13:
0x1b4: {  	_ = 	snop;
	(pc) =	sbr.rel @p0 .LBB2_1-.Ltmp13, $3  }
0x1b5: {  	_ =	sdelay $0x1  }
0x1b6: {  	[sflag:s14] =	ssyncset.done $0x0  }
0x1b7: {  	[sflag:s14] =	ssyncadd.s32 $0xFFFFFE00  }
0x1b8: {  	_ =	sfence.sel $0x180000  }
0x1b9: {  	[bflag:$0x0] =	sbarrier.arrive $0xFFFF  }
0x1ba: {  	_ =	strace $0x90000047  }
0x1bb: {  	s0 =	stileid.u32;
	[bflag:$0x2] =	sbarrier.arrive $0xFFFF  }
0x1bc: {  	p0 =	sne.s32 s0, $0x0;
	s0 =	rddreg [dreg:$0x2]  }
0x1bd: {  	s0 =	sadd.s32 @!p0 $0x100000, s0  }
0x1be: {  	[sflag:s0] =	ssyncadd.tile.s32 @!p0 $0x1;
	_ =	shalt  }
.Lfunc_end2:
_tile_overlayer_lowered:
.L_overlay_start_2:
0x1bf: {  	(tag) =	ssettag $0x2  }
0x1c0: {  	s0 =	rddreg [dreg:$0x0];
	s2 =	stileid.u32  }
0x1c1: {  	s1 =	rddreg [dreg:$0x1];
	p0 =	sne.s32 s2, $0x0  }
0x1c2: {  	s3 =	rddreg [dreg:$0x2];
	[bflag:$0x3] =	sbarrier.arrive $0xFFFF;
	s2 =	simm.s32 @!p0 $0x1C03  }
0x1c3: {  	[timem:s3], [sflag:s2] =	dma.local @!p0 [hbm:s0], s1  }
0x1c4: {  	s0 =	simm.s32 @!p0 $0x3  }
0x1c5: {  	_ =	swait.ge @!p0 [sflag:s0], s1  }
0x1c6: {  	s1 =	ssub.s32 @!p0 $0x0, s1;
	[sflag:s0] =	ssyncset.done @!p0 $0x0  }
0x1c7: {  	[sflag:s0] =	ssyncadd.s32 @!p0 s1  }
0x1c8: {  	[bflag:$0x3] =	sbarrier.arrive $0xFFFF  }
0x1c9: {  	_ =	shalt  }

</sc_bundles>
